<compile_context>
chip_gen: v7x
topology: tpu7x:2x2x1
jax: 0.10.2.dev20260603
libtpu: 0.0.44.dev20260713+nightly
codegen_flags: <defaults>
</compile_context>

<pallas_src>
import functools

import jax
import jax.numpy as jnp
from jax import lax
from jax.experimental import pallas as pl
from jax.experimental.pallas import tpu as pltpu
from jax.experimental.pallas import tpu_sc as plsc

NU = 100000
NM = 10000
D = 128
ES = 320000
ER = 500000
EL = 100000

NC = 2
NS = 16
L = 16

CH = 2048
G = 128

NM_PAD = 10240
R_REV = 4096
NRANGE = 26
REV_ROWS = R_REV * NRANGE
CB_CAP = 4096

_mesh = plsc.VectorSubcoreMesh(
    core_axis_name="c", subcore_axis_name="s", num_cores=NC, num_subcores=NS)


def _copy16(src_ref, src_off, dst_ref):
  for k in range(G // L):
    dst_ref[pl.ds(k * L, L)] = src_ref[pl.ds(src_off + k * L, L)]


def _zero_2d(ref, nrows, width):
  zv = jnp.zeros((L,), jnp.float32)

  def body(j, _):
    for k in range(width // L):
      ref[j, pl.ds(k * L, L)] = zv
    return 0

  lax.fori_loop(0, nrows, body, 0)


def _fill_ones_2d(ref, nrows, width):
  ov = jnp.ones((L,), jnp.float32)

  def body(j, _):
    for k in range(width // L):
      ref[j, pl.ds(k * L, L)] = ov
    return 0

  lax.fori_loop(0, nrows, body, 0)


def _popcount(m):
  c = plsc.all_reduce_population_count(m)
  if c.ndim:
    c = c[0]
  return c


def _make_sims_pass(e_pad):
  n_chunks = e_pad // CH
  assert n_chunks % (NC * NS) == 0
  chunks_per_tile = n_chunks // (NC * NS)
  rows_per_tile = NM_PAD // NS

  out_type = jax.ShapeDtypeStruct((NC * NM_PAD, D), jnp.float32)
  scratch = [
      pltpu.VMEM((CH,), jnp.int32),
      pltpu.VMEM((CH,), jnp.int32),
      pltpu.VMEM((G,), jnp.int32),
      pltpu.VMEM((G,), jnp.int32),
      pltpu.VMEM((G, D), jnp.float32),
      pltpu.VMEM_SHARED((NM_PAD + 8, D), jnp.float32),
      pltpu.SemaphoreType.DMA,
  ]

  def body(table, src, dst, out_sum, src_c, dst_c, gidx, sidx, rows, acc,
           sem):
    cid = lax.axis_index("c")
    sid = lax.axis_index("s")
    wid = sid * NC + cid

    _zero_2d(rows, G, D)
    base_row = sid * rows_per_tile
    for b in range(rows_per_tile // G):
      pltpu.sync_copy(rows, acc.at[pl.ds(base_row + b * G, G)])
    plsc.subcore_barrier()

    def chunk_body(t, _):
      base = (wid + NC * NS * t) * CH
      pltpu.sync_copy(src.at[pl.ds(base, CH)], src_c)
      pltpu.sync_copy(dst.at[pl.ds(base, CH)], dst_c)

      def sub_body(g, _):
        _copy16(src_c, g * G, gidx)
        _copy16(dst_c, g * G, sidx)
        pltpu.async_copy(table.at[gidx], rows, sem).wait()
        pltpu.sync_copy(rows, acc.at[sidx], add=True)
        return 0

      lax.fori_loop(0, CH // G, sub_body, 0)
      return 0

    lax.fori_loop(0, chunks_per_tile, chunk_body, 0)
    plsc.subcore_barrier()

    out_base = cid * NM_PAD + base_row
    pltpu.sync_copy(acc.at[pl.ds(base_row, rows_per_tile)],
                    out_sum.at[pl.ds(out_base, rows_per_tile)])

  return pl.kernel(body, out_type=out_type, mesh=_mesh, scratch_types=scratch)


def _make_sims_cnt(e_pad):
  n_chunks = e_pad // CH
  assert n_chunks % (NC * NS) == 0
  chunks_per_tile = n_chunks // (NC * NS)
  rows_per_tile = NM_PAD // NS

  out_type = jax.ShapeDtypeStruct((NC * NM_PAD, D), jnp.float32)
  scratch = [
      pltpu.VMEM((CH,), jnp.int32),
      pltpu.VMEM((G,), jnp.int32),
      pltpu.VMEM((G, D), jnp.float32),
      pltpu.VMEM_SHARED((NM_PAD + 8, D), jnp.float32),
  ]

  def body(dst, out_cnt, dst_c, sidx, ones, acc):
    cid = lax.axis_index("c")
    sid = lax.axis_index("s")
    wid = sid * NC + cid
    _zero_2d(ones, G, D)
    base_row = sid * rows_per_tile
    for b in range(rows_per_tile // G):
      pltpu.sync_copy(ones, acc.at[pl.ds(base_row + b * G, G)])
    _fill_ones_2d(ones, G, D)
    plsc.subcore_barrier()

    def chunk_body(t, _):
      base = (wid + NC * NS * t) * CH
      pltpu.sync_copy(dst.at[pl.ds(base, CH)], dst_c)

      def sub_body(g, _):
        _copy16(dst_c, g * G, sidx)
        pltpu.sync_copy(ones, acc.at[sidx], add=True)
        return 0

      lax.fori_loop(0, CH // G, sub_body, 0)
      return 0

    lax.fori_loop(0, chunks_per_tile, chunk_body, 0)
    plsc.subcore_barrier()

    out_base = cid * NM_PAD + base_row
    pltpu.sync_copy(acc.at[pl.ds(base_row, rows_per_tile)],
                    out_cnt.at[pl.ds(out_base, rows_per_tile)])

  return pl.kernel(body, out_type=out_type, mesh=_mesh, scratch_types=scratch)


def _make_hist(e_pad, hist_rows):
  n_chunks = e_pad // CH
  assert n_chunks % (NC * NS) == 0
  chunks_per_tile = n_chunks // (NC * NS)

  out_type = jax.ShapeDtypeStruct((NC * NS * hist_rows, D), jnp.float32)
  scratch = [
      pltpu.VMEM((CH,), jnp.int32),
      pltpu.VMEM((hist_rows, D), jnp.float32),
  ]

  def body(dst, out_h, dst_c, hist):
    cid = lax.axis_index("c")
    sid = lax.axis_index("s")
    wid = sid * NC + cid
    _zero_2d(hist, hist_rows, D)
    ones = jnp.ones((L,), jnp.float32)

    def chunk_body(t, _):
      base = (wid + NC * NS * t) * CH
      pltpu.sync_copy(dst.at[pl.ds(base, CH)], dst_c)

      def iter_body(i, _):
        dv = dst_c[pl.ds(i * L, L)]
        plsc.addupdate_scatter(
            hist, [lax.shift_right_logical(dv, 7), dv & (D - 1)], ones)
        return 0

      lax.fori_loop(0, CH // L, iter_body, 0)
      return 0

    lax.fori_loop(0, chunks_per_tile, chunk_body, 0)
    pltpu.sync_copy(
        hist, out_h.at[pl.ds(pl.multiple_of(wid * hist_rows, 8),
                             hist_rows)])

  return pl.kernel(
      body, out_type=out_type, mesh=_mesh, scratch_types=scratch,
      compiler_params=pltpu.CompilerParams(needs_layout_passes=False))


_SIMS_HROWS = 896
_REV_HROWS = 896


_RPC = NRANGE // NC
_SLOT = 35072


def _make_rev_compact(e_pad):
  n_chunks = e_pad // CH
  assert n_chunks % NS == 0
  chunks_per_tile = n_chunks // NS
  cap = CB_CAP

  out_type = [
      jax.ShapeDtypeStruct((NRANGE * NS * _SLOT,), jnp.int32),
      jax.ShapeDtypeStruct((NRANGE * NS * L,), jnp.int32),
  ]
  scratch = [
      pltpu.VMEM((CH,), jnp.int32),
      pltpu.VMEM((CH,), jnp.int32),
      pltpu.VMEM((CB_CAP + G + 2 * L,), jnp.int32),
      pltpu.VMEM((L,), jnp.int32),
  ]

  def body(src, dst, out_pk, out_n, src_c, dst_c, cb, nb):
    cid = lax.axis_index("c")
    sid = lax.axis_index("s")
    r0 = cid * _RPC
    lane = lax.iota(jnp.int32, L)
    last = jnp.full((L,), L - 1, jnp.int32)

    def range_body(rr, _):
      lo = (r0 + rr) * R_REV
      slot_base = ((r0 + rr) * NS + sid) * _SLOT

      def flush(carry):
        ns, off = carry
        n = ns[L - 1]
        for k in range(G // L):
          cb[pl.ds(n + k * L, L)] = jnp.full((L,), R_REV, jnp.int32)
        nsub = (n + G - 1) // G

        def wb(k, _):
          o = pl.multiple_of(slot_base + off + k * G, G)
          pltpu.sync_copy(cb.at[pl.ds(k * G, G)], out_pk.at[pl.ds(o, G)])
          return 0

        lax.fori_loop(0, nsub, wb, 0)
        return jnp.zeros((L,), jnp.int32), off + nsub * G

      def chunk_body(j, carry):
        ns, off = carry
        base = (sid + NS * j) * CH
        pltpu.sync_copy(src.at[pl.ds(base, CH)], src_c)
        pltpu.sync_copy(dst.at[pl.ds(base, CH)], dst_c)

        def iter_body(i, ns):
          dv = dst_c[pl.ds(i * L, L)]
          sv = src_c[pl.ds(i * L, L)]
          m = (dv >= lo) & (dv < lo + R_REV)
          mi = m.astype(jnp.int32)
          c = jnp.cumsum(mi)
          packed = lax.shift_left(sv, 14) | (dv - lo)
          pos = jnp.where(m, ns + c - 1, cap + G + L + lane)
          plsc.store_scatter(cb, [pos], packed)
          return ns + jnp.take(c, last)

        ns = lax.fori_loop(0, CH // L, iter_body, ns)
        return lax.cond(ns[L - 1] >= cap - CH, flush, lambda c: c,
                        (ns, off))

      ns, off = lax.fori_loop(0, chunks_per_tile, chunk_body,
                              (jnp.zeros((L,), jnp.int32), jnp.int32(0)))
      _, off = flush((ns, off))
      nb[pl.ds(0, L)] = jnp.broadcast_to(off, (L,))
      no = pl.multiple_of(((r0 + rr) * NS + sid) * L, L)
      pltpu.sync_copy(nb, out_n.at[pl.ds(no, L)])
      return 0

    lax.fori_loop(0, _RPC, range_body, 0)

  return pl.kernel(
      body, out_type=out_type, mesh=_mesh, scratch_types=scratch,
      compiler_params=pltpu.CompilerParams(needs_layout_passes=False))


def _make_rev_flush():
  rows_per_tile = R_REV // NS

  out_type = [
      jax.ShapeDtypeStruct((REV_ROWS, D), jnp.float32),
      jax.ShapeDtypeStruct((REV_ROWS, D), jnp.float32),
  ]
  scratch = [
      pltpu.VMEM((G,), jnp.int32),
      pltpu.VMEM((G,), jnp.int32),
      pltpu.VMEM((G,), jnp.int32),
      pltpu.VMEM((G, D), jnp.float32),
      pltpu.VMEM((G, D), jnp.float32),
      pltpu.VMEM((L,), jnp.int32),
      pltpu.VMEM_SHARED((R_REV + 8, D), jnp.float32),
      pltpu.VMEM_SHARED((R_REV + 8, D), jnp.float32),
      pltpu.SemaphoreType.DMA,
      pltpu.SemaphoreType.DMA,
  ]

  def body(table_a, table_b, pk, pn, out_a, out_b, pkc, gidx,
           sidx, rows_a, rows_b, nb, acc_a, acc_b, sem, sem2):
    cid = lax.axis_index("c")
    sid = lax.axis_index("s")
    r0 = cid * _RPC
    base_row = sid * rows_per_tile

    def zero_acc_slice():
      _zero_2d(rows_a, G, D)
      for off in (0, G):
        pltpu.sync_copy(rows_a, acc_a.at[pl.ds(base_row + off, G)])
        pltpu.sync_copy(rows_a, acc_b.at[pl.ds(base_row + off, G)])

    zero_acc_slice()
    plsc.subcore_barrier()

    def range_body(rr, _):
      slot = (r0 + rr) * NS + sid
      pltpu.sync_copy(pn.at[pl.ds(pl.multiple_of(slot * L, L), L)], nb)
      n = nb[pl.ds(0, L)][0]

      def flush_body(k, _):
        o = pl.multiple_of(slot * _SLOT + k * G, G)
        pltpu.sync_copy(pk.at[pl.ds(o, G)], pkc)
        for k8 in range(G // L):
          pv = pkc[pl.ds(k8 * L, L)]
          gidx[pl.ds(k8 * L, L)] = lax.shift_right_logical(pv, 14)
          sidx[pl.ds(k8 * L, L)] = pv & (16384 - 1)
        ca = pltpu.async_copy(table_a.at[gidx], rows_a, sem)
        cb2 = pltpu.async_copy(table_b.at[gidx], rows_b, sem2)
        ca.wait()
        pltpu.sync_copy(rows_a, acc_a.at[sidx], add=True)
        cb2.wait()
        pltpu.sync_copy(rows_b, acc_b.at[sidx], add=True)
        return 0

      lax.fori_loop(0, n // G, flush_body, 0)
      plsc.subcore_barrier()

      out_base = (r0 + rr) * R_REV + base_row
      pltpu.sync_copy(acc_a.at[pl.ds(base_row, rows_per_tile)],
                      out_a.at[pl.ds(out_base, rows_per_tile)])
      pltpu.sync_copy(acc_b.at[pl.ds(base_row, rows_per_tile)],
                      out_b.at[pl.ds(out_base, rows_per_tile)])
      zero_acc_slice()
      plsc.subcore_barrier()
      return 0

    lax.fori_loop(0, _RPC, range_body, 0)

  return pl.kernel(body, out_type=out_type, mesh=_mesh,
                   scratch_types=scratch)


def _make_decoder_gather(e_pad):
  n_chunks = e_pad // CH
  assert n_chunks % (NC * NS) == 0
  chunks_per_tile = n_chunks // (NC * NS)

  out_type = [
      jax.ShapeDtypeStruct((e_pad, D), jnp.float32),
      jax.ShapeDtypeStruct((e_pad, D), jnp.float32),
  ]
  scratch = [
      pltpu.VMEM((CH,), jnp.int32),
      pltpu.VMEM((CH,), jnp.int32),
      pltpu.VMEM((G,), jnp.int32),
      pltpu.VMEM((G,), jnp.int32),
      pltpu.VMEM((G, D), jnp.float32),
      pltpu.VMEM((G, D), jnp.float32),
      pltpu.SemaphoreType.DMA,
      pltpu.SemaphoreType.DMA,
  ]

  def body(zu, zm, rowi, coli, out_u, out_m, row_c, col_c, gidx, cidx,
           ru, rm, sem, sem2):
    cid = lax.axis_index("c")
    sid = lax.axis_index("s")
    wid = sid * NC + cid

    def chunk_body(t, _):
      base = (wid + NC * NS * t) * CH
      pltpu.sync_copy(rowi.at[pl.ds(base, CH)], row_c)
      pltpu.sync_copy(coli.at[pl.ds(base, CH)], col_c)

      def sub_body(g, _):
        _copy16(row_c, g * G, gidx)
        _copy16(col_c, g * G, cidx)
        cu = pltpu.async_copy(zu.at[gidx], ru, sem)
        cm = pltpu.async_copy(zm.at[cidx], rm, sem2)
        cu.wait()
        pltpu.sync_copy(ru, out_u.at[pl.ds(base + g * G, G)])
        cm.wait()
        pltpu.sync_copy(rm, out_m.at[pl.ds(base + g * G, G)])
        return 0

      lax.fori_loop(0, CH // G, sub_body, 0)
      return 0

    lax.fori_loop(0, chunks_per_tile, chunk_body, 0)

  return pl.kernel(body, out_type=out_type, mesh=_mesh,
                   scratch_types=scratch)


def _decoder_tc_kernel(gu, gm, b1, w2, out):
  z = jnp.maximum(gu[...] + gm[...] + b1[...], 0.0)
  out[...] = lax.dot_general(
      z, w2[...], (((1,), (1,)), ((), ())),
      preferred_element_type=jnp.float32,
      precision=lax.Precision.HIGHEST)


_BM = 1024


def _dotT(x, w):
  return lax.dot_general(x, w, (((1,), (1,)), ((), ())),
                         preferred_element_type=jnp.float32,
                         precision=lax.Precision.HIGHEST)


def _row_spec(width):
  return pl.BlockSpec((_BM, width), lambda m: (m, 0))


def _w_spec():
  return pl.BlockSpec((D, D), lambda m: (0, 0))


def _b_spec(width=D):
  return pl.BlockSpec((1, width), lambda m: (0, 0))


def _movie_a_kernel(sa, sb, c, mx, i1_wl, i1_wr, i1_b, il1_w, il1_b,
                    u1_wl, u1_wr, u1_b, ul1_w, ul1_b, h_out, hm_out):
  s = sa[...] + sb[...]
  mean = s / jnp.maximum(c[...], 1.0)
  x = mx[...]
  h1 = jnp.maximum(_dotT(mean, i1_wl[...]) + _dotT(x, i1_wr[...])
                   + i1_b[...], 0.0)
  h_out[...] = jnp.maximum(_dotT(h1, il1_w[...]) + il1_b[...], 0.0)
  m1 = jnp.maximum(_dotT(mean, u1_wl[...]) + _dotT(x, u1_wr[...])
                   + u1_b[...], 0.0)
  hm_out[...] = jnp.maximum(_dotT(m1, ul1_w[...]) + ul1_b[...], 0.0)


def _movie_b_kernel(sa, sb, c, h, i2_wl, i2_wr, i2_b, il2_w, il2_b,
                    d1b_w, zm_out):
  s = sa[...] + sb[...]
  mean = s / jnp.maximum(c[...], 1.0)
  h2 = jnp.maximum(_dotT(mean, i2_wl[...]) + _dotT(h[...], i2_wr[...])
                   + i2_b[...], 0.0)
  zm = _dotT(h2, il2_w[...]) + il2_b[...]
  zm_out[...] = _dotT(zm, d1b_w[...])


def _user_kernel(ra, rb, rc, emb, u2_wl, u2_wr, u2_b, ul2_w, ul2_b,
                 u3_wl, u3_wr, u3_b, ul3_w, ul3_b, d1a_w, zu_out):
  inv = 1.0 / jnp.maximum(rc[...], 1.0)
  mean_a = ra[...] * inv
  mean_b = rb[...] * inv
  u = jnp.maximum(_dotT(mean_a, u2_wl[...]) + _dotT(emb[...], u2_wr[...])
                  + u2_b[...], 0.0)
  u = jnp.maximum(_dotT(u, ul2_w[...]) + ul2_b[...], 0.0)
  uu = jnp.maximum(_dotT(mean_b, u3_wl[...]) + _dotT(u, u3_wr[...])
                   + u3_b[...], 0.0)
  zu = _dotT(uu, ul3_w[...]) + ul3_b[...]
  zu_out[...] = _dotT(zu, d1a_w[...])


def _pad_rows(x, n):
  return jnp.pad(x, ((0, n - x.shape[0]), (0, 0)))


def _pad_edges(src, dst, e_pad, src_fill, dst_fill):
  e = src.shape[0]
  src = jnp.pad(src, (0, e_pad - e), constant_values=src_fill)
  dst = jnp.pad(dst, (0, e_pad - e), constant_values=dst_fill)
  return src, dst


_SIMS_EPAD = 327680
_REV_EPAD = 524288
_LBL_EPAD = 131072


_sims_pass = _make_sims_pass(_SIMS_EPAD)
_sims_hist = _make_hist(_SIMS_EPAD, _SIMS_HROWS)
_rev_compact = _make_rev_compact(_REV_EPAD)
_rev_flush = _make_rev_flush()
_rev_hist = _make_hist(_REV_EPAD, _REV_HROWS)
_dec_gather = _make_decoder_gather(_LBL_EPAD)


@jax.jit
def kernel(user_ids, movie_x, edge_index_sims, edge_index_rev,
           edge_label_index, emb, i1_wl, i1_wr, i1_b, il1_w, il1_b, i2_wl,
           i2_wr, i2_b, il2_w, il2_b, u1_wl, u1_wr, u1_b, ul1_w, ul1_b,
           u2_wl, u2_wr, u2_b, ul2_w, ul2_b, u3_wl, u3_wr, u3_b, ul3_w,
           ul3_b, d1_w, d1_b, d2_w, d2_b):
  del user_ids

  src_s, dst_s = _pad_edges(edge_index_sims[0], edge_index_sims[1],
                            _SIMS_EPAD, 0, NM_PAD)
  src_r, dst_r = _pad_edges(edge_index_rev[0], edge_index_rev[1],
                            _REV_EPAD, 0, NU)
  row_l, col_l = _pad_edges(edge_label_index[0], edge_label_index[1],
                            _LBL_EPAD, 0, 0)

  s1 = _sims_pass(movie_x, src_s, dst_s)
  c1 = jnp.sum(_sims_hist(dst_s).reshape(NC * NS, -1), axis=0)
  c1 = c1[:NM_PAD * D].reshape(-1, 1)

  mx_pad = _pad_rows(movie_x, NM_PAD)
  grid_m = (NM_PAD // _BM,)
  cnt_spec = pl.BlockSpec((_BM, 1), lambda m: (m, 0))
  h, hm = pl.pallas_call(
      _movie_a_kernel,
      grid=grid_m,
      in_specs=[_row_spec(D), _row_spec(D), cnt_spec,
                _row_spec(D)] + [_w_spec(), _w_spec(), _b_spec(),
                                 _w_spec(), _b_spec()] * 2,
      out_specs=[_row_spec(D), _row_spec(D)],
      out_shape=[jax.ShapeDtypeStruct((NM_PAD, D), jnp.float32)] * 2,
  )(s1[:NM_PAD], s1[NM_PAD:], c1, mx_pad,
    i1_wl, i1_wr, i1_b.reshape(1, D), il1_w, il1_b.reshape(1, D),
    u1_wl, u1_wr, u1_b.reshape(1, D), ul1_w, ul1_b.reshape(1, D))

  s2 = _sims_pass(h, src_s, dst_s)

  zm_dec = pl.pallas_call(
      _movie_b_kernel,
      grid=grid_m,
      in_specs=[_row_spec(D), _row_spec(D), cnt_spec,
                _row_spec(D), _w_spec(), _w_spec(), _b_spec(),
                _w_spec(), _b_spec(), _w_spec()],
      out_specs=_row_spec(D),
      out_shape=jax.ShapeDtypeStruct((NM_PAD, D), jnp.float32),
  )(s2[:NM_PAD], s2[NM_PAD:], c1, h,
    i2_wl, i2_wr, i2_b.reshape(1, D), il2_w, il2_b.reshape(1, D),
    d1_w[:, D:])

  pk, pn = _rev_compact(src_r, dst_r)
  ra, rb = _rev_flush(movie_x, hm, pk, pn)
  rcnt = jnp.sum(_rev_hist(dst_r).reshape(NC * NS, -1), axis=0)
  rcnt = rcnt.reshape(-1, 1)

  emb_pad = _pad_rows(emb, REV_ROWS)
  zu_dec = pl.pallas_call(
      _user_kernel,
      grid=(REV_ROWS // _BM,),
      in_specs=[_row_spec(D), _row_spec(D), cnt_spec, _row_spec(D)]
      + [_w_spec(), _w_spec(), _b_spec(), _w_spec(), _b_spec()] * 2
      + [_w_spec()],
      out_specs=_row_spec(D),
      out_shape=jax.ShapeDtypeStruct((REV_ROWS, D), jnp.float32),
  )(ra, rb, rcnt, emb_pad,
    u2_wl, u2_wr, u2_b.reshape(1, D), ul2_w, ul2_b.reshape(1, D),
    u3_wl, u3_wr, u3_b.reshape(1, D), ul3_w, ul3_b.reshape(1, D),
    d1_w[:, :D])

  gu, gm = _dec_gather(zu_dec, zm_dec, row_l, col_l)
  out = pl.pallas_call(
      _decoder_tc_kernel,
      grid=(_LBL_EPAD // _BM,),
      in_specs=[_row_spec(D), _row_spec(D), _b_spec(),
                pl.BlockSpec((1, D), lambda m: (0, 0))],
      out_specs=pl.BlockSpec((_BM, 1), lambda m: (m, 0)),
      out_shape=jax.ShapeDtypeStruct((_LBL_EPAD, 1), jnp.float32),
  )(gu, gm, d1_b.reshape(1, D), d2_w.reshape(1, D))
  return out.reshape(-1)[:EL] + d2_b

# --- scband reference (transcript-rebuilt; emitter-appended) ---
"""Pipeline reference for scband-model-48816598286986 (READ-ONLY COPY).

The authoritative reference and input builder live on the scoring server;
editing this copy changes nothing except your own understanding.
"""

import jax, jax.numpy as jnp
import numpy as np

NU = 100000; NM = 10000; D = 128; ES = 320000; ER = 500000; EL = 100000

_PARAM_SPECS = [
    ("i1_wl", (D, D)), ("i1_wr", (D, D)), ("i1_b", (D,)),
    ("il1_w", (D, D)), ("il1_b", (D,)),
    ("i2_wl", (D, D)), ("i2_wr", (D, D)), ("i2_b", (D,)),
    ("il2_w", (D, D)), ("il2_b", (D,)),
    ("u1_wl", (D, D)), ("u1_wr", (D, D)), ("u1_b", (D,)),
    ("ul1_w", (D, D)), ("ul1_b", (D,)),
    ("u2_wl", (D, D)), ("u2_wr", (D, D)), ("u2_b", (D,)),
    ("ul2_w", (D, D)), ("ul2_b", (D,)),
    ("u3_wl", (D, D)), ("u3_wr", (D, D)), ("u3_b", (D,)),
    ("ul3_w", (D, D)), ("ul3_b", (D,)),
    ("d1_w", (D, 2 * D)), ("d1_b", (D,)),
    ("d2_w", (1, D)), ("d2_b", (1,)),
]


def setup_inputs(seed: int = 0):
    key = jax.random.key(seed)
    k = jax.random.split(key, 8)
    inp = {}
    inp["user_ids"] = jnp.arange(NU, dtype=jnp.int32)
    inp["movie_x"] = jax.random.normal(k[0], (NM, D), dtype=jnp.float32)
    inp["edge_index_sims"] = jax.random.randint(k[1], (2, ES), 0, NM, dtype=jnp.int32)
    src = jax.random.randint(k[2], (ER,), 0, NM, dtype=jnp.int32)
    dst = jax.random.randint(k[3], (ER,), 0, NU, dtype=jnp.int32)
    inp["edge_index_rev"] = jnp.stack([src, dst])
    row = jax.random.randint(k[4], (EL,), 0, NU, dtype=jnp.int32)
    col = jax.random.randint(k[5], (EL,), 0, NM, dtype=jnp.int32)
    inp["edge_label_index"] = jnp.stack([row, col])
    inp["emb"] = jax.random.normal(k[6], (NU, D), dtype=jnp.float32) * 0.1
    pk = k[7]
    for name, shp in _PARAM_SPECS:
        pk, sk = jax.random.split(pk)
        fan_in = shp[-1] if len(shp) > 1 else shp[0]
        inp[name] = jax.random.normal(sk, shp, dtype=jnp.float32) / np.sqrt(fan_in)
    return inp


def _sage(x_src, x_dst, ei, wl, wr, b, n_dst):
    # PyG SAGEConv (aggr='mean', root_weight=True): lin_l(mean_j x_j) + lin_r(x_i)
    src, dst = ei[0], ei[1]
    msg = x_src[src]
    s = jax.ops.segment_sum(msg, dst, num_segments=n_dst)
    cnt = jax.ops.segment_sum(jnp.ones((dst.shape[0],), msg.dtype), dst, num_segments=n_dst)
    mean = s / jnp.maximum(cnt, 1.0)[:, None]
    return mean @ wl.T + x_dst @ wr.T + b


def _forward(user_ids, movie_x, ei_sims, ei_rev, ei_lbl, emb, p):
    (i1_wl, i1_wr, i1_b, il1_w, il1_b, i2_wl, i2_wr, i2_b, il2_w, il2_b,
     u1_wl, u1_wr, u1_b, ul1_w, ul1_b, u2_wl, u2_wr, u2_b, ul2_w, ul2_b,
     u3_wl, u3_wr, u3_b, ul3_w, ul3_b, d1_w, d1_b, d2_w, d2_b) = p
    # Model.forward: x_dict['user'] = user_emb(x_dict['user'])
    user_x = emb[user_ids]
    # ItemGNNEncoder on movie features over movie-movie 'sims' edges
    h = jax.nn.relu(_sage(movie_x, movie_x, ei_sims, i1_wl, i1_wr, i1_b, NM))
    h = jax.nn.relu(h @ il1_w.T + il1_b)
    h = jax.nn.relu(_sage(h, h, ei_sims, i2_wl, i2_wr, i2_b, NM))
    z_movie = h @ il2_w.T + il2_b
    # UserGNNEncoder
    hm = jax.nn.relu(_sage(movie_x, movie_x, ei_sims, u1_wl, u1_wr, u1_b, NM))
    hm = jax.nn.relu(hm @ ul1_w.T + ul1_b)
    u = jax.nn.relu(_sage(movie_x, user_x, ei_rev, u2_wl, u2_wr, u2_b, NU))
    u = jax.nn.relu(u @ ul2_w.T + ul2_b)
    u = jax.nn.relu(_sage(hm, u, ei_rev, u3_wl, u3_wr, u3_b, NU))
    z_user = u @ ul3_w.T + ul3_b
    # EdgeDecoder
    row, col = ei_lbl[0], ei_lbl[1]
    z = jnp.concatenate([z_user[row], z_movie[col]], axis=-1)
    z = jax.nn.relu(z @ d1_w.T + d1_b)
    return (z @ d2_w.T + d2_b).reshape(-1)


def reference(user_ids, movie_x, edge_index_sims, edge_index_rev, edge_label_index, emb,
              i1_wl, i1_wr, i1_b, il1_w, il1_b, i2_wl, i2_wr, i2_b, il2_w, il2_b,
              u1_wl, u1_wr, u1_b, ul1_w, ul1_b, u2_wl, u2_wr, u2_b, ul2_w, ul2_b,
              u3_wl, u3_wr, u3_b, ul3_w, ul3_b, d1_w, d1_b, d2_w, d2_b):
    p = (i1_wl, i1_wr, i1_b, il1_w, il1_b, i2_wl, i2_wr, i2_b, il2_w, il2_b,
         u1_wl, u1_wr, u1_b, ul1_w, ul1_b, u2_wl, u2_wr, u2_b, ul2_w, ul2_b,
         u3_wl, u3_wr, u3_b, ul3_w, ul3_b, d1_w, d1_b, d2_w, d2_b)
    return _forward(user_ids, movie_x, edge_index_sims, edge_index_rev, edge_label_index, emb, p)

if __name__ == "__main__":
    import jax
    _d = setup_inputs()
    print(jax.jit(kernel)(*tuple(_d.values())))

</pallas_src>

<mosaic_0001>
#map = affine_map<(d0, d1) -> (0)>
#map1 = affine_map<(d0, d1) -> (0, 0)>
module attributes {stable_mosaic.version = 14 : i64} {
  func.func @body(%arg0: i32, %arg1: i32, %arg2: memref<524288xi32, #tpu.memory_space<hbm>>, %arg3: memref<28672x128xf32, #tpu.memory_space<hbm>>, %arg4: memref<2048xi32, #tpu.memory_space<vmem>>, %arg5: memref<896x128xf32, #tpu.memory_space<vmem>>) attributes {dimension_semantics = [#tpu.dimension_semantics<core_parallel>, #tpu.dimension_semantics<subcore_parallel>], iteration_bounds = array<i64: 2, 16>, scalar_prefetch = 0 : i64, scratch_operands = 2 : i64, tpu.core_type = #tpu.core_type<sc_vector_subcore>, window_params = [{transform_indices = #map}, {transform_indices = #map1}]} {
    %mul3A = arith.constant 2 : i32
    %mul3A_0 = arith.muli %arg1, %mul3A : i32
    %add3A = arith.addi %mul3A_0, %arg0 : i32
    %broadcast_in_dim3A = arith.constant 0.000000e+00 : f32
    %broadcast_in_dim3A_1 = vector.broadcast %broadcast_in_dim3A : f32 to vector<16xf32>
    %scan3A = arith.constant 0 : i32
    %scan3A_2 = arith.constant 0 : i32
    %scan3A_3 = arith.constant 896 : i32
    %scan3A_4 = arith.addi %scan3A_2, %scan3A_3 : i32
    %scan3A_5 = arith.constant 1 : i32
    %scan3A_6 = scf.for %scan3A_19 = %scan3A_2 to %scan3A_4 step %scan3A_5 iter_args(%scan3A_20 = %scan3A) -> (i32)  : i32 {
      %swap3A = arith.index_cast %scan3A_19 : i32 to index
      %swap3A_21 = arith.constant 0 : index
      %swap3A_22 = tpu.vector_load %arg5[%swap3A, %swap3A_21] {strides = array<i32>} : memref<896x128xf32, #tpu.memory_space<vmem>>, vector<16xf32>,
      tpu.vector_store %arg5[%swap3A, %swap3A_21], %broadcast_in_dim3A_1 {strides = array<i32>} : memref<896x128xf32, #tpu.memory_space<vmem>>, vector<16xf32>,
      %swap3A_23 = arith.index_cast %scan3A_19 : i32 to index
      %swap3A_24 = arith.constant 16 : index
      %swap3A_25 = tpu.vector_load %arg5[%swap3A_23, %swap3A_24] {strides = array<i32>} : memref<896x128xf32, #tpu.memory_space<vmem>>, vector<16xf32>,
      tpu.vector_store %arg5[%swap3A_23, %swap3A_24], %broadcast_in_dim3A_1 {strides = array<i32>} : memref<896x128xf32, #tpu.memory_space<vmem>>, vector<16xf32>,
      %swap3A_26 = arith.index_cast %scan3A_19 : i32 to index
      %swap3A_27 = arith.constant 32 : index
      %swap3A_28 = tpu.vector_load %arg5[%swap3A_26, %swap3A_27] {strides = array<i32>} : memref<896x128xf32, #tpu.memory_space<vmem>>, vector<16xf32>,
      tpu.vector_store %arg5[%swap3A_26, %swap3A_27], %broadcast_in_dim3A_1 {strides = array<i32>} : memref<896x128xf32, #tpu.memory_space<vmem>>, vector<16xf32>,
      %swap3A_29 = arith.index_cast %scan3A_19 : i32 to index
      %swap3A_30 = arith.constant 48 : index
      %swap3A_31 = tpu.vector_load %arg5[%swap3A_29, %swap3A_30] {strides = array<i32>} : memref<896x128xf32, #tpu.memory_space<vmem>>, vector<16xf32>,
      tpu.vector_store %arg5[%swap3A_29, %swap3A_30], %broadcast_in_dim3A_1 {strides = array<i32>} : memref<896x128xf32, #tpu.memory_space<vmem>>, vector<16xf32>,
      %swap3A_32 = arith.index_cast %scan3A_19 : i32 to index
      %swap3A_33 = arith.constant 64 : index
      %swap3A_34 = tpu.vector_load %arg5[%swap3A_32, %swap3A_33] {strides = array<i32>} : memref<896x128xf32, #tpu.memory_space<vmem>>, vector<16xf32>,
      tpu.vector_store %arg5[%swap3A_32, %swap3A_33], %broadcast_in_dim3A_1 {strides = array<i32>} : memref<896x128xf32, #tpu.memory_space<vmem>>, vector<16xf32>,
      %swap3A_35 = arith.index_cast %scan3A_19 : i32 to index
      %swap3A_36 = arith.constant 80 : index
      %swap3A_37 = tpu.vector_load %arg5[%swap3A_35, %swap3A_36] {strides = array<i32>} : memref<896x128xf32, #tpu.memory_space<vmem>>, vector<16xf32>,
      tpu.vector_store %arg5[%swap3A_35, %swap3A_36], %broadcast_in_dim3A_1 {strides = array<i32>} : memref<896x128xf32, #tpu.memory_space<vmem>>, vector<16xf32>,
      %swap3A_38 = arith.index_cast %scan3A_19 : i32 to index
      %swap3A_39 = arith.constant 96 : index
      %swap3A_40 = tpu.vector_load %arg5[%swap3A_38, %swap3A_39] {strides = array<i32>} : memref<896x128xf32, #tpu.memory_space<vmem>>, vector<16xf32>,
      tpu.vector_store %arg5[%swap3A_38, %swap3A_39], %broadcast_in_dim3A_1 {strides = array<i32>} : memref<896x128xf32, #tpu.memory_space<vmem>>, vector<16xf32>,
      %swap3A_41 = arith.index_cast %scan3A_19 : i32 to index
      %swap3A_42 = arith.constant 112 : index
      %swap3A_43 = tpu.vector_load %arg5[%swap3A_41, %swap3A_42] {strides = array<i32>} : memref<896x128xf32, #tpu.memory_space<vmem>>, vector<16xf32>,
      tpu.vector_store %arg5[%swap3A_41, %swap3A_42], %broadcast_in_dim3A_1 {strides = array<i32>} : memref<896x128xf32, #tpu.memory_space<vmem>>, vector<16xf32>,
      %scan3A_44 = arith.constant 0 : i32
      scf.yield %scan3A_44 : i32
    }
    %scan3A_7 = arith.constant 896 : i32
    %broadcast_in_dim3A_8 = arith.constant 1.000000e+00 : f32
    %broadcast_in_dim3A_9 = vector.broadcast %broadcast_in_dim3A_8 : f32 to vector<16xf32>
    %scan3A_10 = arith.constant 0 : i32
    %scan3A_11 = arith.constant 0 : i32
    %scan3A_12 = arith.constant 8 : i32
    %scan3A_13 = arith.addi %scan3A_11, %scan3A_12 : i32
    %scan3A_14 = arith.constant 1 : i32
    %scan3A_15 = scf.for %scan3A_19 = %scan3A_11 to %scan3A_13 step %scan3A_14 iter_args(%scan3A_20 = %scan3A_10) -> (i32)  : i32 {
      %mul3A_21 = arith.constant 32 : i32
      %mul3A_22 = arith.muli %mul3A_21, %scan3A_19 : i32
      %add3A_23 = arith.addi %add3A, %mul3A_22 : i32
      %mul3A_24 = arith.constant 2048 : i32
      %mul3A_25 = arith.muli %add3A_23, %mul3A_24 : i32
      "tpu.region"() ({
        %run_scoped3A = tpu.sem_alloc : memref<!tpu.dma_semaphore, #tpu.memory_space<semaphore_mem>>
        %dma_start3A = tpu.memref_slice %arg2[%mul3A_25] : memref<524288xi32, #tpu.memory_space<hbm>> -> memref<2048xi32, #tpu.memory_space<hbm>>
        %dma_start3A_34 = tpu.memref_slice %arg2[%mul3A_25] : memref<524288xi32, #tpu.memory_space<hbm>> -> memref<2048xi32, #tpu.memory_space<hbm>>
        tpu.enqueue_dma source(%dma_start3A_34 : memref<2048xi32, #tpu.memory_space<hbm>>) target(%arg4 : memref<2048xi32, #tpu.memory_space<vmem>>) target_semaphore(%run_scoped3A : memref<!tpu.dma_semaphore, #tpu.memory_space<semaphore_mem>>)
        %dma_wait3A = tpu.memref_slice %arg2[%mul3A_25] : memref<524288xi32, #tpu.memory_space<hbm>> -> memref<2048xi32, #tpu.memory_space<hbm>>
        %dma_wait3A_35 = tpu.memref_slice %arg2[%mul3A_25] : memref<524288xi32, #tpu.memory_space<hbm>> -> memref<2048xi32, #tpu.memory_space<hbm>>
        tpu.wait_dma2 semaphore(%run_scoped3A : memref<!tpu.dma_semaphore, #tpu.memory_space<semaphore_mem>>) src(%dma_wait3A_35 : memref<2048xi32, #tpu.memory_space<hbm>>) dst(%arg4 : memref<2048xi32, #tpu.memory_space<vmem>>)
        tpu.yield
      }) : () -> ()
      %scan3A_26 = arith.constant 0 : i32
      %scan3A_27 = arith.constant 0 : i32
      %scan3A_28 = arith.constant 128 : i32
      %scan3A_29 = arith.addi %scan3A_27, %scan3A_28 : i32
      %scan3A_30 = arith.constant 1 : i32
      %scan3A_31 = scf.for %scan3A_34 = %scan3A_27 to %scan3A_29 step %scan3A_30 iter_args(%scan3A_35 = %scan3A_26) -> (i32)  : i32 {
        %mul3A_36 = arith.constant 16 : i32
        %mul3A_37 = arith.muli %scan3A_34, %mul3A_36 : i32
        %get3A = arith.index_cast %mul3A_37 : i32 to index
        %get3A_38 = tpu.vector_load %arg4[%get3A] {strides = array<i32>} : memref<2048xi32, #tpu.memory_space<vmem>>, vector<16xi32>,
        %get3A_39 = vector.shape_cast %get3A_38 : vector<16xi32> to vector<16xi32>
        %shift_right_logical3A = arith.constant 7 : i32
        %shift_right_logical3A_40 = vector.broadcast %shift_right_logical3A : i32 to vector<16xi32>
        %shift_right_logical3A_41 = arith.shrui %get3A_39, %shift_right_logical3A_40 : vector<16xi32>
        %and3A = arith.constant 127 : i32
        %and3A_42 = vector.broadcast %and3A : i32 to vector<16xi32>
        %and3A_43 = arith.andi %get3A_39, %and3A_42 : vector<16xi32>
        tpu.vector_store_idx %arg5[%shift_right_logical3A_41, %and3A_43], %broadcast_in_dim3A_9 {add = true} : memref<896x128xf32, #tpu.memory_space<vmem>>[vector<16xi32>, vector<16xi32>], vector<16xf32>,
        %scan3A_44 = arith.constant 0 : i32
        scf.yield %scan3A_44 : i32
      }
      %scan3A_32 = arith.constant 128 : i32
      %scan3A_33 = arith.constant 0 : i32
      scf.yield %scan3A_33 : i32
    }
    %scan3A_16 = arith.constant 8 : i32
    %mul3A_17 = arith.constant 896 : i32
    %mul3A_18 = arith.muli %add3A, %mul3A_17 : i32
    %multiple_of3A = tpu.assume_multiple %mul3A_18, 8 : i32
    "tpu.region"() ({
      %run_scoped3A = tpu.sem_alloc : memref<!tpu.dma_semaphore, #tpu.memory_space<semaphore_mem>>
      %dma_start3A = arith.constant 0 : i32
      %dma_start3A_19 = tpu.memref_slice %arg3[%multiple_of3A, %dma_start3A] : memref<28672x128xf32, #tpu.memory_space<hbm>> -> memref<896x128xf32, #tpu.memory_space<hbm>>
      %dma_start3A_20 = arith.constant 0 : i32
      %dma_start3A_21 = tpu.memref_slice %arg3[%multiple_of3A, %dma_start3A_20] : memref<28672x128xf32, #tpu.memory_space<hbm>> -> memref<896x128xf32, #tpu.memory_space<hbm>>
      tpu.enqueue_dma source(%arg5 : memref<896x128xf32, #tpu.memory_space<vmem>>) target(%dma_start3A_21 : memref<896x128xf32, #tpu.memory_space<hbm>>) target_semaphore(%run_scoped3A : memref<!tpu.dma_semaphore, #tpu.memory_space<semaphore_mem>>)
      %dma_wait3A = arith.constant 0 : i32
      %dma_wait3A_22 = tpu.memref_slice %arg3[%multiple_of3A, %dma_wait3A] : memref<28672x128xf32, #tpu.memory_space<hbm>> -> memref<896x128xf32, #tpu.memory_space<hbm>>
      %dma_wait3A_23 = arith.constant 0 : i32
      %dma_wait3A_24 = tpu.memref_slice %arg3[%multiple_of3A, %dma_wait3A_23] : memref<28672x128xf32, #tpu.memory_space<hbm>> -> memref<896x128xf32, #tpu.memory_space<hbm>>
      tpu.wait_dma2 semaphore(%run_scoped3A : memref<!tpu.dma_semaphore, #tpu.memory_space<semaphore_mem>>) src(%arg5 : memref<896x128xf32, #tpu.memory_space<vmem>>) dst(%dma_wait3A_24 : memref<896x128xf32, #tpu.memory_space<hbm>>)
      tpu.yield
    }) : () -> ()
    return
  }
}

#map = affine_map<(d0, d1) -> (0)>
module attributes {stable_mosaic.version = 14 : i64} {
  func.func @body(%arg0: i32, %arg1: i32, %arg2: memref<524288xi32, #tpu.memory_space<hbm>>, %arg3: memref<524288xi32, #tpu.memory_space<hbm>>, %arg4: memref<14589952xi32, #tpu.memory_space<hbm>>, %arg5: memref<6656xi32, #tpu.memory_space<hbm>>, %arg6: memref<2048xi32, #tpu.memory_space<vmem>>, %arg7: memref<2048xi32, #tpu.memory_space<vmem>>, %arg8: memref<4256xi32, #tpu.memory_space<vmem>>, %arg9: memref<16xi32, #tpu.memory_space<vmem>>) attributes {dimension_semantics = [#tpu.dimension_semantics<core_parallel>, #tpu.dimension_semantics<subcore_parallel>], iteration_bounds = array<i64: 2, 16>, scalar_prefetch = 0 : i64, scratch_operands = 4 : i64, tpu.core_type = #tpu.core_type<sc_vector_subcore>, window_params = [{transform_indices = #map}, {transform_indices = #map}, {transform_indices = #map}, {transform_indices = #map}]} {
    %mul3A = arith.constant 13 : i32
    %mul3A_0 = arith.muli %arg0, %mul3A : i32
    %iota3A = tpu.iota {dimensions = array<i32: 0>} : vector<16xi32>
    %broadcast_in_dim3A = arith.constant 15 : i32
    %broadcast_in_dim3A_1 = vector.broadcast %broadcast_in_dim3A : i32 to vector<16xi32>
    %scan3A = arith.constant 0 : i32
    %scan3A_2 = arith.constant 0 : i32
    %scan3A_3 = arith.constant 13 : i32
    %scan3A_4 = arith.addi %scan3A_2, %scan3A_3 : i32
    %scan3A_5 = arith.constant 1 : i32
    %scan3A_6 = scf.for %scan3A_8 = %scan3A_2 to %scan3A_4 step %scan3A_5 iter_args(%scan3A_9 = %scan3A) -> (i32)  : i32 {
      %add3A = arith.addi %mul3A_0, %scan3A_8 : i32
      %mul3A_10 = arith.constant 4096 : i32
      %mul3A_11 = arith.muli %add3A, %mul3A_10 : i32
      %add3A_12 = arith.addi %mul3A_0, %scan3A_8 : i32
      %mul3A_13 = arith.constant 16 : i32
      %mul3A_14 = arith.muli %add3A_12, %mul3A_13 : i32
      %add3A_15 = arith.addi %mul3A_14, %arg1 : i32
      %mul3A_16 = arith.constant 35072 : i32
      %mul3A_17 = arith.muli %add3A_15, %mul3A_16 : i32
      %broadcast_in_dim3A_18 = arith.constant 0 : i32
      %broadcast_in_dim3A_19 = vector.broadcast %broadcast_in_dim3A_18 : i32 to vector<16xi32>
      %scan3A_20 = arith.constant 0 : i32
      %scan3A_21 = arith.constant 0 : i32
      %scan3A_22 = arith.constant 16 : i32
      %scan3A_23 = arith.addi %scan3A_21, %scan3A_22 : i32
      %scan3A_24 = arith.constant 1 : i32
      %scan3A_25:2 = scf.for %scan3A_120 = %scan3A_21 to %scan3A_23 step %scan3A_24 iter_args(%scan3A_121 = %broadcast_in_dim3A_19, %scan3A_122 = %scan3A_20) -> (vector<16xi32>, i32)  : i32 {
        %mul3A_123 = arith.constant 16 : i32
        %mul3A_124 = arith.muli %mul3A_123, %scan3A_120 : i32
        %add3A_125 = arith.addi %arg1, %mul3A_124 : i32
        %mul3A_126 = arith.constant 2048 : i32
        %mul3A_127 = arith.muli %add3A_125, %mul3A_126 : i32
        "tpu.region"() ({
          %run_scoped3A = tpu.sem_alloc : memref<!tpu.dma_semaphore, #tpu.memory_space<semaphore_mem>>
          %dma_start3A = tpu.memref_slice %arg2[%mul3A_127] : memref<524288xi32, #tpu.memory_space<hbm>> -> memref<2048xi32, #tpu.memory_space<hbm>>
          %dma_start3A_139 = tpu.memref_slice %arg2[%mul3A_127] : memref<524288xi32, #tpu.memory_space<hbm>> -> memref<2048xi32, #tpu.memory_space<hbm>>
          tpu.enqueue_dma source(%dma_start3A_139 : memref<2048xi32, #tpu.memory_space<hbm>>) target(%arg6 : memref<2048xi32, #tpu.memory_space<vmem>>) target_semaphore(%run_scoped3A : memref<!tpu.dma_semaphore, #tpu.memory_space<semaphore_mem>>)
          %dma_wait3A = tpu.memref_slice %arg2[%mul3A_127] : memref<524288xi32, #tpu.memory_space<hbm>> -> memref<2048xi32, #tpu.memory_space<hbm>>
          %dma_wait3A_140 = tpu.memref_slice %arg2[%mul3A_127] : memref<524288xi32, #tpu.memory_space<hbm>> -> memref<2048xi32, #tpu.memory_space<hbm>>
          tpu.wait_dma2 semaphore(%run_scoped3A : memref<!tpu.dma_semaphore, #tpu.memory_space<semaphore_mem>>) src(%dma_wait3A_140 : memref<2048xi32, #tpu.memory_space<hbm>>) dst(%arg6 : memref<2048xi32, #tpu.memory_space<vmem>>)
          tpu.yield
        }) : () -> ()
        "tpu.region"() ({
          %run_scoped3A = tpu.sem_alloc : memref<!tpu.dma_semaphore, #tpu.memory_space<semaphore_mem>>
          %dma_start3A = tpu.memref_slice %arg3[%mul3A_127] : memref<524288xi32, #tpu.memory_space<hbm>> -> memref<2048xi32, #tpu.memory_space<hbm>>
          %dma_start3A_139 = tpu.memref_slice %arg3[%mul3A_127] : memref<524288xi32, #tpu.memory_space<hbm>> -> memref<2048xi32, #tpu.memory_space<hbm>>
          tpu.enqueue_dma source(%dma_start3A_139 : memref<2048xi32, #tpu.memory_space<hbm>>) target(%arg7 : memref<2048xi32, #tpu.memory_space<vmem>>) target_semaphore(%run_scoped3A : memref<!tpu.dma_semaphore, #tpu.memory_space<semaphore_mem>>)
          %dma_wait3A = tpu.memref_slice %arg3[%mul3A_127] : memref<524288xi32, #tpu.memory_space<hbm>> -> memref<2048xi32, #tpu.memory_space<hbm>>
          %dma_wait3A_140 = tpu.memref_slice %arg3[%mul3A_127] : memref<524288xi32, #tpu.memory_space<hbm>> -> memref<2048xi32, #tpu.memory_space<hbm>>
          tpu.wait_dma2 semaphore(%run_scoped3A : memref<!tpu.dma_semaphore, #tpu.memory_space<semaphore_mem>>) src(%dma_wait3A_140 : memref<2048xi32, #tpu.memory_space<hbm>>) dst(%arg7 : memref<2048xi32, #tpu.memory_space<vmem>>)
          tpu.yield
        }) : () -> ()
        %scan3A_128 = arith.constant 0 : i32
        %scan3A_129 = arith.constant 128 : i32
        %scan3A_130 = arith.addi %scan3A_128, %scan3A_129 : i32
        %scan3A_131 = arith.constant 1 : i32
        %scan3A_132 = scf.for %scan3A_139 = %scan3A_128 to %scan3A_130 step %scan3A_131 iter_args(%scan3A_140 = %scan3A_121) -> (vector<16xi32>)  : i32 {
          %mul3A_141 = arith.constant 16 : i32
          %mul3A_142 = arith.muli %scan3A_139, %mul3A_141 : i32
          %get3A = arith.index_cast %mul3A_142 : i32 to index
          %get3A_143 = tpu.vector_load %arg7[%get3A] {strides = array<i32>} : memref<2048xi32, #tpu.memory_space<vmem>>, vector<16xi32>,
          %get3A_144 = vector.shape_cast %get3A_143 : vector<16xi32> to vector<16xi32>
          %mul3A_145 = arith.constant 16 : i32
          %mul3A_146 = arith.muli %scan3A_139, %mul3A_145 : i32
          %get3A_147 = arith.index_cast %mul3A_146 : i32 to index
          %get3A_148 = tpu.vector_load %arg6[%get3A_147] {strides = array<i32>} : memref<2048xi32, #tpu.memory_space<vmem>>, vector<16xi32>,
          %get3A_149 = vector.shape_cast %get3A_148 : vector<16xi32> to vector<16xi32>
          %ge3A_150 = vector.broadcast %mul3A_11 : i32 to vector<16xi32>
          %ge3A_151 = arith.cmpi sge, %get3A_144, %ge3A_150 : vector<16xi32>
          %add3A_152 = arith.constant 4096 : i32
          %add3A_153 = arith.addi %mul3A_11, %add3A_152 : i32
          %lt3A = vector.broadcast %add3A_153 : i32 to vector<16xi32>
          %lt3A_154 = arith.cmpi slt, %get3A_144, %lt3A : vector<16xi32>
          %and3A_155 = arith.andi %ge3A_151, %lt3A_154 : vector<16xi1>
          %convert_element_type3A_156 = arith.extui %and3A_155 : vector<16xi1> to vector<16xi32>
          %cumsum3A = arith.constant true
          %cumsum3A_157 = vector.broadcast %cumsum3A : i1 to vector<16xi1>
          %cumsum3A_158 = tpu.scan <sum>, %convert_element_type3A_156 masked %cumsum3A_157 : vector<16xi32>, vector<16xi1> -> vector<16xi32>
          %shift_left3A = arith.constant 14 : i32
          %shift_left3A_159 = vector.broadcast %shift_left3A : i32 to vector<16xi32>
          %shift_left3A_160 = arith.shli %get3A_149, %shift_left3A_159 : vector<16xi32>
          %sub3A_161 = vector.broadcast %mul3A_11 : i32 to vector<16xi32>
          %sub3A_162 = arith.subi %get3A_144, %sub3A_161 : vector<16xi32>
          %or3A = arith.ori %shift_left3A_160, %sub3A_162 : vector<16xi32>
          %add3A_163 = arith.addi %scan3A_140, %cumsum3A_158 : vector<16xi32>
          %sub3A_164 = arith.constant 1 : i32
          %sub3A_165 = vector.broadcast %sub3A_164 : i32 to vector<16xi32>
          %sub3A_166 = arith.subi %add3A_163, %sub3A_165 : vector<16xi32>
          %add3A_167 = arith.constant 4240 : i32
          %add3A_168 = vector.broadcast %add3A_167 : i32 to vector<16xi32>
          %add3A_169 = arith.addi %add3A_168, %iota3A : vector<16xi32>
          %select_n3A_170 = arith.select %and3A_155, %sub3A_166, %add3A_169 : vector<16xi1>, vector<16xi32>
          tpu.vector_store_idx %arg8[%select_n3A_170], %or3A : memref<4256xi32, #tpu.memory_space<vmem>>[vector<16xi32>], vector<16xi32>,
          %lt3A_171 = arith.constant 0 : i32
          %lt3A_172 = vector.broadcast %lt3A_171 : i32 to vector<16xi32>
          %lt3A_173 = arith.cmpi slt, %broadcast_in_dim3A_1, %lt3A_172 : vector<16xi32>
          %add3A_174 = arith.constant 16 : i32
          %add3A_175 = vector.broadcast %add3A_174 : i32 to vector<16xi32>
          %add3A_176 = arith.addi %broadcast_in_dim3A_1, %add3A_175 : vector<16xi32>
          %select_n3A_177 = arith.select %lt3A_173, %add3A_176, %broadcast_in_dim3A_1 : vector<16xi1>, vector<16xi32>
          %broadcast_in_dim3A_178 = vector.shape_cast %select_n3A_177 : vector<16xi32> to vector<16x1xi32>
          %gather3A = vector.shape_cast %broadcast_in_dim3A_178 : vector<16x1xi32> to vector<16xi32>
          %gather3A_179 = tpu.dynamic_gather %cumsum3A_158[%gather3A] in [0] : vector<16xi32>, vector<16xi32> -> vector<16xi32>
          %add3A_180 = arith.addi %scan3A_140, %gather3A_179 : vector<16xi32>
          scf.yield %add3A_180 : vector<16xi32>
        }
        %scan3A_133 = arith.constant 128 : i32
        %slice3A_134 = vector.extract_strided_slice %scan3A_132 {offsets = [15], sizes = [1], strides = [1]} : vector<16xi32> to vector<1xi32>
        %squeeze3A_135 = vector.extract %slice3A_134[0] : i32 from vector<1xi32>
        %ge3A = arith.constant 2048 : i32
        %ge3A_136 = arith.cmpi sge, %squeeze3A_135, %ge3A : i32
        %convert_element_type3A = arith.extui %ge3A_136 : i1 to i32
        %cond3A = arith.constant 0 : i32
        %cond3A_137 = arith.cmpi ne, %convert_element_type3A, %cond3A : i32
        %cond3A_138:2 = scf.if %cond3A_137 -> (vector<16xi32>, i32) {
          %slice3A_139 = vector.extract_strided_slice %scan3A_132 {offsets = [15], sizes = [1], strides = [1]} : vector<16xi32> to vector<1xi32>
          %squeeze3A_140 = vector.extract %slice3A_139[0] : i32 from vector<1xi32>
          %broadcast_in_dim3A_141 = arith.constant 4096 : i32
          %broadcast_in_dim3A_142 = vector.broadcast %broadcast_in_dim3A_141 : i32 to vector<16xi32>
          %add3A_143 = arith.constant 0 : i32
          %add3A_144 = arith.addi %squeeze3A_140, %add3A_143 : i32
          %swap3A_145 = arith.index_cast %add3A_144 : i32 to index
          %swap3A_146 = tpu.vector_load %arg8[%swap3A_145] {strides = array<i32>} : memref<4256xi32, #tpu.memory_space<vmem>>, vector<16xi32>,
          tpu.vector_store %arg8[%swap3A_145], %broadcast_in_dim3A_142 {strides = array<i32>} : memref<4256xi32, #tpu.memory_space<vmem>>, vector<16xi32>,
          %broadcast_in_dim3A_147 = arith.constant 4096 : i32
          %broadcast_in_dim3A_148 = vector.broadcast %broadcast_in_dim3A_147 : i32 to vector<16xi32>
          %add3A_149 = arith.constant 16 : i32
          %add3A_150 = arith.addi %squeeze3A_140, %add3A_149 : i32
          %swap3A_151 = arith.index_cast %add3A_150 : i32 to index
          %swap3A_152 = tpu.vector_load %arg8[%swap3A_151] {strides = array<i32>} : memref<4256xi32, #tpu.memory_space<vmem>>, vector<16xi32>,
          tpu.vector_store %arg8[%swap3A_151], %broadcast_in_dim3A_148 {strides = array<i32>} : memref<4256xi32, #tpu.memory_space<vmem>>, vector<16xi32>,
          %broadcast_in_dim3A_153 = arith.constant 4096 : i32
          %broadcast_in_dim3A_154 = vector.broadcast %broadcast_in_dim3A_153 : i32 to vector<16xi32>
          %add3A_155 = arith.constant 32 : i32
          %add3A_156 = arith.addi %squeeze3A_140, %add3A_155 : i32
          %swap3A_157 = arith.index_cast %add3A_156 : i32 to index
          %swap3A_158 = tpu.vector_load %arg8[%swap3A_157] {strides = array<i32>} : memref<4256xi32, #tpu.memory_space<vmem>>, vector<16xi32>,
          tpu.vector_store %arg8[%swap3A_157], %broadcast_in_dim3A_154 {strides = array<i32>} : memref<4256xi32, #tpu.memory_space<vmem>>, vector<16xi32>,
          %broadcast_in_dim3A_159 = arith.constant 4096 : i32
          %broadcast_in_dim3A_160 = vector.broadcast %broadcast_in_dim3A_159 : i32 to vector<16xi32>
          %add3A_161 = arith.constant 48 : i32
          %add3A_162 = arith.addi %squeeze3A_140, %add3A_161 : i32
          %swap3A_163 = arith.index_cast %add3A_162 : i32 to index
          %swap3A_164 = tpu.vector_load %arg8[%swap3A_163] {strides = array<i32>} : memref<4256xi32, #tpu.memory_space<vmem>>, vector<16xi32>,
          tpu.vector_store %arg8[%swap3A_163], %broadcast_in_dim3A_160 {strides = array<i32>} : memref<4256xi32, #tpu.memory_space<vmem>>, vector<16xi32>,
          %broadcast_in_dim3A_165 = arith.constant 4096 : i32
          %broadcast_in_dim3A_166 = vector.broadcast %broadcast_in_dim3A_165 : i32 to vector<16xi32>
          %add3A_167 = arith.constant 64 : i32
          %add3A_168 = arith.addi %squeeze3A_140, %add3A_167 : i32
          %swap3A_169 = arith.index_cast %add3A_168 : i32 to index
          %swap3A_170 = tpu.vector_load %arg8[%swap3A_169] {strides = array<i32>} : memref<4256xi32, #tpu.memory_space<vmem>>, vector<16xi32>,
          tpu.vector_store %arg8[%swap3A_169], %broadcast_in_dim3A_166 {strides = array<i32>} : memref<4256xi32, #tpu.memory_space<vmem>>, vector<16xi32>,
          %broadcast_in_dim3A_171 = arith.constant 4096 : i32
          %broadcast_in_dim3A_172 = vector.broadcast %broadcast_in_dim3A_171 : i32 to vector<16xi32>
          %add3A_173 = arith.constant 80 : i32
          %add3A_174 = arith.addi %squeeze3A_140, %add3A_173 : i32
          %swap3A_175 = arith.index_cast %add3A_174 : i32 to index
          %swap3A_176 = tpu.vector_load %arg8[%swap3A_175] {strides = array<i32>} : memref<4256xi32, #tpu.memory_space<vmem>>, vector<16xi32>,
          tpu.vector_store %arg8[%swap3A_175], %broadcast_in_dim3A_172 {strides = array<i32>} : memref<4256xi32, #tpu.memory_space<vmem>>, vector<16xi32>,
          %broadcast_in_dim3A_177 = arith.constant 4096 : i32
          %broadcast_in_dim3A_178 = vector.broadcast %broadcast_in_dim3A_177 : i32 to vector<16xi32>
          %add3A_179 = arith.constant 96 : i32
          %add3A_180 = arith.addi %squeeze3A_140, %add3A_179 : i32
          %swap3A_181 = arith.index_cast %add3A_180 : i32 to index
          %swap3A_182 = tpu.vector_load %arg8[%swap3A_181] {strides = array<i32>} : memref<4256xi32, #tpu.memory_space<vmem>>, vector<16xi32>,
          tpu.vector_store %arg8[%swap3A_181], %broadcast_in_dim3A_178 {strides = array<i32>} : memref<4256xi32, #tpu.memory_space<vmem>>, vector<16xi32>,
          %broadcast_in_dim3A_183 = arith.constant 4096 : i32
          %broadcast_in_dim3A_184 = vector.broadcast %broadcast_in_dim3A_183 : i32 to vector<16xi32>
          %add3A_185 = arith.constant 112 : i32
          %add3A_186 = arith.addi %squeeze3A_140, %add3A_185 : i32
          %swap3A_187 = arith.index_cast %add3A_186 : i32 to index
          %swap3A_188 = tpu.vector_load %arg8[%swap3A_187] {strides = array<i32>} : memref<4256xi32, #tpu.memory_space<vmem>>, vector<16xi32>,
          tpu.vector_store %arg8[%swap3A_187], %broadcast_in_dim3A_184 {strides = array<i32>} : memref<4256xi32, #tpu.memory_space<vmem>>, vector<16xi32>,
          %add3A_189 = arith.constant 128 : i32
          %add3A_190 = arith.addi %squeeze3A_140, %add3A_189 : i32
          %sub3A_191 = arith.constant 1 : i32
          %sub3A_192 = arith.subi %add3A_190, %sub3A_191 : i32
          %jit3A_193 = arith.constant 128 : i32
          %div3A_194 = arith.divsi %sub3A_192, %jit3A_193 : i32
          %sign3A_195 = arith.constant 0 : i32
          %sign3A_196 = arith.cmpi sgt, %sub3A_192, %sign3A_195 : i32
          %sign3A_197 = arith.extui %sign3A_196 : i1 to i32
          %sign3A_198 = arith.constant 0 : i32
          %sign3A_199 = arith.cmpi slt, %sub3A_192, %sign3A_198 : i32
          %sign3A_200 = arith.extui %sign3A_199 : i1 to i32
          %sign3A_201 = arith.subi %sign3A_197, %sign3A_200 : i32
          %sign3A_202 = arith.constant 0 : i32
          %sign3A_203 = arith.cmpi sgt, %jit3A_193, %sign3A_202 : i32
          %sign3A_204 = arith.extui %sign3A_203 : i1 to i32
          %sign3A_205 = arith.constant 0 : i32
          %sign3A_206 = arith.cmpi slt, %jit3A_193, %sign3A_205 : i32
          %sign3A_207 = arith.extui %sign3A_206 : i1 to i32
          %sign3A_208 = arith.subi %sign3A_204, %sign3A_207 : i32
          %ne3A_209 = arith.cmpi ne, %sign3A_201, %sign3A_208 : i32
          %rem3A_210 = arith.remsi %sub3A_192, %jit3A_193 : i32
          %ne3A_211 = arith.constant 0 : i32
          %ne3A_212 = arith.cmpi ne, %rem3A_210, %ne3A_211 : i32
          %and3A_213 = arith.andi %ne3A_209, %ne3A_212 : i1
          %sub3A_214 = arith.constant 1 : i32
          %sub3A_215 = arith.subi %div3A_194, %sub3A_214 : i32
          %select_n3A_216 = arith.select %and3A_213, %sub3A_215, %div3A_194 : i32
          %while3A_217 = arith.constant 0 : i32
          %while3A_218 = arith.constant 0 : i32
          %while3A_219 = arith.subi %select_n3A_216, %while3A_217 : i32
          %while3A_220 = arith.addi %while3A_217, %while3A_219 : i32
          %while3A_221 = arith.constant 1 : i32
          %while3A_222 = arith.divsi %while3A_219, %while3A_221 : i32
          %while3A_223 = arith.muli %while3A_222, %while3A_221 : i32
          %while3A_224 = arith.addi %while3A_217, %while3A_223 : i32
          %while3A_225 = arith.constant 1 : i32
          %while3A_226 = scf.for %while3A_234 = %while3A_217 to %while3A_224 step %while3A_225 iter_args(%while3A_235 = %while3A_218) -> (i32)  : i32 {
            %add3A_236 = arith.addi %mul3A_17, %scan3A_122 : i32
            %mul3A_237 = arith.constant 128 : i32
            %mul3A_238 = arith.muli %while3A_234, %mul3A_237 : i32
            %add3A_239 = arith.addi %add3A_236, %mul3A_238 : i32
            %multiple_of3A_240 = tpu.assume_multiple %add3A_239, 128 : i32
            %mul3A_241 = arith.constant 128 : i32
            %mul3A_242 = arith.muli %while3A_234, %mul3A_241 : i32
            "tpu.region"() ({
              %run_scoped3A = tpu.sem_alloc : memref<!tpu.dma_semaphore, #tpu.memory_space<semaphore_mem>>
              %dma_start3A = tpu.memref_slice %arg8[%mul3A_242] : memref<4256xi32, #tpu.memory_space<vmem>> -> memref<128xi32, #tpu.memory_space<vmem>>
              %dma_start3A_244 = tpu.memref_slice %arg4[%multiple_of3A_240] : memref<14589952xi32, #tpu.memory_space<hbm>> -> memref<128xi32, #tpu.memory_space<hbm>>
              %dma_start3A_245 = tpu.memref_slice %arg4[%multiple_of3A_240] : memref<14589952xi32, #tpu.memory_space<hbm>> -> memref<128xi32, #tpu.memory_space<hbm>>
              %dma_start3A_246 = tpu.memref_slice %arg8[%mul3A_242] : memref<4256xi32, #tpu.memory_space<vmem>> -> memref<128xi32, #tpu.memory_space<vmem>>
              tpu.enqueue_dma source(%dma_start3A_246 : memref<128xi32, #tpu.memory_space<vmem>>) target(%dma_start3A_245 : memref<128xi32, #tpu.memory_space<hbm>>) target_semaphore(%run_scoped3A : memref<!tpu.dma_semaphore, #tpu.memory_space<semaphore_mem>>)
              %dma_wait3A = tpu.memref_slice %arg8[%mul3A_242] : memref<4256xi32, #tpu.memory_space<vmem>> -> memref<128xi32, #tpu.memory_space<vmem>>
              %dma_wait3A_247 = tpu.memref_slice %arg4[%multiple_of3A_240] : memref<14589952xi32, #tpu.memory_space<hbm>> -> memref<128xi32, #tpu.memory_space<hbm>>
              %dma_wait3A_248 = tpu.memref_slice %arg4[%multiple_of3A_240] : memref<14589952xi32, #tpu.memory_space<hbm>> -> memref<128xi32, #tpu.memory_space<hbm>>
              %dma_wait3A_249 = tpu.memref_slice %arg8[%mul3A_242] : memref<4256xi32, #tpu.memory_space<vmem>> -> memref<128xi32, #tpu.memory_space<vmem>>
              tpu.wait_dma2 semaphore(%run_scoped3A : memref<!tpu.dma_semaphore, #tpu.memory_space<semaphore_mem>>) src(%dma_wait3A_249 : memref<128xi32, #tpu.memory_space<vmem>>) dst(%dma_wait3A_248 : memref<128xi32, #tpu.memory_space<hbm>>)
              tpu.yield
            }) : () -> ()
            %while3A_243 = arith.constant 0 : i32
            scf.yield %while3A_243 : i32
          }
          %while3A_227 = arith.constant 1 : i32
          %while3A_228 = scf.for %while3A_234 = %while3A_224 to %while3A_220 step %while3A_227 iter_args(%while3A_235 = %while3A_226) -> (i32)  : i32 {
            %add3A_236 = arith.addi %mul3A_17, %scan3A_122 : i32
            %mul3A_237 = arith.constant 128 : i32
            %mul3A_238 = arith.muli %while3A_234, %mul3A_237 : i32
            %add3A_239 = arith.addi %add3A_236, %mul3A_238 : i32
            %multiple_of3A_240 = tpu.assume_multiple %add3A_239, 128 : i32
            %mul3A_241 = arith.constant 128 : i32
            %mul3A_242 = arith.muli %while3A_234, %mul3A_241 : i32
            "tpu.region"() ({
              %run_scoped3A = tpu.sem_alloc : memref<!tpu.dma_semaphore, #tpu.memory_space<semaphore_mem>>
              %dma_start3A = tpu.memref_slice %arg8[%mul3A_242] : memref<4256xi32, #tpu.memory_space<vmem>> -> memref<128xi32, #tpu.memory_space<vmem>>
              %dma_start3A_244 = tpu.memref_slice %arg4[%multiple_of3A_240] : memref<14589952xi32, #tpu.memory_space<hbm>> -> memref<128xi32, #tpu.memory_space<hbm>>
              %dma_start3A_245 = tpu.memref_slice %arg4[%multiple_of3A_240] : memref<14589952xi32, #tpu.memory_space<hbm>> -> memref<128xi32, #tpu.memory_space<hbm>>
              %dma_start3A_246 = tpu.memref_slice %arg8[%mul3A_242] : memref<4256xi32, #tpu.memory_space<vmem>> -> memref<128xi32, #tpu.memory_space<vmem>>
              tpu.enqueue_dma source(%dma_start3A_246 : memref<128xi32, #tpu.memory_space<vmem>>) target(%dma_start3A_245 : memref<128xi32, #tpu.memory_space<hbm>>) target_semaphore(%run_scoped3A : memref<!tpu.dma_semaphore, #tpu.memory_space<semaphore_mem>>)
              %dma_wait3A = tpu.memref_slice %arg8[%mul3A_242] : memref<4256xi32, #tpu.memory_space<vmem>> -> memref<128xi32, #tpu.memory_space<vmem>>
              %dma_wait3A_247 = tpu.memref_slice %arg4[%multiple_of3A_240] : memref<14589952xi32, #tpu.memory_space<hbm>> -> memref<128xi32, #tpu.memory_space<hbm>>
              %dma_wait3A_248 = tpu.memref_slice %arg4[%multiple_of3A_240] : memref<14589952xi32, #tpu.memory_space<hbm>> -> memref<128xi32, #tpu.memory_space<hbm>>
              %dma_wait3A_249 = tpu.memref_slice %arg8[%mul3A_242] : memref<4256xi32, #tpu.memory_space<vmem>> -> memref<128xi32, #tpu.memory_space<vmem>>
              tpu.wait_dma2 semaphore(%run_scoped3A : memref<!tpu.dma_semaphore, #tpu.memory_space<semaphore_mem>>) src(%dma_wait3A_249 : memref<128xi32, #tpu.memory_space<vmem>>) dst(%dma_wait3A_248 : memref<128xi32, #tpu.memory_space<hbm>>)
              tpu.yield
            }) : () -> ()
            %while3A_243 = arith.constant 0 : i32
            scf.yield %while3A_243 : i32
          }
          %broadcast_in_dim3A_229 = arith.constant 0 : i32
          %broadcast_in_dim3A_230 = vector.broadcast %broadcast_in_dim3A_229 : i32 to vector<16xi32>
          %mul3A_231 = arith.constant 128 : i32
          %mul3A_232 = arith.muli %select_n3A_216, %mul3A_231 : i32
          %add3A_233 = arith.addi %scan3A_122, %mul3A_232 : i32
          scf.yield %broadcast_in_dim3A_230, %add3A_233 : vector<16xi32>, i32
        } else {
          scf.yield %scan3A_132, %scan3A_122 : vector<16xi32>, i32
        }
        scf.yield %cond3A_138#0, %cond3A_138#1 : vector<16xi32>, i32
      }
      %scan3A_26 = arith.constant 16 : i32
      %slice3A = vector.extract_strided_slice %scan3A_25#0 {offsets = [15], sizes = [1], strides = [1]} : vector<16xi32> to vector<1xi32>
      %squeeze3A = vector.extract %slice3A[0] : i32 from vector<1xi32>
      %broadcast_in_dim3A_27 = arith.constant 4096 : i32
      %broadcast_in_dim3A_28 = vector.broadcast %broadcast_in_dim3A_27 : i32 to vector<16xi32>
      %add3A_29 = arith.constant 0 : i32
      %add3A_30 = arith.addi %squeeze3A, %add3A_29 : i32
      %swap3A = arith.index_cast %add3A_30 : i32 to index
      %swap3A_31 = tpu.vector_load %arg8[%swap3A] {strides = array<i32>} : memref<4256xi32, #tpu.memory_space<vmem>>, vector<16xi32>,
      tpu.vector_store %arg8[%swap3A], %broadcast_in_dim3A_28 {strides = array<i32>} : memref<4256xi32, #tpu.memory_space<vmem>>, vector<16xi32>,
      %broadcast_in_dim3A_32 = arith.constant 4096 : i32
      %broadcast_in_dim3A_33 = vector.broadcast %broadcast_in_dim3A_32 : i32 to vector<16xi32>
      %add3A_34 = arith.constant 16 : i32
      %add3A_35 = arith.addi %squeeze3A, %add3A_34 : i32
      %swap3A_36 = arith.index_cast %add3A_35 : i32 to index
      %swap3A_37 = tpu.vector_load %arg8[%swap3A_36] {strides = array<i32>} : memref<4256xi32, #tpu.memory_space<vmem>>, vector<16xi32>,
      tpu.vector_store %arg8[%swap3A_36], %broadcast_in_dim3A_33 {strides = array<i32>} : memref<4256xi32, #tpu.memory_space<vmem>>, vector<16xi32>,
      %broadcast_in_dim3A_38 = arith.constant 4096 : i32
      %broadcast_in_dim3A_39 = vector.broadcast %broadcast_in_dim3A_38 : i32 to vector<16xi32>
      %add3A_40 = arith.constant 32 : i32
      %add3A_41 = arith.addi %squeeze3A, %add3A_40 : i32
      %swap3A_42 = arith.index_cast %add3A_41 : i32 to index
      %swap3A_43 = tpu.vector_load %arg8[%swap3A_42] {strides = array<i32>} : memref<4256xi32, #tpu.memory_space<vmem>>, vector<16xi32>,
      tpu.vector_store %arg8[%swap3A_42], %broadcast_in_dim3A_39 {strides = array<i32>} : memref<4256xi32, #tpu.memory_space<vmem>>, vector<16xi32>,
      %broadcast_in_dim3A_44 = arith.constant 4096 : i32
      %broadcast_in_dim3A_45 = vector.broadcast %broadcast_in_dim3A_44 : i32 to vector<16xi32>
      %add3A_46 = arith.constant 48 : i32
      %add3A_47 = arith.addi %squeeze3A, %add3A_46 : i32
      %swap3A_48 = arith.index_cast %add3A_47 : i32 to index
      %swap3A_49 = tpu.vector_load %arg8[%swap3A_48] {strides = array<i32>} : memref<4256xi32, #tpu.memory_space<vmem>>, vector<16xi32>,
      tpu.vector_store %arg8[%swap3A_48], %broadcast_in_dim3A_45 {strides = array<i32>} : memref<4256xi32, #tpu.memory_space<vmem>>, vector<16xi32>,
      %broadcast_in_dim3A_50 = arith.constant 4096 : i32
      %broadcast_in_dim3A_51 = vector.broadcast %broadcast_in_dim3A_50 : i32 to vector<16xi32>
      %add3A_52 = arith.constant 64 : i32
      %add3A_53 = arith.addi %squeeze3A, %add3A_52 : i32
      %swap3A_54 = arith.index_cast %add3A_53 : i32 to index
      %swap3A_55 = tpu.vector_load %arg8[%swap3A_54] {strides = array<i32>} : memref<4256xi32, #tpu.memory_space<vmem>>, vector<16xi32>,
      tpu.vector_store %arg8[%swap3A_54], %broadcast_in_dim3A_51 {strides = array<i32>} : memref<4256xi32, #tpu.memory_space<vmem>>, vector<16xi32>,
      %broadcast_in_dim3A_56 = arith.constant 4096 : i32
      %broadcast_in_dim3A_57 = vector.broadcast %broadcast_in_dim3A_56 : i32 to vector<16xi32>
      %add3A_58 = arith.constant 80 : i32
      %add3A_59 = arith.addi %squeeze3A, %add3A_58 : i32
      %swap3A_60 = arith.index_cast %add3A_59 : i32 to index
      %swap3A_61 = tpu.vector_load %arg8[%swap3A_60] {strides = array<i32>} : memref<4256xi32, #tpu.memory_space<vmem>>, vector<16xi32>,
      tpu.vector_store %arg8[%swap3A_60], %broadcast_in_dim3A_57 {strides = array<i32>} : memref<4256xi32, #tpu.memory_space<vmem>>, vector<16xi32>,
      %broadcast_in_dim3A_62 = arith.constant 4096 : i32
      %broadcast_in_dim3A_63 = vector.broadcast %broadcast_in_dim3A_62 : i32 to vector<16xi32>
      %add3A_64 = arith.constant 96 : i32
      %add3A_65 = arith.addi %squeeze3A, %add3A_64 : i32
      %swap3A_66 = arith.index_cast %add3A_65 : i32 to index
      %swap3A_67 = tpu.vector_load %arg8[%swap3A_66] {strides = array<i32>} : memref<4256xi32, #tpu.memory_space<vmem>>, vector<16xi32>,
      tpu.vector_store %arg8[%swap3A_66], %broadcast_in_dim3A_63 {strides = array<i32>} : memref<4256xi32, #tpu.memory_space<vmem>>, vector<16xi32>,
      %broadcast_in_dim3A_68 = arith.constant 4096 : i32
      %broadcast_in_dim3A_69 = vector.broadcast %broadcast_in_dim3A_68 : i32 to vector<16xi32>
      %add3A_70 = arith.constant 112 : i32
      %add3A_71 = arith.addi %squeeze3A, %add3A_70 : i32
      %swap3A_72 = arith.index_cast %add3A_71 : i32 to index
      %swap3A_73 = tpu.vector_load %arg8[%swap3A_72] {strides = array<i32>} : memref<4256xi32, #tpu.memory_space<vmem>>, vector<16xi32>,
      tpu.vector_store %arg8[%swap3A_72], %broadcast_in_dim3A_69 {strides = array<i32>} : memref<4256xi32, #tpu.memory_space<vmem>>, vector<16xi32>,
      %add3A_74 = arith.constant 128 : i32
      %add3A_75 = arith.addi %squeeze3A, %add3A_74 : i32
      %sub3A = arith.constant 1 : i32
      %sub3A_76 = arith.subi %add3A_75, %sub3A : i32
      %jit3A = arith.constant 128 : i32
      %div3A = arith.divsi %sub3A_76, %jit3A : i32
      %sign3A = arith.constant 0 : i32
      %sign3A_77 = arith.cmpi sgt, %sub3A_76, %sign3A : i32
      %sign3A_78 = arith.extui %sign3A_77 : i1 to i32
      %sign3A_79 = arith.constant 0 : i32
      %sign3A_80 = arith.cmpi slt, %sub3A_76, %sign3A_79 : i32
      %sign3A_81 = arith.extui %sign3A_80 : i1 to i32
      %sign3A_82 = arith.subi %sign3A_78, %sign3A_81 : i32
      %sign3A_83 = arith.constant 0 : i32
      %sign3A_84 = arith.cmpi sgt, %jit3A, %sign3A_83 : i32
      %sign3A_85 = arith.extui %sign3A_84 : i1 to i32
      %sign3A_86 = arith.constant 0 : i32
      %sign3A_87 = arith.cmpi slt, %jit3A, %sign3A_86 : i32
      %sign3A_88 = arith.extui %sign3A_87 : i1 to i32
      %sign3A_89 = arith.subi %sign3A_85, %sign3A_88 : i32
      %ne3A = arith.cmpi ne, %sign3A_82, %sign3A_89 : i32
      %rem3A = arith.remsi %sub3A_76, %jit3A : i32
      %ne3A_90 = arith.constant 0 : i32
      %ne3A_91 = arith.cmpi ne, %rem3A, %ne3A_90 : i32
      %and3A = arith.andi %ne3A, %ne3A_91 : i1
      %sub3A_92 = arith.constant 1 : i32
      %sub3A_93 = arith.subi %div3A, %sub3A_92 : i32
      %select_n3A = arith.select %and3A, %sub3A_93, %div3A : i32
      %while3A = arith.constant 0 : i32
      %while3A_94 = arith.constant 0 : i32
      %while3A_95 = arith.subi %select_n3A, %while3A : i32
      %while3A_96 = arith.addi %while3A, %while3A_95 : i32
      %while3A_97 = arith.constant 1 : i32
      %while3A_98 = arith.divsi %while3A_95, %while3A_97 : i32
      %while3A_99 = arith.muli %while3A_98, %while3A_97 : i32
      %while3A_100 = arith.addi %while3A, %while3A_99 : i32
      %while3A_101 = arith.constant 1 : i32
      %while3A_102 = scf.for %while3A_120 = %while3A to %while3A_100 step %while3A_101 iter_args(%while3A_121 = %while3A_94) -> (i32)  : i32 {
        %add3A_122 = arith.addi %mul3A_17, %scan3A_25#1 : i32
        %mul3A_123 = arith.constant 128 : i32
        %mul3A_124 = arith.muli %while3A_120, %mul3A_123 : i32
        %add3A_125 = arith.addi %add3A_122, %mul3A_124 : i32
        %multiple_of3A_126 = tpu.assume_multiple %add3A_125, 128 : i32
        %mul3A_127 = arith.constant 128 : i32
        %mul3A_128 = arith.muli %while3A_120, %mul3A_127 : i32
        "tpu.region"() ({
          %run_scoped3A = tpu.sem_alloc : memref<!tpu.dma_semaphore, #tpu.memory_space<semaphore_mem>>
          %dma_start3A = tpu.memref_slice %arg8[%mul3A_128] : memref<4256xi32, #tpu.memory_space<vmem>> -> memref<128xi32, #tpu.memory_space<vmem>>
          %dma_start3A_130 = tpu.memref_slice %arg4[%multiple_of3A_126] : memref<14589952xi32, #tpu.memory_space<hbm>> -> memref<128xi32, #tpu.memory_space<hbm>>
          %dma_start3A_131 = tpu.memref_slice %arg4[%multiple_of3A_126] : memref<14589952xi32, #tpu.memory_space<hbm>> -> memref<128xi32, #tpu.memory_space<hbm>>
          %dma_start3A_132 = tpu.memref_slice %arg8[%mul3A_128] : memref<4256xi32, #tpu.memory_space<vmem>> -> memref<128xi32, #tpu.memory_space<vmem>>
          tpu.enqueue_dma source(%dma_start3A_132 : memref<128xi32, #tpu.memory_space<vmem>>) target(%dma_start3A_131 : memref<128xi32, #tpu.memory_space<hbm>>) target_semaphore(%run_scoped3A : memref<!tpu.dma_semaphore, #tpu.memory_space<semaphore_mem>>)
          %dma_wait3A = tpu.memref_slice %arg8[%mul3A_128] : memref<4256xi32, #tpu.memory_space<vmem>> -> memref<128xi32, #tpu.memory_space<vmem>>
          %dma_wait3A_133 = tpu.memref_slice %arg4[%multiple_of3A_126] : memref<14589952xi32, #tpu.memory_space<hbm>> -> memref<128xi32, #tpu.memory_space<hbm>>
          %dma_wait3A_134 = tpu.memref_slice %arg4[%multiple_of3A_126] : memref<14589952xi32, #tpu.memory_space<hbm>> -> memref<128xi32, #tpu.memory_space<hbm>>
          %dma_wait3A_135 = tpu.memref_slice %arg8[%mul3A_128] : memref<4256xi32, #tpu.memory_space<vmem>> -> memref<128xi32, #tpu.memory_space<vmem>>
          tpu.wait_dma2 semaphore(%run_scoped3A : memref<!tpu.dma_semaphore, #tpu.memory_space<semaphore_mem>>) src(%dma_wait3A_135 : memref<128xi32, #tpu.memory_space<vmem>>) dst(%dma_wait3A_134 : memref<128xi32, #tpu.memory_space<hbm>>)
          tpu.yield
        }) : () -> ()
        %while3A_129 = arith.constant 0 : i32
        scf.yield %while3A_129 : i32
      }
      %while3A_103 = arith.constant 1 : i32
      %while3A_104 = scf.for %while3A_120 = %while3A_100 to %while3A_96 step %while3A_103 iter_args(%while3A_121 = %while3A_102) -> (i32)  : i32 {
        %add3A_122 = arith.addi %mul3A_17, %scan3A_25#1 : i32
        %mul3A_123 = arith.constant 128 : i32
        %mul3A_124 = arith.muli %while3A_120, %mul3A_123 : i32
        %add3A_125 = arith.addi %add3A_122, %mul3A_124 : i32
        %multiple_of3A_126 = tpu.assume_multiple %add3A_125, 128 : i32
        %mul3A_127 = arith.constant 128 : i32
        %mul3A_128 = arith.muli %while3A_120, %mul3A_127 : i32
        "tpu.region"() ({
          %run_scoped3A = tpu.sem_alloc : memref<!tpu.dma_semaphore, #tpu.memory_space<semaphore_mem>>
          %dma_start3A = tpu.memref_slice %arg8[%mul3A_128] : memref<4256xi32, #tpu.memory_space<vmem>> -> memref<128xi32, #tpu.memory_space<vmem>>
          %dma_start3A_130 = tpu.memref_slice %arg4[%multiple_of3A_126] : memref<14589952xi32, #tpu.memory_space<hbm>> -> memref<128xi32, #tpu.memory_space<hbm>>
          %dma_start3A_131 = tpu.memref_slice %arg4[%multiple_of3A_126] : memref<14589952xi32, #tpu.memory_space<hbm>> -> memref<128xi32, #tpu.memory_space<hbm>>
          %dma_start3A_132 = tpu.memref_slice %arg8[%mul3A_128] : memref<4256xi32, #tpu.memory_space<vmem>> -> memref<128xi32, #tpu.memory_space<vmem>>
          tpu.enqueue_dma source(%dma_start3A_132 : memref<128xi32, #tpu.memory_space<vmem>>) target(%dma_start3A_131 : memref<128xi32, #tpu.memory_space<hbm>>) target_semaphore(%run_scoped3A : memref<!tpu.dma_semaphore, #tpu.memory_space<semaphore_mem>>)
          %dma_wait3A = tpu.memref_slice %arg8[%mul3A_128] : memref<4256xi32, #tpu.memory_space<vmem>> -> memref<128xi32, #tpu.memory_space<vmem>>
          %dma_wait3A_133 = tpu.memref_slice %arg4[%multiple_of3A_126] : memref<14589952xi32, #tpu.memory_space<hbm>> -> memref<128xi32, #tpu.memory_space<hbm>>
          %dma_wait3A_134 = tpu.memref_slice %arg4[%multiple_of3A_126] : memref<14589952xi32, #tpu.memory_space<hbm>> -> memref<128xi32, #tpu.memory_space<hbm>>
          %dma_wait3A_135 = tpu.memref_slice %arg8[%mul3A_128] : memref<4256xi32, #tpu.memory_space<vmem>> -> memref<128xi32, #tpu.memory_space<vmem>>
          tpu.wait_dma2 semaphore(%run_scoped3A : memref<!tpu.dma_semaphore, #tpu.memory_space<semaphore_mem>>) src(%dma_wait3A_135 : memref<128xi32, #tpu.memory_space<vmem>>) dst(%dma_wait3A_134 : memref<128xi32, #tpu.memory_space<hbm>>)
          tpu.yield
        }) : () -> ()
        %while3A_129 = arith.constant 0 : i32
        scf.yield %while3A_129 : i32
      }
      %broadcast_in_dim3A_105 = arith.constant 0 : i32
      %broadcast_in_dim3A_106 = vector.broadcast %broadcast_in_dim3A_105 : i32 to vector<16xi32>
      %mul3A_107 = arith.constant 128 : i32
      %mul3A_108 = arith.muli %select_n3A, %mul3A_107 : i32
      %add3A_109 = arith.addi %scan3A_25#1, %mul3A_108 : i32
      %broadcast_in_dim3A_110 = vector.broadcast %add3A_109 : i32 to vector<16xi32>
      %swap3A_111 = arith.constant 0 : index
      %swap3A_112 = tpu.vector_load %arg9[%swap3A_111] {strides = array<i32>} : memref<16xi32, #tpu.memory_space<vmem>>, vector<16xi32>,
      tpu.vector_store %arg9[%swap3A_111], %broadcast_in_dim3A_110 {strides = array<i32>} : memref<16xi32, #tpu.memory_space<vmem>>, vector<16xi32>,
      %add3A_113 = arith.addi %mul3A_0, %scan3A_8 : i32
      %mul3A_114 = arith.constant 16 : i32
      %mul3A_115 = arith.muli %add3A_113, %mul3A_114 : i32
      %add3A_116 = arith.addi %mul3A_115, %arg1 : i32
      %mul3A_117 = arith.constant 16 : i32
      %mul3A_118 = arith.muli %add3A_116, %mul3A_117 : i32
      %multiple_of3A = tpu.assume_multiple %mul3A_118, 16 : i32
      "tpu.region"() ({
        %run_scoped3A = tpu.sem_alloc : memref<!tpu.dma_semaphore, #tpu.memory_space<semaphore_mem>>
        %dma_start3A = tpu.memref_slice %arg5[%multiple_of3A] : memref<6656xi32, #tpu.memory_space<hbm>> -> memref<16xi32, #tpu.memory_space<hbm>>
        %dma_start3A_120 = tpu.memref_slice %arg5[%multiple_of3A] : memref<6656xi32, #tpu.memory_space<hbm>> -> memref<16xi32, #tpu.memory_space<hbm>>
        tpu.enqueue_dma source(%arg9 : memref<16xi32, #tpu.memory_space<vmem>>) target(%dma_start3A_120 : memref<16xi32, #tpu.memory_space<hbm>>) target_semaphore(%run_scoped3A : memref<!tpu.dma_semaphore, #tpu.memory_space<semaphore_mem>>)
        %dma_wait3A = tpu.memref_slice %arg5[%multiple_of3A] : memref<6656xi32, #tpu.memory_space<hbm>> -> memref<16xi32, #tpu.memory_space<hbm>>
        %dma_wait3A_121 = tpu.memref_slice %arg5[%multiple_of3A] : memref<6656xi32, #tpu.memory_space<hbm>> -> memref<16xi32, #tpu.memory_space<hbm>>
        tpu.wait_dma2 semaphore(%run_scoped3A : memref<!tpu.dma_semaphore, #tpu.memory_space<semaphore_mem>>) src(%arg9 : memref<16xi32, #tpu.memory_space<vmem>>) dst(%dma_wait3A_121 : memref<16xi32, #tpu.memory_space<hbm>>)
        tpu.yield
      }) : () -> ()
      %scan3A_119 = arith.constant 0 : i32
      scf.yield %scan3A_119 : i32
    }
    %scan3A_7 = arith.constant 13 : i32
    return
  }
}

#map = affine_map<(d0, d1) -> (0)>
#map1 = affine_map<(d0, d1) -> (0, 0)>
module attributes {stable_mosaic.version = 14 : i64} {
  func.func @body(%arg0: i32, %arg1: i32, %arg2: memref<327680xi32, #tpu.memory_space<hbm>>, %arg3: memref<28672x128xf32, #tpu.memory_space<hbm>>, %arg4: memref<2048xi32, #tpu.memory_space<vmem>>, %arg5: memref<896x128xf32, #tpu.memory_space<vmem>>) attributes {dimension_semantics = [#tpu.dimension_semantics<core_parallel>, #tpu.dimension_semantics<subcore_parallel>], iteration_bounds = array<i64: 2, 16>, scalar_prefetch = 0 : i64, scratch_operands = 2 : i64, tpu.core_type = #tpu.core_type<sc_vector_subcore>, window_params = [{transform_indices = #map}, {transform_indices = #map1}]} {
    %mul3A = arith.constant 2 : i32
    %mul3A_0 = arith.muli %arg1, %mul3A : i32
    %add3A = arith.addi %mul3A_0, %arg0 : i32
    %broadcast_in_dim3A = arith.constant 0.000000e+00 : f32
    %broadcast_in_dim3A_1 = vector.broadcast %broadcast_in_dim3A : f32 to vector<16xf32>
    %scan3A = arith.constant 0 : i32
    %scan3A_2 = arith.constant 0 : i32
    %scan3A_3 = arith.constant 896 : i32
    %scan3A_4 = arith.addi %scan3A_2, %scan3A_3 : i32
    %scan3A_5 = arith.constant 1 : i32
    %scan3A_6 = scf.for %scan3A_19 = %scan3A_2 to %scan3A_4 step %scan3A_5 iter_args(%scan3A_20 = %scan3A) -> (i32)  : i32 {
      %swap3A = arith.index_cast %scan3A_19 : i32 to index
      %swap3A_21 = arith.constant 0 : index
      %swap3A_22 = tpu.vector_load %arg5[%swap3A, %swap3A_21] {strides = array<i32>} : memref<896x128xf32, #tpu.memory_space<vmem>>, vector<16xf32>,
      tpu.vector_store %arg5[%swap3A, %swap3A_21], %broadcast_in_dim3A_1 {strides = array<i32>} : memref<896x128xf32, #tpu.memory_space<vmem>>, vector<16xf32>,
      %swap3A_23 = arith.index_cast %scan3A_19 : i32 to index
      %swap3A_24 = arith.constant 16 : index
      %swap3A_25 = tpu.vector_load %arg5[%swap3A_23, %swap3A_24] {strides = array<i32>} : memref<896x128xf32, #tpu.memory_space<vmem>>, vector<16xf32>,
      tpu.vector_store %arg5[%swap3A_23, %swap3A_24], %broadcast_in_dim3A_1 {strides = array<i32>} : memref<896x128xf32, #tpu.memory_space<vmem>>, vector<16xf32>,
      %swap3A_26 = arith.index_cast %scan3A_19 : i32 to index
      %swap3A_27 = arith.constant 32 : index
      %swap3A_28 = tpu.vector_load %arg5[%swap3A_26, %swap3A_27] {strides = array<i32>} : memref<896x128xf32, #tpu.memory_space<vmem>>, vector<16xf32>,
      tpu.vector_store %arg5[%swap3A_26, %swap3A_27], %broadcast_in_dim3A_1 {strides = array<i32>} : memref<896x128xf32, #tpu.memory_space<vmem>>, vector<16xf32>,
      %swap3A_29 = arith.index_cast %scan3A_19 : i32 to index
      %swap3A_30 = arith.constant 48 : index
      %swap3A_31 = tpu.vector_load %arg5[%swap3A_29, %swap3A_30] {strides = array<i32>} : memref<896x128xf32, #tpu.memory_space<vmem>>, vector<16xf32>,
      tpu.vector_store %arg5[%swap3A_29, %swap3A_30], %broadcast_in_dim3A_1 {strides = array<i32>} : memref<896x128xf32, #tpu.memory_space<vmem>>, vector<16xf32>,
      %swap3A_32 = arith.index_cast %scan3A_19 : i32 to index
      %swap3A_33 = arith.constant 64 : index
      %swap3A_34 = tpu.vector_load %arg5[%swap3A_32, %swap3A_33] {strides = array<i32>} : memref<896x128xf32, #tpu.memory_space<vmem>>, vector<16xf32>,
      tpu.vector_store %arg5[%swap3A_32, %swap3A_33], %broadcast_in_dim3A_1 {strides = array<i32>} : memref<896x128xf32, #tpu.memory_space<vmem>>, vector<16xf32>,
      %swap3A_35 = arith.index_cast %scan3A_19 : i32 to index
      %swap3A_36 = arith.constant 80 : index
      %swap3A_37 = tpu.vector_load %arg5[%swap3A_35, %swap3A_36] {strides = array<i32>} : memref<896x128xf32, #tpu.memory_space<vmem>>, vector<16xf32>,
      tpu.vector_store %arg5[%swap3A_35, %swap3A_36], %broadcast_in_dim3A_1 {strides = array<i32>} : memref<896x128xf32, #tpu.memory_space<vmem>>, vector<16xf32>,
      %swap3A_38 = arith.index_cast %scan3A_19 : i32 to index
      %swap3A_39 = arith.constant 96 : index
      %swap3A_40 = tpu.vector_load %arg5[%swap3A_38, %swap3A_39] {strides = array<i32>} : memref<896x128xf32, #tpu.memory_space<vmem>>, vector<16xf32>,
      tpu.vector_store %arg5[%swap3A_38, %swap3A_39], %broadcast_in_dim3A_1 {strides = array<i32>} : memref<896x128xf32, #tpu.memory_space<vmem>>, vector<16xf32>,
      %swap3A_41 = arith.index_cast %scan3A_19 : i32 to index
      %swap3A_42 = arith.constant 112 : index
      %swap3A_43 = tpu.vector_load %arg5[%swap3A_41, %swap3A_42] {strides = array<i32>} : memref<896x128xf32, #tpu.memory_space<vmem>>, vector<16xf32>,
      tpu.vector_store %arg5[%swap3A_41, %swap3A_42], %broadcast_in_dim3A_1 {strides = array<i32>} : memref<896x128xf32, #tpu.memory_space<vmem>>, vector<16xf32>,
      %scan3A_44 = arith.constant 0 : i32
      scf.yield %scan3A_44 : i32
    }
    %scan3A_7 = arith.constant 896 : i32
    %broadcast_in_dim3A_8 = arith.constant 1.000000e+00 : f32
    %broadcast_in_dim3A_9 = vector.broadcast %broadcast_in_dim3A_8 : f32 to vector<16xf32>
    %scan3A_10 = arith.constant 0 : i32
    %scan3A_11 = arith.constant 0 : i32
    %scan3A_12 = arith.constant 5 : i32
    %scan3A_13 = arith.addi %scan3A_11, %scan3A_12 : i32
    %scan3A_14 = arith.constant 1 : i32
    %scan3A_15 = scf.for %scan3A_19 = %scan3A_11 to %scan3A_13 step %scan3A_14 iter_args(%scan3A_20 = %scan3A_10) -> (i32)  : i32 {
      %mul3A_21 = arith.constant 32 : i32
      %mul3A_22 = arith.muli %mul3A_21, %scan3A_19 : i32
      %add3A_23 = arith.addi %add3A, %mul3A_22 : i32
      %mul3A_24 = arith.constant 2048 : i32
      %mul3A_25 = arith.muli %add3A_23, %mul3A_24 : i32
      "tpu.region"() ({
        %run_scoped3A = tpu.sem_alloc : memref<!tpu.dma_semaphore, #tpu.memory_space<semaphore_mem>>
        %dma_start3A = tpu.memref_slice %arg2[%mul3A_25] : memref<327680xi32, #tpu.memory_space<hbm>> -> memref<2048xi32, #tpu.memory_space<hbm>>
        %dma_start3A_34 = tpu.memref_slice %arg2[%mul3A_25] : memref<327680xi32, #tpu.memory_space<hbm>> -> memref<2048xi32, #tpu.memory_space<hbm>>
        tpu.enqueue_dma source(%dma_start3A_34 : memref<2048xi32, #tpu.memory_space<hbm>>) target(%arg4 : memref<2048xi32, #tpu.memory_space<vmem>>) target_semaphore(%run_scoped3A : memref<!tpu.dma_semaphore, #tpu.memory_space<semaphore_mem>>)
        %dma_wait3A = tpu.memref_slice %arg2[%mul3A_25] : memref<327680xi32, #tpu.memory_space<hbm>> -> memref<2048xi32, #tpu.memory_space<hbm>>
        %dma_wait3A_35 = tpu.memref_slice %arg2[%mul3A_25] : memref<327680xi32, #tpu.memory_space<hbm>> -> memref<2048xi32, #tpu.memory_space<hbm>>
        tpu.wait_dma2 semaphore(%run_scoped3A : memref<!tpu.dma_semaphore, #tpu.memory_space<semaphore_mem>>) src(%dma_wait3A_35 : memref<2048xi32, #tpu.memory_space<hbm>>) dst(%arg4 : memref<2048xi32, #tpu.memory_space<vmem>>)
        tpu.yield
      }) : () -> ()
      %scan3A_26 = arith.constant 0 : i32
      %scan3A_27 = arith.constant 0 : i32
      %scan3A_28 = arith.constant 128 : i32
      %scan3A_29 = arith.addi %scan3A_27, %scan3A_28 : i32
      %scan3A_30 = arith.constant 1 : i32
      %scan3A_31 = scf.for %scan3A_34 = %scan3A_27 to %scan3A_29 step %scan3A_30 iter_args(%scan3A_35 = %scan3A_26) -> (i32)  : i32 {
        %mul3A_36 = arith.constant 16 : i32
        %mul3A_37 = arith.muli %scan3A_34, %mul3A_36 : i32
        %get3A = arith.index_cast %mul3A_37 : i32 to index
        %get3A_38 = tpu.vector_load %arg4[%get3A] {strides = array<i32>} : memref<2048xi32, #tpu.memory_space<vmem>>, vector<16xi32>,
        %get3A_39 = vector.shape_cast %get3A_38 : vector<16xi32> to vector<16xi32>
        %shift_right_logical3A = arith.constant 7 : i32
        %shift_right_logical3A_40 = vector.broadcast %shift_right_logical3A : i32 to vector<16xi32>
        %shift_right_logical3A_41 = arith.shrui %get3A_39, %shift_right_logical3A_40 : vector<16xi32>
        %and3A = arith.constant 127 : i32
        %and3A_42 = vector.broadcast %and3A : i32 to vector<16xi32>
        %and3A_43 = arith.andi %get3A_39, %and3A_42 : vector<16xi32>
        tpu.vector_store_idx %arg5[%shift_right_logical3A_41, %and3A_43], %broadcast_in_dim3A_9 {add = true} : memref<896x128xf32, #tpu.memory_space<vmem>>[vector<16xi32>, vector<16xi32>], vector<16xf32>,
        %scan3A_44 = arith.constant 0 : i32
        scf.yield %scan3A_44 : i32
      }
      %scan3A_32 = arith.constant 128 : i32
      %scan3A_33 = arith.constant 0 : i32
      scf.yield %scan3A_33 : i32
    }
    %scan3A_16 = arith.constant 5 : i32
    %mul3A_17 = arith.constant 896 : i32
    %mul3A_18 = arith.muli %add3A, %mul3A_17 : i32
    %multiple_of3A = tpu.assume_multiple %mul3A_18, 8 : i32
    "tpu.region"() ({
      %run_scoped3A = tpu.sem_alloc : memref<!tpu.dma_semaphore, #tpu.memory_space<semaphore_mem>>
      %dma_start3A = arith.constant 0 : i32
      %dma_start3A_19 = tpu.memref_slice %arg3[%multiple_of3A, %dma_start3A] : memref<28672x128xf32, #tpu.memory_space<hbm>> -> memref<896x128xf32, #tpu.memory_space<hbm>>
      %dma_start3A_20 = arith.constant 0 : i32
      %dma_start3A_21 = tpu.memref_slice %arg3[%multiple_of3A, %dma_start3A_20] : memref<28672x128xf32, #tpu.memory_space<hbm>> -> memref<896x128xf32, #tpu.memory_space<hbm>>
      tpu.enqueue_dma source(%arg5 : memref<896x128xf32, #tpu.memory_space<vmem>>) target(%dma_start3A_21 : memref<896x128xf32, #tpu.memory_space<hbm>>) target_semaphore(%run_scoped3A : memref<!tpu.dma_semaphore, #tpu.memory_space<semaphore_mem>>)
      %dma_wait3A = arith.constant 0 : i32
      %dma_wait3A_22 = tpu.memref_slice %arg3[%multiple_of3A, %dma_wait3A] : memref<28672x128xf32, #tpu.memory_space<hbm>> -> memref<896x128xf32, #tpu.memory_space<hbm>>
      %dma_wait3A_23 = arith.constant 0 : i32
      %dma_wait3A_24 = tpu.memref_slice %arg3[%multiple_of3A, %dma_wait3A_23] : memref<28672x128xf32, #tpu.memory_space<hbm>> -> memref<896x128xf32, #tpu.memory_space<hbm>>
      tpu.wait_dma2 semaphore(%run_scoped3A : memref<!tpu.dma_semaphore, #tpu.memory_space<semaphore_mem>>) src(%arg5 : memref<896x128xf32, #tpu.memory_space<vmem>>) dst(%dma_wait3A_24 : memref<896x128xf32, #tpu.memory_space<hbm>>)
      tpu.yield
    }) : () -> ()
    return
  }
}

#map = affine_map<(d0, d1) -> (0, 0)>
#map1 = affine_map<(d0, d1) -> (0)>
module attributes {stable_mosaic.version = 14 : i64} {
  func.func @body(%arg0: i32, %arg1: i32, %arg2: memref<10000x128xf32, #tpu.memory_space<hbm>>, %arg3: memref<327680xi32, #tpu.memory_space<hbm>>, %arg4: memref<327680xi32, #tpu.memory_space<hbm>>, %arg5: memref<20480x128xf32, #tpu.memory_space<hbm>>, %arg6: memref<2048xi32, #tpu.memory_space<vmem>>, %arg7: memref<2048xi32, #tpu.memory_space<vmem>>, %arg8: memref<128xi32, #tpu.memory_space<vmem>>, %arg9: memref<128xi32, #tpu.memory_space<vmem>>, %arg10: memref<128x128xf32, #tpu.memory_space<vmem>>, %arg11: memref<10248x128xf32, #tpu.memory_space<vmem_shared>>, %arg12: memref<!tpu.dma_semaphore, #tpu.memory_space<semaphore_mem>>) attributes {dimension_semantics = [#tpu.dimension_semantics<core_parallel>, #tpu.dimension_semantics<subcore_parallel>], iteration_bounds = array<i64: 2, 16>, scalar_prefetch = 0 : i64, scratch_operands = 7 : i64, tpu.core_type = #tpu.core_type<sc_vector_subcore>, window_params = [{transform_indices = #map}, {transform_indices = #map1}, {transform_indices = #map1}, {transform_indices = #map}]} {
    %mul3A = arith.constant 2 : i32
    %mul3A_0 = arith.muli %arg1, %mul3A : i32
    %add3A = arith.addi %mul3A_0, %arg0 : i32
    %broadcast_in_dim3A = arith.constant 0.000000e+00 : f32
    %broadcast_in_dim3A_1 = vector.broadcast %broadcast_in_dim3A : f32 to vector<16xf32>
    %scan3A = arith.constant 0 : i32
    %scan3A_2 = arith.constant 0 : i32
    %scan3A_3 = arith.constant 128 : i32
    %scan3A_4 = arith.addi %scan3A_2, %scan3A_3 : i32
    %scan3A_5 = arith.constant 1 : i32
    %scan3A_6 = scf.for %scan3A_31 = %scan3A_2 to %scan3A_4 step %scan3A_5 iter_args(%scan3A_32 = %scan3A) -> (i32)  : i32 {
      %swap3A = arith.index_cast %scan3A_31 : i32 to index
      %swap3A_33 = arith.constant 0 : index
      %swap3A_34 = tpu.vector_load %arg10[%swap3A, %swap3A_33] {strides = array<i32>} : memref<128x128xf32, #tpu.memory_space<vmem>>, vector<1x16xf32>,
      %swap3A_35 = vector.shape_cast %swap3A_34 : vector<1x16xf32> to vector<16xf32>
      %swap3A_36 = vector.shape_cast %broadcast_in_dim3A_1 : vector<16xf32> to vector<1x16xf32>
      tpu.vector_store %arg10[%swap3A, %swap3A_33], %swap3A_36 {strides = array<i32>} : memref<128x128xf32, #tpu.memory_space<vmem>>, vector<1x16xf32>,
      %swap3A_37 = arith.index_cast %scan3A_31 : i32 to index
      %swap3A_38 = arith.constant 16 : index
      %swap3A_39 = tpu.vector_load %arg10[%swap3A_37, %swap3A_38] {strides = array<i32>} : memref<128x128xf32, #tpu.memory_space<vmem>>, vector<1x16xf32>,
      %swap3A_40 = vector.shape_cast %swap3A_39 : vector<1x16xf32> to vector<16xf32>
      %swap3A_41 = vector.shape_cast %broadcast_in_dim3A_1 : vector<16xf32> to vector<1x16xf32>
      tpu.vector_store %arg10[%swap3A_37, %swap3A_38], %swap3A_41 {strides = array<i32>} : memref<128x128xf32, #tpu.memory_space<vmem>>, vector<1x16xf32>,
      %swap3A_42 = arith.index_cast %scan3A_31 : i32 to index
      %swap3A_43 = arith.constant 32 : index
      %swap3A_44 = tpu.vector_load %arg10[%swap3A_42, %swap3A_43] {strides = array<i32>} : memref<128x128xf32, #tpu.memory_space<vmem>>, vector<1x16xf32>,
      %swap3A_45 = vector.shape_cast %swap3A_44 : vector<1x16xf32> to vector<16xf32>
      %swap3A_46 = vector.shape_cast %broadcast_in_dim3A_1 : vector<16xf32> to vector<1x16xf32>
      tpu.vector_store %arg10[%swap3A_42, %swap3A_43], %swap3A_46 {strides = array<i32>} : memref<128x128xf32, #tpu.memory_space<vmem>>, vector<1x16xf32>,
      %swap3A_47 = arith.index_cast %scan3A_31 : i32 to index
      %swap3A_48 = arith.constant 48 : index
      %swap3A_49 = tpu.vector_load %arg10[%swap3A_47, %swap3A_48] {strides = array<i32>} : memref<128x128xf32, #tpu.memory_space<vmem>>, vector<1x16xf32>,
      %swap3A_50 = vector.shape_cast %swap3A_49 : vector<1x16xf32> to vector<16xf32>
      %swap3A_51 = vector.shape_cast %broadcast_in_dim3A_1 : vector<16xf32> to vector<1x16xf32>
      tpu.vector_store %arg10[%swap3A_47, %swap3A_48], %swap3A_51 {strides = array<i32>} : memref<128x128xf32, #tpu.memory_space<vmem>>, vector<1x16xf32>,
      %swap3A_52 = arith.index_cast %scan3A_31 : i32 to index
      %swap3A_53 = arith.constant 64 : index
      %swap3A_54 = tpu.vector_load %arg10[%swap3A_52, %swap3A_53] {strides = array<i32>} : memref<128x128xf32, #tpu.memory_space<vmem>>, vector<1x16xf32>,
      %swap3A_55 = vector.shape_cast %swap3A_54 : vector<1x16xf32> to vector<16xf32>
      %swap3A_56 = vector.shape_cast %broadcast_in_dim3A_1 : vector<16xf32> to vector<1x16xf32>
      tpu.vector_store %arg10[%swap3A_52, %swap3A_53], %swap3A_56 {strides = array<i32>} : memref<128x128xf32, #tpu.memory_space<vmem>>, vector<1x16xf32>,
      %swap3A_57 = arith.index_cast %scan3A_31 : i32 to index
      %swap3A_58 = arith.constant 80 : index
      %swap3A_59 = tpu.vector_load %arg10[%swap3A_57, %swap3A_58] {strides = array<i32>} : memref<128x128xf32, #tpu.memory_space<vmem>>, vector<1x16xf32>,
      %swap3A_60 = vector.shape_cast %swap3A_59 : vector<1x16xf32> to vector<16xf32>
      %swap3A_61 = vector.shape_cast %broadcast_in_dim3A_1 : vector<16xf32> to vector<1x16xf32>
      tpu.vector_store %arg10[%swap3A_57, %swap3A_58], %swap3A_61 {strides = array<i32>} : memref<128x128xf32, #tpu.memory_space<vmem>>, vector<1x16xf32>,
      %swap3A_62 = arith.index_cast %scan3A_31 : i32 to index
      %swap3A_63 = arith.constant 96 : index
      %swap3A_64 = tpu.vector_load %arg10[%swap3A_62, %swap3A_63] {strides = array<i32>} : memref<128x128xf32, #tpu.memory_space<vmem>>, vector<1x16xf32>,
      %swap3A_65 = vector.shape_cast %swap3A_64 : vector<1x16xf32> to vector<16xf32>
      %swap3A_66 = vector.shape_cast %broadcast_in_dim3A_1 : vector<16xf32> to vector<1x16xf32>
      tpu.vector_store %arg10[%swap3A_62, %swap3A_63], %swap3A_66 {strides = array<i32>} : memref<128x128xf32, #tpu.memory_space<vmem>>, vector<1x16xf32>,
      %swap3A_67 = arith.index_cast %scan3A_31 : i32 to index
      %swap3A_68 = arith.constant 112 : index
      %swap3A_69 = tpu.vector_load %arg10[%swap3A_67, %swap3A_68] {strides = array<i32>} : memref<128x128xf32, #tpu.memory_space<vmem>>, vector<1x16xf32>,
      %swap3A_70 = vector.shape_cast %swap3A_69 : vector<1x16xf32> to vector<16xf32>
      %swap3A_71 = vector.shape_cast %broadcast_in_dim3A_1 : vector<16xf32> to vector<1x16xf32>
      tpu.vector_store %arg10[%swap3A_67, %swap3A_68], %swap3A_71 {strides = array<i32>} : memref<128x128xf32, #tpu.memory_space<vmem>>, vector<1x16xf32>,
      %scan3A_72 = arith.constant 0 : i32
      scf.yield %scan3A_72 : i32
    }
    %scan3A_7 = arith.constant 128 : i32
    %mul3A_8 = arith.constant 640 : i32
    %mul3A_9 = arith.muli %arg1, %mul3A_8 : i32
    %add3A_10 = arith.constant 0 : i32
    %add3A_11 = arith.addi %mul3A_9, %add3A_10 : i32
    "tpu.region"() ({
      %run_scoped3A = tpu.sem_alloc : memref<!tpu.dma_semaphore, #tpu.memory_space<semaphore_mem>>
      %dma_start3A = arith.constant 0 : i32
      %dma_start3A_31 = tpu.memref_slice %arg11[%add3A_11, %dma_start3A] : memref<10248x128xf32, #tpu.memory_space<vmem_shared>> -> memref<128x128xf32, #tpu.memory_space<vmem_shared>>
      %dma_start3A_32 = arith.constant 0 : i32
      %dma_start3A_33 = tpu.memref_slice %arg11[%add3A_11, %dma_start3A_32] : memref<10248x128xf32, #tpu.memory_space<vmem_shared>> -> memref<128x128xf32, #tpu.memory_space<vmem_shared>>
      tpu.enqueue_dma source(%arg10 : memref<128x128xf32, #tpu.memory_space<vmem>>) target(%dma_start3A_33 : memref<128x128xf32, #tpu.memory_space<vmem_shared>>) target_semaphore(%run_scoped3A : memref<!tpu.dma_semaphore, #tpu.memory_space<semaphore_mem>>)
      %dma_wait3A = arith.constant 0 : i32
      %dma_wait3A_34 = tpu.memref_slice %arg11[%add3A_11, %dma_wait3A] : memref<10248x128xf32, #tpu.memory_space<vmem_shared>> -> memref<128x128xf32, #tpu.memory_space<vmem_shared>>
      %dma_wait3A_35 = arith.constant 0 : i32
      %dma_wait3A_36 = tpu.memref_slice %arg11[%add3A_11, %dma_wait3A_35] : memref<10248x128xf32, #tpu.memory_space<vmem_shared>> -> memref<128x128xf32, #tpu.memory_space<vmem_shared>>
      tpu.wait_dma2 semaphore(%run_scoped3A : memref<!tpu.dma_semaphore, #tpu.memory_space<semaphore_mem>>) src(%arg10 : memref<128x128xf32, #tpu.memory_space<vmem>>) dst(%dma_wait3A_36 : memref<128x128xf32, #tpu.memory_space<vmem_shared>>)
      tpu.yield
    }) : () -> ()
    %add3A_12 = arith.constant 128 : i32
    %add3A_13 = arith.addi %mul3A_9, %add3A_12 : i32
    "tpu.region"() ({
      %run_scoped3A = tpu.sem_alloc : memref<!tpu.dma_semaphore, #tpu.memory_space<semaphore_mem>>
      %dma_start3A = arith.constant 0 : i32
      %dma_start3A_31 = tpu.memref_slice %arg11[%add3A_13, %dma_start3A] : memref<10248x128xf32, #tpu.memory_space<vmem_shared>> -> memref<128x128xf32, #tpu.memory_space<vmem_shared>>
      %dma_start3A_32 = arith.constant 0 : i32
      %dma_start3A_33 = tpu.memref_slice %arg11[%add3A_13, %dma_start3A_32] : memref<10248x128xf32, #tpu.memory_space<vmem_shared>> -> memref<128x128xf32, #tpu.memory_space<vmem_shared>>
      tpu.enqueue_dma source(%arg10 : memref<128x128xf32, #tpu.memory_space<vmem>>) target(%dma_start3A_33 : memref<128x128xf32, #tpu.memory_space<vmem_shared>>) target_semaphore(%run_scoped3A : memref<!tpu.dma_semaphore, #tpu.memory_space<semaphore_mem>>)
      %dma_wait3A = arith.constant 0 : i32
      %dma_wait3A_34 = tpu.memref_slice %arg11[%add3A_13, %dma_wait3A] : memref<10248x128xf32, #tpu.memory_space<vmem_shared>> -> memref<128x128xf32, #tpu.memory_space<vmem_shared>>
      %dma_wait3A_35 = arith.constant 0 : i32
      %dma_wait3A_36 = tpu.memref_slice %arg11[%add3A_13, %dma_wait3A_35] : memref<10248x128xf32, #tpu.memory_space<vmem_shared>> -> memref<128x128xf32, #tpu.memory_space<vmem_shared>>
      tpu.wait_dma2 semaphore(%run_scoped3A : memref<!tpu.dma_semaphore, #tpu.memory_space<semaphore_mem>>) src(%arg10 : memref<128x128xf32, #tpu.memory_space<vmem>>) dst(%dma_wait3A_36 : memref<128x128xf32, #tpu.memory_space<vmem_shared>>)
      tpu.yield
    }) : () -> ()
    %add3A_14 = arith.constant 256 : i32
    %add3A_15 = arith.addi %mul3A_9, %add3A_14 : i32
    "tpu.region"() ({
      %run_scoped3A = tpu.sem_alloc : memref<!tpu.dma_semaphore, #tpu.memory_space<semaphore_mem>>
      %dma_start3A = arith.constant 0 : i32
      %dma_start3A_31 = tpu.memref_slice %arg11[%add3A_15, %dma_start3A] : memref<10248x128xf32, #tpu.memory_space<vmem_shared>> -> memref<128x128xf32, #tpu.memory_space<vmem_shared>>
      %dma_start3A_32 = arith.constant 0 : i32
      %dma_start3A_33 = tpu.memref_slice %arg11[%add3A_15, %dma_start3A_32] : memref<10248x128xf32, #tpu.memory_space<vmem_shared>> -> memref<128x128xf32, #tpu.memory_space<vmem_shared>>
      tpu.enqueue_dma source(%arg10 : memref<128x128xf32, #tpu.memory_space<vmem>>) target(%dma_start3A_33 : memref<128x128xf32, #tpu.memory_space<vmem_shared>>) target_semaphore(%run_scoped3A : memref<!tpu.dma_semaphore, #tpu.memory_space<semaphore_mem>>)
      %dma_wait3A = arith.constant 0 : i32
      %dma_wait3A_34 = tpu.memref_slice %arg11[%add3A_15, %dma_wait3A] : memref<10248x128xf32, #tpu.memory_space<vmem_shared>> -> memref<128x128xf32, #tpu.memory_space<vmem_shared>>
      %dma_wait3A_35 = arith.constant 0 : i32
      %dma_wait3A_36 = tpu.memref_slice %arg11[%add3A_15, %dma_wait3A_35] : memref<10248x128xf32, #tpu.memory_space<vmem_shared>> -> memref<128x128xf32, #tpu.memory_space<vmem_shared>>
      tpu.wait_dma2 semaphore(%run_scoped3A : memref<!tpu.dma_semaphore, #tpu.memory_space<semaphore_mem>>) src(%arg10 : memref<128x128xf32, #tpu.memory_space<vmem>>) dst(%dma_wait3A_36 : memref<128x128xf32, #tpu.memory_space<vmem_shared>>)
      tpu.yield
    }) : () -> ()
    %add3A_16 = arith.constant 384 : i32
    %add3A_17 = arith.addi %mul3A_9, %add3A_16 : i32
    "tpu.region"() ({
      %run_scoped3A = tpu.sem_alloc : memref<!tpu.dma_semaphore, #tpu.memory_space<semaphore_mem>>
      %dma_start3A = arith.constant 0 : i32
      %dma_start3A_31 = tpu.memref_slice %arg11[%add3A_17, %dma_start3A] : memref<10248x128xf32, #tpu.memory_space<vmem_shared>> -> memref<128x128xf32, #tpu.memory_space<vmem_shared>>
      %dma_start3A_32 = arith.constant 0 : i32
      %dma_start3A_33 = tpu.memref_slice %arg11[%add3A_17, %dma_start3A_32] : memref<10248x128xf32, #tpu.memory_space<vmem_shared>> -> memref<128x128xf32, #tpu.memory_space<vmem_shared>>
      tpu.enqueue_dma source(%arg10 : memref<128x128xf32, #tpu.memory_space<vmem>>) target(%dma_start3A_33 : memref<128x128xf32, #tpu.memory_space<vmem_shared>>) target_semaphore(%run_scoped3A : memref<!tpu.dma_semaphore, #tpu.memory_space<semaphore_mem>>)
      %dma_wait3A = arith.constant 0 : i32
      %dma_wait3A_34 = tpu.memref_slice %arg11[%add3A_17, %dma_wait3A] : memref<10248x128xf32, #tpu.memory_space<vmem_shared>> -> memref<128x128xf32, #tpu.memory_space<vmem_shared>>
      %dma_wait3A_35 = arith.constant 0 : i32
      %dma_wait3A_36 = tpu.memref_slice %arg11[%add3A_17, %dma_wait3A_35] : memref<10248x128xf32, #tpu.memory_space<vmem_shared>> -> memref<128x128xf32, #tpu.memory_space<vmem_shared>>
      tpu.wait_dma2 semaphore(%run_scoped3A : memref<!tpu.dma_semaphore, #tpu.memory_space<semaphore_mem>>) src(%arg10 : memref<128x128xf32, #tpu.memory_space<vmem>>) dst(%dma_wait3A_36 : memref<128x128xf32, #tpu.memory_space<vmem_shared>>)
      tpu.yield
    }) : () -> ()
    %add3A_18 = arith.constant 512 : i32
    %add3A_19 = arith.addi %mul3A_9, %add3A_18 : i32
    "tpu.region"() ({
      %run_scoped3A = tpu.sem_alloc : memref<!tpu.dma_semaphore, #tpu.memory_space<semaphore_mem>>
      %dma_start3A = arith.constant 0 : i32
      %dma_start3A_31 = tpu.memref_slice %arg11[%add3A_19, %dma_start3A] : memref<10248x128xf32, #tpu.memory_space<vmem_shared>> -> memref<128x128xf32, #tpu.memory_space<vmem_shared>>
      %dma_start3A_32 = arith.constant 0 : i32
      %dma_start3A_33 = tpu.memref_slice %arg11[%add3A_19, %dma_start3A_32] : memref<10248x128xf32, #tpu.memory_space<vmem_shared>> -> memref<128x128xf32, #tpu.memory_space<vmem_shared>>
      tpu.enqueue_dma source(%arg10 : memref<128x128xf32, #tpu.memory_space<vmem>>) target(%dma_start3A_33 : memref<128x128xf32, #tpu.memory_space<vmem_shared>>) target_semaphore(%run_scoped3A : memref<!tpu.dma_semaphore, #tpu.memory_space<semaphore_mem>>)
      %dma_wait3A = arith.constant 0 : i32
      %dma_wait3A_34 = tpu.memref_slice %arg11[%add3A_19, %dma_wait3A] : memref<10248x128xf32, #tpu.memory_space<vmem_shared>> -> memref<128x128xf32, #tpu.memory_space<vmem_shared>>
      %dma_wait3A_35 = arith.constant 0 : i32
      %dma_wait3A_36 = tpu.memref_slice %arg11[%add3A_19, %dma_wait3A_35] : memref<10248x128xf32, #tpu.memory_space<vmem_shared>> -> memref<128x128xf32, #tpu.memory_space<vmem_shared>>
      tpu.wait_dma2 semaphore(%run_scoped3A : memref<!tpu.dma_semaphore, #tpu.memory_space<semaphore_mem>>) src(%arg10 : memref<128x128xf32, #tpu.memory_space<vmem>>) dst(%dma_wait3A_36 : memref<128x128xf32, #tpu.memory_space<vmem_shared>>)
      tpu.yield
    }) : () -> ()
    %barrier3A = arith.constant 0 : index
    tpu.barrier barrier_id(%barrier3A)
    %scan3A_20 = arith.constant 0 : i32
    %scan3A_21 = arith.constant 0 : i32
    %scan3A_22 = arith.constant 5 : i32
    %scan3A_23 = arith.addi %scan3A_21, %scan3A_22 : i32
    %scan3A_24 = arith.constant 1 : i32
    %scan3A_25 = scf.for %scan3A_31 = %scan3A_21 to %scan3A_23 step %scan3A_24 iter_args(%scan3A_32 = %scan3A_20) -> (i32)  : i32 {
      %mul3A_33 = arith.constant 32 : i32
      %mul3A_34 = arith.muli %mul3A_33, %scan3A_31 : i32
      %add3A_35 = arith.addi %add3A, %mul3A_34 : i32
      %mul3A_36 = arith.constant 2048 : i32
      %mul3A_37 = arith.muli %add3A_35, %mul3A_36 : i32
      "tpu.region"() ({
        %run_scoped3A = tpu.sem_alloc : memref<!tpu.dma_semaphore, #tpu.memory_space<semaphore_mem>>
        %dma_start3A = tpu.memref_slice %arg3[%mul3A_37] : memref<327680xi32, #tpu.memory_space<hbm>> -> memref<2048xi32, #tpu.memory_space<hbm>>
        %dma_start3A_46 = tpu.memref_slice %arg3[%mul3A_37] : memref<327680xi32, #tpu.memory_space<hbm>> -> memref<2048xi32, #tpu.memory_space<hbm>>
        tpu.enqueue_dma source(%dma_start3A_46 : memref<2048xi32, #tpu.memory_space<hbm>>) target(%arg6 : memref<2048xi32, #tpu.memory_space<vmem>>) target_semaphore(%run_scoped3A : memref<!tpu.dma_semaphore, #tpu.memory_space<semaphore_mem>>)
        %dma_wait3A = tpu.memref_slice %arg3[%mul3A_37] : memref<327680xi32, #tpu.memory_space<hbm>> -> memref<2048xi32, #tpu.memory_space<hbm>>
        %dma_wait3A_47 = tpu.memref_slice %arg3[%mul3A_37] : memref<327680xi32, #tpu.memory_space<hbm>> -> memref<2048xi32, #tpu.memory_space<hbm>>
        tpu.wait_dma2 semaphore(%run_scoped3A : memref<!tpu.dma_semaphore, #tpu.memory_space<semaphore_mem>>) src(%dma_wait3A_47 : memref<2048xi32, #tpu.memory_space<hbm>>) dst(%arg6 : memref<2048xi32, #tpu.memory_space<vmem>>)
        tpu.yield
      }) : () -> ()
      "tpu.region"() ({
        %run_scoped3A = tpu.sem_alloc : memref<!tpu.dma_semaphore, #tpu.memory_space<semaphore_mem>>
        %dma_start3A = tpu.memref_slice %arg4[%mul3A_37] : memref<327680xi32, #tpu.memory_space<hbm>> -> memref<2048xi32, #tpu.memory_space<hbm>>
        %dma_start3A_46 = tpu.memref_slice %arg4[%mul3A_37] : memref<327680xi32, #tpu.memory_space<hbm>> -> memref<2048xi32, #tpu.memory_space<hbm>>
        tpu.enqueue_dma source(%dma_start3A_46 : memref<2048xi32, #tpu.memory_space<hbm>>) target(%arg7 : memref<2048xi32, #tpu.memory_space<vmem>>) target_semaphore(%run_scoped3A : memref<!tpu.dma_semaphore, #tpu.memory_space<semaphore_mem>>)
        %dma_wait3A = tpu.memref_slice %arg4[%mul3A_37] : memref<327680xi32, #tpu.memory_space<hbm>> -> memref<2048xi32, #tpu.memory_space<hbm>>
        %dma_wait3A_47 = tpu.memref_slice %arg4[%mul3A_37] : memref<327680xi32, #tpu.memory_space<hbm>> -> memref<2048xi32, #tpu.memory_space<hbm>>
        tpu.wait_dma2 semaphore(%run_scoped3A : memref<!tpu.dma_semaphore, #tpu.memory_space<semaphore_mem>>) src(%dma_wait3A_47 : memref<2048xi32, #tpu.memory_space<hbm>>) dst(%arg7 : memref<2048xi32, #tpu.memory_space<vmem>>)
        tpu.yield
      }) : () -> ()
      %scan3A_38 = arith.constant 0 : i32
      %scan3A_39 = arith.constant 0 : i32
      %scan3A_40 = arith.constant 16 : i32
      %scan3A_41 = arith.addi %scan3A_39, %scan3A_40 : i32
      %scan3A_42 = arith.constant 1 : i32
      %scan3A_43 = scf.for %scan3A_46 = %scan3A_39 to %scan3A_41 step %scan3A_42 iter_args(%scan3A_47 = %scan3A_38) -> (i32)  : i32 {
        %mul3A_48 = arith.constant 128 : i32
        %mul3A_49 = arith.muli %scan3A_46, %mul3A_48 : i32
        %add3A_50 = arith.constant 0 : i32
        %add3A_51 = arith.addi %mul3A_49, %add3A_50 : i32
        %get3A = arith.index_cast %add3A_51 : i32 to index
        %get3A_52 = tpu.vector_load %arg6[%get3A] {strides = array<i32>} : memref<2048xi32, #tpu.memory_space<vmem>>, vector<16xi32>,
        %get3A_53 = vector.shape_cast %get3A_52 : vector<16xi32> to vector<16xi32>
        %swap3A = arith.constant 0 : index
        %swap3A_54 = tpu.vector_load %arg8[%swap3A] {strides = array<i32>} : memref<128xi32, #tpu.memory_space<vmem>>, vector<16xi32>,
        %swap3A_55 = vector.shape_cast %swap3A_54 : vector<16xi32> to vector<16xi32>
        %swap3A_56 = vector.shape_cast %get3A_53 : vector<16xi32> to vector<16xi32>
        tpu.vector_store %arg8[%swap3A], %swap3A_56 {strides = array<i32>} : memref<128xi32, #tpu.memory_space<vmem>>, vector<16xi32>,
        %add3A_57 = arith.constant 16 : i32
        %add3A_58 = arith.addi %mul3A_49, %add3A_57 : i32
        %get3A_59 = arith.index_cast %add3A_58 : i32 to index
        %get3A_60 = tpu.vector_load %arg6[%get3A_59] {strides = array<i32>} : memref<2048xi32, #tpu.memory_space<vmem>>, vector<16xi32>,
        %get3A_61 = vector.shape_cast %get3A_60 : vector<16xi32> to vector<16xi32>
        %swap3A_62 = arith.constant 16 : index
        %swap3A_63 = tpu.vector_load %arg8[%swap3A_62] {strides = array<i32>} : memref<128xi32, #tpu.memory_space<vmem>>, vector<16xi32>,
        %swap3A_64 = vector.shape_cast %swap3A_63 : vector<16xi32> to vector<16xi32>
        %swap3A_65 = vector.shape_cast %get3A_61 : vector<16xi32> to vector<16xi32>
        tpu.vector_store %arg8[%swap3A_62], %swap3A_65 {strides = array<i32>} : memref<128xi32, #tpu.memory_space<vmem>>, vector<16xi32>,
        %add3A_66 = arith.constant 32 : i32
        %add3A_67 = arith.addi %mul3A_49, %add3A_66 : i32
        %get3A_68 = arith.index_cast %add3A_67 : i32 to index
        %get3A_69 = tpu.vector_load %arg6[%get3A_68] {strides = array<i32>} : memref<2048xi32, #tpu.memory_space<vmem>>, vector<16xi32>,
        %get3A_70 = vector.shape_cast %get3A_69 : vector<16xi32> to vector<16xi32>
        %swap3A_71 = arith.constant 32 : index
        %swap3A_72 = tpu.vector_load %arg8[%swap3A_71] {strides = array<i32>} : memref<128xi32, #tpu.memory_space<vmem>>, vector<16xi32>,
        %swap3A_73 = vector.shape_cast %swap3A_72 : vector<16xi32> to vector<16xi32>
        %swap3A_74 = vector.shape_cast %get3A_70 : vector<16xi32> to vector<16xi32>
        tpu.vector_store %arg8[%swap3A_71], %swap3A_74 {strides = array<i32>} : memref<128xi32, #tpu.memory_space<vmem>>, vector<16xi32>,
        %add3A_75 = arith.constant 48 : i32
        %add3A_76 = arith.addi %mul3A_49, %add3A_75 : i32
        %get3A_77 = arith.index_cast %add3A_76 : i32 to index
        %get3A_78 = tpu.vector_load %arg6[%get3A_77] {strides = array<i32>} : memref<2048xi32, #tpu.memory_space<vmem>>, vector<16xi32>,
        %get3A_79 = vector.shape_cast %get3A_78 : vector<16xi32> to vector<16xi32>
        %swap3A_80 = arith.constant 48 : index
        %swap3A_81 = tpu.vector_load %arg8[%swap3A_80] {strides = array<i32>} : memref<128xi32, #tpu.memory_space<vmem>>, vector<16xi32>,
        %swap3A_82 = vector.shape_cast %swap3A_81 : vector<16xi32> to vector<16xi32>
        %swap3A_83 = vector.shape_cast %get3A_79 : vector<16xi32> to vector<16xi32>
        tpu.vector_store %arg8[%swap3A_80], %swap3A_83 {strides = array<i32>} : memref<128xi32, #tpu.memory_space<vmem>>, vector<16xi32>,
        %add3A_84 = arith.constant 64 : i32
        %add3A_85 = arith.addi %mul3A_49, %add3A_84 : i32
        %get3A_86 = arith.index_cast %add3A_85 : i32 to index
        %get3A_87 = tpu.vector_load %arg6[%get3A_86] {strides = array<i32>} : memref<2048xi32, #tpu.memory_space<vmem>>, vector<16xi32>,
        %get3A_88 = vector.shape_cast %get3A_87 : vector<16xi32> to vector<16xi32>
        %swap3A_89 = arith.constant 64 : index
        %swap3A_90 = tpu.vector_load %arg8[%swap3A_89] {strides = array<i32>} : memref<128xi32, #tpu.memory_space<vmem>>, vector<16xi32>,
        %swap3A_91 = vector.shape_cast %swap3A_90 : vector<16xi32> to vector<16xi32>
        %swap3A_92 = vector.shape_cast %get3A_88 : vector<16xi32> to vector<16xi32>
        tpu.vector_store %arg8[%swap3A_89], %swap3A_92 {strides = array<i32>} : memref<128xi32, #tpu.memory_space<vmem>>, vector<16xi32>,
        %add3A_93 = arith.constant 80 : i32
        %add3A_94 = arith.addi %mul3A_49, %add3A_93 : i32
        %get3A_95 = arith.index_cast %add3A_94 : i32 to index
        %get3A_96 = tpu.vector_load %arg6[%get3A_95] {strides = array<i32>} : memref<2048xi32, #tpu.memory_space<vmem>>, vector<16xi32>,
        %get3A_97 = vector.shape_cast %get3A_96 : vector<16xi32> to vector<16xi32>
        %swap3A_98 = arith.constant 80 : index
        %swap3A_99 = tpu.vector_load %arg8[%swap3A_98] {strides = array<i32>} : memref<128xi32, #tpu.memory_space<vmem>>, vector<16xi32>,
        %swap3A_100 = vector.shape_cast %swap3A_99 : vector<16xi32> to vector<16xi32>
        %swap3A_101 = vector.shape_cast %get3A_97 : vector<16xi32> to vector<16xi32>
        tpu.vector_store %arg8[%swap3A_98], %swap3A_101 {strides = array<i32>} : memref<128xi32, #tpu.memory_space<vmem>>, vector<16xi32>,
        %add3A_102 = arith.constant 96 : i32
        %add3A_103 = arith.addi %mul3A_49, %add3A_102 : i32
        %get3A_104 = arith.index_cast %add3A_103 : i32 to index
        %get3A_105 = tpu.vector_load %arg6[%get3A_104] {strides = array<i32>} : memref<2048xi32, #tpu.memory_space<vmem>>, vector<16xi32>,
        %get3A_106 = vector.shape_cast %get3A_105 : vector<16xi32> to vector<16xi32>
        %swap3A_107 = arith.constant 96 : index
        %swap3A_108 = tpu.vector_load %arg8[%swap3A_107] {strides = array<i32>} : memref<128xi32, #tpu.memory_space<vmem>>, vector<16xi32>,
        %swap3A_109 = vector.shape_cast %swap3A_108 : vector<16xi32> to vector<16xi32>
        %swap3A_110 = vector.shape_cast %get3A_106 : vector<16xi32> to vector<16xi32>
        tpu.vector_store %arg8[%swap3A_107], %swap3A_110 {strides = array<i32>} : memref<128xi32, #tpu.memory_space<vmem>>, vector<16xi32>,
        %add3A_111 = arith.constant 112 : i32
        %add3A_112 = arith.addi %mul3A_49, %add3A_111 : i32
        %get3A_113 = arith.index_cast %add3A_112 : i32 to index
        %get3A_114 = tpu.vector_load %arg6[%get3A_113] {strides = array<i32>} : memref<2048xi32, #tpu.memory_space<vmem>>, vector<16xi32>,
        %get3A_115 = vector.shape_cast %get3A_114 : vector<16xi32> to vector<16xi32>
        %swap3A_116 = arith.constant 112 : index
        %swap3A_117 = tpu.vector_load %arg8[%swap3A_116] {strides = array<i32>} : memref<128xi32, #tpu.memory_space<vmem>>, vector<16xi32>,
        %swap3A_118 = vector.shape_cast %swap3A_117 : vector<16xi32> to vector<16xi32>
        %swap3A_119 = vector.shape_cast %get3A_115 : vector<16xi32> to vector<16xi32>
        tpu.vector_store %arg8[%swap3A_116], %swap3A_119 {strides = array<i32>} : memref<128xi32, #tpu.memory_space<vmem>>, vector<16xi32>,
        %mul3A_120 = arith.constant 128 : i32
        %mul3A_121 = arith.muli %scan3A_46, %mul3A_120 : i32
        %add3A_122 = arith.constant 0 : i32
        %add3A_123 = arith.addi %mul3A_121, %add3A_122 : i32
        %get3A_124 = arith.index_cast %add3A_123 : i32 to index
        %get3A_125 = tpu.vector_load %arg7[%get3A_124] {strides = array<i32>} : memref<2048xi32, #tpu.memory_space<vmem>>, vector<16xi32>,
        %get3A_126 = vector.shape_cast %get3A_125 : vector<16xi32> to vector<16xi32>
        %swap3A_127 = arith.constant 0 : index
        %swap3A_128 = tpu.vector_load %arg9[%swap3A_127] {strides = array<i32>} : memref<128xi32, #tpu.memory_space<vmem>>, vector<16xi32>,
        %swap3A_129 = vector.shape_cast %swap3A_128 : vector<16xi32> to vector<16xi32>
        %swap3A_130 = vector.shape_cast %get3A_126 : vector<16xi32> to vector<16xi32>
        tpu.vector_store %arg9[%swap3A_127], %swap3A_130 {strides = array<i32>} : memref<128xi32, #tpu.memory_space<vmem>>, vector<16xi32>,
        %add3A_131 = arith.constant 16 : i32
        %add3A_132 = arith.addi %mul3A_121, %add3A_131 : i32
        %get3A_133 = arith.index_cast %add3A_132 : i32 to index
        %get3A_134 = tpu.vector_load %arg7[%get3A_133] {strides = array<i32>} : memref<2048xi32, #tpu.memory_space<vmem>>, vector<16xi32>,
        %get3A_135 = vector.shape_cast %get3A_134 : vector<16xi32> to vector<16xi32>
        %swap3A_136 = arith.constant 16 : index
        %swap3A_137 = tpu.vector_load %arg9[%swap3A_136] {strides = array<i32>} : memref<128xi32, #tpu.memory_space<vmem>>, vector<16xi32>,
        %swap3A_138 = vector.shape_cast %swap3A_137 : vector<16xi32> to vector<16xi32>
        %swap3A_139 = vector.shape_cast %get3A_135 : vector<16xi32> to vector<16xi32>
        tpu.vector_store %arg9[%swap3A_136], %swap3A_139 {strides = array<i32>} : memref<128xi32, #tpu.memory_space<vmem>>, vector<16xi32>,
        %add3A_140 = arith.constant 32 : i32
        %add3A_141 = arith.addi %mul3A_121, %add3A_140 : i32
        %get3A_142 = arith.index_cast %add3A_141 : i32 to index
        %get3A_143 = tpu.vector_load %arg7[%get3A_142] {strides = array<i32>} : memref<2048xi32, #tpu.memory_space<vmem>>, vector<16xi32>,
        %get3A_144 = vector.shape_cast %get3A_143 : vector<16xi32> to vector<16xi32>
        %swap3A_145 = arith.constant 32 : index
        %swap3A_146 = tpu.vector_load %arg9[%swap3A_145] {strides = array<i32>} : memref<128xi32, #tpu.memory_space<vmem>>, vector<16xi32>,
        %swap3A_147 = vector.shape_cast %swap3A_146 : vector<16xi32> to vector<16xi32>
        %swap3A_148 = vector.shape_cast %get3A_144 : vector<16xi32> to vector<16xi32>
        tpu.vector_store %arg9[%swap3A_145], %swap3A_148 {strides = array<i32>} : memref<128xi32, #tpu.memory_space<vmem>>, vector<16xi32>,
        %add3A_149 = arith.constant 48 : i32
        %add3A_150 = arith.addi %mul3A_121, %add3A_149 : i32
        %get3A_151 = arith.index_cast %add3A_150 : i32 to index
        %get3A_152 = tpu.vector_load %arg7[%get3A_151] {strides = array<i32>} : memref<2048xi32, #tpu.memory_space<vmem>>, vector<16xi32>,
        %get3A_153 = vector.shape_cast %get3A_152 : vector<16xi32> to vector<16xi32>
        %swap3A_154 = arith.constant 48 : index
        %swap3A_155 = tpu.vector_load %arg9[%swap3A_154] {strides = array<i32>} : memref<128xi32, #tpu.memory_space<vmem>>, vector<16xi32>,
        %swap3A_156 = vector.shape_cast %swap3A_155 : vector<16xi32> to vector<16xi32>
        %swap3A_157 = vector.shape_cast %get3A_153 : vector<16xi32> to vector<16xi32>
        tpu.vector_store %arg9[%swap3A_154], %swap3A_157 {strides = array<i32>} : memref<128xi32, #tpu.memory_space<vmem>>, vector<16xi32>,
        %add3A_158 = arith.constant 64 : i32
        %add3A_159 = arith.addi %mul3A_121, %add3A_158 : i32
        %get3A_160 = arith.index_cast %add3A_159 : i32 to index
        %get3A_161 = tpu.vector_load %arg7[%get3A_160] {strides = array<i32>} : memref<2048xi32, #tpu.memory_space<vmem>>, vector<16xi32>,
        %get3A_162 = vector.shape_cast %get3A_161 : vector<16xi32> to vector<16xi32>
        %swap3A_163 = arith.constant 64 : index
        %swap3A_164 = tpu.vector_load %arg9[%swap3A_163] {strides = array<i32>} : memref<128xi32, #tpu.memory_space<vmem>>, vector<16xi32>,
        %swap3A_165 = vector.shape_cast %swap3A_164 : vector<16xi32> to vector<16xi32>
        %swap3A_166 = vector.shape_cast %get3A_162 : vector<16xi32> to vector<16xi32>
        tpu.vector_store %arg9[%swap3A_163], %swap3A_166 {strides = array<i32>} : memref<128xi32, #tpu.memory_space<vmem>>, vector<16xi32>,
        %add3A_167 = arith.constant 80 : i32
        %add3A_168 = arith.addi %mul3A_121, %add3A_167 : i32
        %get3A_169 = arith.index_cast %add3A_168 : i32 to index
        %get3A_170 = tpu.vector_load %arg7[%get3A_169] {strides = array<i32>} : memref<2048xi32, #tpu.memory_space<vmem>>, vector<16xi32>,
        %get3A_171 = vector.shape_cast %get3A_170 : vector<16xi32> to vector<16xi32>
        %swap3A_172 = arith.constant 80 : index
        %swap3A_173 = tpu.vector_load %arg9[%swap3A_172] {strides = array<i32>} : memref<128xi32, #tpu.memory_space<vmem>>, vector<16xi32>,
        %swap3A_174 = vector.shape_cast %swap3A_173 : vector<16xi32> to vector<16xi32>
        %swap3A_175 = vector.shape_cast %get3A_171 : vector<16xi32> to vector<16xi32>
        tpu.vector_store %arg9[%swap3A_172], %swap3A_175 {strides = array<i32>} : memref<128xi32, #tpu.memory_space<vmem>>, vector<16xi32>,
        %add3A_176 = arith.constant 96 : i32
        %add3A_177 = arith.addi %mul3A_121, %add3A_176 : i32
        %get3A_178 = arith.index_cast %add3A_177 : i32 to index
        %get3A_179 = tpu.vector_load %arg7[%get3A_178] {strides = array<i32>} : memref<2048xi32, #tpu.memory_space<vmem>>, vector<16xi32>,
        %get3A_180 = vector.shape_cast %get3A_179 : vector<16xi32> to vector<16xi32>
        %swap3A_181 = arith.constant 96 : index
        %swap3A_182 = tpu.vector_load %arg9[%swap3A_181] {strides = array<i32>} : memref<128xi32, #tpu.memory_space<vmem>>, vector<16xi32>,
        %swap3A_183 = vector.shape_cast %swap3A_182 : vector<16xi32> to vector<16xi32>
        %swap3A_184 = vector.shape_cast %get3A_180 : vector<16xi32> to vector<16xi32>
        tpu.vector_store %arg9[%swap3A_181], %swap3A_184 {strides = array<i32>} : memref<128xi32, #tpu.memory_space<vmem>>, vector<16xi32>,
        %add3A_185 = arith.constant 112 : i32
        %add3A_186 = arith.addi %mul3A_121, %add3A_185 : i32
        %get3A_187 = arith.index_cast %add3A_186 : i32 to index
        %get3A_188 = tpu.vector_load %arg7[%get3A_187] {strides = array<i32>} : memref<2048xi32, #tpu.memory_space<vmem>>, vector<16xi32>,
        %get3A_189 = vector.shape_cast %get3A_188 : vector<16xi32> to vector<16xi32>
        %swap3A_190 = arith.constant 112 : index
        %swap3A_191 = tpu.vector_load %arg9[%swap3A_190] {strides = array<i32>} : memref<128xi32, #tpu.memory_space<vmem>>, vector<16xi32>,
        %swap3A_192 = vector.shape_cast %swap3A_191 : vector<16xi32> to vector<16xi32>
        %swap3A_193 = vector.shape_cast %get3A_189 : vector<16xi32> to vector<16xi32>
        tpu.vector_store %arg9[%swap3A_190], %swap3A_193 {strides = array<i32>} : memref<128xi32, #tpu.memory_space<vmem>>, vector<16xi32>,
        %dma_start3A = arith.constant 0 : i32
        %dma_start3A_194 = arith.constant 0 : i32
        %dma_start3A_195 = tpu.memref_slice %arg2[%dma_start3A, %dma_start3A_194] : memref<10000x128xf32, #tpu.memory_space<hbm>> -> memref<10000x128xf32, #tpu.memory_space<hbm>>
        tpu.enqueue_indirect_dma source(%dma_start3A_195 : memref<10000x128xf32, #tpu.memory_space<hbm>>) target(%arg10 : memref<128x128xf32, #tpu.memory_space<vmem>>) offsets(%arg8 : memref<128xi32, #tpu.memory_space<vmem>>) semaphore(%arg12 : memref<!tpu.dma_semaphore, #tpu.memory_space<semaphore_mem>>)
        %dma_wait3A = arith.constant 0 : i32
        %dma_wait3A_196 = arith.constant 0 : i32
        %dma_wait3A_197 = tpu.memref_slice %arg2[%dma_wait3A, %dma_wait3A_196] : memref<10000x128xf32, #tpu.memory_space<hbm>> -> memref<10000x128xf32, #tpu.memory_space<hbm>>
        tpu.wait_indirect_dma semaphore(%arg12 : memref<!tpu.dma_semaphore, #tpu.memory_space<semaphore_mem>>) src(%dma_wait3A_197 : memref<10000x128xf32, #tpu.memory_space<hbm>>) dst(%arg10 : memref<128x128xf32, #tpu.memory_space<vmem>>)
        "tpu.region"() ({
          %run_scoped3A = tpu.sem_alloc : memref<!tpu.dma_semaphore, #tpu.memory_space<semaphore_mem>>
          %dma_start3A_199 = arith.constant 0 : i32
          %dma_start3A_200 = arith.constant 0 : i32
          %dma_start3A_201 = tpu.memref_slice %arg11[%dma_start3A_199, %dma_start3A_200] : memref<10248x128xf32, #tpu.memory_space<vmem_shared>> -> memref<10248x128xf32, #tpu.memory_space<vmem_shared>>
          tpu.enqueue_indirect_dma source(%arg10 : memref<128x128xf32, #tpu.memory_space<vmem>>) target(%dma_start3A_201 : memref<10248x128xf32, #tpu.memory_space<vmem_shared>>) offsets(%arg9 : memref<128xi32, #tpu.memory_space<vmem>>) semaphore(%run_scoped3A : memref<!tpu.dma_semaphore, #tpu.memory_space<semaphore_mem>>) {add = true}
          %dma_wait3A_202 = arith.constant 0 : i32
          %dma_wait3A_203 = arith.constant 0 : i32
          %dma_wait3A_204 = tpu.memref_slice %arg11[%dma_wait3A_202, %dma_wait3A_203] : memref<10248x128xf32, #tpu.memory_space<vmem_shared>> -> memref<10248x128xf32, #tpu.memory_space<vmem_shared>>
          tpu.wait_indirect_dma semaphore(%run_scoped3A : memref<!tpu.dma_semaphore, #tpu.memory_space<semaphore_mem>>) src(%arg10 : memref<128x128xf32, #tpu.memory_space<vmem>>) dst(%dma_wait3A_204 : memref<10248x128xf32, #tpu.memory_space<vmem_shared>>)
          tpu.yield
        }) : () -> ()
        %scan3A_198 = arith.constant 0 : i32
        scf.yield %scan3A_198 : i32
      }
      %scan3A_44 = arith.constant 16 : i32
      %scan3A_45 = arith.constant 0 : i32
      scf.yield %scan3A_45 : i32
    }
    %scan3A_26 = arith.constant 5 : i32
    %barrier3A_27 = arith.constant 0 : index
    tpu.barrier barrier_id(%barrier3A_27)
    %mul3A_28 = arith.constant 10240 : i32
    %mul3A_29 = arith.muli %arg0, %mul3A_28 : i32
    %add3A_30 = arith.addi %mul3A_29, %mul3A_9 : i32
    "tpu.region"() ({
      %run_scoped3A = tpu.sem_alloc : memref<!tpu.dma_semaphore, #tpu.memory_space<semaphore_mem>>
      %dma_start3A = arith.constant 0 : i32
      %dma_start3A_31 = tpu.memref_slice %arg5[%add3A_30, %dma_start3A] : memref<20480x128xf32, #tpu.memory_space<hbm>> -> memref<640x128xf32, #tpu.memory_space<hbm>>
      %dma_start3A_32 = arith.constant 0 : i32
      %dma_start3A_33 = tpu.memref_slice %arg11[%mul3A_9, %dma_start3A_32] : memref<10248x128xf32, #tpu.memory_space<vmem_shared>> -> memref<640x128xf32, #tpu.memory_space<vmem_shared>>
      tpu.enqueue_dma source(%dma_start3A_33 : memref<640x128xf32, #tpu.memory_space<vmem_shared>>) target(%dma_start3A_31 : memref<640x128xf32, #tpu.memory_space<hbm>>) target_semaphore(%run_scoped3A : memref<!tpu.dma_semaphore, #tpu.memory_space<semaphore_mem>>)
      %dma_wait3A = arith.constant 0 : i32
      %dma_wait3A_34 = tpu.memref_slice %arg5[%add3A_30, %dma_wait3A] : memref<20480x128xf32, #tpu.memory_space<hbm>> -> memref<640x128xf32, #tpu.memory_space<hbm>>
      %dma_wait3A_35 = arith.constant 0 : i32
      %dma_wait3A_36 = tpu.memref_slice %arg11[%mul3A_9, %dma_wait3A_35] : memref<10248x128xf32, #tpu.memory_space<vmem_shared>> -> memref<640x128xf32, #tpu.memory_space<vmem_shared>>
      tpu.wait_dma2 semaphore(%run_scoped3A : memref<!tpu.dma_semaphore, #tpu.memory_space<semaphore_mem>>) src(%dma_wait3A_36 : memref<640x128xf32, #tpu.memory_space<vmem_shared>>) dst(%dma_wait3A_34 : memref<640x128xf32, #tpu.memory_space<hbm>>)
      tpu.yield
    }) : () -> ()
    return
  }
}

#map = affine_map<(d0, d1) -> (0, 0)>
#map1 = affine_map<(d0, d1) -> (0)>
module attributes {stable_mosaic.version = 14 : i64} {
  func.func @body(%arg0: i32, %arg1: i32, %arg2: memref<10240x128xf32, #tpu.memory_space<hbm>>, %arg3: memref<327680xi32, #tpu.memory_space<hbm>>, %arg4: memref<327680xi32, #tpu.memory_space<hbm>>, %arg5: memref<20480x128xf32, #tpu.memory_space<hbm>>, %arg6: memref<2048xi32, #tpu.memory_space<vmem>>, %arg7: memref<2048xi32, #tpu.memory_space<vmem>>, %arg8: memref<128xi32, #tpu.memory_space<vmem>>, %arg9: memref<128xi32, #tpu.memory_space<vmem>>, %arg10: memref<128x128xf32, #tpu.memory_space<vmem>>, %arg11: memref<10248x128xf32, #tpu.memory_space<vmem_shared>>, %arg12: memref<!tpu.dma_semaphore, #tpu.memory_space<semaphore_mem>>) attributes {dimension_semantics = [#tpu.dimension_semantics<core_parallel>, #tpu.dimension_semantics<subcore_parallel>], iteration_bounds = array<i64: 2, 16>, scalar_prefetch = 0 : i64, scratch_operands = 7 : i64, tpu.core_type = #tpu.core_type<sc_vector_subcore>, window_params = [{transform_indices = #map}, {transform_indices = #map1}, {transform_indices = #map1}, {transform_indices = #map}]} {
    %mul3A = arith.constant 2 : i32
    %mul3A_0 = arith.muli %arg1, %mul3A : i32
    %add3A = arith.addi %mul3A_0, %arg0 : i32
    %broadcast_in_dim3A = arith.constant 0.000000e+00 : f32
    %broadcast_in_dim3A_1 = vector.broadcast %broadcast_in_dim3A : f32 to vector<16xf32>
    %scan3A = arith.constant 0 : i32
    %scan3A_2 = arith.constant 0 : i32
    %scan3A_3 = arith.constant 128 : i32
    %scan3A_4 = arith.addi %scan3A_2, %scan3A_3 : i32
    %scan3A_5 = arith.constant 1 : i32
    %scan3A_6 = scf.for %scan3A_31 = %scan3A_2 to %scan3A_4 step %scan3A_5 iter_args(%scan3A_32 = %scan3A) -> (i32)  : i32 {
      %swap3A = arith.index_cast %scan3A_31 : i32 to index
      %swap3A_33 = arith.constant 0 : index
      %swap3A_34 = tpu.vector_load %arg10[%swap3A, %swap3A_33] {strides = array<i32>} : memref<128x128xf32, #tpu.memory_space<vmem>>, vector<1x16xf32>,
      %swap3A_35 = vector.shape_cast %swap3A_34 : vector<1x16xf32> to vector<16xf32>
      %swap3A_36 = vector.shape_cast %broadcast_in_dim3A_1 : vector<16xf32> to vector<1x16xf32>
      tpu.vector_store %arg10[%swap3A, %swap3A_33], %swap3A_36 {strides = array<i32>} : memref<128x128xf32, #tpu.memory_space<vmem>>, vector<1x16xf32>,
      %swap3A_37 = arith.index_cast %scan3A_31 : i32 to index
      %swap3A_38 = arith.constant 16 : index
      %swap3A_39 = tpu.vector_load %arg10[%swap3A_37, %swap3A_38] {strides = array<i32>} : memref<128x128xf32, #tpu.memory_space<vmem>>, vector<1x16xf32>,
      %swap3A_40 = vector.shape_cast %swap3A_39 : vector<1x16xf32> to vector<16xf32>
      %swap3A_41 = vector.shape_cast %broadcast_in_dim3A_1 : vector<16xf32> to vector<1x16xf32>
      tpu.vector_store %arg10[%swap3A_37, %swap3A_38], %swap3A_41 {strides = array<i32>} : memref<128x128xf32, #tpu.memory_space<vmem>>, vector<1x16xf32>,
      %swap3A_42 = arith.index_cast %scan3A_31 : i32 to index
      %swap3A_43 = arith.constant 32 : index
      %swap3A_44 = tpu.vector_load %arg10[%swap3A_42, %swap3A_43] {strides = array<i32>} : memref<128x128xf32, #tpu.memory_space<vmem>>, vector<1x16xf32>,
      %swap3A_45 = vector.shape_cast %swap3A_44 : vector<1x16xf32> to vector<16xf32>
      %swap3A_46 = vector.shape_cast %broadcast_in_dim3A_1 : vector<16xf32> to vector<1x16xf32>
      tpu.vector_store %arg10[%swap3A_42, %swap3A_43], %swap3A_46 {strides = array<i32>} : memref<128x128xf32, #tpu.memory_space<vmem>>, vector<1x16xf32>,
      %swap3A_47 = arith.index_cast %scan3A_31 : i32 to index
      %swap3A_48 = arith.constant 48 : index
      %swap3A_49 = tpu.vector_load %arg10[%swap3A_47, %swap3A_48] {strides = array<i32>} : memref<128x128xf32, #tpu.memory_space<vmem>>, vector<1x16xf32>,
      %swap3A_50 = vector.shape_cast %swap3A_49 : vector<1x16xf32> to vector<16xf32>
      %swap3A_51 = vector.shape_cast %broadcast_in_dim3A_1 : vector<16xf32> to vector<1x16xf32>
      tpu.vector_store %arg10[%swap3A_47, %swap3A_48], %swap3A_51 {strides = array<i32>} : memref<128x128xf32, #tpu.memory_space<vmem>>, vector<1x16xf32>,
      %swap3A_52 = arith.index_cast %scan3A_31 : i32 to index
      %swap3A_53 = arith.constant 64 : index
      %swap3A_54 = tpu.vector_load %arg10[%swap3A_52, %swap3A_53] {strides = array<i32>} : memref<128x128xf32, #tpu.memory_space<vmem>>, vector<1x16xf32>,
      %swap3A_55 = vector.shape_cast %swap3A_54 : vector<1x16xf32> to vector<16xf32>
      %swap3A_56 = vector.shape_cast %broadcast_in_dim3A_1 : vector<16xf32> to vector<1x16xf32>
      tpu.vector_store %arg10[%swap3A_52, %swap3A_53], %swap3A_56 {strides = array<i32>} : memref<128x128xf32, #tpu.memory_space<vmem>>, vector<1x16xf32>,
      %swap3A_57 = arith.index_cast %scan3A_31 : i32 to index
      %swap3A_58 = arith.constant 80 : index
      %swap3A_59 = tpu.vector_load %arg10[%swap3A_57, %swap3A_58] {strides = array<i32>} : memref<128x128xf32, #tpu.memory_space<vmem>>, vector<1x16xf32>,
      %swap3A_60 = vector.shape_cast %swap3A_59 : vector<1x16xf32> to vector<16xf32>
      %swap3A_61 = vector.shape_cast %broadcast_in_dim3A_1 : vector<16xf32> to vector<1x16xf32>
      tpu.vector_store %arg10[%swap3A_57, %swap3A_58], %swap3A_61 {strides = array<i32>} : memref<128x128xf32, #tpu.memory_space<vmem>>, vector<1x16xf32>,
      %swap3A_62 = arith.index_cast %scan3A_31 : i32 to index
      %swap3A_63 = arith.constant 96 : index
      %swap3A_64 = tpu.vector_load %arg10[%swap3A_62, %swap3A_63] {strides = array<i32>} : memref<128x128xf32, #tpu.memory_space<vmem>>, vector<1x16xf32>,
      %swap3A_65 = vector.shape_cast %swap3A_64 : vector<1x16xf32> to vector<16xf32>
      %swap3A_66 = vector.shape_cast %broadcast_in_dim3A_1 : vector<16xf32> to vector<1x16xf32>
      tpu.vector_store %arg10[%swap3A_62, %swap3A_63], %swap3A_66 {strides = array<i32>} : memref<128x128xf32, #tpu.memory_space<vmem>>, vector<1x16xf32>,
      %swap3A_67 = arith.index_cast %scan3A_31 : i32 to index
      %swap3A_68 = arith.constant 112 : index
      %swap3A_69 = tpu.vector_load %arg10[%swap3A_67, %swap3A_68] {strides = array<i32>} : memref<128x128xf32, #tpu.memory_space<vmem>>, vector<1x16xf32>,
      %swap3A_70 = vector.shape_cast %swap3A_69 : vector<1x16xf32> to vector<16xf32>
      %swap3A_71 = vector.shape_cast %broadcast_in_dim3A_1 : vector<16xf32> to vector<1x16xf32>
      tpu.vector_store %arg10[%swap3A_67, %swap3A_68], %swap3A_71 {strides = array<i32>} : memref<128x128xf32, #tpu.memory_space<vmem>>, vector<1x16xf32>,
      %scan3A_72 = arith.constant 0 : i32
      scf.yield %scan3A_72 : i32
    }
    %scan3A_7 = arith.constant 128 : i32
    %mul3A_8 = arith.constant 640 : i32
    %mul3A_9 = arith.muli %arg1, %mul3A_8 : i32
    %add3A_10 = arith.constant 0 : i32
    %add3A_11 = arith.addi %mul3A_9, %add3A_10 : i32
    "tpu.region"() ({
      %run_scoped3A = tpu.sem_alloc : memref<!tpu.dma_semaphore, #tpu.memory_space<semaphore_mem>>
      %dma_start3A = arith.constant 0 : i32
      %dma_start3A_31 = tpu.memref_slice %arg11[%add3A_11, %dma_start3A] : memref<10248x128xf32, #tpu.memory_space<vmem_shared>> -> memref<128x128xf32, #tpu.memory_space<vmem_shared>>
      %dma_start3A_32 = arith.constant 0 : i32
      %dma_start3A_33 = tpu.memref_slice %arg11[%add3A_11, %dma_start3A_32] : memref<10248x128xf32, #tpu.memory_space<vmem_shared>> -> memref<128x128xf32, #tpu.memory_space<vmem_shared>>
      tpu.enqueue_dma source(%arg10 : memref<128x128xf32, #tpu.memory_space<vmem>>) target(%dma_start3A_33 : memref<128x128xf32, #tpu.memory_space<vmem_shared>>) target_semaphore(%run_scoped3A : memref<!tpu.dma_semaphore, #tpu.memory_space<semaphore_mem>>)
      %dma_wait3A = arith.constant 0 : i32
      %dma_wait3A_34 = tpu.memref_slice %arg11[%add3A_11, %dma_wait3A] : memref<10248x128xf32, #tpu.memory_space<vmem_shared>> -> memref<128x128xf32, #tpu.memory_space<vmem_shared>>
      %dma_wait3A_35 = arith.constant 0 : i32
      %dma_wait3A_36 = tpu.memref_slice %arg11[%add3A_11, %dma_wait3A_35] : memref<10248x128xf32, #tpu.memory_space<vmem_shared>> -> memref<128x128xf32, #tpu.memory_space<vmem_shared>>
      tpu.wait_dma2 semaphore(%run_scoped3A : memref<!tpu.dma_semaphore, #tpu.memory_space<semaphore_mem>>) src(%arg10 : memref<128x128xf32, #tpu.memory_space<vmem>>) dst(%dma_wait3A_36 : memref<128x128xf32, #tpu.memory_space<vmem_shared>>)
      tpu.yield
    }) : () -> ()
    %add3A_12 = arith.constant 128 : i32
    %add3A_13 = arith.addi %mul3A_9, %add3A_12 : i32
    "tpu.region"() ({
      %run_scoped3A = tpu.sem_alloc : memref<!tpu.dma_semaphore, #tpu.memory_space<semaphore_mem>>
      %dma_start3A = arith.constant 0 : i32
      %dma_start3A_31 = tpu.memref_slice %arg11[%add3A_13, %dma_start3A] : memref<10248x128xf32, #tpu.memory_space<vmem_shared>> -> memref<128x128xf32, #tpu.memory_space<vmem_shared>>
      %dma_start3A_32 = arith.constant 0 : i32
      %dma_start3A_33 = tpu.memref_slice %arg11[%add3A_13, %dma_start3A_32] : memref<10248x128xf32, #tpu.memory_space<vmem_shared>> -> memref<128x128xf32, #tpu.memory_space<vmem_shared>>
      tpu.enqueue_dma source(%arg10 : memref<128x128xf32, #tpu.memory_space<vmem>>) target(%dma_start3A_33 : memref<128x128xf32, #tpu.memory_space<vmem_shared>>) target_semaphore(%run_scoped3A : memref<!tpu.dma_semaphore, #tpu.memory_space<semaphore_mem>>)
      %dma_wait3A = arith.constant 0 : i32
      %dma_wait3A_34 = tpu.memref_slice %arg11[%add3A_13, %dma_wait3A] : memref<10248x128xf32, #tpu.memory_space<vmem_shared>> -> memref<128x128xf32, #tpu.memory_space<vmem_shared>>
      %dma_wait3A_35 = arith.constant 0 : i32
      %dma_wait3A_36 = tpu.memref_slice %arg11[%add3A_13, %dma_wait3A_35] : memref<10248x128xf32, #tpu.memory_space<vmem_shared>> -> memref<128x128xf32, #tpu.memory_space<vmem_shared>>
      tpu.wait_dma2 semaphore(%run_scoped3A : memref<!tpu.dma_semaphore, #tpu.memory_space<semaphore_mem>>) src(%arg10 : memref<128x128xf32, #tpu.memory_space<vmem>>) dst(%dma_wait3A_36 : memref<128x128xf32, #tpu.memory_space<vmem_shared>>)
      tpu.yield
    }) : () -> ()
    %add3A_14 = arith.constant 256 : i32
    %add3A_15 = arith.addi %mul3A_9, %add3A_14 : i32
    "tpu.region"() ({
      %run_scoped3A = tpu.sem_alloc : memref<!tpu.dma_semaphore, #tpu.memory_space<semaphore_mem>>
      %dma_start3A = arith.constant 0 : i32
      %dma_start3A_31 = tpu.memref_slice %arg11[%add3A_15, %dma_start3A] : memref<10248x128xf32, #tpu.memory_space<vmem_shared>> -> memref<128x128xf32, #tpu.memory_space<vmem_shared>>
      %dma_start3A_32 = arith.constant 0 : i32
      %dma_start3A_33 = tpu.memref_slice %arg11[%add3A_15, %dma_start3A_32] : memref<10248x128xf32, #tpu.memory_space<vmem_shared>> -> memref<128x128xf32, #tpu.memory_space<vmem_shared>>
      tpu.enqueue_dma source(%arg10 : memref<128x128xf32, #tpu.memory_space<vmem>>) target(%dma_start3A_33 : memref<128x128xf32, #tpu.memory_space<vmem_shared>>) target_semaphore(%run_scoped3A : memref<!tpu.dma_semaphore, #tpu.memory_space<semaphore_mem>>)
      %dma_wait3A = arith.constant 0 : i32
      %dma_wait3A_34 = tpu.memref_slice %arg11[%add3A_15, %dma_wait3A] : memref<10248x128xf32, #tpu.memory_space<vmem_shared>> -> memref<128x128xf32, #tpu.memory_space<vmem_shared>>
      %dma_wait3A_35 = arith.constant 0 : i32
      %dma_wait3A_36 = tpu.memref_slice %arg11[%add3A_15, %dma_wait3A_35] : memref<10248x128xf32, #tpu.memory_space<vmem_shared>> -> memref<128x128xf32, #tpu.memory_space<vmem_shared>>
      tpu.wait_dma2 semaphore(%run_scoped3A : memref<!tpu.dma_semaphore, #tpu.memory_space<semaphore_mem>>) src(%arg10 : memref<128x128xf32, #tpu.memory_space<vmem>>) dst(%dma_wait3A_36 : memref<128x128xf32, #tpu.memory_space<vmem_shared>>)
      tpu.yield
    }) : () -> ()
    %add3A_16 = arith.constant 384 : i32
    %add3A_17 = arith.addi %mul3A_9, %add3A_16 : i32
    "tpu.region"() ({
      %run_scoped3A = tpu.sem_alloc : memref<!tpu.dma_semaphore, #tpu.memory_space<semaphore_mem>>
      %dma_start3A = arith.constant 0 : i32
      %dma_start3A_31 = tpu.memref_slice %arg11[%add3A_17, %dma_start3A] : memref<10248x128xf32, #tpu.memory_space<vmem_shared>> -> memref<128x128xf32, #tpu.memory_space<vmem_shared>>
      %dma_start3A_32 = arith.constant 0 : i32
      %dma_start3A_33 = tpu.memref_slice %arg11[%add3A_17, %dma_start3A_32] : memref<10248x128xf32, #tpu.memory_space<vmem_shared>> -> memref<128x128xf32, #tpu.memory_space<vmem_shared>>
      tpu.enqueue_dma source(%arg10 : memref<128x128xf32, #tpu.memory_space<vmem>>) target(%dma_start3A_33 : memref<128x128xf32, #tpu.memory_space<vmem_shared>>) target_semaphore(%run_scoped3A : memref<!tpu.dma_semaphore, #tpu.memory_space<semaphore_mem>>)
      %dma_wait3A = arith.constant 0 : i32
      %dma_wait3A_34 = tpu.memref_slice %arg11[%add3A_17, %dma_wait3A] : memref<10248x128xf32, #tpu.memory_space<vmem_shared>> -> memref<128x128xf32, #tpu.memory_space<vmem_shared>>
      %dma_wait3A_35 = arith.constant 0 : i32
      %dma_wait3A_36 = tpu.memref_slice %arg11[%add3A_17, %dma_wait3A_35] : memref<10248x128xf32, #tpu.memory_space<vmem_shared>> -> memref<128x128xf32, #tpu.memory_space<vmem_shared>>
      tpu.wait_dma2 semaphore(%run_scoped3A : memref<!tpu.dma_semaphore, #tpu.memory_space<semaphore_mem>>) src(%arg10 : memref<128x128xf32, #tpu.memory_space<vmem>>) dst(%dma_wait3A_36 : memref<128x128xf32, #tpu.memory_space<vmem_shared>>)
      tpu.yield
    }) : () -> ()
    %add3A_18 = arith.constant 512 : i32
    %add3A_19 = arith.addi %mul3A_9, %add3A_18 : i32
    "tpu.region"() ({
      %run_scoped3A = tpu.sem_alloc : memref<!tpu.dma_semaphore, #tpu.memory_space<semaphore_mem>>
      %dma_start3A = arith.constant 0 : i32
      %dma_start3A_31 = tpu.memref_slice %arg11[%add3A_19, %dma_start3A] : memref<10248x128xf32, #tpu.memory_space<vmem_shared>> -> memref<128x128xf32, #tpu.memory_space<vmem_shared>>
      %dma_start3A_32 = arith.constant 0 : i32
      %dma_start3A_33 = tpu.memref_slice %arg11[%add3A_19, %dma_start3A_32] : memref<10248x128xf32, #tpu.memory_space<vmem_shared>> -> memref<128x128xf32, #tpu.memory_space<vmem_shared>>
      tpu.enqueue_dma source(%arg10 : memref<128x128xf32, #tpu.memory_space<vmem>>) target(%dma_start3A_33 : memref<128x128xf32, #tpu.memory_space<vmem_shared>>) target_semaphore(%run_scoped3A : memref<!tpu.dma_semaphore, #tpu.memory_space<semaphore_mem>>)
      %dma_wait3A = arith.constant 0 : i32
      %dma_wait3A_34 = tpu.memref_slice %arg11[%add3A_19, %dma_wait3A] : memref<10248x128xf32, #tpu.memory_space<vmem_shared>> -> memref<128x128xf32, #tpu.memory_space<vmem_shared>>
      %dma_wait3A_35 = arith.constant 0 : i32
      %dma_wait3A_36 = tpu.memref_slice %arg11[%add3A_19, %dma_wait3A_35] : memref<10248x128xf32, #tpu.memory_space<vmem_shared>> -> memref<128x128xf32, #tpu.memory_space<vmem_shared>>
      tpu.wait_dma2 semaphore(%run_scoped3A : memref<!tpu.dma_semaphore, #tpu.memory_space<semaphore_mem>>) src(%arg10 : memref<128x128xf32, #tpu.memory_space<vmem>>) dst(%dma_wait3A_36 : memref<128x128xf32, #tpu.memory_space<vmem_shared>>)
      tpu.yield
    }) : () -> ()
    %barrier3A = arith.constant 0 : index
    tpu.barrier barrier_id(%barrier3A)
    %scan3A_20 = arith.constant 0 : i32
    %scan3A_21 = arith.constant 0 : i32
    %scan3A_22 = arith.constant 5 : i32
    %scan3A_23 = arith.addi %scan3A_21, %scan3A_22 : i32
    %scan3A_24 = arith.constant 1 : i32
    %scan3A_25 = scf.for %scan3A_31 = %scan3A_21 to %scan3A_23 step %scan3A_24 iter_args(%scan3A_32 = %scan3A_20) -> (i32)  : i32 {
      %mul3A_33 = arith.constant 32 : i32
      %mul3A_34 = arith.muli %mul3A_33, %scan3A_31 : i32
      %add3A_35 = arith.addi %add3A, %mul3A_34 : i32
      %mul3A_36 = arith.constant 2048 : i32
      %mul3A_37 = arith.muli %add3A_35, %mul3A_36 : i32
      "tpu.region"() ({
        %run_scoped3A = tpu.sem_alloc : memref<!tpu.dma_semaphore, #tpu.memory_space<semaphore_mem>>
        %dma_start3A = tpu.memref_slice %arg3[%mul3A_37] : memref<327680xi32, #tpu.memory_space<hbm>> -> memref<2048xi32, #tpu.memory_space<hbm>>
        %dma_start3A_46 = tpu.memref_slice %arg3[%mul3A_37] : memref<327680xi32, #tpu.memory_space<hbm>> -> memref<2048xi32, #tpu.memory_space<hbm>>
        tpu.enqueue_dma source(%dma_start3A_46 : memref<2048xi32, #tpu.memory_space<hbm>>) target(%arg6 : memref<2048xi32, #tpu.memory_space<vmem>>) target_semaphore(%run_scoped3A : memref<!tpu.dma_semaphore, #tpu.memory_space<semaphore_mem>>)
        %dma_wait3A = tpu.memref_slice %arg3[%mul3A_37] : memref<327680xi32, #tpu.memory_space<hbm>> -> memref<2048xi32, #tpu.memory_space<hbm>>
        %dma_wait3A_47 = tpu.memref_slice %arg3[%mul3A_37] : memref<327680xi32, #tpu.memory_space<hbm>> -> memref<2048xi32, #tpu.memory_space<hbm>>
        tpu.wait_dma2 semaphore(%run_scoped3A : memref<!tpu.dma_semaphore, #tpu.memory_space<semaphore_mem>>) src(%dma_wait3A_47 : memref<2048xi32, #tpu.memory_space<hbm>>) dst(%arg6 : memref<2048xi32, #tpu.memory_space<vmem>>)
        tpu.yield
      }) : () -> ()
      "tpu.region"() ({
        %run_scoped3A = tpu.sem_alloc : memref<!tpu.dma_semaphore, #tpu.memory_space<semaphore_mem>>
        %dma_start3A = tpu.memref_slice %arg4[%mul3A_37] : memref<327680xi32, #tpu.memory_space<hbm>> -> memref<2048xi32, #tpu.memory_space<hbm>>
        %dma_start3A_46 = tpu.memref_slice %arg4[%mul3A_37] : memref<327680xi32, #tpu.memory_space<hbm>> -> memref<2048xi32, #tpu.memory_space<hbm>>
        tpu.enqueue_dma source(%dma_start3A_46 : memref<2048xi32, #tpu.memory_space<hbm>>) target(%arg7 : memref<2048xi32, #tpu.memory_space<vmem>>) target_semaphore(%run_scoped3A : memref<!tpu.dma_semaphore, #tpu.memory_space<semaphore_mem>>)
        %dma_wait3A = tpu.memref_slice %arg4[%mul3A_37] : memref<327680xi32, #tpu.memory_space<hbm>> -> memref<2048xi32, #tpu.memory_space<hbm>>
        %dma_wait3A_47 = tpu.memref_slice %arg4[%mul3A_37] : memref<327680xi32, #tpu.memory_space<hbm>> -> memref<2048xi32, #tpu.memory_space<hbm>>
        tpu.wait_dma2 semaphore(%run_scoped3A : memref<!tpu.dma_semaphore, #tpu.memory_space<semaphore_mem>>) src(%dma_wait3A_47 : memref<2048xi32, #tpu.memory_space<hbm>>) dst(%arg7 : memref<2048xi32, #tpu.memory_space<vmem>>)
        tpu.yield
      }) : () -> ()
      %scan3A_38 = arith.constant 0 : i32
      %scan3A_39 = arith.constant 0 : i32
      %scan3A_40 = arith.constant 16 : i32
      %scan3A_41 = arith.addi %scan3A_39, %scan3A_40 : i32
      %scan3A_42 = arith.constant 1 : i32
      %scan3A_43 = scf.for %scan3A_46 = %scan3A_39 to %scan3A_41 step %scan3A_42 iter_args(%scan3A_47 = %scan3A_38) -> (i32)  : i32 {
        %mul3A_48 = arith.constant 128 : i32
        %mul3A_49 = arith.muli %scan3A_46, %mul3A_48 : i32
        %add3A_50 = arith.constant 0 : i32
        %add3A_51 = arith.addi %mul3A_49, %add3A_50 : i32
        %get3A = arith.index_cast %add3A_51 : i32 to index
        %get3A_52 = tpu.vector_load %arg6[%get3A] {strides = array<i32>} : memref<2048xi32, #tpu.memory_space<vmem>>, vector<16xi32>,
        %get3A_53 = vector.shape_cast %get3A_52 : vector<16xi32> to vector<16xi32>
        %swap3A = arith.constant 0 : index
        %swap3A_54 = tpu.vector_load %arg8[%swap3A] {strides = array<i32>} : memref<128xi32, #tpu.memory_space<vmem>>, vector<16xi32>,
        %swap3A_55 = vector.shape_cast %swap3A_54 : vector<16xi32> to vector<16xi32>
        %swap3A_56 = vector.shape_cast %get3A_53 : vector<16xi32> to vector<16xi32>
        tpu.vector_store %arg8[%swap3A], %swap3A_56 {strides = array<i32>} : memref<128xi32, #tpu.memory_space<vmem>>, vector<16xi32>,
        %add3A_57 = arith.constant 16 : i32
        %add3A_58 = arith.addi %mul3A_49, %add3A_57 : i32
        %get3A_59 = arith.index_cast %add3A_58 : i32 to index
        %get3A_60 = tpu.vector_load %arg6[%get3A_59] {strides = array<i32>} : memref<2048xi32, #tpu.memory_space<vmem>>, vector<16xi32>,
        %get3A_61 = vector.shape_cast %get3A_60 : vector<16xi32> to vector<16xi32>
        %swap3A_62 = arith.constant 16 : index
        %swap3A_63 = tpu.vector_load %arg8[%swap3A_62] {strides = array<i32>} : memref<128xi32, #tpu.memory_space<vmem>>, vector<16xi32>,
        %swap3A_64 = vector.shape_cast %swap3A_63 : vector<16xi32> to vector<16xi32>
        %swap3A_65 = vector.shape_cast %get3A_61 : vector<16xi32> to vector<16xi32>
        tpu.vector_store %arg8[%swap3A_62], %swap3A_65 {strides = array<i32>} : memref<128xi32, #tpu.memory_space<vmem>>, vector<16xi32>,
        %add3A_66 = arith.constant 32 : i32
        %add3A_67 = arith.addi %mul3A_49, %add3A_66 : i32
        %get3A_68 = arith.index_cast %add3A_67 : i32 to index
        %get3A_69 = tpu.vector_load %arg6[%get3A_68] {strides = array<i32>} : memref<2048xi32, #tpu.memory_space<vmem>>, vector<16xi32>,
        %get3A_70 = vector.shape_cast %get3A_69 : vector<16xi32> to vector<16xi32>
        %swap3A_71 = arith.constant 32 : index
        %swap3A_72 = tpu.vector_load %arg8[%swap3A_71] {strides = array<i32>} : memref<128xi32, #tpu.memory_space<vmem>>, vector<16xi32>,
        %swap3A_73 = vector.shape_cast %swap3A_72 : vector<16xi32> to vector<16xi32>
        %swap3A_74 = vector.shape_cast %get3A_70 : vector<16xi32> to vector<16xi32>
        tpu.vector_store %arg8[%swap3A_71], %swap3A_74 {strides = array<i32>} : memref<128xi32, #tpu.memory_space<vmem>>, vector<16xi32>,
        %add3A_75 = arith.constant 48 : i32
        %add3A_76 = arith.addi %mul3A_49, %add3A_75 : i32
        %get3A_77 = arith.index_cast %add3A_76 : i32 to index
        %get3A_78 = tpu.vector_load %arg6[%get3A_77] {strides = array<i32>} : memref<2048xi32, #tpu.memory_space<vmem>>, vector<16xi32>,
        %get3A_79 = vector.shape_cast %get3A_78 : vector<16xi32> to vector<16xi32>
        %swap3A_80 = arith.constant 48 : index
        %swap3A_81 = tpu.vector_load %arg8[%swap3A_80] {strides = array<i32>} : memref<128xi32, #tpu.memory_space<vmem>>, vector<16xi32>,
        %swap3A_82 = vector.shape_cast %swap3A_81 : vector<16xi32> to vector<16xi32>
        %swap3A_83 = vector.shape_cast %get3A_79 : vector<16xi32> to vector<16xi32>
        tpu.vector_store %arg8[%swap3A_80], %swap3A_83 {strides = array<i32>} : memref<128xi32, #tpu.memory_space<vmem>>, vector<16xi32>,
        %add3A_84 = arith.constant 64 : i32
        %add3A_85 = arith.addi %mul3A_49, %add3A_84 : i32
        %get3A_86 = arith.index_cast %add3A_85 : i32 to index
        %get3A_87 = tpu.vector_load %arg6[%get3A_86] {strides = array<i32>} : memref<2048xi32, #tpu.memory_space<vmem>>, vector<16xi32>,
        %get3A_88 = vector.shape_cast %get3A_87 : vector<16xi32> to vector<16xi32>
        %swap3A_89 = arith.constant 64 : index
        %swap3A_90 = tpu.vector_load %arg8[%swap3A_89] {strides = array<i32>} : memref<128xi32, #tpu.memory_space<vmem>>, vector<16xi32>,
        %swap3A_91 = vector.shape_cast %swap3A_90 : vector<16xi32> to vector<16xi32>
        %swap3A_92 = vector.shape_cast %get3A_88 : vector<16xi32> to vector<16xi32>
        tpu.vector_store %arg8[%swap3A_89], %swap3A_92 {strides = array<i32>} : memref<128xi32, #tpu.memory_space<vmem>>, vector<16xi32>,
        %add3A_93 = arith.constant 80 : i32
        %add3A_94 = arith.addi %mul3A_49, %add3A_93 : i32
        %get3A_95 = arith.index_cast %add3A_94 : i32 to index
        %get3A_96 = tpu.vector_load %arg6[%get3A_95] {strides = array<i32>} : memref<2048xi32, #tpu.memory_space<vmem>>, vector<16xi32>,
        %get3A_97 = vector.shape_cast %get3A_96 : vector<16xi32> to vector<16xi32>
        %swap3A_98 = arith.constant 80 : index
        %swap3A_99 = tpu.vector_load %arg8[%swap3A_98] {strides = array<i32>} : memref<128xi32, #tpu.memory_space<vmem>>, vector<16xi32>,
        %swap3A_100 = vector.shape_cast %swap3A_99 : vector<16xi32> to vector<16xi32>
        %swap3A_101 = vector.shape_cast %get3A_97 : vector<16xi32> to vector<16xi32>
        tpu.vector_store %arg8[%swap3A_98], %swap3A_101 {strides = array<i32>} : memref<128xi32, #tpu.memory_space<vmem>>, vector<16xi32>,
        %add3A_102 = arith.constant 96 : i32
        %add3A_103 = arith.addi %mul3A_49, %add3A_102 : i32
        %get3A_104 = arith.index_cast %add3A_103 : i32 to index
        %get3A_105 = tpu.vector_load %arg6[%get3A_104] {strides = array<i32>} : memref<2048xi32, #tpu.memory_space<vmem>>, vector<16xi32>,
        %get3A_106 = vector.shape_cast %get3A_105 : vector<16xi32> to vector<16xi32>
        %swap3A_107 = arith.constant 96 : index
        %swap3A_108 = tpu.vector_load %arg8[%swap3A_107] {strides = array<i32>} : memref<128xi32, #tpu.memory_space<vmem>>, vector<16xi32>,
        %swap3A_109 = vector.shape_cast %swap3A_108 : vector<16xi32> to vector<16xi32>
        %swap3A_110 = vector.shape_cast %get3A_106 : vector<16xi32> to vector<16xi32>
        tpu.vector_store %arg8[%swap3A_107], %swap3A_110 {strides = array<i32>} : memref<128xi32, #tpu.memory_space<vmem>>, vector<16xi32>,
        %add3A_111 = arith.constant 112 : i32
        %add3A_112 = arith.addi %mul3A_49, %add3A_111 : i32
        %get3A_113 = arith.index_cast %add3A_112 : i32 to index
        %get3A_114 = tpu.vector_load %arg6[%get3A_113] {strides = array<i32>} : memref<2048xi32, #tpu.memory_space<vmem>>, vector<16xi32>,
        %get3A_115 = vector.shape_cast %get3A_114 : vector<16xi32> to vector<16xi32>
        %swap3A_116 = arith.constant 112 : index
        %swap3A_117 = tpu.vector_load %arg8[%swap3A_116] {strides = array<i32>} : memref<128xi32, #tpu.memory_space<vmem>>, vector<16xi32>,
        %swap3A_118 = vector.shape_cast %swap3A_117 : vector<16xi32> to vector<16xi32>
        %swap3A_119 = vector.shape_cast %get3A_115 : vector<16xi32> to vector<16xi32>
        tpu.vector_store %arg8[%swap3A_116], %swap3A_119 {strides = array<i32>} : memref<128xi32, #tpu.memory_space<vmem>>, vector<16xi32>,
        %mul3A_120 = arith.constant 128 : i32
        %mul3A_121 = arith.muli %scan3A_46, %mul3A_120 : i32
        %add3A_122 = arith.constant 0 : i32
        %add3A_123 = arith.addi %mul3A_121, %add3A_122 : i32
        %get3A_124 = arith.index_cast %add3A_123 : i32 to index
        %get3A_125 = tpu.vector_load %arg7[%get3A_124] {strides = array<i32>} : memref<2048xi32, #tpu.memory_space<vmem>>, vector<16xi32>,
        %get3A_126 = vector.shape_cast %get3A_125 : vector<16xi32> to vector<16xi32>
        %swap3A_127 = arith.constant 0 : index
        %swap3A_128 = tpu.vector_load %arg9[%swap3A_127] {strides = array<i32>} : memref<128xi32, #tpu.memory_space<vmem>>, vector<16xi32>,
        %swap3A_129 = vector.shape_cast %swap3A_128 : vector<16xi32> to vector<16xi32>
        %swap3A_130 = vector.shape_cast %get3A_126 : vector<16xi32> to vector<16xi32>
        tpu.vector_store %arg9[%swap3A_127], %swap3A_130 {strides = array<i32>} : memref<128xi32, #tpu.memory_space<vmem>>, vector<16xi32>,
        %add3A_131 = arith.constant 16 : i32
        %add3A_132 = arith.addi %mul3A_121, %add3A_131 : i32
        %get3A_133 = arith.index_cast %add3A_132 : i32 to index
        %get3A_134 = tpu.vector_load %arg7[%get3A_133] {strides = array<i32>} : memref<2048xi32, #tpu.memory_space<vmem>>, vector<16xi32>,
        %get3A_135 = vector.shape_cast %get3A_134 : vector<16xi32> to vector<16xi32>
        %swap3A_136 = arith.constant 16 : index
        %swap3A_137 = tpu.vector_load %arg9[%swap3A_136] {strides = array<i32>} : memref<128xi32, #tpu.memory_space<vmem>>, vector<16xi32>,
        %swap3A_138 = vector.shape_cast %swap3A_137 : vector<16xi32> to vector<16xi32>
        %swap3A_139 = vector.shape_cast %get3A_135 : vector<16xi32> to vector<16xi32>
        tpu.vector_store %arg9[%swap3A_136], %swap3A_139 {strides = array<i32>} : memref<128xi32, #tpu.memory_space<vmem>>, vector<16xi32>,
        %add3A_140 = arith.constant 32 : i32
        %add3A_141 = arith.addi %mul3A_121, %add3A_140 : i32
        %get3A_142 = arith.index_cast %add3A_141 : i32 to index
        %get3A_143 = tpu.vector_load %arg7[%get3A_142] {strides = array<i32>} : memref<2048xi32, #tpu.memory_space<vmem>>, vector<16xi32>,
        %get3A_144 = vector.shape_cast %get3A_143 : vector<16xi32> to vector<16xi32>
        %swap3A_145 = arith.constant 32 : index
        %swap3A_146 = tpu.vector_load %arg9[%swap3A_145] {strides = array<i32>} : memref<128xi32, #tpu.memory_space<vmem>>, vector<16xi32>,
        %swap3A_147 = vector.shape_cast %swap3A_146 : vector<16xi32> to vector<16xi32>
        %swap3A_148 = vector.shape_cast %get3A_144 : vector<16xi32> to vector<16xi32>
        tpu.vector_store %arg9[%swap3A_145], %swap3A_148 {strides = array<i32>} : memref<128xi32, #tpu.memory_space<vmem>>, vector<16xi32>,
        %add3A_149 = arith.constant 48 : i32
        %add3A_150 = arith.addi %mul3A_121, %add3A_149 : i32
        %get3A_151 = arith.index_cast %add3A_150 : i32 to index
        %get3A_152 = tpu.vector_load %arg7[%get3A_151] {strides = array<i32>} : memref<2048xi32, #tpu.memory_space<vmem>>, vector<16xi32>,
        %get3A_153 = vector.shape_cast %get3A_152 : vector<16xi32> to vector<16xi32>
        %swap3A_154 = arith.constant 48 : index
        %swap3A_155 = tpu.vector_load %arg9[%swap3A_154] {strides = array<i32>} : memref<128xi32, #tpu.memory_space<vmem>>, vector<16xi32>,
        %swap3A_156 = vector.shape_cast %swap3A_155 : vector<16xi32> to vector<16xi32>
        %swap3A_157 = vector.shape_cast %get3A_153 : vector<16xi32> to vector<16xi32>
        tpu.vector_store %arg9[%swap3A_154], %swap3A_157 {strides = array<i32>} : memref<128xi32, #tpu.memory_space<vmem>>, vector<16xi32>,
        %add3A_158 = arith.constant 64 : i32
        %add3A_159 = arith.addi %mul3A_121, %add3A_158 : i32
        %get3A_160 = arith.index_cast %add3A_159 : i32 to index
        %get3A_161 = tpu.vector_load %arg7[%get3A_160] {strides = array<i32>} : memref<2048xi32, #tpu.memory_space<vmem>>, vector<16xi32>,
        %get3A_162 = vector.shape_cast %get3A_161 : vector<16xi32> to vector<16xi32>
        %swap3A_163 = arith.constant 64 : index
        %swap3A_164 = tpu.vector_load %arg9[%swap3A_163] {strides = array<i32>} : memref<128xi32, #tpu.memory_space<vmem>>, vector<16xi32>,
        %swap3A_165 = vector.shape_cast %swap3A_164 : vector<16xi32> to vector<16xi32>
        %swap3A_166 = vector.shape_cast %get3A_162 : vector<16xi32> to vector<16xi32>
        tpu.vector_store %arg9[%swap3A_163], %swap3A_166 {strides = array<i32>} : memref<128xi32, #tpu.memory_space<vmem>>, vector<16xi32>,
        %add3A_167 = arith.constant 80 : i32
        %add3A_168 = arith.addi %mul3A_121, %add3A_167 : i32
        %get3A_169 = arith.index_cast %add3A_168 : i32 to index
        %get3A_170 = tpu.vector_load %arg7[%get3A_169] {strides = array<i32>} : memref<2048xi32, #tpu.memory_space<vmem>>, vector<16xi32>,
        %get3A_171 = vector.shape_cast %get3A_170 : vector<16xi32> to vector<16xi32>
        %swap3A_172 = arith.constant 80 : index
        %swap3A_173 = tpu.vector_load %arg9[%swap3A_172] {strides = array<i32>} : memref<128xi32, #tpu.memory_space<vmem>>, vector<16xi32>,
        %swap3A_174 = vector.shape_cast %swap3A_173 : vector<16xi32> to vector<16xi32>
        %swap3A_175 = vector.shape_cast %get3A_171 : vector<16xi32> to vector<16xi32>
        tpu.vector_store %arg9[%swap3A_172], %swap3A_175 {strides = array<i32>} : memref<128xi32, #tpu.memory_space<vmem>>, vector<16xi32>,
        %add3A_176 = arith.constant 96 : i32
        %add3A_177 = arith.addi %mul3A_121, %add3A_176 : i32
        %get3A_178 = arith.index_cast %add3A_177 : i32 to index
        %get3A_179 = tpu.vector_load %arg7[%get3A_178] {strides = array<i32>} : memref<2048xi32, #tpu.memory_space<vmem>>, vector<16xi32>,
        %get3A_180 = vector.shape_cast %get3A_179 : vector<16xi32> to vector<16xi32>
        %swap3A_181 = arith.constant 96 : index
        %swap3A_182 = tpu.vector_load %arg9[%swap3A_181] {strides = array<i32>} : memref<128xi32, #tpu.memory_space<vmem>>, vector<16xi32>,
        %swap3A_183 = vector.shape_cast %swap3A_182 : vector<16xi32> to vector<16xi32>
        %swap3A_184 = vector.shape_cast %get3A_180 : vector<16xi32> to vector<16xi32>
        tpu.vector_store %arg9[%swap3A_181], %swap3A_184 {strides = array<i32>} : memref<128xi32, #tpu.memory_space<vmem>>, vector<16xi32>,
        %add3A_185 = arith.constant 112 : i32
        %add3A_186 = arith.addi %mul3A_121, %add3A_185 : i32
        %get3A_187 = arith.index_cast %add3A_186 : i32 to index
        %get3A_188 = tpu.vector_load %arg7[%get3A_187] {strides = array<i32>} : memref<2048xi32, #tpu.memory_space<vmem>>, vector<16xi32>,
        %get3A_189 = vector.shape_cast %get3A_188 : vector<16xi32> to vector<16xi32>
        %swap3A_190 = arith.constant 112 : index
        %swap3A_191 = tpu.vector_load %arg9[%swap3A_190] {strides = array<i32>} : memref<128xi32, #tpu.memory_space<vmem>>, vector<16xi32>,
        %swap3A_192 = vector.shape_cast %swap3A_191 : vector<16xi32> to vector<16xi32>
        %swap3A_193 = vector.shape_cast %get3A_189 : vector<16xi32> to vector<16xi32>
        tpu.vector_store %arg9[%swap3A_190], %swap3A_193 {strides = array<i32>} : memref<128xi32, #tpu.memory_space<vmem>>, vector<16xi32>,
        %dma_start3A = arith.constant 0 : i32
        %dma_start3A_194 = arith.constant 0 : i32
        %dma_start3A_195 = tpu.memref_slice %arg2[%dma_start3A, %dma_start3A_194] : memref<10240x128xf32, #tpu.memory_space<hbm>> -> memref<10240x128xf32, #tpu.memory_space<hbm>>
        tpu.enqueue_indirect_dma source(%dma_start3A_195 : memref<10240x128xf32, #tpu.memory_space<hbm>>) target(%arg10 : memref<128x128xf32, #tpu.memory_space<vmem>>) offsets(%arg8 : memref<128xi32, #tpu.memory_space<vmem>>) semaphore(%arg12 : memref<!tpu.dma_semaphore, #tpu.memory_space<semaphore_mem>>)
        %dma_wait3A = arith.constant 0 : i32
        %dma_wait3A_196 = arith.constant 0 : i32
        %dma_wait3A_197 = tpu.memref_slice %arg2[%dma_wait3A, %dma_wait3A_196] : memref<10240x128xf32, #tpu.memory_space<hbm>> -> memref<10240x128xf32, #tpu.memory_space<hbm>>
        tpu.wait_indirect_dma semaphore(%arg12 : memref<!tpu.dma_semaphore, #tpu.memory_space<semaphore_mem>>) src(%dma_wait3A_197 : memref<10240x128xf32, #tpu.memory_space<hbm>>) dst(%arg10 : memref<128x128xf32, #tpu.memory_space<vmem>>)
        "tpu.region"() ({
          %run_scoped3A = tpu.sem_alloc : memref<!tpu.dma_semaphore, #tpu.memory_space<semaphore_mem>>
          %dma_start3A_199 = arith.constant 0 : i32
          %dma_start3A_200 = arith.constant 0 : i32
          %dma_start3A_201 = tpu.memref_slice %arg11[%dma_start3A_199, %dma_start3A_200] : memref<10248x128xf32, #tpu.memory_space<vmem_shared>> -> memref<10248x128xf32, #tpu.memory_space<vmem_shared>>
          tpu.enqueue_indirect_dma source(%arg10 : memref<128x128xf32, #tpu.memory_space<vmem>>) target(%dma_start3A_201 : memref<10248x128xf32, #tpu.memory_space<vmem_shared>>) offsets(%arg9 : memref<128xi32, #tpu.memory_space<vmem>>) semaphore(%run_scoped3A : memref<!tpu.dma_semaphore, #tpu.memory_space<semaphore_mem>>) {add = true}
          %dma_wait3A_202 = arith.constant 0 : i32
          %dma_wait3A_203 = arith.constant 0 : i32
          %dma_wait3A_204 = tpu.memref_slice %arg11[%dma_wait3A_202, %dma_wait3A_203] : memref<10248x128xf32, #tpu.memory_space<vmem_shared>> -> memref<10248x128xf32, #tpu.memory_space<vmem_shared>>
          tpu.wait_indirect_dma semaphore(%run_scoped3A : memref<!tpu.dma_semaphore, #tpu.memory_space<semaphore_mem>>) src(%arg10 : memref<128x128xf32, #tpu.memory_space<vmem>>) dst(%dma_wait3A_204 : memref<10248x128xf32, #tpu.memory_space<vmem_shared>>)
          tpu.yield
        }) : () -> ()
        %scan3A_198 = arith.constant 0 : i32
        scf.yield %scan3A_198 : i32
      }
      %scan3A_44 = arith.constant 16 : i32
      %scan3A_45 = arith.constant 0 : i32
      scf.yield %scan3A_45 : i32
    }
    %scan3A_26 = arith.constant 5 : i32
    %barrier3A_27 = arith.constant 0 : index
    tpu.barrier barrier_id(%barrier3A_27)
    %mul3A_28 = arith.constant 10240 : i32
    %mul3A_29 = arith.muli %arg0, %mul3A_28 : i32
    %add3A_30 = arith.addi %mul3A_29, %mul3A_9 : i32
    "tpu.region"() ({
      %run_scoped3A = tpu.sem_alloc : memref<!tpu.dma_semaphore, #tpu.memory_space<semaphore_mem>>
      %dma_start3A = arith.constant 0 : i32
      %dma_start3A_31 = tpu.memref_slice %arg5[%add3A_30, %dma_start3A] : memref<20480x128xf32, #tpu.memory_space<hbm>> -> memref<640x128xf32, #tpu.memory_space<hbm>>
      %dma_start3A_32 = arith.constant 0 : i32
      %dma_start3A_33 = tpu.memref_slice %arg11[%mul3A_9, %dma_start3A_32] : memref<10248x128xf32, #tpu.memory_space<vmem_shared>> -> memref<640x128xf32, #tpu.memory_space<vmem_shared>>
      tpu.enqueue_dma source(%dma_start3A_33 : memref<640x128xf32, #tpu.memory_space<vmem_shared>>) target(%dma_start3A_31 : memref<640x128xf32, #tpu.memory_space<hbm>>) target_semaphore(%run_scoped3A : memref<!tpu.dma_semaphore, #tpu.memory_space<semaphore_mem>>)
      %dma_wait3A = arith.constant 0 : i32
      %dma_wait3A_34 = tpu.memref_slice %arg5[%add3A_30, %dma_wait3A] : memref<20480x128xf32, #tpu.memory_space<hbm>> -> memref<640x128xf32, #tpu.memory_space<hbm>>
      %dma_wait3A_35 = arith.constant 0 : i32
      %dma_wait3A_36 = tpu.memref_slice %arg11[%mul3A_9, %dma_wait3A_35] : memref<10248x128xf32, #tpu.memory_space<vmem_shared>> -> memref<640x128xf32, #tpu.memory_space<vmem_shared>>
      tpu.wait_dma2 semaphore(%run_scoped3A : memref<!tpu.dma_semaphore, #tpu.memory_space<semaphore_mem>>) src(%dma_wait3A_36 : memref<640x128xf32, #tpu.memory_space<vmem_shared>>) dst(%dma_wait3A_34 : memref<640x128xf32, #tpu.memory_space<hbm>>)
      tpu.yield
    }) : () -> ()
    return
  }
}

#map = affine_map<(d0, d1) -> (0, 0)>
#map1 = affine_map<(d0, d1) -> (0)>
module attributes {stable_mosaic.version = 14 : i64} {
  func.func @body(%arg0: i32, %arg1: i32, %arg2: memref<10000x128xf32, #tpu.memory_space<hbm>>, %arg3: memref<10240x128xf32, #tpu.memory_space<hbm>>, %arg4: memref<14589952xi32, #tpu.memory_space<hbm>>, %arg5: memref<6656xi32, #tpu.memory_space<hbm>>, %arg6: memref<106496x128xf32, #tpu.memory_space<hbm>>, %arg7: memref<106496x128xf32, #tpu.memory_space<hbm>>, %arg8: memref<128xi32, #tpu.memory_space<vmem>>, %arg9: memref<128xi32, #tpu.memory_space<vmem>>, %arg10: memref<128xi32, #tpu.memory_space<vmem>>, %arg11: memref<128x128xf32, #tpu.memory_space<vmem>>, %arg12: memref<128x128xf32, #tpu.memory_space<vmem>>, %arg13: memref<16xi32, #tpu.memory_space<vmem>>, %arg14: memref<4104x128xf32, #tpu.memory_space<vmem_shared>>, %arg15: memref<4104x128xf32, #tpu.memory_space<vmem_shared>>, %arg16: memref<!tpu.dma_semaphore, #tpu.memory_space<semaphore_mem>>, %arg17: memref<!tpu.dma_semaphore, #tpu.memory_space<semaphore_mem>>) attributes {dimension_semantics = [#tpu.dimension_semantics<core_parallel>, #tpu.dimension_semantics<subcore_parallel>], iteration_bounds = array<i64: 2, 16>, scalar_prefetch = 0 : i64, scratch_operands = 10 : i64, tpu.core_type = #tpu.core_type<sc_vector_subcore>, window_params = [{transform_indices = #map}, {transform_indices = #map}, {transform_indices = #map1}, {transform_indices = #map1}, {transform_indices = #map}, {transform_indices = #map}]} {
    %mul3A = arith.constant 13 : i32
    %mul3A_0 = arith.muli %arg0, %mul3A : i32
    %mul3A_1 = arith.constant 256 : i32
    %mul3A_2 = arith.muli %arg1, %mul3A_1 : i32
    %broadcast_in_dim3A = arith.constant 0.000000e+00 : f32
    %broadcast_in_dim3A_3 = vector.broadcast %broadcast_in_dim3A : f32 to vector<16xf32>
    %scan3A = arith.constant 0 : i32
    %scan3A_4 = arith.constant 0 : i32
    %scan3A_5 = arith.constant 128 : i32
    %scan3A_6 = arith.addi %scan3A_4, %scan3A_5 : i32
    %scan3A_7 = arith.constant 1 : i32
    %scan3A_8 = scf.for %scan3A_24 = %scan3A_4 to %scan3A_6 step %scan3A_7 iter_args(%scan3A_25 = %scan3A) -> (i32)  : i32 {
      %swap3A = arith.index_cast %scan3A_24 : i32 to index
      %swap3A_26 = arith.constant 0 : index
      %swap3A_27 = tpu.vector_load %arg11[%swap3A, %swap3A_26] {strides = array<i32>} : memref<128x128xf32, #tpu.memory_space<vmem>>, vector<1x16xf32>,
      %swap3A_28 = vector.shape_cast %swap3A_27 : vector<1x16xf32> to vector<16xf32>
      %swap3A_29 = vector.shape_cast %broadcast_in_dim3A_3 : vector<16xf32> to vector<1x16xf32>
      tpu.vector_store %arg11[%swap3A, %swap3A_26], %swap3A_29 {strides = array<i32>} : memref<128x128xf32, #tpu.memory_space<vmem>>, vector<1x16xf32>,
      %swap3A_30 = arith.index_cast %scan3A_24 : i32 to index
      %swap3A_31 = arith.constant 16 : index
      %swap3A_32 = tpu.vector_load %arg11[%swap3A_30, %swap3A_31] {strides = array<i32>} : memref<128x128xf32, #tpu.memory_space<vmem>>, vector<1x16xf32>,
      %swap3A_33 = vector.shape_cast %swap3A_32 : vector<1x16xf32> to vector<16xf32>
      %swap3A_34 = vector.shape_cast %broadcast_in_dim3A_3 : vector<16xf32> to vector<1x16xf32>
      tpu.vector_store %arg11[%swap3A_30, %swap3A_31], %swap3A_34 {strides = array<i32>} : memref<128x128xf32, #tpu.memory_space<vmem>>, vector<1x16xf32>,
      %swap3A_35 = arith.index_cast %scan3A_24 : i32 to index
      %swap3A_36 = arith.constant 32 : index
      %swap3A_37 = tpu.vector_load %arg11[%swap3A_35, %swap3A_36] {strides = array<i32>} : memref<128x128xf32, #tpu.memory_space<vmem>>, vector<1x16xf32>,
      %swap3A_38 = vector.shape_cast %swap3A_37 : vector<1x16xf32> to vector<16xf32>
      %swap3A_39 = vector.shape_cast %broadcast_in_dim3A_3 : vector<16xf32> to vector<1x16xf32>
      tpu.vector_store %arg11[%swap3A_35, %swap3A_36], %swap3A_39 {strides = array<i32>} : memref<128x128xf32, #tpu.memory_space<vmem>>, vector<1x16xf32>,
      %swap3A_40 = arith.index_cast %scan3A_24 : i32 to index
      %swap3A_41 = arith.constant 48 : index
      %swap3A_42 = tpu.vector_load %arg11[%swap3A_40, %swap3A_41] {strides = array<i32>} : memref<128x128xf32, #tpu.memory_space<vmem>>, vector<1x16xf32>,
      %swap3A_43 = vector.shape_cast %swap3A_42 : vector<1x16xf32> to vector<16xf32>
      %swap3A_44 = vector.shape_cast %broadcast_in_dim3A_3 : vector<16xf32> to vector<1x16xf32>
      tpu.vector_store %arg11[%swap3A_40, %swap3A_41], %swap3A_44 {strides = array<i32>} : memref<128x128xf32, #tpu.memory_space<vmem>>, vector<1x16xf32>,
      %swap3A_45 = arith.index_cast %scan3A_24 : i32 to index
      %swap3A_46 = arith.constant 64 : index
      %swap3A_47 = tpu.vector_load %arg11[%swap3A_45, %swap3A_46] {strides = array<i32>} : memref<128x128xf32, #tpu.memory_space<vmem>>, vector<1x16xf32>,
      %swap3A_48 = vector.shape_cast %swap3A_47 : vector<1x16xf32> to vector<16xf32>
      %swap3A_49 = vector.shape_cast %broadcast_in_dim3A_3 : vector<16xf32> to vector<1x16xf32>
      tpu.vector_store %arg11[%swap3A_45, %swap3A_46], %swap3A_49 {strides = array<i32>} : memref<128x128xf32, #tpu.memory_space<vmem>>, vector<1x16xf32>,
      %swap3A_50 = arith.index_cast %scan3A_24 : i32 to index
      %swap3A_51 = arith.constant 80 : index
      %swap3A_52 = tpu.vector_load %arg11[%swap3A_50, %swap3A_51] {strides = array<i32>} : memref<128x128xf32, #tpu.memory_space<vmem>>, vector<1x16xf32>,
      %swap3A_53 = vector.shape_cast %swap3A_52 : vector<1x16xf32> to vector<16xf32>
      %swap3A_54 = vector.shape_cast %broadcast_in_dim3A_3 : vector<16xf32> to vector<1x16xf32>
      tpu.vector_store %arg11[%swap3A_50, %swap3A_51], %swap3A_54 {strides = array<i32>} : memref<128x128xf32, #tpu.memory_space<vmem>>, vector<1x16xf32>,
      %swap3A_55 = arith.index_cast %scan3A_24 : i32 to index
      %swap3A_56 = arith.constant 96 : index
      %swap3A_57 = tpu.vector_load %arg11[%swap3A_55, %swap3A_56] {strides = array<i32>} : memref<128x128xf32, #tpu.memory_space<vmem>>, vector<1x16xf32>,
      %swap3A_58 = vector.shape_cast %swap3A_57 : vector<1x16xf32> to vector<16xf32>
      %swap3A_59 = vector.shape_cast %broadcast_in_dim3A_3 : vector<16xf32> to vector<1x16xf32>
      tpu.vector_store %arg11[%swap3A_55, %swap3A_56], %swap3A_59 {strides = array<i32>} : memref<128x128xf32, #tpu.memory_space<vmem>>, vector<1x16xf32>,
      %swap3A_60 = arith.index_cast %scan3A_24 : i32 to index
      %swap3A_61 = arith.constant 112 : index
      %swap3A_62 = tpu.vector_load %arg11[%swap3A_60, %swap3A_61] {strides = array<i32>} : memref<128x128xf32, #tpu.memory_space<vmem>>, vector<1x16xf32>,
      %swap3A_63 = vector.shape_cast %swap3A_62 : vector<1x16xf32> to vector<16xf32>
      %swap3A_64 = vector.shape_cast %broadcast_in_dim3A_3 : vector<16xf32> to vector<1x16xf32>
      tpu.vector_store %arg11[%swap3A_60, %swap3A_61], %swap3A_64 {strides = array<i32>} : memref<128x128xf32, #tpu.memory_space<vmem>>, vector<1x16xf32>,
      %scan3A_65 = arith.constant 0 : i32
      scf.yield %scan3A_65 : i32
    }
    %scan3A_9 = arith.constant 128 : i32
    %add3A = arith.constant 0 : i32
    %add3A_10 = arith.addi %mul3A_2, %add3A : i32
    "tpu.region"() ({
      %run_scoped3A = tpu.sem_alloc : memref<!tpu.dma_semaphore, #tpu.memory_space<semaphore_mem>>
      %dma_start3A = arith.constant 0 : i32
      %dma_start3A_24 = tpu.memref_slice %arg14[%add3A_10, %dma_start3A] : memref<4104x128xf32, #tpu.memory_space<vmem_shared>> -> memref<128x128xf32, #tpu.memory_space<vmem_shared>>
      %dma_start3A_25 = arith.constant 0 : i32
      %dma_start3A_26 = tpu.memref_slice %arg14[%add3A_10, %dma_start3A_25] : memref<4104x128xf32, #tpu.memory_space<vmem_shared>> -> memref<128x128xf32, #tpu.memory_space<vmem_shared>>
      tpu.enqueue_dma source(%arg11 : memref<128x128xf32, #tpu.memory_space<vmem>>) target(%dma_start3A_26 : memref<128x128xf32, #tpu.memory_space<vmem_shared>>) target_semaphore(%run_scoped3A : memref<!tpu.dma_semaphore, #tpu.memory_space<semaphore_mem>>)
      %dma_wait3A = arith.constant 0 : i32
      %dma_wait3A_27 = tpu.memref_slice %arg14[%add3A_10, %dma_wait3A] : memref<4104x128xf32, #tpu.memory_space<vmem_shared>> -> memref<128x128xf32, #tpu.memory_space<vmem_shared>>
      %dma_wait3A_28 = arith.constant 0 : i32
      %dma_wait3A_29 = tpu.memref_slice %arg14[%add3A_10, %dma_wait3A_28] : memref<4104x128xf32, #tpu.memory_space<vmem_shared>> -> memref<128x128xf32, #tpu.memory_space<vmem_shared>>
      tpu.wait_dma2 semaphore(%run_scoped3A : memref<!tpu.dma_semaphore, #tpu.memory_space<semaphore_mem>>) src(%arg11 : memref<128x128xf32, #tpu.memory_space<vmem>>) dst(%dma_wait3A_29 : memref<128x128xf32, #tpu.memory_space<vmem_shared>>)
      tpu.yield
    }) : () -> ()
    %add3A_11 = arith.constant 0 : i32
    %add3A_12 = arith.addi %mul3A_2, %add3A_11 : i32
    "tpu.region"() ({
      %run_scoped3A = tpu.sem_alloc : memref<!tpu.dma_semaphore, #tpu.memory_space<semaphore_mem>>
      %dma_start3A = arith.constant 0 : i32
      %dma_start3A_24 = tpu.memref_slice %arg15[%add3A_12, %dma_start3A] : memref<4104x128xf32, #tpu.memory_space<vmem_shared>> -> memref<128x128xf32, #tpu.memory_space<vmem_shared>>
      %dma_start3A_25 = arith.constant 0 : i32
      %dma_start3A_26 = tpu.memref_slice %arg15[%add3A_12, %dma_start3A_25] : memref<4104x128xf32, #tpu.memory_space<vmem_shared>> -> memref<128x128xf32, #tpu.memory_space<vmem_shared>>
      tpu.enqueue_dma source(%arg11 : memref<128x128xf32, #tpu.memory_space<vmem>>) target(%dma_start3A_26 : memref<128x128xf32, #tpu.memory_space<vmem_shared>>) target_semaphore(%run_scoped3A : memref<!tpu.dma_semaphore, #tpu.memory_space<semaphore_mem>>)
      %dma_wait3A = arith.constant 0 : i32
      %dma_wait3A_27 = tpu.memref_slice %arg15[%add3A_12, %dma_wait3A] : memref<4104x128xf32, #tpu.memory_space<vmem_shared>> -> memref<128x128xf32, #tpu.memory_space<vmem_shared>>
      %dma_wait3A_28 = arith.constant 0 : i32
      %dma_wait3A_29 = tpu.memref_slice %arg15[%add3A_12, %dma_wait3A_28] : memref<4104x128xf32, #tpu.memory_space<vmem_shared>> -> memref<128x128xf32, #tpu.memory_space<vmem_shared>>
      tpu.wait_dma2 semaphore(%run_scoped3A : memref<!tpu.dma_semaphore, #tpu.memory_space<semaphore_mem>>) src(%arg11 : memref<128x128xf32, #tpu.memory_space<vmem>>) dst(%dma_wait3A_29 : memref<128x128xf32, #tpu.memory_space<vmem_shared>>)
      tpu.yield
    }) : () -> ()
    %add3A_13 = arith.constant 128 : i32
    %add3A_14 = arith.addi %mul3A_2, %add3A_13 : i32
    "tpu.region"() ({
      %run_scoped3A = tpu.sem_alloc : memref<!tpu.dma_semaphore, #tpu.memory_space<semaphore_mem>>
      %dma_start3A = arith.constant 0 : i32
      %dma_start3A_24 = tpu.memref_slice %arg14[%add3A_14, %dma_start3A] : memref<4104x128xf32, #tpu.memory_space<vmem_shared>> -> memref<128x128xf32, #tpu.memory_space<vmem_shared>>
      %dma_start3A_25 = arith.constant 0 : i32
      %dma_start3A_26 = tpu.memref_slice %arg14[%add3A_14, %dma_start3A_25] : memref<4104x128xf32, #tpu.memory_space<vmem_shared>> -> memref<128x128xf32, #tpu.memory_space<vmem_shared>>
      tpu.enqueue_dma source(%arg11 : memref<128x128xf32, #tpu.memory_space<vmem>>) target(%dma_start3A_26 : memref<128x128xf32, #tpu.memory_space<vmem_shared>>) target_semaphore(%run_scoped3A : memref<!tpu.dma_semaphore, #tpu.memory_space<semaphore_mem>>)
      %dma_wait3A = arith.constant 0 : i32
      %dma_wait3A_27 = tpu.memref_slice %arg14[%add3A_14, %dma_wait3A] : memref<4104x128xf32, #tpu.memory_space<vmem_shared>> -> memref<128x128xf32, #tpu.memory_space<vmem_shared>>
      %dma_wait3A_28 = arith.constant 0 : i32
      %dma_wait3A_29 = tpu.memref_slice %arg14[%add3A_14, %dma_wait3A_28] : memref<4104x128xf32, #tpu.memory_space<vmem_shared>> -> memref<128x128xf32, #tpu.memory_space<vmem_shared>>
      tpu.wait_dma2 semaphore(%run_scoped3A : memref<!tpu.dma_semaphore, #tpu.memory_space<semaphore_mem>>) src(%arg11 : memref<128x128xf32, #tpu.memory_space<vmem>>) dst(%dma_wait3A_29 : memref<128x128xf32, #tpu.memory_space<vmem_shared>>)
      tpu.yield
    }) : () -> ()
    %add3A_15 = arith.constant 128 : i32
    %add3A_16 = arith.addi %mul3A_2, %add3A_15 : i32
    "tpu.region"() ({
      %run_scoped3A = tpu.sem_alloc : memref<!tpu.dma_semaphore, #tpu.memory_space<semaphore_mem>>
      %dma_start3A = arith.constant 0 : i32
      %dma_start3A_24 = tpu.memref_slice %arg15[%add3A_16, %dma_start3A] : memref<4104x128xf32, #tpu.memory_space<vmem_shared>> -> memref<128x128xf32, #tpu.memory_space<vmem_shared>>
      %dma_start3A_25 = arith.constant 0 : i32
      %dma_start3A_26 = tpu.memref_slice %arg15[%add3A_16, %dma_start3A_25] : memref<4104x128xf32, #tpu.memory_space<vmem_shared>> -> memref<128x128xf32, #tpu.memory_space<vmem_shared>>
      tpu.enqueue_dma source(%arg11 : memref<128x128xf32, #tpu.memory_space<vmem>>) target(%dma_start3A_26 : memref<128x128xf32, #tpu.memory_space<vmem_shared>>) target_semaphore(%run_scoped3A : memref<!tpu.dma_semaphore, #tpu.memory_space<semaphore_mem>>)
      %dma_wait3A = arith.constant 0 : i32
      %dma_wait3A_27 = tpu.memref_slice %arg15[%add3A_16, %dma_wait3A] : memref<4104x128xf32, #tpu.memory_space<vmem_shared>> -> memref<128x128xf32, #tpu.memory_space<vmem_shared>>
      %dma_wait3A_28 = arith.constant 0 : i32
      %dma_wait3A_29 = tpu.memref_slice %arg15[%add3A_16, %dma_wait3A_28] : memref<4104x128xf32, #tpu.memory_space<vmem_shared>> -> memref<128x128xf32, #tpu.memory_space<vmem_shared>>
      tpu.wait_dma2 semaphore(%run_scoped3A : memref<!tpu.dma_semaphore, #tpu.memory_space<semaphore_mem>>) src(%arg11 : memref<128x128xf32, #tpu.memory_space<vmem>>) dst(%dma_wait3A_29 : memref<128x128xf32, #tpu.memory_space<vmem_shared>>)
      tpu.yield
    }) : () -> ()
    %barrier3A = arith.constant 0 : index
    tpu.barrier barrier_id(%barrier3A)
    %scan3A_17 = arith.constant 0 : i32
    %scan3A_18 = arith.constant 0 : i32
    %scan3A_19 = arith.constant 13 : i32
    %scan3A_20 = arith.addi %scan3A_18, %scan3A_19 : i32
    %scan3A_21 = arith.constant 1 : i32
    %scan3A_22 = scf.for %scan3A_24 = %scan3A_18 to %scan3A_20 step %scan3A_21 iter_args(%scan3A_25 = %scan3A_17) -> (i32)  : i32 {
      %add3A_26 = arith.addi %mul3A_0, %scan3A_24 : i32
      %mul3A_27 = arith.constant 16 : i32
      %mul3A_28 = arith.muli %add3A_26, %mul3A_27 : i32
      %add3A_29 = arith.addi %mul3A_28, %arg1 : i32
      %mul3A_30 = arith.constant 16 : i32
      %mul3A_31 = arith.muli %add3A_29, %mul3A_30 : i32
      %multiple_of3A = tpu.assume_multiple %mul3A_31, 16 : i32
      "tpu.region"() ({
        %run_scoped3A = tpu.sem_alloc : memref<!tpu.dma_semaphore, #tpu.memory_space<semaphore_mem>>
        %dma_start3A = tpu.memref_slice %arg5[%multiple_of3A] : memref<6656xi32, #tpu.memory_space<hbm>> -> memref<16xi32, #tpu.memory_space<hbm>>
        %dma_start3A_85 = tpu.memref_slice %arg5[%multiple_of3A] : memref<6656xi32, #tpu.memory_space<hbm>> -> memref<16xi32, #tpu.memory_space<hbm>>
        tpu.enqueue_dma source(%dma_start3A_85 : memref<16xi32, #tpu.memory_space<hbm>>) target(%arg13 : memref<16xi32, #tpu.memory_space<vmem>>) target_semaphore(%run_scoped3A : memref<!tpu.dma_semaphore, #tpu.memory_space<semaphore_mem>>)
        %dma_wait3A = tpu.memref_slice %arg5[%multiple_of3A] : memref<6656xi32, #tpu.memory_space<hbm>> -> memref<16xi32, #tpu.memory_space<hbm>>
        %dma_wait3A_86 = tpu.memref_slice %arg5[%multiple_of3A] : memref<6656xi32, #tpu.memory_space<hbm>> -> memref<16xi32, #tpu.memory_space<hbm>>
        tpu.wait_dma2 semaphore(%run_scoped3A : memref<!tpu.dma_semaphore, #tpu.memory_space<semaphore_mem>>) src(%dma_wait3A_86 : memref<16xi32, #tpu.memory_space<hbm>>) dst(%arg13 : memref<16xi32, #tpu.memory_space<vmem>>)
        tpu.yield
      }) : () -> ()
      %get3A = arith.constant 0 : index
      %get3A_32 = tpu.vector_load %arg13[%get3A] {strides = array<i32>} : memref<16xi32, #tpu.memory_space<vmem>>, vector<16xi32>,
      %get3A_33 = vector.shape_cast %get3A_32 : vector<16xi32> to vector<16xi32>
      %slice3A = vector.extract_strided_slice %get3A_33 {offsets = [0], sizes = [1], strides = [1]} : vector<16xi32> to vector<1xi32>
      %squeeze3A = vector.extract %slice3A[0] : i32 from vector<1xi32>
      %jit3A = arith.constant 128 : i32
      %div3A = arith.divsi %squeeze3A, %jit3A : i32
      %sign3A = arith.constant 0 : i32
      %sign3A_34 = arith.cmpi sgt, %squeeze3A, %sign3A : i32
      %sign3A_35 = arith.extui %sign3A_34 : i1 to i32
      %sign3A_36 = arith.constant 0 : i32
      %sign3A_37 = arith.cmpi slt, %squeeze3A, %sign3A_36 : i32
      %sign3A_38 = arith.extui %sign3A_37 : i1 to i32
      %sign3A_39 = arith.subi %sign3A_35, %sign3A_38 : i32
      %sign3A_40 = arith.constant 0 : i32
      %sign3A_41 = arith.cmpi sgt, %jit3A, %sign3A_40 : i32
      %sign3A_42 = arith.extui %sign3A_41 : i1 to i32
      %sign3A_43 = arith.constant 0 : i32
      %sign3A_44 = arith.cmpi slt, %jit3A, %sign3A_43 : i32
      %sign3A_45 = arith.extui %sign3A_44 : i1 to i32
      %sign3A_46 = arith.subi %sign3A_42, %sign3A_45 : i32
      %ne3A = arith.cmpi ne, %sign3A_39, %sign3A_46 : i32
      %rem3A = arith.remsi %squeeze3A, %jit3A : i32
      %ne3A_47 = arith.constant 0 : i32
      %ne3A_48 = arith.cmpi ne, %rem3A, %ne3A_47 : i32
      %and3A = arith.andi %ne3A, %ne3A_48 : i1
      %sub3A = arith.constant 1 : i32
      %sub3A_49 = arith.subi %div3A, %sub3A : i32
      %select_n3A = arith.select %and3A, %sub3A_49, %div3A : i32
      %while3A = arith.constant 0 : i32
      %while3A_50 = arith.constant 0 : i32
      %while3A_51 = arith.subi %select_n3A, %while3A : i32
      %while3A_52 = arith.addi %while3A, %while3A_51 : i32
      %while3A_53 = arith.constant 1 : i32
      %while3A_54 = arith.divsi %while3A_51, %while3A_53 : i32
      %while3A_55 = arith.muli %while3A_54, %while3A_53 : i32
      %while3A_56 = arith.addi %while3A, %while3A_55 : i32
      %while3A_57 = arith.constant 1 : i32
      %while3A_58 = scf.for %while3A_85 = %while3A to %while3A_56 step %while3A_57 iter_args(%while3A_86 = %while3A_50) -> (i32)  : i32 {
        %mul3A_87 = arith.constant 35072 : i32
        %mul3A_88 = arith.muli %add3A_29, %mul3A_87 : i32
        %mul3A_89 = arith.constant 128 : i32
        %mul3A_90 = arith.muli %while3A_85, %mul3A_89 : i32
        %add3A_91 = arith.addi %mul3A_88, %mul3A_90 : i32
        %multiple_of3A_92 = tpu.assume_multiple %add3A_91, 128 : i32
        "tpu.region"() ({
          %run_scoped3A = tpu.sem_alloc : memref<!tpu.dma_semaphore, #tpu.memory_space<semaphore_mem>>
          %dma_start3A_238 = tpu.memref_slice %arg4[%multiple_of3A_92] : memref<14589952xi32, #tpu.memory_space<hbm>> -> memref<128xi32, #tpu.memory_space<hbm>>
          %dma_start3A_239 = tpu.memref_slice %arg4[%multiple_of3A_92] : memref<14589952xi32, #tpu.memory_space<hbm>> -> memref<128xi32, #tpu.memory_space<hbm>>
          tpu.enqueue_dma source(%dma_start3A_239 : memref<128xi32, #tpu.memory_space<hbm>>) target(%arg8 : memref<128xi32, #tpu.memory_space<vmem>>) target_semaphore(%run_scoped3A : memref<!tpu.dma_semaphore, #tpu.memory_space<semaphore_mem>>)
          %dma_wait3A_240 = tpu.memref_slice %arg4[%multiple_of3A_92] : memref<14589952xi32, #tpu.memory_space<hbm>> -> memref<128xi32, #tpu.memory_space<hbm>>
          %dma_wait3A_241 = tpu.memref_slice %arg4[%multiple_of3A_92] : memref<14589952xi32, #tpu.memory_space<hbm>> -> memref<128xi32, #tpu.memory_space<hbm>>
          tpu.wait_dma2 semaphore(%run_scoped3A : memref<!tpu.dma_semaphore, #tpu.memory_space<semaphore_mem>>) src(%dma_wait3A_241 : memref<128xi32, #tpu.memory_space<hbm>>) dst(%arg8 : memref<128xi32, #tpu.memory_space<vmem>>)
          tpu.yield
        }) : () -> ()
        %get3A_93 = arith.constant 0 : index
        %get3A_94 = tpu.vector_load %arg8[%get3A_93] {strides = array<i32>} : memref<128xi32, #tpu.memory_space<vmem>>, vector<16xi32>,
        %get3A_95 = vector.shape_cast %get3A_94 : vector<16xi32> to vector<16xi32>
        %shift_right_logical3A = arith.constant 14 : i32
        %shift_right_logical3A_96 = vector.broadcast %shift_right_logical3A : i32 to vector<16xi32>
        %shift_right_logical3A_97 = arith.shrui %get3A_95, %shift_right_logical3A_96 : vector<16xi32>
        %swap3A = arith.constant 0 : index
        %swap3A_98 = tpu.vector_load %arg9[%swap3A] {strides = array<i32>} : memref<128xi32, #tpu.memory_space<vmem>>, vector<16xi32>,
        %swap3A_99 = vector.shape_cast %swap3A_98 : vector<16xi32> to vector<16xi32>
        %swap3A_100 = vector.shape_cast %shift_right_logical3A_97 : vector<16xi32> to vector<16xi32>
        tpu.vector_store %arg9[%swap3A], %swap3A_100 {strides = array<i32>} : memref<128xi32, #tpu.memory_space<vmem>>, vector<16xi32>,
        %and3A_101 = arith.constant 16383 : i32
        %and3A_102 = vector.broadcast %and3A_101 : i32 to vector<16xi32>
        %and3A_103 = arith.andi %get3A_95, %and3A_102 : vector<16xi32>
        %swap3A_104 = arith.constant 0 : index
        %swap3A_105 = tpu.vector_load %arg10[%swap3A_104] {strides = array<i32>} : memref<128xi32, #tpu.memory_space<vmem>>, vector<16xi32>,
        %swap3A_106 = vector.shape_cast %swap3A_105 : vector<16xi32> to vector<16xi32>
        %swap3A_107 = vector.shape_cast %and3A_103 : vector<16xi32> to vector<16xi32>
        tpu.vector_store %arg10[%swap3A_104], %swap3A_107 {strides = array<i32>} : memref<128xi32, #tpu.memory_space<vmem>>, vector<16xi32>,
        %get3A_108 = arith.constant 16 : index
        %get3A_109 = tpu.vector_load %arg8[%get3A_108] {strides = array<i32>} : memref<128xi32, #tpu.memory_space<vmem>>, vector<16xi32>,
        %get3A_110 = vector.shape_cast %get3A_109 : vector<16xi32> to vector<16xi32>
        %shift_right_logical3A_111 = arith.constant 14 : i32
        %shift_right_logical3A_112 = vector.broadcast %shift_right_logical3A_111 : i32 to vector<16xi32>
        %shift_right_logical3A_113 = arith.shrui %get3A_110, %shift_right_logical3A_112 : vector<16xi32>
        %swap3A_114 = arith.constant 16 : index
        %swap3A_115 = tpu.vector_load %arg9[%swap3A_114] {strides = array<i32>} : memref<128xi32, #tpu.memory_space<vmem>>, vector<16xi32>,
        %swap3A_116 = vector.shape_cast %swap3A_115 : vector<16xi32> to vector<16xi32>
        %swap3A_117 = vector.shape_cast %shift_right_logical3A_113 : vector<16xi32> to vector<16xi32>
        tpu.vector_store %arg9[%swap3A_114], %swap3A_117 {strides = array<i32>} : memref<128xi32, #tpu.memory_space<vmem>>, vector<16xi32>,
        %and3A_118 = arith.constant 16383 : i32
        %and3A_119 = vector.broadcast %and3A_118 : i32 to vector<16xi32>
        %and3A_120 = arith.andi %get3A_110, %and3A_119 : vector<16xi32>
        %swap3A_121 = arith.constant 16 : index
        %swap3A_122 = tpu.vector_load %arg10[%swap3A_121] {strides = array<i32>} : memref<128xi32, #tpu.memory_space<vmem>>, vector<16xi32>,
        %swap3A_123 = vector.shape_cast %swap3A_122 : vector<16xi32> to vector<16xi32>
        %swap3A_124 = vector.shape_cast %and3A_120 : vector<16xi32> to vector<16xi32>
        tpu.vector_store %arg10[%swap3A_121], %swap3A_124 {strides = array<i32>} : memref<128xi32, #tpu.memory_space<vmem>>, vector<16xi32>,
        %get3A_125 = arith.constant 32 : index
        %get3A_126 = tpu.vector_load %arg8[%get3A_125] {strides = array<i32>} : memref<128xi32, #tpu.memory_space<vmem>>, vector<16xi32>,
        %get3A_127 = vector.shape_cast %get3A_126 : vector<16xi32> to vector<16xi32>
        %shift_right_logical3A_128 = arith.constant 14 : i32
        %shift_right_logical3A_129 = vector.broadcast %shift_right_logical3A_128 : i32 to vector<16xi32>
        %shift_right_logical3A_130 = arith.shrui %get3A_127, %shift_right_logical3A_129 : vector<16xi32>
        %swap3A_131 = arith.constant 32 : index
        %swap3A_132 = tpu.vector_load %arg9[%swap3A_131] {strides = array<i32>} : memref<128xi32, #tpu.memory_space<vmem>>, vector<16xi32>,
        %swap3A_133 = vector.shape_cast %swap3A_132 : vector<16xi32> to vector<16xi32>
        %swap3A_134 = vector.shape_cast %shift_right_logical3A_130 : vector<16xi32> to vector<16xi32>
        tpu.vector_store %arg9[%swap3A_131], %swap3A_134 {strides = array<i32>} : memref<128xi32, #tpu.memory_space<vmem>>, vector<16xi32>,
        %and3A_135 = arith.constant 16383 : i32
        %and3A_136 = vector.broadcast %and3A_135 : i32 to vector<16xi32>
        %and3A_137 = arith.andi %get3A_127, %and3A_136 : vector<16xi32>
        %swap3A_138 = arith.constant 32 : index
        %swap3A_139 = tpu.vector_load %arg10[%swap3A_138] {strides = array<i32>} : memref<128xi32, #tpu.memory_space<vmem>>, vector<16xi32>,
        %swap3A_140 = vector.shape_cast %swap3A_139 : vector<16xi32> to vector<16xi32>
        %swap3A_141 = vector.shape_cast %and3A_137 : vector<16xi32> to vector<16xi32>
        tpu.vector_store %arg10[%swap3A_138], %swap3A_141 {strides = array<i32>} : memref<128xi32, #tpu.memory_space<vmem>>, vector<16xi32>,
        %get3A_142 = arith.constant 48 : index
        %get3A_143 = tpu.vector_load %arg8[%get3A_142] {strides = array<i32>} : memref<128xi32, #tpu.memory_space<vmem>>, vector<16xi32>,
        %get3A_144 = vector.shape_cast %get3A_143 : vector<16xi32> to vector<16xi32>
        %shift_right_logical3A_145 = arith.constant 14 : i32
        %shift_right_logical3A_146 = vector.broadcast %shift_right_logical3A_145 : i32 to vector<16xi32>
        %shift_right_logical3A_147 = arith.shrui %get3A_144, %shift_right_logical3A_146 : vector<16xi32>
        %swap3A_148 = arith.constant 48 : index
        %swap3A_149 = tpu.vector_load %arg9[%swap3A_148] {strides = array<i32>} : memref<128xi32, #tpu.memory_space<vmem>>, vector<16xi32>,
        %swap3A_150 = vector.shape_cast %swap3A_149 : vector<16xi32> to vector<16xi32>
        %swap3A_151 = vector.shape_cast %shift_right_logical3A_147 : vector<16xi32> to vector<16xi32>
        tpu.vector_store %arg9[%swap3A_148], %swap3A_151 {strides = array<i32>} : memref<128xi32, #tpu.memory_space<vmem>>, vector<16xi32>,
        %and3A_152 = arith.constant 16383 : i32
        %and3A_153 = vector.broadcast %and3A_152 : i32 to vector<16xi32>
        %and3A_154 = arith.andi %get3A_144, %and3A_153 : vector<16xi32>
        %swap3A_155 = arith.constant 48 : index
        %swap3A_156 = tpu.vector_load %arg10[%swap3A_155] {strides = array<i32>} : memref<128xi32, #tpu.memory_space<vmem>>, vector<16xi32>,
        %swap3A_157 = vector.shape_cast %swap3A_156 : vector<16xi32> to vector<16xi32>
        %swap3A_158 = vector.shape_cast %and3A_154 : vector<16xi32> to vector<16xi32>
        tpu.vector_store %arg10[%swap3A_155], %swap3A_158 {strides = array<i32>} : memref<128xi32, #tpu.memory_space<vmem>>, vector<16xi32>,
        %get3A_159 = arith.constant 64 : index
        %get3A_160 = tpu.vector_load %arg8[%get3A_159] {strides = array<i32>} : memref<128xi32, #tpu.memory_space<vmem>>, vector<16xi32>,
        %get3A_161 = vector.shape_cast %get3A_160 : vector<16xi32> to vector<16xi32>
        %shift_right_logical3A_162 = arith.constant 14 : i32
        %shift_right_logical3A_163 = vector.broadcast %shift_right_logical3A_162 : i32 to vector<16xi32>
        %shift_right_logical3A_164 = arith.shrui %get3A_161, %shift_right_logical3A_163 : vector<16xi32>
        %swap3A_165 = arith.constant 64 : index
        %swap3A_166 = tpu.vector_load %arg9[%swap3A_165] {strides = array<i32>} : memref<128xi32, #tpu.memory_space<vmem>>, vector<16xi32>,
        %swap3A_167 = vector.shape_cast %swap3A_166 : vector<16xi32> to vector<16xi32>
        %swap3A_168 = vector.shape_cast %shift_right_logical3A_164 : vector<16xi32> to vector<16xi32>
        tpu.vector_store %arg9[%swap3A_165], %swap3A_168 {strides = array<i32>} : memref<128xi32, #tpu.memory_space<vmem>>, vector<16xi32>,
        %and3A_169 = arith.constant 16383 : i32
        %and3A_170 = vector.broadcast %and3A_169 : i32 to vector<16xi32>
        %and3A_171 = arith.andi %get3A_161, %and3A_170 : vector<16xi32>
        %swap3A_172 = arith.constant 64 : index
        %swap3A_173 = tpu.vector_load %arg10[%swap3A_172] {strides = array<i32>} : memref<128xi32, #tpu.memory_space<vmem>>, vector<16xi32>,
        %swap3A_174 = vector.shape_cast %swap3A_173 : vector<16xi32> to vector<16xi32>
        %swap3A_175 = vector.shape_cast %and3A_171 : vector<16xi32> to vector<16xi32>
        tpu.vector_store %arg10[%swap3A_172], %swap3A_175 {strides = array<i32>} : memref<128xi32, #tpu.memory_space<vmem>>, vector<16xi32>,
        %get3A_176 = arith.constant 80 : index
        %get3A_177 = tpu.vector_load %arg8[%get3A_176] {strides = array<i32>} : memref<128xi32, #tpu.memory_space<vmem>>, vector<16xi32>,
        %get3A_178 = vector.shape_cast %get3A_177 : vector<16xi32> to vector<16xi32>
        %shift_right_logical3A_179 = arith.constant 14 : i32
        %shift_right_logical3A_180 = vector.broadcast %shift_right_logical3A_179 : i32 to vector<16xi32>
        %shift_right_logical3A_181 = arith.shrui %get3A_178, %shift_right_logical3A_180 : vector<16xi32>
        %swap3A_182 = arith.constant 80 : index
        %swap3A_183 = tpu.vector_load %arg9[%swap3A_182] {strides = array<i32>} : memref<128xi32, #tpu.memory_space<vmem>>, vector<16xi32>,
        %swap3A_184 = vector.shape_cast %swap3A_183 : vector<16xi32> to vector<16xi32>
        %swap3A_185 = vector.shape_cast %shift_right_logical3A_181 : vector<16xi32> to vector<16xi32>
        tpu.vector_store %arg9[%swap3A_182], %swap3A_185 {strides = array<i32>} : memref<128xi32, #tpu.memory_space<vmem>>, vector<16xi32>,
        %and3A_186 = arith.constant 16383 : i32
        %and3A_187 = vector.broadcast %and3A_186 : i32 to vector<16xi32>
        %and3A_188 = arith.andi %get3A_178, %and3A_187 : vector<16xi32>
        %swap3A_189 = arith.constant 80 : index
        %swap3A_190 = tpu.vector_load %arg10[%swap3A_189] {strides = array<i32>} : memref<128xi32, #tpu.memory_space<vmem>>, vector<16xi32>,
        %swap3A_191 = vector.shape_cast %swap3A_190 : vector<16xi32> to vector<16xi32>
        %swap3A_192 = vector.shape_cast %and3A_188 : vector<16xi32> to vector<16xi32>
        tpu.vector_store %arg10[%swap3A_189], %swap3A_192 {strides = array<i32>} : memref<128xi32, #tpu.memory_space<vmem>>, vector<16xi32>,
        %get3A_193 = arith.constant 96 : index
        %get3A_194 = tpu.vector_load %arg8[%get3A_193] {strides = array<i32>} : memref<128xi32, #tpu.memory_space<vmem>>, vector<16xi32>,
        %get3A_195 = vector.shape_cast %get3A_194 : vector<16xi32> to vector<16xi32>
        %shift_right_logical3A_196 = arith.constant 14 : i32
        %shift_right_logical3A_197 = vector.broadcast %shift_right_logical3A_196 : i32 to vector<16xi32>
        %shift_right_logical3A_198 = arith.shrui %get3A_195, %shift_right_logical3A_197 : vector<16xi32>
        %swap3A_199 = arith.constant 96 : index
        %swap3A_200 = tpu.vector_load %arg9[%swap3A_199] {strides = array<i32>} : memref<128xi32, #tpu.memory_space<vmem>>, vector<16xi32>,
        %swap3A_201 = vector.shape_cast %swap3A_200 : vector<16xi32> to vector<16xi32>
        %swap3A_202 = vector.shape_cast %shift_right_logical3A_198 : vector<16xi32> to vector<16xi32>
        tpu.vector_store %arg9[%swap3A_199], %swap3A_202 {strides = array<i32>} : memref<128xi32, #tpu.memory_space<vmem>>, vector<16xi32>,
        %and3A_203 = arith.constant 16383 : i32
        %and3A_204 = vector.broadcast %and3A_203 : i32 to vector<16xi32>
        %and3A_205 = arith.andi %get3A_195, %and3A_204 : vector<16xi32>
        %swap3A_206 = arith.constant 96 : index
        %swap3A_207 = tpu.vector_load %arg10[%swap3A_206] {strides = array<i32>} : memref<128xi32, #tpu.memory_space<vmem>>, vector<16xi32>,
        %swap3A_208 = vector.shape_cast %swap3A_207 : vector<16xi32> to vector<16xi32>
        %swap3A_209 = vector.shape_cast %and3A_205 : vector<16xi32> to vector<16xi32>
        tpu.vector_store %arg10[%swap3A_206], %swap3A_209 {strides = array<i32>} : memref<128xi32, #tpu.memory_space<vmem>>, vector<16xi32>,
        %get3A_210 = arith.constant 112 : index
        %get3A_211 = tpu.vector_load %arg8[%get3A_210] {strides = array<i32>} : memref<128xi32, #tpu.memory_space<vmem>>, vector<16xi32>,
        %get3A_212 = vector.shape_cast %get3A_211 : vector<16xi32> to vector<16xi32>
        %shift_right_logical3A_213 = arith.constant 14 : i32
        %shift_right_logical3A_214 = vector.broadcast %shift_right_logical3A_213 : i32 to vector<16xi32>
        %shift_right_logical3A_215 = arith.shrui %get3A_212, %shift_right_logical3A_214 : vector<16xi32>
        %swap3A_216 = arith.constant 112 : index
        %swap3A_217 = tpu.vector_load %arg9[%swap3A_216] {strides = array<i32>} : memref<128xi32, #tpu.memory_space<vmem>>, vector<16xi32>,
        %swap3A_218 = vector.shape_cast %swap3A_217 : vector<16xi32> to vector<16xi32>
        %swap3A_219 = vector.shape_cast %shift_right_logical3A_215 : vector<16xi32> to vector<16xi32>
        tpu.vector_store %arg9[%swap3A_216], %swap3A_219 {strides = array<i32>} : memref<128xi32, #tpu.memory_space<vmem>>, vector<16xi32>,
        %and3A_220 = arith.constant 16383 : i32
        %and3A_221 = vector.broadcast %and3A_220 : i32 to vector<16xi32>
        %and3A_222 = arith.andi %get3A_212, %and3A_221 : vector<16xi32>
        %swap3A_223 = arith.constant 112 : index
        %swap3A_224 = tpu.vector_load %arg10[%swap3A_223] {strides = array<i32>} : memref<128xi32, #tpu.memory_space<vmem>>, vector<16xi32>,
        %swap3A_225 = vector.shape_cast %swap3A_224 : vector<16xi32> to vector<16xi32>
        %swap3A_226 = vector.shape_cast %and3A_222 : vector<16xi32> to vector<16xi32>
        tpu.vector_store %arg10[%swap3A_223], %swap3A_226 {strides = array<i32>} : memref<128xi32, #tpu.memory_space<vmem>>, vector<16xi32>,
        %dma_start3A = arith.constant 0 : i32
        %dma_start3A_227 = arith.constant 0 : i32
        %dma_start3A_228 = tpu.memref_slice %arg2[%dma_start3A, %dma_start3A_227] : memref<10000x128xf32, #tpu.memory_space<hbm>> -> memref<10000x128xf32, #tpu.memory_space<hbm>>
        tpu.enqueue_indirect_dma source(%dma_start3A_228 : memref<10000x128xf32, #tpu.memory_space<hbm>>) target(%arg11 : memref<128x128xf32, #tpu.memory_space<vmem>>) offsets(%arg9 : memref<128xi32, #tpu.memory_space<vmem>>) semaphore(%arg16 : memref<!tpu.dma_semaphore, #tpu.memory_space<semaphore_mem>>)
        %dma_start3A_229 = arith.constant 0 : i32
        %dma_start3A_230 = arith.constant 0 : i32
        %dma_start3A_231 = tpu.memref_slice %arg3[%dma_start3A_229, %dma_start3A_230] : memref<10240x128xf32, #tpu.memory_space<hbm>> -> memref<10240x128xf32, #tpu.memory_space<hbm>>
        tpu.enqueue_indirect_dma source(%dma_start3A_231 : memref<10240x128xf32, #tpu.memory_space<hbm>>) target(%arg12 : memref<128x128xf32, #tpu.memory_space<vmem>>) offsets(%arg9 : memref<128xi32, #tpu.memory_space<vmem>>) semaphore(%arg17 : memref<!tpu.dma_semaphore, #tpu.memory_space<semaphore_mem>>)
        %dma_wait3A = arith.constant 0 : i32
        %dma_wait3A_232 = arith.constant 0 : i32
        %dma_wait3A_233 = tpu.memref_slice %arg2[%dma_wait3A, %dma_wait3A_232] : memref<10000x128xf32, #tpu.memory_space<hbm>> -> memref<10000x128xf32, #tpu.memory_space<hbm>>
        tpu.wait_indirect_dma semaphore(%arg16 : memref<!tpu.dma_semaphore, #tpu.memory_space<semaphore_mem>>) src(%dma_wait3A_233 : memref<10000x128xf32, #tpu.memory_space<hbm>>) dst(%arg11 : memref<128x128xf32, #tpu.memory_space<vmem>>)
        "tpu.region"() ({
          %run_scoped3A = tpu.sem_alloc : memref<!tpu.dma_semaphore, #tpu.memory_space<semaphore_mem>>
          %dma_start3A_238 = arith.constant 0 : i32
          %dma_start3A_239 = arith.constant 0 : i32
          %dma_start3A_240 = tpu.memref_slice %arg14[%dma_start3A_238, %dma_start3A_239] : memref<4104x128xf32, #tpu.memory_space<vmem_shared>> -> memref<4104x128xf32, #tpu.memory_space<vmem_shared>>
          tpu.enqueue_indirect_dma source(%arg11 : memref<128x128xf32, #tpu.memory_space<vmem>>) target(%dma_start3A_240 : memref<4104x128xf32, #tpu.memory_space<vmem_shared>>) offsets(%arg10 : memref<128xi32, #tpu.memory_space<vmem>>) semaphore(%run_scoped3A : memref<!tpu.dma_semaphore, #tpu.memory_space<semaphore_mem>>) {add = true}
          %dma_wait3A_241 = arith.constant 0 : i32
          %dma_wait3A_242 = arith.constant 0 : i32
          %dma_wait3A_243 = tpu.memref_slice %arg14[%dma_wait3A_241, %dma_wait3A_242] : memref<4104x128xf32, #tpu.memory_space<vmem_shared>> -> memref<4104x128xf32, #tpu.memory_space<vmem_shared>>
          tpu.wait_indirect_dma semaphore(%run_scoped3A : memref<!tpu.dma_semaphore, #tpu.memory_space<semaphore_mem>>) src(%arg11 : memref<128x128xf32, #tpu.memory_space<vmem>>) dst(%dma_wait3A_243 : memref<4104x128xf32, #tpu.memory_space<vmem_shared>>)
          tpu.yield
        }) : () -> ()
        %dma_wait3A_234 = arith.constant 0 : i32
        %dma_wait3A_235 = arith.constant 0 : i32
        %dma_wait3A_236 = tpu.memref_slice %arg3[%dma_wait3A_234, %dma_wait3A_235] : memref<10240x128xf32, #tpu.memory_space<hbm>> -> memref<10240x128xf32, #tpu.memory_space<hbm>>
        tpu.wait_indirect_dma semaphore(%arg17 : memref<!tpu.dma_semaphore, #tpu.memory_space<semaphore_mem>>) src(%dma_wait3A_236 : memref<10240x128xf32, #tpu.memory_space<hbm>>) dst(%arg12 : memref<128x128xf32, #tpu.memory_space<vmem>>)
        "tpu.region"() ({
          %run_scoped3A = tpu.sem_alloc : memref<!tpu.dma_semaphore, #tpu.memory_space<semaphore_mem>>
          %dma_start3A_238 = arith.constant 0 : i32
          %dma_start3A_239 = arith.constant 0 : i32
          %dma_start3A_240 = tpu.memref_slice %arg15[%dma_start3A_238, %dma_start3A_239] : memref<4104x128xf32, #tpu.memory_space<vmem_shared>> -> memref<4104x128xf32, #tpu.memory_space<vmem_shared>>
          tpu.enqueue_indirect_dma source(%arg12 : memref<128x128xf32, #tpu.memory_space<vmem>>) target(%dma_start3A_240 : memref<4104x128xf32, #tpu.memory_space<vmem_shared>>) offsets(%arg10 : memref<128xi32, #tpu.memory_space<vmem>>) semaphore(%run_scoped3A : memref<!tpu.dma_semaphore, #tpu.memory_space<semaphore_mem>>) {add = true}
          %dma_wait3A_241 = arith.constant 0 : i32
          %dma_wait3A_242 = arith.constant 0 : i32
          %dma_wait3A_243 = tpu.memref_slice %arg15[%dma_wait3A_241, %dma_wait3A_242] : memref<4104x128xf32, #tpu.memory_space<vmem_shared>> -> memref<4104x128xf32, #tpu.memory_space<vmem_shared>>
          tpu.wait_indirect_dma semaphore(%run_scoped3A : memref<!tpu.dma_semaphore, #tpu.memory_space<semaphore_mem>>) src(%arg12 : memref<128x128xf32, #tpu.memory_space<vmem>>) dst(%dma_wait3A_243 : memref<4104x128xf32, #tpu.memory_space<vmem_shared>>)
          tpu.yield
        }) : () -> ()
        %while3A_237 = arith.constant 0 : i32
        scf.yield %while3A_237 : i32
      }
      %while3A_59 = arith.constant 1 : i32
      %while3A_60 = scf.for %while3A_85 = %while3A_56 to %while3A_52 step %while3A_59 iter_args(%while3A_86 = %while3A_58) -> (i32)  : i32 {
        %mul3A_87 = arith.constant 35072 : i32
        %mul3A_88 = arith.muli %add3A_29, %mul3A_87 : i32
        %mul3A_89 = arith.constant 128 : i32
        %mul3A_90 = arith.muli %while3A_85, %mul3A_89 : i32
        %add3A_91 = arith.addi %mul3A_88, %mul3A_90 : i32
        %multiple_of3A_92 = tpu.assume_multiple %add3A_91, 128 : i32
        "tpu.region"() ({
          %run_scoped3A = tpu.sem_alloc : memref<!tpu.dma_semaphore, #tpu.memory_space<semaphore_mem>>
          %dma_start3A_238 = tpu.memref_slice %arg4[%multiple_of3A_92] : memref<14589952xi32, #tpu.memory_space<hbm>> -> memref<128xi32, #tpu.memory_space<hbm>>
          %dma_start3A_239 = tpu.memref_slice %arg4[%multiple_of3A_92] : memref<14589952xi32, #tpu.memory_space<hbm>> -> memref<128xi32, #tpu.memory_space<hbm>>
          tpu.enqueue_dma source(%dma_start3A_239 : memref<128xi32, #tpu.memory_space<hbm>>) target(%arg8 : memref<128xi32, #tpu.memory_space<vmem>>) target_semaphore(%run_scoped3A : memref<!tpu.dma_semaphore, #tpu.memory_space<semaphore_mem>>)
          %dma_wait3A_240 = tpu.memref_slice %arg4[%multiple_of3A_92] : memref<14589952xi32, #tpu.memory_space<hbm>> -> memref<128xi32, #tpu.memory_space<hbm>>
          %dma_wait3A_241 = tpu.memref_slice %arg4[%multiple_of3A_92] : memref<14589952xi32, #tpu.memory_space<hbm>> -> memref<128xi32, #tpu.memory_space<hbm>>
          tpu.wait_dma2 semaphore(%run_scoped3A : memref<!tpu.dma_semaphore, #tpu.memory_space<semaphore_mem>>) src(%dma_wait3A_241 : memref<128xi32, #tpu.memory_space<hbm>>) dst(%arg8 : memref<128xi32, #tpu.memory_space<vmem>>)
          tpu.yield
        }) : () -> ()
        %get3A_93 = arith.constant 0 : index
        %get3A_94 = tpu.vector_load %arg8[%get3A_93] {strides = array<i32>} : memref<128xi32, #tpu.memory_space<vmem>>, vector<16xi32>,
        %get3A_95 = vector.shape_cast %get3A_94 : vector<16xi32> to vector<16xi32>
        %shift_right_logical3A = arith.constant 14 : i32
        %shift_right_logical3A_96 = vector.broadcast %shift_right_logical3A : i32 to vector<16xi32>
        %shift_right_logical3A_97 = arith.shrui %get3A_95, %shift_right_logical3A_96 : vector<16xi32>
        %swap3A = arith.constant 0 : index
        %swap3A_98 = tpu.vector_load %arg9[%swap3A] {strides = array<i32>} : memref<128xi32, #tpu.memory_space<vmem>>, vector<16xi32>,
        %swap3A_99 = vector.shape_cast %swap3A_98 : vector<16xi32> to vector<16xi32>
        %swap3A_100 = vector.shape_cast %shift_right_logical3A_97 : vector<16xi32> to vector<16xi32>
        tpu.vector_store %arg9[%swap3A], %swap3A_100 {strides = array<i32>} : memref<128xi32, #tpu.memory_space<vmem>>, vector<16xi32>,
        %and3A_101 = arith.constant 16383 : i32
        %and3A_102 = vector.broadcast %and3A_101 : i32 to vector<16xi32>
        %and3A_103 = arith.andi %get3A_95, %and3A_102 : vector<16xi32>
        %swap3A_104 = arith.constant 0 : index
        %swap3A_105 = tpu.vector_load %arg10[%swap3A_104] {strides = array<i32>} : memref<128xi32, #tpu.memory_space<vmem>>, vector<16xi32>,
        %swap3A_106 = vector.shape_cast %swap3A_105 : vector<16xi32> to vector<16xi32>
        %swap3A_107 = vector.shape_cast %and3A_103 : vector<16xi32> to vector<16xi32>
        tpu.vector_store %arg10[%swap3A_104], %swap3A_107 {strides = array<i32>} : memref<128xi32, #tpu.memory_space<vmem>>, vector<16xi32>,
        %get3A_108 = arith.constant 16 : index
        %get3A_109 = tpu.vector_load %arg8[%get3A_108] {strides = array<i32>} : memref<128xi32, #tpu.memory_space<vmem>>, vector<16xi32>,
        %get3A_110 = vector.shape_cast %get3A_109 : vector<16xi32> to vector<16xi32>
        %shift_right_logical3A_111 = arith.constant 14 : i32
        %shift_right_logical3A_112 = vector.broadcast %shift_right_logical3A_111 : i32 to vector<16xi32>
        %shift_right_logical3A_113 = arith.shrui %get3A_110, %shift_right_logical3A_112 : vector<16xi32>
        %swap3A_114 = arith.constant 16 : index
        %swap3A_115 = tpu.vector_load %arg9[%swap3A_114] {strides = array<i32>} : memref<128xi32, #tpu.memory_space<vmem>>, vector<16xi32>,
        %swap3A_116 = vector.shape_cast %swap3A_115 : vector<16xi32> to vector<16xi32>
        %swap3A_117 = vector.shape_cast %shift_right_logical3A_113 : vector<16xi32> to vector<16xi32>
        tpu.vector_store %arg9[%swap3A_114], %swap3A_117 {strides = array<i32>} : memref<128xi32, #tpu.memory_space<vmem>>, vector<16xi32>,
        %and3A_118 = arith.constant 16383 : i32
        %and3A_119 = vector.broadcast %and3A_118 : i32 to vector<16xi32>
        %and3A_120 = arith.andi %get3A_110, %and3A_119 : vector<16xi32>
        %swap3A_121 = arith.constant 16 : index
        %swap3A_122 = tpu.vector_load %arg10[%swap3A_121] {strides = array<i32>} : memref<128xi32, #tpu.memory_space<vmem>>, vector<16xi32>,
        %swap3A_123 = vector.shape_cast %swap3A_122 : vector<16xi32> to vector<16xi32>
        %swap3A_124 = vector.shape_cast %and3A_120 : vector<16xi32> to vector<16xi32>
        tpu.vector_store %arg10[%swap3A_121], %swap3A_124 {strides = array<i32>} : memref<128xi32, #tpu.memory_space<vmem>>, vector<16xi32>,
        %get3A_125 = arith.constant 32 : index
        %get3A_126 = tpu.vector_load %arg8[%get3A_125] {strides = array<i32>} : memref<128xi32, #tpu.memory_space<vmem>>, vector<16xi32>,
        %get3A_127 = vector.shape_cast %get3A_126 : vector<16xi32> to vector<16xi32>
        %shift_right_logical3A_128 = arith.constant 14 : i32
        %shift_right_logical3A_129 = vector.broadcast %shift_right_logical3A_128 : i32 to vector<16xi32>
        %shift_right_logical3A_130 = arith.shrui %get3A_127, %shift_right_logical3A_129 : vector<16xi32>
        %swap3A_131 = arith.constant 32 : index
        %swap3A_132 = tpu.vector_load %arg9[%swap3A_131] {strides = array<i32>} : memref<128xi32, #tpu.memory_space<vmem>>, vector<16xi32>,
        %swap3A_133 = vector.shape_cast %swap3A_132 : vector<16xi32> to vector<16xi32>
        %swap3A_134 = vector.shape_cast %shift_right_logical3A_130 : vector<16xi32> to vector<16xi32>
        tpu.vector_store %arg9[%swap3A_131], %swap3A_134 {strides = array<i32>} : memref<128xi32, #tpu.memory_space<vmem>>, vector<16xi32>,
        %and3A_135 = arith.constant 16383 : i32
        %and3A_136 = vector.broadcast %and3A_135 : i32 to vector<16xi32>
        %and3A_137 = arith.andi %get3A_127, %and3A_136 : vector<16xi32>
        %swap3A_138 = arith.constant 32 : index
        %swap3A_139 = tpu.vector_load %arg10[%swap3A_138] {strides = array<i32>} : memref<128xi32, #tpu.memory_space<vmem>>, vector<16xi32>,
        %swap3A_140 = vector.shape_cast %swap3A_139 : vector<16xi32> to vector<16xi32>
        %swap3A_141 = vector.shape_cast %and3A_137 : vector<16xi32> to vector<16xi32>
        tpu.vector_store %arg10[%swap3A_138], %swap3A_141 {strides = array<i32>} : memref<128xi32, #tpu.memory_space<vmem>>, vector<16xi32>,
        %get3A_142 = arith.constant 48 : index
        %get3A_143 = tpu.vector_load %arg8[%get3A_142] {strides = array<i32>} : memref<128xi32, #tpu.memory_space<vmem>>, vector<16xi32>,
        %get3A_144 = vector.shape_cast %get3A_143 : vector<16xi32> to vector<16xi32>
        %shift_right_logical3A_145 = arith.constant 14 : i32
        %shift_right_logical3A_146 = vector.broadcast %shift_right_logical3A_145 : i32 to vector<16xi32>
        %shift_right_logical3A_147 = arith.shrui %get3A_144, %shift_right_logical3A_146 : vector<16xi32>
        %swap3A_148 = arith.constant 48 : index
        %swap3A_149 = tpu.vector_load %arg9[%swap3A_148] {strides = array<i32>} : memref<128xi32, #tpu.memory_space<vmem>>, vector<16xi32>,
        %swap3A_150 = vector.shape_cast %swap3A_149 : vector<16xi32> to vector<16xi32>
        %swap3A_151 = vector.shape_cast %shift_right_logical3A_147 : vector<16xi32> to vector<16xi32>
        tpu.vector_store %arg9[%swap3A_148], %swap3A_151 {strides = array<i32>} : memref<128xi32, #tpu.memory_space<vmem>>, vector<16xi32>,
        %and3A_152 = arith.constant 16383 : i32
        %and3A_153 = vector.broadcast %and3A_152 : i32 to vector<16xi32>
        %and3A_154 = arith.andi %get3A_144, %and3A_153 : vector<16xi32>
        %swap3A_155 = arith.constant 48 : index
        %swap3A_156 = tpu.vector_load %arg10[%swap3A_155] {strides = array<i32>} : memref<128xi32, #tpu.memory_space<vmem>>, vector<16xi32>,
        %swap3A_157 = vector.shape_cast %swap3A_156 : vector<16xi32> to vector<16xi32>
        %swap3A_158 = vector.shape_cast %and3A_154 : vector<16xi32> to vector<16xi32>
        tpu.vector_store %arg10[%swap3A_155], %swap3A_158 {strides = array<i32>} : memref<128xi32, #tpu.memory_space<vmem>>, vector<16xi32>,
        %get3A_159 = arith.constant 64 : index
        %get3A_160 = tpu.vector_load %arg8[%get3A_159] {strides = array<i32>} : memref<128xi32, #tpu.memory_space<vmem>>, vector<16xi32>,
        %get3A_161 = vector.shape_cast %get3A_160 : vector<16xi32> to vector<16xi32>
        %shift_right_logical3A_162 = arith.constant 14 : i32
        %shift_right_logical3A_163 = vector.broadcast %shift_right_logical3A_162 : i32 to vector<16xi32>
        %shift_right_logical3A_164 = arith.shrui %get3A_161, %shift_right_logical3A_163 : vector<16xi32>
        %swap3A_165 = arith.constant 64 : index
        %swap3A_166 = tpu.vector_load %arg9[%swap3A_165] {strides = array<i32>} : memref<128xi32, #tpu.memory_space<vmem>>, vector<16xi32>,
        %swap3A_167 = vector.shape_cast %swap3A_166 : vector<16xi32> to vector<16xi32>
        %swap3A_168 = vector.shape_cast %shift_right_logical3A_164 : vector<16xi32> to vector<16xi32>
        tpu.vector_store %arg9[%swap3A_165], %swap3A_168 {strides = array<i32>} : memref<128xi32, #tpu.memory_space<vmem>>, vector<16xi32>,
        %and3A_169 = arith.constant 16383 : i32
        %and3A_170 = vector.broadcast %and3A_169 : i32 to vector<16xi32>
        %and3A_171 = arith.andi %get3A_161, %and3A_170 : vector<16xi32>
        %swap3A_172 = arith.constant 64 : index
        %swap3A_173 = tpu.vector_load %arg10[%swap3A_172] {strides = array<i32>} : memref<128xi32, #tpu.memory_space<vmem>>, vector<16xi32>,
        %swap3A_174 = vector.shape_cast %swap3A_173 : vector<16xi32> to vector<16xi32>
        %swap3A_175 = vector.shape_cast %and3A_171 : vector<16xi32> to vector<16xi32>
        tpu.vector_store %arg10[%swap3A_172], %swap3A_175 {strides = array<i32>} : memref<128xi32, #tpu.memory_space<vmem>>, vector<16xi32>,
        %get3A_176 = arith.constant 80 : index
        %get3A_177 = tpu.vector_load %arg8[%get3A_176] {strides = array<i32>} : memref<128xi32, #tpu.memory_space<vmem>>, vector<16xi32>,
        %get3A_178 = vector.shape_cast %get3A_177 : vector<16xi32> to vector<16xi32>
        %shift_right_logical3A_179 = arith.constant 14 : i32
        %shift_right_logical3A_180 = vector.broadcast %shift_right_logical3A_179 : i32 to vector<16xi32>
        %shift_right_logical3A_181 = arith.shrui %get3A_178, %shift_right_logical3A_180 : vector<16xi32>
        %swap3A_182 = arith.constant 80 : index
        %swap3A_183 = tpu.vector_load %arg9[%swap3A_182] {strides = array<i32>} : memref<128xi32, #tpu.memory_space<vmem>>, vector<16xi32>,
        %swap3A_184 = vector.shape_cast %swap3A_183 : vector<16xi32> to vector<16xi32>
        %swap3A_185 = vector.shape_cast %shift_right_logical3A_181 : vector<16xi32> to vector<16xi32>
        tpu.vector_store %arg9[%swap3A_182], %swap3A_185 {strides = array<i32>} : memref<128xi32, #tpu.memory_space<vmem>>, vector<16xi32>,
        %and3A_186 = arith.constant 16383 : i32
        %and3A_187 = vector.broadcast %and3A_186 : i32 to vector<16xi32>
        %and3A_188 = arith.andi %get3A_178, %and3A_187 : vector<16xi32>
        %swap3A_189 = arith.constant 80 : index
        %swap3A_190 = tpu.vector_load %arg10[%swap3A_189] {strides = array<i32>} : memref<128xi32, #tpu.memory_space<vmem>>, vector<16xi32>,
        %swap3A_191 = vector.shape_cast %swap3A_190 : vector<16xi32> to vector<16xi32>
        %swap3A_192 = vector.shape_cast %and3A_188 : vector<16xi32> to vector<16xi32>
        tpu.vector_store %arg10[%swap3A_189], %swap3A_192 {strides = array<i32>} : memref<128xi32, #tpu.memory_space<vmem>>, vector<16xi32>,
        %get3A_193 = arith.constant 96 : index
        %get3A_194 = tpu.vector_load %arg8[%get3A_193] {strides = array<i32>} : memref<128xi32, #tpu.memory_space<vmem>>, vector<16xi32>,
        %get3A_195 = vector.shape_cast %get3A_194 : vector<16xi32> to vector<16xi32>
        %shift_right_logical3A_196 = arith.constant 14 : i32
        %shift_right_logical3A_197 = vector.broadcast %shift_right_logical3A_196 : i32 to vector<16xi32>
        %shift_right_logical3A_198 = arith.shrui %get3A_195, %shift_right_logical3A_197 : vector<16xi32>
        %swap3A_199 = arith.constant 96 : index
        %swap3A_200 = tpu.vector_load %arg9[%swap3A_199] {strides = array<i32>} : memref<128xi32, #tpu.memory_space<vmem>>, vector<16xi32>,
        %swap3A_201 = vector.shape_cast %swap3A_200 : vector<16xi32> to vector<16xi32>
        %swap3A_202 = vector.shape_cast %shift_right_logical3A_198 : vector<16xi32> to vector<16xi32>
        tpu.vector_store %arg9[%swap3A_199], %swap3A_202 {strides = array<i32>} : memref<128xi32, #tpu.memory_space<vmem>>, vector<16xi32>,
        %and3A_203 = arith.constant 16383 : i32
        %and3A_204 = vector.broadcast %and3A_203 : i32 to vector<16xi32>
        %and3A_205 = arith.andi %get3A_195, %and3A_204 : vector<16xi32>
        %swap3A_206 = arith.constant 96 : index
        %swap3A_207 = tpu.vector_load %arg10[%swap3A_206] {strides = array<i32>} : memref<128xi32, #tpu.memory_space<vmem>>, vector<16xi32>,
        %swap3A_208 = vector.shape_cast %swap3A_207 : vector<16xi32> to vector<16xi32>
        %swap3A_209 = vector.shape_cast %and3A_205 : vector<16xi32> to vector<16xi32>
        tpu.vector_store %arg10[%swap3A_206], %swap3A_209 {strides = array<i32>} : memref<128xi32, #tpu.memory_space<vmem>>, vector<16xi32>,
        %get3A_210 = arith.constant 112 : index
        %get3A_211 = tpu.vector_load %arg8[%get3A_210] {strides = array<i32>} : memref<128xi32, #tpu.memory_space<vmem>>, vector<16xi32>,
        %get3A_212 = vector.shape_cast %get3A_211 : vector<16xi32> to vector<16xi32>
        %shift_right_logical3A_213 = arith.constant 14 : i32
        %shift_right_logical3A_214 = vector.broadcast %shift_right_logical3A_213 : i32 to vector<16xi32>
        %shift_right_logical3A_215 = arith.shrui %get3A_212, %shift_right_logical3A_214 : vector<16xi32>
        %swap3A_216 = arith.constant 112 : index
        %swap3A_217 = tpu.vector_load %arg9[%swap3A_216] {strides = array<i32>} : memref<128xi32, #tpu.memory_space<vmem>>, vector<16xi32>,
        %swap3A_218 = vector.shape_cast %swap3A_217 : vector<16xi32> to vector<16xi32>
        %swap3A_219 = vector.shape_cast %shift_right_logical3A_215 : vector<16xi32> to vector<16xi32>
        tpu.vector_store %arg9[%swap3A_216], %swap3A_219 {strides = array<i32>} : memref<128xi32, #tpu.memory_space<vmem>>, vector<16xi32>,
        %and3A_220 = arith.constant 16383 : i32
        %and3A_221 = vector.broadcast %and3A_220 : i32 to vector<16xi32>
        %and3A_222 = arith.andi %get3A_212, %and3A_221 : vector<16xi32>
        %swap3A_223 = arith.constant 112 : index
        %swap3A_224 = tpu.vector_load %arg10[%swap3A_223] {strides = array<i32>} : memref<128xi32, #tpu.memory_space<vmem>>, vector<16xi32>,
        %swap3A_225 = vector.shape_cast %swap3A_224 : vector<16xi32> to vector<16xi32>
        %swap3A_226 = vector.shape_cast %and3A_222 : vector<16xi32> to vector<16xi32>
        tpu.vector_store %arg10[%swap3A_223], %swap3A_226 {strides = array<i32>} : memref<128xi32, #tpu.memory_space<vmem>>, vector<16xi32>,
        %dma_start3A = arith.constant 0 : i32
        %dma_start3A_227 = arith.constant 0 : i32
        %dma_start3A_228 = tpu.memref_slice %arg2[%dma_start3A, %dma_start3A_227] : memref<10000x128xf32, #tpu.memory_space<hbm>> -> memref<10000x128xf32, #tpu.memory_space<hbm>>
        tpu.enqueue_indirect_dma source(%dma_start3A_228 : memref<10000x128xf32, #tpu.memory_space<hbm>>) target(%arg11 : memref<128x128xf32, #tpu.memory_space<vmem>>) offsets(%arg9 : memref<128xi32, #tpu.memory_space<vmem>>) semaphore(%arg16 : memref<!tpu.dma_semaphore, #tpu.memory_space<semaphore_mem>>)
        %dma_start3A_229 = arith.constant 0 : i32
        %dma_start3A_230 = arith.constant 0 : i32
        %dma_start3A_231 = tpu.memref_slice %arg3[%dma_start3A_229, %dma_start3A_230] : memref<10240x128xf32, #tpu.memory_space<hbm>> -> memref<10240x128xf32, #tpu.memory_space<hbm>>
        tpu.enqueue_indirect_dma source(%dma_start3A_231 : memref<10240x128xf32, #tpu.memory_space<hbm>>) target(%arg12 : memref<128x128xf32, #tpu.memory_space<vmem>>) offsets(%arg9 : memref<128xi32, #tpu.memory_space<vmem>>) semaphore(%arg17 : memref<!tpu.dma_semaphore, #tpu.memory_space<semaphore_mem>>)
        %dma_wait3A = arith.constant 0 : i32
        %dma_wait3A_232 = arith.constant 0 : i32
        %dma_wait3A_233 = tpu.memref_slice %arg2[%dma_wait3A, %dma_wait3A_232] : memref<10000x128xf32, #tpu.memory_space<hbm>> -> memref<10000x128xf32, #tpu.memory_space<hbm>>
        tpu.wait_indirect_dma semaphore(%arg16 : memref<!tpu.dma_semaphore, #tpu.memory_space<semaphore_mem>>) src(%dma_wait3A_233 : memref<10000x128xf32, #tpu.memory_space<hbm>>) dst(%arg11 : memref<128x128xf32, #tpu.memory_space<vmem>>)
        "tpu.region"() ({
          %run_scoped3A = tpu.sem_alloc : memref<!tpu.dma_semaphore, #tpu.memory_space<semaphore_mem>>
          %dma_start3A_238 = arith.constant 0 : i32
          %dma_start3A_239 = arith.constant 0 : i32
          %dma_start3A_240 = tpu.memref_slice %arg14[%dma_start3A_238, %dma_start3A_239] : memref<4104x128xf32, #tpu.memory_space<vmem_shared>> -> memref<4104x128xf32, #tpu.memory_space<vmem_shared>>
          tpu.enqueue_indirect_dma source(%arg11 : memref<128x128xf32, #tpu.memory_space<vmem>>) target(%dma_start3A_240 : memref<4104x128xf32, #tpu.memory_space<vmem_shared>>) offsets(%arg10 : memref<128xi32, #tpu.memory_space<vmem>>) semaphore(%run_scoped3A : memref<!tpu.dma_semaphore, #tpu.memory_space<semaphore_mem>>) {add = true}
          %dma_wait3A_241 = arith.constant 0 : i32
          %dma_wait3A_242 = arith.constant 0 : i32
          %dma_wait3A_243 = tpu.memref_slice %arg14[%dma_wait3A_241, %dma_wait3A_242] : memref<4104x128xf32, #tpu.memory_space<vmem_shared>> -> memref<4104x128xf32, #tpu.memory_space<vmem_shared>>
          tpu.wait_indirect_dma semaphore(%run_scoped3A : memref<!tpu.dma_semaphore, #tpu.memory_space<semaphore_mem>>) src(%arg11 : memref<128x128xf32, #tpu.memory_space<vmem>>) dst(%dma_wait3A_243 : memref<4104x128xf32, #tpu.memory_space<vmem_shared>>)
          tpu.yield
        }) : () -> ()
        %dma_wait3A_234 = arith.constant 0 : i32
        %dma_wait3A_235 = arith.constant 0 : i32
        %dma_wait3A_236 = tpu.memref_slice %arg3[%dma_wait3A_234, %dma_wait3A_235] : memref<10240x128xf32, #tpu.memory_space<hbm>> -> memref<10240x128xf32, #tpu.memory_space<hbm>>
        tpu.wait_indirect_dma semaphore(%arg17 : memref<!tpu.dma_semaphore, #tpu.memory_space<semaphore_mem>>) src(%dma_wait3A_236 : memref<10240x128xf32, #tpu.memory_space<hbm>>) dst(%arg12 : memref<128x128xf32, #tpu.memory_space<vmem>>)
        "tpu.region"() ({
          %run_scoped3A = tpu.sem_alloc : memref<!tpu.dma_semaphore, #tpu.memory_space<semaphore_mem>>
          %dma_start3A_238 = arith.constant 0 : i32
          %dma_start3A_239 = arith.constant 0 : i32
          %dma_start3A_240 = tpu.memref_slice %arg15[%dma_start3A_238, %dma_start3A_239] : memref<4104x128xf32, #tpu.memory_space<vmem_shared>> -> memref<4104x128xf32, #tpu.memory_space<vmem_shared>>
          tpu.enqueue_indirect_dma source(%arg12 : memref<128x128xf32, #tpu.memory_space<vmem>>) target(%dma_start3A_240 : memref<4104x128xf32, #tpu.memory_space<vmem_shared>>) offsets(%arg10 : memref<128xi32, #tpu.memory_space<vmem>>) semaphore(%run_scoped3A : memref<!tpu.dma_semaphore, #tpu.memory_space<semaphore_mem>>) {add = true}
          %dma_wait3A_241 = arith.constant 0 : i32
          %dma_wait3A_242 = arith.constant 0 : i32
          %dma_wait3A_243 = tpu.memref_slice %arg15[%dma_wait3A_241, %dma_wait3A_242] : memref<4104x128xf32, #tpu.memory_space<vmem_shared>> -> memref<4104x128xf32, #tpu.memory_space<vmem_shared>>
          tpu.wait_indirect_dma semaphore(%run_scoped3A : memref<!tpu.dma_semaphore, #tpu.memory_space<semaphore_mem>>) src(%arg12 : memref<128x128xf32, #tpu.memory_space<vmem>>) dst(%dma_wait3A_243 : memref<4104x128xf32, #tpu.memory_space<vmem_shared>>)
          tpu.yield
        }) : () -> ()
        %while3A_237 = arith.constant 0 : i32
        scf.yield %while3A_237 : i32
      }
      %barrier3A_61 = arith.constant 0 : index
      tpu.barrier barrier_id(%barrier3A_61)
      %add3A_62 = arith.addi %mul3A_0, %scan3A_24 : i32
      %mul3A_63 = arith.constant 4096 : i32
      %mul3A_64 = arith.muli %add3A_62, %mul3A_63 : i32
      %add3A_65 = arith.addi %mul3A_64, %mul3A_2 : i32
      "tpu.region"() ({
        %run_scoped3A = tpu.sem_alloc : memref<!tpu.dma_semaphore, #tpu.memory_space<semaphore_mem>>
        %dma_start3A = arith.constant 0 : i32
        %dma_start3A_85 = tpu.memref_slice %arg6[%add3A_65, %dma_start3A] : memref<106496x128xf32, #tpu.memory_space<hbm>> -> memref<256x128xf32, #tpu.memory_space<hbm>>
        %dma_start3A_86 = arith.constant 0 : i32
        %dma_start3A_87 = tpu.memref_slice %arg14[%mul3A_2, %dma_start3A_86] : memref<4104x128xf32, #tpu.memory_space<vmem_shared>> -> memref<256x128xf32, #tpu.memory_space<vmem_shared>>
        tpu.enqueue_dma source(%dma_start3A_87 : memref<256x128xf32, #tpu.memory_space<vmem_shared>>) target(%dma_start3A_85 : memref<256x128xf32, #tpu.memory_space<hbm>>) target_semaphore(%run_scoped3A : memref<!tpu.dma_semaphore, #tpu.memory_space<semaphore_mem>>)
        %dma_wait3A = arith.constant 0 : i32
        %dma_wait3A_88 = tpu.memref_slice %arg6[%add3A_65, %dma_wait3A] : memref<106496x128xf32, #tpu.memory_space<hbm>> -> memref<256x128xf32, #tpu.memory_space<hbm>>
        %dma_wait3A_89 = arith.constant 0 : i32
        %dma_wait3A_90 = tpu.memref_slice %arg14[%mul3A_2, %dma_wait3A_89] : memref<4104x128xf32, #tpu.memory_space<vmem_shared>> -> memref<256x128xf32, #tpu.memory_space<vmem_shared>>
        tpu.wait_dma2 semaphore(%run_scoped3A : memref<!tpu.dma_semaphore, #tpu.memory_space<semaphore_mem>>) src(%dma_wait3A_90 : memref<256x128xf32, #tpu.memory_space<vmem_shared>>) dst(%dma_wait3A_88 : memref<256x128xf32, #tpu.memory_space<hbm>>)
        tpu.yield
      }) : () -> ()
      "tpu.region"() ({
        %run_scoped3A = tpu.sem_alloc : memref<!tpu.dma_semaphore, #tpu.memory_space<semaphore_mem>>
        %dma_start3A = arith.constant 0 : i32
        %dma_start3A_85 = tpu.memref_slice %arg7[%add3A_65, %dma_start3A] : memref<106496x128xf32, #tpu.memory_space<hbm>> -> memref<256x128xf32, #tpu.memory_space<hbm>>
        %dma_start3A_86 = arith.constant 0 : i32
        %dma_start3A_87 = tpu.memref_slice %arg15[%mul3A_2, %dma_start3A_86] : memref<4104x128xf32, #tpu.memory_space<vmem_shared>> -> memref<256x128xf32, #tpu.memory_space<vmem_shared>>
        tpu.enqueue_dma source(%dma_start3A_87 : memref<256x128xf32, #tpu.memory_space<vmem_shared>>) target(%dma_start3A_85 : memref<256x128xf32, #tpu.memory_space<hbm>>) target_semaphore(%run_scoped3A : memref<!tpu.dma_semaphore, #tpu.memory_space<semaphore_mem>>)
        %dma_wait3A = arith.constant 0 : i32
        %dma_wait3A_88 = tpu.memref_slice %arg7[%add3A_65, %dma_wait3A] : memref<106496x128xf32, #tpu.memory_space<hbm>> -> memref<256x128xf32, #tpu.memory_space<hbm>>
        %dma_wait3A_89 = arith.constant 0 : i32
        %dma_wait3A_90 = tpu.memref_slice %arg15[%mul3A_2, %dma_wait3A_89] : memref<4104x128xf32, #tpu.memory_space<vmem_shared>> -> memref<256x128xf32, #tpu.memory_space<vmem_shared>>
        tpu.wait_dma2 semaphore(%run_scoped3A : memref<!tpu.dma_semaphore, #tpu.memory_space<semaphore_mem>>) src(%dma_wait3A_90 : memref<256x128xf32, #tpu.memory_space<vmem_shared>>) dst(%dma_wait3A_88 : memref<256x128xf32, #tpu.memory_space<hbm>>)
        tpu.yield
      }) : () -> ()
      %broadcast_in_dim3A_66 = arith.constant 0.000000e+00 : f32
      %broadcast_in_dim3A_67 = vector.broadcast %broadcast_in_dim3A_66 : f32 to vector<16xf32>
      %scan3A_68 = arith.constant 0 : i32
      %scan3A_69 = arith.constant 0 : i32
      %scan3A_70 = arith.constant 128 : i32
      %scan3A_71 = arith.addi %scan3A_69, %scan3A_70 : i32
      %scan3A_72 = arith.constant 1 : i32
      %scan3A_73 = scf.for %scan3A_85 = %scan3A_69 to %scan3A_71 step %scan3A_72 iter_args(%scan3A_86 = %scan3A_68) -> (i32)  : i32 {
        %swap3A = arith.index_cast %scan3A_85 : i32 to index
        %swap3A_87 = arith.constant 0 : index
        %swap3A_88 = tpu.vector_load %arg11[%swap3A, %swap3A_87] {strides = array<i32>} : memref<128x128xf32, #tpu.memory_space<vmem>>, vector<1x16xf32>,
        %swap3A_89 = vector.shape_cast %swap3A_88 : vector<1x16xf32> to vector<16xf32>
        %swap3A_90 = vector.shape_cast %broadcast_in_dim3A_67 : vector<16xf32> to vector<1x16xf32>
        tpu.vector_store %arg11[%swap3A, %swap3A_87], %swap3A_90 {strides = array<i32>} : memref<128x128xf32, #tpu.memory_space<vmem>>, vector<1x16xf32>,
        %swap3A_91 = arith.index_cast %scan3A_85 : i32 to index
        %swap3A_92 = arith.constant 16 : index
        %swap3A_93 = tpu.vector_load %arg11[%swap3A_91, %swap3A_92] {strides = array<i32>} : memref<128x128xf32, #tpu.memory_space<vmem>>, vector<1x16xf32>,
        %swap3A_94 = vector.shape_cast %swap3A_93 : vector<1x16xf32> to vector<16xf32>
        %swap3A_95 = vector.shape_cast %broadcast_in_dim3A_67 : vector<16xf32> to vector<1x16xf32>
        tpu.vector_store %arg11[%swap3A_91, %swap3A_92], %swap3A_95 {strides = array<i32>} : memref<128x128xf32, #tpu.memory_space<vmem>>, vector<1x16xf32>,
        %swap3A_96 = arith.index_cast %scan3A_85 : i32 to index
        %swap3A_97 = arith.constant 32 : index
        %swap3A_98 = tpu.vector_load %arg11[%swap3A_96, %swap3A_97] {strides = array<i32>} : memref<128x128xf32, #tpu.memory_space<vmem>>, vector<1x16xf32>,
        %swap3A_99 = vector.shape_cast %swap3A_98 : vector<1x16xf32> to vector<16xf32>
        %swap3A_100 = vector.shape_cast %broadcast_in_dim3A_67 : vector<16xf32> to vector<1x16xf32>
        tpu.vector_store %arg11[%swap3A_96, %swap3A_97], %swap3A_100 {strides = array<i32>} : memref<128x128xf32, #tpu.memory_space<vmem>>, vector<1x16xf32>,
        %swap3A_101 = arith.index_cast %scan3A_85 : i32 to index
        %swap3A_102 = arith.constant 48 : index
        %swap3A_103 = tpu.vector_load %arg11[%swap3A_101, %swap3A_102] {strides = array<i32>} : memref<128x128xf32, #tpu.memory_space<vmem>>, vector<1x16xf32>,
        %swap3A_104 = vector.shape_cast %swap3A_103 : vector<1x16xf32> to vector<16xf32>
        %swap3A_105 = vector.shape_cast %broadcast_in_dim3A_67 : vector<16xf32> to vector<1x16xf32>
        tpu.vector_store %arg11[%swap3A_101, %swap3A_102], %swap3A_105 {strides = array<i32>} : memref<128x128xf32, #tpu.memory_space<vmem>>, vector<1x16xf32>,
        %swap3A_106 = arith.index_cast %scan3A_85 : i32 to index
        %swap3A_107 = arith.constant 64 : index
        %swap3A_108 = tpu.vector_load %arg11[%swap3A_106, %swap3A_107] {strides = array<i32>} : memref<128x128xf32, #tpu.memory_space<vmem>>, vector<1x16xf32>,
        %swap3A_109 = vector.shape_cast %swap3A_108 : vector<1x16xf32> to vector<16xf32>
        %swap3A_110 = vector.shape_cast %broadcast_in_dim3A_67 : vector<16xf32> to vector<1x16xf32>
        tpu.vector_store %arg11[%swap3A_106, %swap3A_107], %swap3A_110 {strides = array<i32>} : memref<128x128xf32, #tpu.memory_space<vmem>>, vector<1x16xf32>,
        %swap3A_111 = arith.index_cast %scan3A_85 : i32 to index
        %swap3A_112 = arith.constant 80 : index
        %swap3A_113 = tpu.vector_load %arg11[%swap3A_111, %swap3A_112] {strides = array<i32>} : memref<128x128xf32, #tpu.memory_space<vmem>>, vector<1x16xf32>,
        %swap3A_114 = vector.shape_cast %swap3A_113 : vector<1x16xf32> to vector<16xf32>
        %swap3A_115 = vector.shape_cast %broadcast_in_dim3A_67 : vector<16xf32> to vector<1x16xf32>
        tpu.vector_store %arg11[%swap3A_111, %swap3A_112], %swap3A_115 {strides = array<i32>} : memref<128x128xf32, #tpu.memory_space<vmem>>, vector<1x16xf32>,
        %swap3A_116 = arith.index_cast %scan3A_85 : i32 to index
        %swap3A_117 = arith.constant 96 : index
        %swap3A_118 = tpu.vector_load %arg11[%swap3A_116, %swap3A_117] {strides = array<i32>} : memref<128x128xf32, #tpu.memory_space<vmem>>, vector<1x16xf32>,
        %swap3A_119 = vector.shape_cast %swap3A_118 : vector<1x16xf32> to vector<16xf32>
        %swap3A_120 = vector.shape_cast %broadcast_in_dim3A_67 : vector<16xf32> to vector<1x16xf32>
        tpu.vector_store %arg11[%swap3A_116, %swap3A_117], %swap3A_120 {strides = array<i32>} : memref<128x128xf32, #tpu.memory_space<vmem>>, vector<1x16xf32>,
        %swap3A_121 = arith.index_cast %scan3A_85 : i32 to index
        %swap3A_122 = arith.constant 112 : index
        %swap3A_123 = tpu.vector_load %arg11[%swap3A_121, %swap3A_122] {strides = array<i32>} : memref<128x128xf32, #tpu.memory_space<vmem>>, vector<1x16xf32>,
        %swap3A_124 = vector.shape_cast %swap3A_123 : vector<1x16xf32> to vector<16xf32>
        %swap3A_125 = vector.shape_cast %broadcast_in_dim3A_67 : vector<16xf32> to vector<1x16xf32>
        tpu.vector_store %arg11[%swap3A_121, %swap3A_122], %swap3A_125 {strides = array<i32>} : memref<128x128xf32, #tpu.memory_space<vmem>>, vector<1x16xf32>,
        %scan3A_126 = arith.constant 0 : i32
        scf.yield %scan3A_126 : i32
      }
      %scan3A_74 = arith.constant 128 : i32
      %add3A_75 = arith.constant 0 : i32
      %add3A_76 = arith.addi %mul3A_2, %add3A_75 : i32
      "tpu.region"() ({
        %run_scoped3A = tpu.sem_alloc : memref<!tpu.dma_semaphore, #tpu.memory_space<semaphore_mem>>
        %dma_start3A = arith.constant 0 : i32
        %dma_start3A_85 = tpu.memref_slice %arg14[%add3A_76, %dma_start3A] : memref<4104x128xf32, #tpu.memory_space<vmem_shared>> -> memref<128x128xf32, #tpu.memory_space<vmem_shared>>
        %dma_start3A_86 = arith.constant 0 : i32
        %dma_start3A_87 = tpu.memref_slice %arg14[%add3A_76, %dma_start3A_86] : memref<4104x128xf32, #tpu.memory_space<vmem_shared>> -> memref<128x128xf32, #tpu.memory_space<vmem_shared>>
        tpu.enqueue_dma source(%arg11 : memref<128x128xf32, #tpu.memory_space<vmem>>) target(%dma_start3A_87 : memref<128x128xf32, #tpu.memory_space<vmem_shared>>) target_semaphore(%run_scoped3A : memref<!tpu.dma_semaphore, #tpu.memory_space<semaphore_mem>>)
        %dma_wait3A = arith.constant 0 : i32
        %dma_wait3A_88 = tpu.memref_slice %arg14[%add3A_76, %dma_wait3A] : memref<4104x128xf32, #tpu.memory_space<vmem_shared>> -> memref<128x128xf32, #tpu.memory_space<vmem_shared>>
        %dma_wait3A_89 = arith.constant 0 : i32
        %dma_wait3A_90 = tpu.memref_slice %arg14[%add3A_76, %dma_wait3A_89] : memref<4104x128xf32, #tpu.memory_space<vmem_shared>> -> memref<128x128xf32, #tpu.memory_space<vmem_shared>>
        tpu.wait_dma2 semaphore(%run_scoped3A : memref<!tpu.dma_semaphore, #tpu.memory_space<semaphore_mem>>) src(%arg11 : memref<128x128xf32, #tpu.memory_space<vmem>>) dst(%dma_wait3A_90 : memref<128x128xf32, #tpu.memory_space<vmem_shared>>)
        tpu.yield
      }) : () -> ()
      %add3A_77 = arith.constant 0 : i32
      %add3A_78 = arith.addi %mul3A_2, %add3A_77 : i32
      "tpu.region"() ({
        %run_scoped3A = tpu.sem_alloc : memref<!tpu.dma_semaphore, #tpu.memory_space<semaphore_mem>>
        %dma_start3A = arith.constant 0 : i32
        %dma_start3A_85 = tpu.memref_slice %arg15[%add3A_78, %dma_start3A] : memref<4104x128xf32, #tpu.memory_space<vmem_shared>> -> memref<128x128xf32, #tpu.memory_space<vmem_shared>>
        %dma_start3A_86 = arith.constant 0 : i32
        %dma_start3A_87 = tpu.memref_slice %arg15[%add3A_78, %dma_start3A_86] : memref<4104x128xf32, #tpu.memory_space<vmem_shared>> -> memref<128x128xf32, #tpu.memory_space<vmem_shared>>
        tpu.enqueue_dma source(%arg11 : memref<128x128xf32, #tpu.memory_space<vmem>>) target(%dma_start3A_87 : memref<128x128xf32, #tpu.memory_space<vmem_shared>>) target_semaphore(%run_scoped3A : memref<!tpu.dma_semaphore, #tpu.memory_space<semaphore_mem>>)
        %dma_wait3A = arith.constant 0 : i32
        %dma_wait3A_88 = tpu.memref_slice %arg15[%add3A_78, %dma_wait3A] : memref<4104x128xf32, #tpu.memory_space<vmem_shared>> -> memref<128x128xf32, #tpu.memory_space<vmem_shared>>
        %dma_wait3A_89 = arith.constant 0 : i32
        %dma_wait3A_90 = tpu.memref_slice %arg15[%add3A_78, %dma_wait3A_89] : memref<4104x128xf32, #tpu.memory_space<vmem_shared>> -> memref<128x128xf32, #tpu.memory_space<vmem_shared>>
        tpu.wait_dma2 semaphore(%run_scoped3A : memref<!tpu.dma_semaphore, #tpu.memory_space<semaphore_mem>>) src(%arg11 : memref<128x128xf32, #tpu.memory_space<vmem>>) dst(%dma_wait3A_90 : memref<128x128xf32, #tpu.memory_space<vmem_shared>>)
        tpu.yield
      }) : () -> ()
      %add3A_79 = arith.constant 128 : i32
      %add3A_80 = arith.addi %mul3A_2, %add3A_79 : i32
      "tpu.region"() ({
        %run_scoped3A = tpu.sem_alloc : memref<!tpu.dma_semaphore, #tpu.memory_space<semaphore_mem>>
        %dma_start3A = arith.constant 0 : i32
        %dma_start3A_85 = tpu.memref_slice %arg14[%add3A_80, %dma_start3A] : memref<4104x128xf32, #tpu.memory_space<vmem_shared>> -> memref<128x128xf32, #tpu.memory_space<vmem_shared>>
        %dma_start3A_86 = arith.constant 0 : i32
        %dma_start3A_87 = tpu.memref_slice %arg14[%add3A_80, %dma_start3A_86] : memref<4104x128xf32, #tpu.memory_space<vmem_shared>> -> memref<128x128xf32, #tpu.memory_space<vmem_shared>>
        tpu.enqueue_dma source(%arg11 : memref<128x128xf32, #tpu.memory_space<vmem>>) target(%dma_start3A_87 : memref<128x128xf32, #tpu.memory_space<vmem_shared>>) target_semaphore(%run_scoped3A : memref<!tpu.dma_semaphore, #tpu.memory_space<semaphore_mem>>)
        %dma_wait3A = arith.constant 0 : i32
        %dma_wait3A_88 = tpu.memref_slice %arg14[%add3A_80, %dma_wait3A] : memref<4104x128xf32, #tpu.memory_space<vmem_shared>> -> memref<128x128xf32, #tpu.memory_space<vmem_shared>>
        %dma_wait3A_89 = arith.constant 0 : i32
        %dma_wait3A_90 = tpu.memref_slice %arg14[%add3A_80, %dma_wait3A_89] : memref<4104x128xf32, #tpu.memory_space<vmem_shared>> -> memref<128x128xf32, #tpu.memory_space<vmem_shared>>
        tpu.wait_dma2 semaphore(%run_scoped3A : memref<!tpu.dma_semaphore, #tpu.memory_space<semaphore_mem>>) src(%arg11 : memref<128x128xf32, #tpu.memory_space<vmem>>) dst(%dma_wait3A_90 : memref<128x128xf32, #tpu.memory_space<vmem_shared>>)
        tpu.yield
      }) : () -> ()
      %add3A_81 = arith.constant 128 : i32
      %add3A_82 = arith.addi %mul3A_2, %add3A_81 : i32
      "tpu.region"() ({
        %run_scoped3A = tpu.sem_alloc : memref<!tpu.dma_semaphore, #tpu.memory_space<semaphore_mem>>
        %dma_start3A = arith.constant 0 : i32
        %dma_start3A_85 = tpu.memref_slice %arg15[%add3A_82, %dma_start3A] : memref<4104x128xf32, #tpu.memory_space<vmem_shared>> -> memref<128x128xf32, #tpu.memory_space<vmem_shared>>
        %dma_start3A_86 = arith.constant 0 : i32
        %dma_start3A_87 = tpu.memref_slice %arg15[%add3A_82, %dma_start3A_86] : memref<4104x128xf32, #tpu.memory_space<vmem_shared>> -> memref<128x128xf32, #tpu.memory_space<vmem_shared>>
        tpu.enqueue_dma source(%arg11 : memref<128x128xf32, #tpu.memory_space<vmem>>) target(%dma_start3A_87 : memref<128x128xf32, #tpu.memory_space<vmem_shared>>) target_semaphore(%run_scoped3A : memref<!tpu.dma_semaphore, #tpu.memory_space<semaphore_mem>>)
        %dma_wait3A = arith.constant 0 : i32
        %dma_wait3A_88 = tpu.memref_slice %arg15[%add3A_82, %dma_wait3A] : memref<4104x128xf32, #tpu.memory_space<vmem_shared>> -> memref<128x128xf32, #tpu.memory_space<vmem_shared>>
        %dma_wait3A_89 = arith.constant 0 : i32
        %dma_wait3A_90 = tpu.memref_slice %arg15[%add3A_82, %dma_wait3A_89] : memref<4104x128xf32, #tpu.memory_space<vmem_shared>> -> memref<128x128xf32, #tpu.memory_space<vmem_shared>>
        tpu.wait_dma2 semaphore(%run_scoped3A : memref<!tpu.dma_semaphore, #tpu.memory_space<semaphore_mem>>) src(%arg11 : memref<128x128xf32, #tpu.memory_space<vmem>>) dst(%dma_wait3A_90 : memref<128x128xf32, #tpu.memory_space<vmem_shared>>)
        tpu.yield
      }) : () -> ()
      %barrier3A_83 = arith.constant 0 : index
      tpu.barrier barrier_id(%barrier3A_83)
      %scan3A_84 = arith.constant 0 : i32
      scf.yield %scan3A_84 : i32
    }
    %scan3A_23 = arith.constant 13 : i32
    return
  }
}

#map = affine_map<(d0, d1) -> (0, 0)>
#map1 = affine_map<(d0, d1) -> (0)>
module attributes {stable_mosaic.version = 14 : i64} {
  func.func @body(%arg0: i32, %arg1: i32, %arg2: memref<106496x128xf32, #tpu.memory_space<hbm>>, %arg3: memref<10240x128xf32, #tpu.memory_space<hbm>>, %arg4: memref<131072xi32, #tpu.memory_space<hbm>>, %arg5: memref<131072xi32, #tpu.memory_space<hbm>>, %arg6: memref<131072x128xf32, #tpu.memory_space<hbm>>, %arg7: memref<131072x128xf32, #tpu.memory_space<hbm>>, %arg8: memref<2048xi32, #tpu.memory_space<vmem>>, %arg9: memref<2048xi32, #tpu.memory_space<vmem>>, %arg10: memref<128xi32, #tpu.memory_space<vmem>>, %arg11: memref<128xi32, #tpu.memory_space<vmem>>, %arg12: memref<128x128xf32, #tpu.memory_space<vmem>>, %arg13: memref<128x128xf32, #tpu.memory_space<vmem>>, %arg14: memref<!tpu.dma_semaphore, #tpu.memory_space<semaphore_mem>>, %arg15: memref<!tpu.dma_semaphore, #tpu.memory_space<semaphore_mem>>) attributes {dimension_semantics = [#tpu.dimension_semantics<core_parallel>, #tpu.dimension_semantics<subcore_parallel>], iteration_bounds = array<i64: 2, 16>, scalar_prefetch = 0 : i64, scratch_operands = 8 : i64, tpu.core_type = #tpu.core_type<sc_vector_subcore>, window_params = [{transform_indices = #map}, {transform_indices = #map}, {transform_indices = #map1}, {transform_indices = #map1}, {transform_indices = #map}, {transform_indices = #map}]} {
    %mul3A = arith.constant 2 : i32
    %mul3A_0 = arith.muli %arg1, %mul3A : i32
    %add3A = arith.addi %mul3A_0, %arg0 : i32
    %scan3A = arith.constant 0 : i32
    %scan3A_1 = arith.constant 0 : i32
    %scan3A_2 = arith.constant 2 : i32
    %scan3A_3 = arith.addi %scan3A_1, %scan3A_2 : i32
    %scan3A_4 = arith.constant 1 : i32
    %scan3A_5 = scf.for %scan3A_7 = %scan3A_1 to %scan3A_3 step %scan3A_4 iter_args(%scan3A_8 = %scan3A) -> (i32)  : i32 {
      %mul3A_9 = arith.constant 32 : i32
      %mul3A_10 = arith.muli %mul3A_9, %scan3A_7 : i32
      %add3A_11 = arith.addi %add3A, %mul3A_10 : i32
      %mul3A_12 = arith.constant 2048 : i32
      %mul3A_13 = arith.muli %add3A_11, %mul3A_12 : i32
      "tpu.region"() ({
        %run_scoped3A = tpu.sem_alloc : memref<!tpu.dma_semaphore, #tpu.memory_space<semaphore_mem>>
        %dma_start3A = tpu.memref_slice %arg4[%mul3A_13] : memref<131072xi32, #tpu.memory_space<hbm>> -> memref<2048xi32, #tpu.memory_space<hbm>>
        %dma_start3A_22 = tpu.memref_slice %arg4[%mul3A_13] : memref<131072xi32, #tpu.memory_space<hbm>> -> memref<2048xi32, #tpu.memory_space<hbm>>
        tpu.enqueue_dma source(%dma_start3A_22 : memref<2048xi32, #tpu.memory_space<hbm>>) target(%arg8 : memref<2048xi32, #tpu.memory_space<vmem>>) target_semaphore(%run_scoped3A : memref<!tpu.dma_semaphore, #tpu.memory_space<semaphore_mem>>)
        %dma_wait3A = tpu.memref_slice %arg4[%mul3A_13] : memref<131072xi32, #tpu.memory_space<hbm>> -> memref<2048xi32, #tpu.memory_space<hbm>>
        %dma_wait3A_23 = tpu.memref_slice %arg4[%mul3A_13] : memref<131072xi32, #tpu.memory_space<hbm>> -> memref<2048xi32, #tpu.memory_space<hbm>>
        tpu.wait_dma2 semaphore(%run_scoped3A : memref<!tpu.dma_semaphore, #tpu.memory_space<semaphore_mem>>) src(%dma_wait3A_23 : memref<2048xi32, #tpu.memory_space<hbm>>) dst(%arg8 : memref<2048xi32, #tpu.memory_space<vmem>>)
        tpu.yield
      }) : () -> ()
      "tpu.region"() ({
        %run_scoped3A = tpu.sem_alloc : memref<!tpu.dma_semaphore, #tpu.memory_space<semaphore_mem>>
        %dma_start3A = tpu.memref_slice %arg5[%mul3A_13] : memref<131072xi32, #tpu.memory_space<hbm>> -> memref<2048xi32, #tpu.memory_space<hbm>>
        %dma_start3A_22 = tpu.memref_slice %arg5[%mul3A_13] : memref<131072xi32, #tpu.memory_space<hbm>> -> memref<2048xi32, #tpu.memory_space<hbm>>
        tpu.enqueue_dma source(%dma_start3A_22 : memref<2048xi32, #tpu.memory_space<hbm>>) target(%arg9 : memref<2048xi32, #tpu.memory_space<vmem>>) target_semaphore(%run_scoped3A : memref<!tpu.dma_semaphore, #tpu.memory_space<semaphore_mem>>)
        %dma_wait3A = tpu.memref_slice %arg5[%mul3A_13] : memref<131072xi32, #tpu.memory_space<hbm>> -> memref<2048xi32, #tpu.memory_space<hbm>>
        %dma_wait3A_23 = tpu.memref_slice %arg5[%mul3A_13] : memref<131072xi32, #tpu.memory_space<hbm>> -> memref<2048xi32, #tpu.memory_space<hbm>>
        tpu.wait_dma2 semaphore(%run_scoped3A : memref<!tpu.dma_semaphore, #tpu.memory_space<semaphore_mem>>) src(%dma_wait3A_23 : memref<2048xi32, #tpu.memory_space<hbm>>) dst(%arg9 : memref<2048xi32, #tpu.memory_space<vmem>>)
        tpu.yield
      }) : () -> ()
      %scan3A_14 = arith.constant 0 : i32
      %scan3A_15 = arith.constant 0 : i32
      %scan3A_16 = arith.constant 16 : i32
      %scan3A_17 = arith.addi %scan3A_15, %scan3A_16 : i32
      %scan3A_18 = arith.constant 1 : i32
      %scan3A_19 = scf.for %scan3A_22 = %scan3A_15 to %scan3A_17 step %scan3A_18 iter_args(%scan3A_23 = %scan3A_14) -> (i32)  : i32 {
        %mul3A_24 = arith.constant 128 : i32
        %mul3A_25 = arith.muli %scan3A_22, %mul3A_24 : i32
        %add3A_26 = arith.constant 0 : i32
        %add3A_27 = arith.addi %mul3A_25, %add3A_26 : i32
        %get3A = arith.index_cast %add3A_27 : i32 to index
        %get3A_28 = tpu.vector_load %arg8[%get3A] {strides = array<i32>} : memref<2048xi32, #tpu.memory_space<vmem>>, vector<16xi32>,
        %get3A_29 = vector.shape_cast %get3A_28 : vector<16xi32> to vector<16xi32>
        %swap3A = arith.constant 0 : index
        %swap3A_30 = tpu.vector_load %arg10[%swap3A] {strides = array<i32>} : memref<128xi32, #tpu.memory_space<vmem>>, vector<16xi32>,
        %swap3A_31 = vector.shape_cast %swap3A_30 : vector<16xi32> to vector<16xi32>
        %swap3A_32 = vector.shape_cast %get3A_29 : vector<16xi32> to vector<16xi32>
        tpu.vector_store %arg10[%swap3A], %swap3A_32 {strides = array<i32>} : memref<128xi32, #tpu.memory_space<vmem>>, vector<16xi32>,
        %add3A_33 = arith.constant 16 : i32
        %add3A_34 = arith.addi %mul3A_25, %add3A_33 : i32
        %get3A_35 = arith.index_cast %add3A_34 : i32 to index
        %get3A_36 = tpu.vector_load %arg8[%get3A_35] {strides = array<i32>} : memref<2048xi32, #tpu.memory_space<vmem>>, vector<16xi32>,
        %get3A_37 = vector.shape_cast %get3A_36 : vector<16xi32> to vector<16xi32>
        %swap3A_38 = arith.constant 16 : index
        %swap3A_39 = tpu.vector_load %arg10[%swap3A_38] {strides = array<i32>} : memref<128xi32, #tpu.memory_space<vmem>>, vector<16xi32>,
        %swap3A_40 = vector.shape_cast %swap3A_39 : vector<16xi32> to vector<16xi32>
        %swap3A_41 = vector.shape_cast %get3A_37 : vector<16xi32> to vector<16xi32>
        tpu.vector_store %arg10[%swap3A_38], %swap3A_41 {strides = array<i32>} : memref<128xi32, #tpu.memory_space<vmem>>, vector<16xi32>,
        %add3A_42 = arith.constant 32 : i32
        %add3A_43 = arith.addi %mul3A_25, %add3A_42 : i32
        %get3A_44 = arith.index_cast %add3A_43 : i32 to index
        %get3A_45 = tpu.vector_load %arg8[%get3A_44] {strides = array<i32>} : memref<2048xi32, #tpu.memory_space<vmem>>, vector<16xi32>,
        %get3A_46 = vector.shape_cast %get3A_45 : vector<16xi32> to vector<16xi32>
        %swap3A_47 = arith.constant 32 : index
        %swap3A_48 = tpu.vector_load %arg10[%swap3A_47] {strides = array<i32>} : memref<128xi32, #tpu.memory_space<vmem>>, vector<16xi32>,
        %swap3A_49 = vector.shape_cast %swap3A_48 : vector<16xi32> to vector<16xi32>
        %swap3A_50 = vector.shape_cast %get3A_46 : vector<16xi32> to vector<16xi32>
        tpu.vector_store %arg10[%swap3A_47], %swap3A_50 {strides = array<i32>} : memref<128xi32, #tpu.memory_space<vmem>>, vector<16xi32>,
        %add3A_51 = arith.constant 48 : i32
        %add3A_52 = arith.addi %mul3A_25, %add3A_51 : i32
        %get3A_53 = arith.index_cast %add3A_52 : i32 to index
        %get3A_54 = tpu.vector_load %arg8[%get3A_53] {strides = array<i32>} : memref<2048xi32, #tpu.memory_space<vmem>>, vector<16xi32>,
        %get3A_55 = vector.shape_cast %get3A_54 : vector<16xi32> to vector<16xi32>
        %swap3A_56 = arith.constant 48 : index
        %swap3A_57 = tpu.vector_load %arg10[%swap3A_56] {strides = array<i32>} : memref<128xi32, #tpu.memory_space<vmem>>, vector<16xi32>,
        %swap3A_58 = vector.shape_cast %swap3A_57 : vector<16xi32> to vector<16xi32>
        %swap3A_59 = vector.shape_cast %get3A_55 : vector<16xi32> to vector<16xi32>
        tpu.vector_store %arg10[%swap3A_56], %swap3A_59 {strides = array<i32>} : memref<128xi32, #tpu.memory_space<vmem>>, vector<16xi32>,
        %add3A_60 = arith.constant 64 : i32
        %add3A_61 = arith.addi %mul3A_25, %add3A_60 : i32
        %get3A_62 = arith.index_cast %add3A_61 : i32 to index
        %get3A_63 = tpu.vector_load %arg8[%get3A_62] {strides = array<i32>} : memref<2048xi32, #tpu.memory_space<vmem>>, vector<16xi32>,
        %get3A_64 = vector.shape_cast %get3A_63 : vector<16xi32> to vector<16xi32>
        %swap3A_65 = arith.constant 64 : index
        %swap3A_66 = tpu.vector_load %arg10[%swap3A_65] {strides = array<i32>} : memref<128xi32, #tpu.memory_space<vmem>>, vector<16xi32>,
        %swap3A_67 = vector.shape_cast %swap3A_66 : vector<16xi32> to vector<16xi32>
        %swap3A_68 = vector.shape_cast %get3A_64 : vector<16xi32> to vector<16xi32>
        tpu.vector_store %arg10[%swap3A_65], %swap3A_68 {strides = array<i32>} : memref<128xi32, #tpu.memory_space<vmem>>, vector<16xi32>,
        %add3A_69 = arith.constant 80 : i32
        %add3A_70 = arith.addi %mul3A_25, %add3A_69 : i32
        %get3A_71 = arith.index_cast %add3A_70 : i32 to index
        %get3A_72 = tpu.vector_load %arg8[%get3A_71] {strides = array<i32>} : memref<2048xi32, #tpu.memory_space<vmem>>, vector<16xi32>,
        %get3A_73 = vector.shape_cast %get3A_72 : vector<16xi32> to vector<16xi32>
        %swap3A_74 = arith.constant 80 : index
        %swap3A_75 = tpu.vector_load %arg10[%swap3A_74] {strides = array<i32>} : memref<128xi32, #tpu.memory_space<vmem>>, vector<16xi32>,
        %swap3A_76 = vector.shape_cast %swap3A_75 : vector<16xi32> to vector<16xi32>
        %swap3A_77 = vector.shape_cast %get3A_73 : vector<16xi32> to vector<16xi32>
        tpu.vector_store %arg10[%swap3A_74], %swap3A_77 {strides = array<i32>} : memref<128xi32, #tpu.memory_space<vmem>>, vector<16xi32>,
        %add3A_78 = arith.constant 96 : i32
        %add3A_79 = arith.addi %mul3A_25, %add3A_78 : i32
        %get3A_80 = arith.index_cast %add3A_79 : i32 to index
        %get3A_81 = tpu.vector_load %arg8[%get3A_80] {strides = array<i32>} : memref<2048xi32, #tpu.memory_space<vmem>>, vector<16xi32>,
        %get3A_82 = vector.shape_cast %get3A_81 : vector<16xi32> to vector<16xi32>
        %swap3A_83 = arith.constant 96 : index
        %swap3A_84 = tpu.vector_load %arg10[%swap3A_83] {strides = array<i32>} : memref<128xi32, #tpu.memory_space<vmem>>, vector<16xi32>,
        %swap3A_85 = vector.shape_cast %swap3A_84 : vector<16xi32> to vector<16xi32>
        %swap3A_86 = vector.shape_cast %get3A_82 : vector<16xi32> to vector<16xi32>
        tpu.vector_store %arg10[%swap3A_83], %swap3A_86 {strides = array<i32>} : memref<128xi32, #tpu.memory_space<vmem>>, vector<16xi32>,
        %add3A_87 = arith.constant 112 : i32
        %add3A_88 = arith.addi %mul3A_25, %add3A_87 : i32
        %get3A_89 = arith.index_cast %add3A_88 : i32 to index
        %get3A_90 = tpu.vector_load %arg8[%get3A_89] {strides = array<i32>} : memref<2048xi32, #tpu.memory_space<vmem>>, vector<16xi32>,
        %get3A_91 = vector.shape_cast %get3A_90 : vector<16xi32> to vector<16xi32>
        %swap3A_92 = arith.constant 112 : index
        %swap3A_93 = tpu.vector_load %arg10[%swap3A_92] {strides = array<i32>} : memref<128xi32, #tpu.memory_space<vmem>>, vector<16xi32>,
        %swap3A_94 = vector.shape_cast %swap3A_93 : vector<16xi32> to vector<16xi32>
        %swap3A_95 = vector.shape_cast %get3A_91 : vector<16xi32> to vector<16xi32>
        tpu.vector_store %arg10[%swap3A_92], %swap3A_95 {strides = array<i32>} : memref<128xi32, #tpu.memory_space<vmem>>, vector<16xi32>,
        %mul3A_96 = arith.constant 128 : i32
        %mul3A_97 = arith.muli %scan3A_22, %mul3A_96 : i32
        %add3A_98 = arith.constant 0 : i32
        %add3A_99 = arith.addi %mul3A_97, %add3A_98 : i32
        %get3A_100 = arith.index_cast %add3A_99 : i32 to index
        %get3A_101 = tpu.vector_load %arg9[%get3A_100] {strides = array<i32>} : memref<2048xi32, #tpu.memory_space<vmem>>, vector<16xi32>,
        %get3A_102 = vector.shape_cast %get3A_101 : vector<16xi32> to vector<16xi32>
        %swap3A_103 = arith.constant 0 : index
        %swap3A_104 = tpu.vector_load %arg11[%swap3A_103] {strides = array<i32>} : memref<128xi32, #tpu.memory_space<vmem>>, vector<16xi32>,
        %swap3A_105 = vector.shape_cast %swap3A_104 : vector<16xi32> to vector<16xi32>
        %swap3A_106 = vector.shape_cast %get3A_102 : vector<16xi32> to vector<16xi32>
        tpu.vector_store %arg11[%swap3A_103], %swap3A_106 {strides = array<i32>} : memref<128xi32, #tpu.memory_space<vmem>>, vector<16xi32>,
        %add3A_107 = arith.constant 16 : i32
        %add3A_108 = arith.addi %mul3A_97, %add3A_107 : i32
        %get3A_109 = arith.index_cast %add3A_108 : i32 to index
        %get3A_110 = tpu.vector_load %arg9[%get3A_109] {strides = array<i32>} : memref<2048xi32, #tpu.memory_space<vmem>>, vector<16xi32>,
        %get3A_111 = vector.shape_cast %get3A_110 : vector<16xi32> to vector<16xi32>
        %swap3A_112 = arith.constant 16 : index
        %swap3A_113 = tpu.vector_load %arg11[%swap3A_112] {strides = array<i32>} : memref<128xi32, #tpu.memory_space<vmem>>, vector<16xi32>,
        %swap3A_114 = vector.shape_cast %swap3A_113 : vector<16xi32> to vector<16xi32>
        %swap3A_115 = vector.shape_cast %get3A_111 : vector<16xi32> to vector<16xi32>
        tpu.vector_store %arg11[%swap3A_112], %swap3A_115 {strides = array<i32>} : memref<128xi32, #tpu.memory_space<vmem>>, vector<16xi32>,
        %add3A_116 = arith.constant 32 : i32
        %add3A_117 = arith.addi %mul3A_97, %add3A_116 : i32
        %get3A_118 = arith.index_cast %add3A_117 : i32 to index
        %get3A_119 = tpu.vector_load %arg9[%get3A_118] {strides = array<i32>} : memref<2048xi32, #tpu.memory_space<vmem>>, vector<16xi32>,
        %get3A_120 = vector.shape_cast %get3A_119 : vector<16xi32> to vector<16xi32>
        %swap3A_121 = arith.constant 32 : index
        %swap3A_122 = tpu.vector_load %arg11[%swap3A_121] {strides = array<i32>} : memref<128xi32, #tpu.memory_space<vmem>>, vector<16xi32>,
        %swap3A_123 = vector.shape_cast %swap3A_122 : vector<16xi32> to vector<16xi32>
        %swap3A_124 = vector.shape_cast %get3A_120 : vector<16xi32> to vector<16xi32>
        tpu.vector_store %arg11[%swap3A_121], %swap3A_124 {strides = array<i32>} : memref<128xi32, #tpu.memory_space<vmem>>, vector<16xi32>,
        %add3A_125 = arith.constant 48 : i32
        %add3A_126 = arith.addi %mul3A_97, %add3A_125 : i32
        %get3A_127 = arith.index_cast %add3A_126 : i32 to index
        %get3A_128 = tpu.vector_load %arg9[%get3A_127] {strides = array<i32>} : memref<2048xi32, #tpu.memory_space<vmem>>, vector<16xi32>,
        %get3A_129 = vector.shape_cast %get3A_128 : vector<16xi32> to vector<16xi32>
        %swap3A_130 = arith.constant 48 : index
        %swap3A_131 = tpu.vector_load %arg11[%swap3A_130] {strides = array<i32>} : memref<128xi32, #tpu.memory_space<vmem>>, vector<16xi32>,
        %swap3A_132 = vector.shape_cast %swap3A_131 : vector<16xi32> to vector<16xi32>
        %swap3A_133 = vector.shape_cast %get3A_129 : vector<16xi32> to vector<16xi32>
        tpu.vector_store %arg11[%swap3A_130], %swap3A_133 {strides = array<i32>} : memref<128xi32, #tpu.memory_space<vmem>>, vector<16xi32>,
        %add3A_134 = arith.constant 64 : i32
        %add3A_135 = arith.addi %mul3A_97, %add3A_134 : i32
        %get3A_136 = arith.index_cast %add3A_135 : i32 to index
        %get3A_137 = tpu.vector_load %arg9[%get3A_136] {strides = array<i32>} : memref<2048xi32, #tpu.memory_space<vmem>>, vector<16xi32>,
        %get3A_138 = vector.shape_cast %get3A_137 : vector<16xi32> to vector<16xi32>
        %swap3A_139 = arith.constant 64 : index
        %swap3A_140 = tpu.vector_load %arg11[%swap3A_139] {strides = array<i32>} : memref<128xi32, #tpu.memory_space<vmem>>, vector<16xi32>,
        %swap3A_141 = vector.shape_cast %swap3A_140 : vector<16xi32> to vector<16xi32>
        %swap3A_142 = vector.shape_cast %get3A_138 : vector<16xi32> to vector<16xi32>
        tpu.vector_store %arg11[%swap3A_139], %swap3A_142 {strides = array<i32>} : memref<128xi32, #tpu.memory_space<vmem>>, vector<16xi32>,
        %add3A_143 = arith.constant 80 : i32
        %add3A_144 = arith.addi %mul3A_97, %add3A_143 : i32
        %get3A_145 = arith.index_cast %add3A_144 : i32 to index
        %get3A_146 = tpu.vector_load %arg9[%get3A_145] {strides = array<i32>} : memref<2048xi32, #tpu.memory_space<vmem>>, vector<16xi32>,
        %get3A_147 = vector.shape_cast %get3A_146 : vector<16xi32> to vector<16xi32>
        %swap3A_148 = arith.constant 80 : index
        %swap3A_149 = tpu.vector_load %arg11[%swap3A_148] {strides = array<i32>} : memref<128xi32, #tpu.memory_space<vmem>>, vector<16xi32>,
        %swap3A_150 = vector.shape_cast %swap3A_149 : vector<16xi32> to vector<16xi32>
        %swap3A_151 = vector.shape_cast %get3A_147 : vector<16xi32> to vector<16xi32>
        tpu.vector_store %arg11[%swap3A_148], %swap3A_151 {strides = array<i32>} : memref<128xi32, #tpu.memory_space<vmem>>, vector<16xi32>,
        %add3A_152 = arith.constant 96 : i32
        %add3A_153 = arith.addi %mul3A_97, %add3A_152 : i32
        %get3A_154 = arith.index_cast %add3A_153 : i32 to index
        %get3A_155 = tpu.vector_load %arg9[%get3A_154] {strides = array<i32>} : memref<2048xi32, #tpu.memory_space<vmem>>, vector<16xi32>,
        %get3A_156 = vector.shape_cast %get3A_155 : vector<16xi32> to vector<16xi32>
        %swap3A_157 = arith.constant 96 : index
        %swap3A_158 = tpu.vector_load %arg11[%swap3A_157] {strides = array<i32>} : memref<128xi32, #tpu.memory_space<vmem>>, vector<16xi32>,
        %swap3A_159 = vector.shape_cast %swap3A_158 : vector<16xi32> to vector<16xi32>
        %swap3A_160 = vector.shape_cast %get3A_156 : vector<16xi32> to vector<16xi32>
        tpu.vector_store %arg11[%swap3A_157], %swap3A_160 {strides = array<i32>} : memref<128xi32, #tpu.memory_space<vmem>>, vector<16xi32>,
        %add3A_161 = arith.constant 112 : i32
        %add3A_162 = arith.addi %mul3A_97, %add3A_161 : i32
        %get3A_163 = arith.index_cast %add3A_162 : i32 to index
        %get3A_164 = tpu.vector_load %arg9[%get3A_163] {strides = array<i32>} : memref<2048xi32, #tpu.memory_space<vmem>>, vector<16xi32>,
        %get3A_165 = vector.shape_cast %get3A_164 : vector<16xi32> to vector<16xi32>
        %swap3A_166 = arith.constant 112 : index
        %swap3A_167 = tpu.vector_load %arg11[%swap3A_166] {strides = array<i32>} : memref<128xi32, #tpu.memory_space<vmem>>, vector<16xi32>,
        %swap3A_168 = vector.shape_cast %swap3A_167 : vector<16xi32> to vector<16xi32>
        %swap3A_169 = vector.shape_cast %get3A_165 : vector<16xi32> to vector<16xi32>
        tpu.vector_store %arg11[%swap3A_166], %swap3A_169 {strides = array<i32>} : memref<128xi32, #tpu.memory_space<vmem>>, vector<16xi32>,
        %dma_start3A = arith.constant 0 : i32
        %dma_start3A_170 = arith.constant 0 : i32
        %dma_start3A_171 = tpu.memref_slice %arg2[%dma_start3A, %dma_start3A_170] : memref<106496x128xf32, #tpu.memory_space<hbm>> -> memref<106496x128xf32, #tpu.memory_space<hbm>>
        tpu.enqueue_indirect_dma source(%dma_start3A_171 : memref<106496x128xf32, #tpu.memory_space<hbm>>) target(%arg12 : memref<128x128xf32, #tpu.memory_space<vmem>>) offsets(%arg10 : memref<128xi32, #tpu.memory_space<vmem>>) semaphore(%arg14 : memref<!tpu.dma_semaphore, #tpu.memory_space<semaphore_mem>>)
        %dma_start3A_172 = arith.constant 0 : i32
        %dma_start3A_173 = arith.constant 0 : i32
        %dma_start3A_174 = tpu.memref_slice %arg3[%dma_start3A_172, %dma_start3A_173] : memref<10240x128xf32, #tpu.memory_space<hbm>> -> memref<10240x128xf32, #tpu.memory_space<hbm>>
        tpu.enqueue_indirect_dma source(%dma_start3A_174 : memref<10240x128xf32, #tpu.memory_space<hbm>>) target(%arg13 : memref<128x128xf32, #tpu.memory_space<vmem>>) offsets(%arg11 : memref<128xi32, #tpu.memory_space<vmem>>) semaphore(%arg15 : memref<!tpu.dma_semaphore, #tpu.memory_space<semaphore_mem>>)
        %dma_wait3A = arith.constant 0 : i32
        %dma_wait3A_175 = arith.constant 0 : i32
        %dma_wait3A_176 = tpu.memref_slice %arg2[%dma_wait3A, %dma_wait3A_175] : memref<106496x128xf32, #tpu.memory_space<hbm>> -> memref<106496x128xf32, #tpu.memory_space<hbm>>
        tpu.wait_indirect_dma semaphore(%arg14 : memref<!tpu.dma_semaphore, #tpu.memory_space<semaphore_mem>>) src(%dma_wait3A_176 : memref<106496x128xf32, #tpu.memory_space<hbm>>) dst(%arg12 : memref<128x128xf32, #tpu.memory_space<vmem>>)
        %mul3A_177 = arith.constant 128 : i32
        %mul3A_178 = arith.muli %scan3A_22, %mul3A_177 : i32
        %add3A_179 = arith.addi %mul3A_13, %mul3A_178 : i32
        "tpu.region"() ({
          %run_scoped3A = tpu.sem_alloc : memref<!tpu.dma_semaphore, #tpu.memory_space<semaphore_mem>>
          %dma_start3A_187 = arith.constant 0 : i32
          %dma_start3A_188 = tpu.memref_slice %arg6[%add3A_179, %dma_start3A_187] : memref<131072x128xf32, #tpu.memory_space<hbm>> -> memref<128x128xf32, #tpu.memory_space<hbm>>
          %dma_start3A_189 = arith.constant 0 : i32
          %dma_start3A_190 = tpu.memref_slice %arg6[%add3A_179, %dma_start3A_189] : memref<131072x128xf32, #tpu.memory_space<hbm>> -> memref<128x128xf32, #tpu.memory_space<hbm>>
          tpu.enqueue_dma source(%arg12 : memref<128x128xf32, #tpu.memory_space<vmem>>) target(%dma_start3A_190 : memref<128x128xf32, #tpu.memory_space<hbm>>) target_semaphore(%run_scoped3A : memref<!tpu.dma_semaphore, #tpu.memory_space<semaphore_mem>>)
          %dma_wait3A_191 = arith.constant 0 : i32
          %dma_wait3A_192 = tpu.memref_slice %arg6[%add3A_179, %dma_wait3A_191] : memref<131072x128xf32, #tpu.memory_space<hbm>> -> memref<128x128xf32, #tpu.memory_space<hbm>>
          %dma_wait3A_193 = arith.constant 0 : i32
          %dma_wait3A_194 = tpu.memref_slice %arg6[%add3A_179, %dma_wait3A_193] : memref<131072x128xf32, #tpu.memory_space<hbm>> -> memref<128x128xf32, #tpu.memory_space<hbm>>
          tpu.wait_dma2 semaphore(%run_scoped3A : memref<!tpu.dma_semaphore, #tpu.memory_space<semaphore_mem>>) src(%arg12 : memref<128x128xf32, #tpu.memory_space<vmem>>) dst(%dma_wait3A_194 : memref<128x128xf32, #tpu.memory_space<hbm>>)
          tpu.yield
        }) : () -> ()
        %dma_wait3A_180 = arith.constant 0 : i32
        %dma_wait3A_181 = arith.constant 0 : i32
        %dma_wait3A_182 = tpu.memref_slice %arg3[%dma_wait3A_180, %dma_wait3A_181] : memref<10240x128xf32, #tpu.memory_space<hbm>> -> memref<10240x128xf32, #tpu.memory_space<hbm>>
        tpu.wait_indirect_dma semaphore(%arg15 : memref<!tpu.dma_semaphore, #tpu.memory_space<semaphore_mem>>) src(%dma_wait3A_182 : memref<10240x128xf32, #tpu.memory_space<hbm>>) dst(%arg13 : memref<128x128xf32, #tpu.memory_space<vmem>>)
        %mul3A_183 = arith.constant 128 : i32
        %mul3A_184 = arith.muli %scan3A_22, %mul3A_183 : i32
        %add3A_185 = arith.addi %mul3A_13, %mul3A_184 : i32
        "tpu.region"() ({
          %run_scoped3A = tpu.sem_alloc : memref<!tpu.dma_semaphore, #tpu.memory_space<semaphore_mem>>
          %dma_start3A_187 = arith.constant 0 : i32
          %dma_start3A_188 = tpu.memref_slice %arg7[%add3A_185, %dma_start3A_187] : memref<131072x128xf32, #tpu.memory_space<hbm>> -> memref<128x128xf32, #tpu.memory_space<hbm>>
          %dma_start3A_189 = arith.constant 0 : i32
          %dma_start3A_190 = tpu.memref_slice %arg7[%add3A_185, %dma_start3A_189] : memref<131072x128xf32, #tpu.memory_space<hbm>> -> memref<128x128xf32, #tpu.memory_space<hbm>>
          tpu.enqueue_dma source(%arg13 : memref<128x128xf32, #tpu.memory_space<vmem>>) target(%dma_start3A_190 : memref<128x128xf32, #tpu.memory_space<hbm>>) target_semaphore(%run_scoped3A : memref<!tpu.dma_semaphore, #tpu.memory_space<semaphore_mem>>)
          %dma_wait3A_191 = arith.constant 0 : i32
          %dma_wait3A_192 = tpu.memref_slice %arg7[%add3A_185, %dma_wait3A_191] : memref<131072x128xf32, #tpu.memory_space<hbm>> -> memref<128x128xf32, #tpu.memory_space<hbm>>
          %dma_wait3A_193 = arith.constant 0 : i32
          %dma_wait3A_194 = tpu.memref_slice %arg7[%add3A_185, %dma_wait3A_193] : memref<131072x128xf32, #tpu.memory_space<hbm>> -> memref<128x128xf32, #tpu.memory_space<hbm>>
          tpu.wait_dma2 semaphore(%run_scoped3A : memref<!tpu.dma_semaphore, #tpu.memory_space<semaphore_mem>>) src(%arg13 : memref<128x128xf32, #tpu.memory_space<vmem>>) dst(%dma_wait3A_194 : memref<128x128xf32, #tpu.memory_space<hbm>>)
          tpu.yield
        }) : () -> ()
        %scan3A_186 = arith.constant 0 : i32
        scf.yield %scan3A_186 : i32
      }
      %scan3A_20 = arith.constant 16 : i32
      %scan3A_21 = arith.constant 0 : i32
      scf.yield %scan3A_21 : i32
    }
    %scan3A_6 = arith.constant 2 : i32
    return
  }
}

module attributes {stable_mosaic.version = 14 : i64} {
  func.func @_movie_a_kernel(%arg0: i32, %arg1: memref<1024x128xf32, #tpu.memory_space<vmem>>, %arg2: memref<1024x128xf32, #tpu.memory_space<vmem>>, %arg3: memref<1024x1xf32, #tpu.memory_space<vmem>>, %arg4: memref<1024x128xf32, #tpu.memory_space<vmem>>, %arg5: memref<128x128xf32, #tpu.memory_space<vmem>>, %arg6: memref<128x128xf32, #tpu.memory_space<vmem>>, %arg7: memref<1x128xf32, #tpu.memory_space<vmem>>, %arg8: memref<128x128xf32, #tpu.memory_space<vmem>>, %arg9: memref<1x128xf32, #tpu.memory_space<vmem>>, %arg10: memref<128x128xf32, #tpu.memory_space<vmem>>, %arg11: memref<128x128xf32, #tpu.memory_space<vmem>>, %arg12: memref<1x128xf32, #tpu.memory_space<vmem>>, %arg13: memref<128x128xf32, #tpu.memory_space<vmem>>, %arg14: memref<1x128xf32, #tpu.memory_space<vmem>>, %arg15: memref<1024x128xf32, #tpu.memory_space<vmem>>, %arg16: memref<1024x128xf32, #tpu.memory_space<vmem>>) attributes {dimension_semantics = [#tpu.dimension_semantics<arbitrary>], iteration_bounds = array<i64: 10>, scalar_prefetch = 0 : i64, scratch_operands = 0 : i64, tpu.core_type = #tpu.core_type<tc>, window_params = [{transform_indices = @transform_0, window_bounds = array<i64: 1024, 128>}, {transform_indices = @transform_1, window_bounds = array<i64: 1024, 128>}, {transform_indices = @transform_2, window_bounds = array<i64: 1024, 1>}, {transform_indices = @transform_3, window_bounds = array<i64: 1024, 128>}, {pipeline_mode = #tpu.pipeline_mode<synchronous>, transform_indices = @transform_4, window_bounds = array<i64: 128, 128>}, {pipeline_mode = #tpu.pipeline_mode<synchronous>, transform_indices = @transform_5, window_bounds = array<i64: 128, 128>}, {pipeline_mode = #tpu.pipeline_mode<synchronous>, transform_indices = @transform_6, window_bounds = array<i64: 1, 128>}, {pipeline_mode = #tpu.pipeline_mode<synchronous>, transform_indices = @transform_7, window_bounds = array<i64: 128, 128>}, {pipeline_mode = #tpu.pipeline_mode<synchronous>, transform_indices = @transform_8, window_bounds = array<i64: 1, 128>}, {pipeline_mode = #tpu.pipeline_mode<synchronous>, transform_indices = @transform_9, window_bounds = array<i64: 128, 128>}, {pipeline_mode = #tpu.pipeline_mode<synchronous>, transform_indices = @transform_10, window_bounds = array<i64: 128, 128>}, {pipeline_mode = #tpu.pipeline_mode<synchronous>, transform_indices = @transform_11, window_bounds = array<i64: 1, 128>}, {pipeline_mode = #tpu.pipeline_mode<synchronous>, transform_indices = @transform_12, window_bounds = array<i64: 128, 128>}, {pipeline_mode = #tpu.pipeline_mode<synchronous>, transform_indices = @transform_13, window_bounds = array<i64: 1, 128>}, {transform_indices = @transform_14, window_bounds = array<i64: 1024, 128>}, {transform_indices = @transform_15, window_bounds = array<i64: 1024, 128>}]} {
    %get3A = arith.constant 0 : index
    %get3A_0 = arith.constant 0 : index
    %get3A_1 = vector.load %arg1[%get3A, %get3A_0] : memref<1024x128xf32, #tpu.memory_space<vmem>>, vector<1024x128xf32>
    %get3A_2 = arith.constant 0 : index
    %get3A_3 = arith.constant 0 : index
    %get3A_4 = vector.load %arg2[%get3A_2, %get3A_3] : memref<1024x128xf32, #tpu.memory_space<vmem>>, vector<1024x128xf32>
    %add3A = arith.addf %get3A_1, %get3A_4 : vector<1024x128xf32>
    %get3A_5 = arith.constant 0 : index
    %get3A_6 = arith.constant 0 : index
    %get3A_7 = vector.load %arg3[%get3A_5, %get3A_6] : memref<1024x1xf32, #tpu.memory_space<vmem>>, vector<1024x1xf32>
    %max3A = arith.constant 1.000000e+00 : f32
    %max3A_8 = vector.broadcast %max3A : f32 to vector<1024x1xf32>
    %max3A_9 = arith.maximumf %get3A_7, %max3A_8 : vector<1024x1xf32>
    %div3A = vector.broadcast %max3A_9 : vector<1024x1xf32> to vector<1024x128xf32>
    %div3A_10 = arith.divf %add3A, %div3A : vector<1024x128xf32>
    %get3A_11 = arith.constant 0 : index
    %get3A_12 = arith.constant 0 : index
    %get3A_13 = vector.load %arg4[%get3A_11, %get3A_12] : memref<1024x128xf32, #tpu.memory_space<vmem>>, vector<1024x128xf32>
    %get3A_14 = arith.constant 0 : index
    %get3A_15 = arith.constant 0 : index
    %get3A_16 = vector.load %arg5[%get3A_14, %get3A_15] : memref<128x128xf32, #tpu.memory_space<vmem>>, vector<128x128xf32>
    %dot_general3A = arith.constant dense<0.000000e+00> : vector<1024x128xf32>
    %dot_general3A_17 = tpu.matmul %div3A_10, %get3A_16, %dot_general3A {dimension_numbers = #tpu.dot_dimension_numbers<[1], [1], [0], [0], [0, 0, 1, 0], [], []>, precision = #tpu.contract_precision<fp32>, transpose_lhs_hint = false} : vector<1024x128xf32>, vector<128x128xf32>, vector<1024x128xf32> -> vector<1024x128xf32>
    %get3A_18 = arith.constant 0 : index
    %get3A_19 = arith.constant 0 : index
    %get3A_20 = vector.load %arg6[%get3A_18, %get3A_19] : memref<128x128xf32, #tpu.memory_space<vmem>>, vector<128x128xf32>
    %dot_general3A_21 = arith.constant dense<0.000000e+00> : vector<1024x128xf32>
    %dot_general3A_22 = tpu.matmul %get3A_13, %get3A_20, %dot_general3A_21 {dimension_numbers = #tpu.dot_dimension_numbers<[1], [1], [0], [0], [0, 0, 1, 0], [], []>, precision = #tpu.contract_precision<fp32>, transpose_lhs_hint = false} : vector<1024x128xf32>, vector<128x128xf32>, vector<1024x128xf32> -> vector<1024x128xf32>
    %add3A_23 = arith.addf %dot_general3A_17, %dot_general3A_22 : vector<1024x128xf32>
    %get3A_24 = arith.constant 0 : index
    %get3A_25 = arith.constant 0 : index
    %get3A_26 = vector.load %arg7[%get3A_24, %get3A_25] : memref<1x128xf32, #tpu.memory_space<vmem>>, vector<1x128xf32>
    %add3A_27 = vector.broadcast %get3A_26 : vector<1x128xf32> to vector<1024x128xf32>
    %add3A_28 = arith.addf %add3A_23, %add3A_27 : vector<1024x128xf32>
    %max3A_29 = arith.constant 0.000000e+00 : f32
    %max3A_30 = vector.broadcast %max3A_29 : f32 to vector<1024x128xf32>
    %max3A_31 = arith.maximumf %add3A_28, %max3A_30 : vector<1024x128xf32>
    %get3A_32 = arith.constant 0 : index
    %get3A_33 = arith.constant 0 : index
    %get3A_34 = vector.load %arg8[%get3A_32, %get3A_33] : memref<128x128xf32, #tpu.memory_space<vmem>>, vector<128x128xf32>
    %dot_general3A_35 = arith.constant dense<0.000000e+00> : vector<1024x128xf32>
    %dot_general3A_36 = tpu.matmul %max3A_31, %get3A_34, %dot_general3A_35 {dimension_numbers = #tpu.dot_dimension_numbers<[1], [1], [0], [0], [0, 0, 1, 0], [], []>, precision = #tpu.contract_precision<fp32>, transpose_lhs_hint = false} : vector<1024x128xf32>, vector<128x128xf32>, vector<1024x128xf32> -> vector<1024x128xf32>
    %get3A_37 = arith.constant 0 : index
    %get3A_38 = arith.constant 0 : index
    %get3A_39 = vector.load %arg9[%get3A_37, %get3A_38] : memref<1x128xf32, #tpu.memory_space<vmem>>, vector<1x128xf32>
    %add3A_40 = vector.broadcast %get3A_39 : vector<1x128xf32> to vector<1024x128xf32>
    %add3A_41 = arith.addf %dot_general3A_36, %add3A_40 : vector<1024x128xf32>
    %max3A_42 = arith.constant 0.000000e+00 : f32
    %max3A_43 = vector.broadcast %max3A_42 : f32 to vector<1024x128xf32>
    %max3A_44 = arith.maximumf %add3A_41, %max3A_43 : vector<1024x128xf32>
    %swap3A = arith.constant 0 : index
    %swap3A_45 = arith.constant 0 : index
    %swap3A_46 = vector.load %arg15[%swap3A, %swap3A_45] : memref<1024x128xf32, #tpu.memory_space<vmem>>, vector<1024x128xf32>
    tpu.vector_store %arg15[%swap3A, %swap3A_45], %max3A_44 {strides = array<i32>} : memref<1024x128xf32, #tpu.memory_space<vmem>>, vector<1024x128xf32>,
    %get3A_47 = arith.constant 0 : index
    %get3A_48 = arith.constant 0 : index
    %get3A_49 = vector.load %arg10[%get3A_47, %get3A_48] : memref<128x128xf32, #tpu.memory_space<vmem>>, vector<128x128xf32>
    %dot_general3A_50 = arith.constant dense<0.000000e+00> : vector<1024x128xf32>
    %dot_general3A_51 = tpu.matmul %div3A_10, %get3A_49, %dot_general3A_50 {dimension_numbers = #tpu.dot_dimension_numbers<[1], [1], [0], [0], [0, 0, 1, 0], [], []>, precision = #tpu.contract_precision<fp32>, transpose_lhs_hint = false} : vector<1024x128xf32>, vector<128x128xf32>, vector<1024x128xf32> -> vector<1024x128xf32>
    %get3A_52 = arith.constant 0 : index
    %get3A_53 = arith.constant 0 : index
    %get3A_54 = vector.load %arg11[%get3A_52, %get3A_53] : memref<128x128xf32, #tpu.memory_space<vmem>>, vector<128x128xf32>
    %dot_general3A_55 = arith.constant dense<0.000000e+00> : vector<1024x128xf32>
    %dot_general3A_56 = tpu.matmul %get3A_13, %get3A_54, %dot_general3A_55 {dimension_numbers = #tpu.dot_dimension_numbers<[1], [1], [0], [0], [0, 0, 1, 0], [], []>, precision = #tpu.contract_precision<fp32>, transpose_lhs_hint = false} : vector<1024x128xf32>, vector<128x128xf32>, vector<1024x128xf32> -> vector<1024x128xf32>
    %add3A_57 = arith.addf %dot_general3A_51, %dot_general3A_56 : vector<1024x128xf32>
    %get3A_58 = arith.constant 0 : index
    %get3A_59 = arith.constant 0 : index
    %get3A_60 = vector.load %arg12[%get3A_58, %get3A_59] : memref<1x128xf32, #tpu.memory_space<vmem>>, vector<1x128xf32>
    %add3A_61 = vector.broadcast %get3A_60 : vector<1x128xf32> to vector<1024x128xf32>
    %add3A_62 = arith.addf %add3A_57, %add3A_61 : vector<1024x128xf32>
    %max3A_63 = arith.constant 0.000000e+00 : f32
    %max3A_64 = vector.broadcast %max3A_63 : f32 to vector<1024x128xf32>
    %max3A_65 = arith.maximumf %add3A_62, %max3A_64 : vector<1024x128xf32>
    %get3A_66 = arith.constant 0 : index
    %get3A_67 = arith.constant 0 : index
    %get3A_68 = vector.load %arg13[%get3A_66, %get3A_67] : memref<128x128xf32, #tpu.memory_space<vmem>>, vector<128x128xf32>
    %dot_general3A_69 = arith.constant dense<0.000000e+00> : vector<1024x128xf32>
    %dot_general3A_70 = tpu.matmul %max3A_65, %get3A_68, %dot_general3A_69 {dimension_numbers = #tpu.dot_dimension_numbers<[1], [1], [0], [0], [0, 0, 1, 0], [], []>, precision = #tpu.contract_precision<fp32>, transpose_lhs_hint = false} : vector<1024x128xf32>, vector<128x128xf32>, vector<1024x128xf32> -> vector<1024x128xf32>
    %get3A_71 = arith.constant 0 : index
    %get3A_72 = arith.constant 0 : index
    %get3A_73 = vector.load %arg14[%get3A_71, %get3A_72] : memref<1x128xf32, #tpu.memory_space<vmem>>, vector<1x128xf32>
    %add3A_74 = vector.broadcast %get3A_73 : vector<1x128xf32> to vector<1024x128xf32>
    %add3A_75 = arith.addf %dot_general3A_70, %add3A_74 : vector<1024x128xf32>
    %max3A_76 = arith.constant 0.000000e+00 : f32
    %max3A_77 = vector.broadcast %max3A_76 : f32 to vector<1024x128xf32>
    %max3A_78 = arith.maximumf %add3A_75, %max3A_77 : vector<1024x128xf32>
    %swap3A_79 = arith.constant 0 : index
    %swap3A_80 = arith.constant 0 : index
    %swap3A_81 = vector.load %arg16[%swap3A_79, %swap3A_80] : memref<1024x128xf32, #tpu.memory_space<vmem>>, vector<1024x128xf32>
    tpu.vector_store %arg16[%swap3A_79, %swap3A_80], %max3A_78 {strides = array<i32>} : memref<1024x128xf32, #tpu.memory_space<vmem>>, vector<1024x128xf32>,
    return
  }
  func.func @transform_0(%arg0: i32) -> (i32, i32) {
    %c0_i32 = arith.constant 0 : i32
    %c0_i32_0 = arith.constant 0 : i32
    return %arg0, %c0_i32 : i32, i32
  }
  func.func @transform_1(%arg0: i32) -> (i32, i32) {
    %c0_i32 = arith.constant 0 : i32
    %c0_i32_0 = arith.constant 0 : i32
    return %arg0, %c0_i32 : i32, i32
  }
  func.func @transform_2(%arg0: i32) -> (i32, i32) {
    %c0_i32 = arith.constant 0 : i32
    %c0_i32_0 = arith.constant 0 : i32
    return %arg0, %c0_i32 : i32, i32
  }
  func.func @transform_3(%arg0: i32) -> (i32, i32) {
    %c0_i32 = arith.constant 0 : i32
    %c0_i32_0 = arith.constant 0 : i32
    return %arg0, %c0_i32 : i32, i32
  }
  func.func @transform_4(%arg0: i32) -> (i32, i32) {
    %c0_i32 = arith.constant 0 : i32
    %c0_i32_0 = arith.constant 0 : i32
    %c0_i32_1 = arith.constant 0 : i32
    return %c0_i32, %c0_i32_0 : i32, i32
  }
  func.func @transform_5(%arg0: i32) -> (i32, i32) {
    %c0_i32 = arith.constant 0 : i32
    %c0_i32_0 = arith.constant 0 : i32
    %c0_i32_1 = arith.constant 0 : i32
    return %c0_i32, %c0_i32_0 : i32, i32
  }
  func.func @transform_6(%arg0: i32) -> (i32, i32) {
    %c0_i32 = arith.constant 0 : i32
    %c0_i32_0 = arith.constant 0 : i32
    %c0_i32_1 = arith.constant 0 : i32
    return %c0_i32, %c0_i32_0 : i32, i32
  }
  func.func @transform_7(%arg0: i32) -> (i32, i32) {
    %c0_i32 = arith.constant 0 : i32
    %c0_i32_0 = arith.constant 0 : i32
    %c0_i32_1 = arith.constant 0 : i32
    return %c0_i32, %c0_i32_0 : i32, i32
  }
  func.func @transform_8(%arg0: i32) -> (i32, i32) {
    %c0_i32 = arith.constant 0 : i32
    %c0_i32_0 = arith.constant 0 : i32
    %c0_i32_1 = arith.constant 0 : i32
    return %c0_i32, %c0_i32_0 : i32, i32
  }
  func.func @transform_9(%arg0: i32) -> (i32, i32) {
    %c0_i32 = arith.constant 0 : i32
    %c0_i32_0 = arith.constant 0 : i32
    %c0_i32_1 = arith.constant 0 : i32
    return %c0_i32, %c0_i32_0 : i32, i32
  }
  func.func @transform_10(%arg0: i32) -> (i32, i32) {
    %c0_i32 = arith.constant 0 : i32
    %c0_i32_0 = arith.constant 0 : i32
    %c0_i32_1 = arith.constant 0 : i32
    return %c0_i32, %c0_i32_0 : i32, i32
  }
  func.func @transform_11(%arg0: i32) -> (i32, i32) {
    %c0_i32 = arith.constant 0 : i32
    %c0_i32_0 = arith.constant 0 : i32
    %c0_i32_1 = arith.constant 0 : i32
    return %c0_i32, %c0_i32_0 : i32, i32
  }
  func.func @transform_12(%arg0: i32) -> (i32, i32) {
    %c0_i32 = arith.constant 0 : i32
    %c0_i32_0 = arith.constant 0 : i32
    %c0_i32_1 = arith.constant 0 : i32
    return %c0_i32, %c0_i32_0 : i32, i32
  }
  func.func @transform_13(%arg0: i32) -> (i32, i32) {
    %c0_i32 = arith.constant 0 : i32
    %c0_i32_0 = arith.constant 0 : i32
    %c0_i32_1 = arith.constant 0 : i32
    return %c0_i32, %c0_i32_0 : i32, i32
  }
  func.func @transform_14(%arg0: i32) -> (i32, i32) {
    %c0_i32 = arith.constant 0 : i32
    %c0_i32_0 = arith.constant 0 : i32
    return %arg0, %c0_i32 : i32, i32
  }
  func.func @transform_15(%arg0: i32) -> (i32, i32) {
    %c0_i32 = arith.constant 0 : i32
    %c0_i32_0 = arith.constant 0 : i32
    return %arg0, %c0_i32 : i32, i32
  }
}

module attributes {stable_mosaic.version = 14 : i64} {
  func.func @_movie_b_kernel(%arg0: i32, %arg1: memref<1024x128xf32, #tpu.memory_space<vmem>>, %arg2: memref<1024x128xf32, #tpu.memory_space<vmem>>, %arg3: memref<1024x1xf32, #tpu.memory_space<vmem>>, %arg4: memref<1024x128xf32, #tpu.memory_space<vmem>>, %arg5: memref<128x128xf32, #tpu.memory_space<vmem>>, %arg6: memref<128x128xf32, #tpu.memory_space<vmem>>, %arg7: memref<1x128xf32, #tpu.memory_space<vmem>>, %arg8: memref<128x128xf32, #tpu.memory_space<vmem>>, %arg9: memref<1x128xf32, #tpu.memory_space<vmem>>, %arg10: memref<128x128xf32, #tpu.memory_space<vmem>>, %arg11: memref<1024x128xf32, #tpu.memory_space<vmem>>) attributes {dimension_semantics = [#tpu.dimension_semantics<arbitrary>], iteration_bounds = array<i64: 10>, scalar_prefetch = 0 : i64, scratch_operands = 0 : i64, tpu.core_type = #tpu.core_type<tc>, window_params = [{transform_indices = @transform_0, window_bounds = array<i64: 1024, 128>}, {transform_indices = @transform_1, window_bounds = array<i64: 1024, 128>}, {transform_indices = @transform_2, window_bounds = array<i64: 1024, 1>}, {transform_indices = @transform_3, window_bounds = array<i64: 1024, 128>}, {pipeline_mode = #tpu.pipeline_mode<synchronous>, transform_indices = @transform_4, window_bounds = array<i64: 128, 128>}, {pipeline_mode = #tpu.pipeline_mode<synchronous>, transform_indices = @transform_5, window_bounds = array<i64: 128, 128>}, {pipeline_mode = #tpu.pipeline_mode<synchronous>, transform_indices = @transform_6, window_bounds = array<i64: 1, 128>}, {pipeline_mode = #tpu.pipeline_mode<synchronous>, transform_indices = @transform_7, window_bounds = array<i64: 128, 128>}, {pipeline_mode = #tpu.pipeline_mode<synchronous>, transform_indices = @transform_8, window_bounds = array<i64: 1, 128>}, {pipeline_mode = #tpu.pipeline_mode<synchronous>, transform_indices = @transform_9, window_bounds = array<i64: 128, 128>}, {transform_indices = @transform_10, window_bounds = array<i64: 1024, 128>}]} {
    %get3A = arith.constant 0 : index
    %get3A_0 = arith.constant 0 : index
    %get3A_1 = vector.load %arg1[%get3A, %get3A_0] : memref<1024x128xf32, #tpu.memory_space<vmem>>, vector<1024x128xf32>
    %get3A_2 = arith.constant 0 : index
    %get3A_3 = arith.constant 0 : index
    %get3A_4 = vector.load %arg2[%get3A_2, %get3A_3] : memref<1024x128xf32, #tpu.memory_space<vmem>>, vector<1024x128xf32>
    %add3A = arith.addf %get3A_1, %get3A_4 : vector<1024x128xf32>
    %get3A_5 = arith.constant 0 : index
    %get3A_6 = arith.constant 0 : index
    %get3A_7 = vector.load %arg3[%get3A_5, %get3A_6] : memref<1024x1xf32, #tpu.memory_space<vmem>>, vector<1024x1xf32>
    %max3A = arith.constant 1.000000e+00 : f32
    %max3A_8 = vector.broadcast %max3A : f32 to vector<1024x1xf32>
    %max3A_9 = arith.maximumf %get3A_7, %max3A_8 : vector<1024x1xf32>
    %div3A = vector.broadcast %max3A_9 : vector<1024x1xf32> to vector<1024x128xf32>
    %div3A_10 = arith.divf %add3A, %div3A : vector<1024x128xf32>
    %get3A_11 = arith.constant 0 : index
    %get3A_12 = arith.constant 0 : index
    %get3A_13 = vector.load %arg5[%get3A_11, %get3A_12] : memref<128x128xf32, #tpu.memory_space<vmem>>, vector<128x128xf32>
    %dot_general3A = arith.constant dense<0.000000e+00> : vector<1024x128xf32>
    %dot_general3A_14 = tpu.matmul %div3A_10, %get3A_13, %dot_general3A {dimension_numbers = #tpu.dot_dimension_numbers<[1], [1], [0], [0], [0, 0, 1, 0], [], []>, precision = #tpu.contract_precision<fp32>, transpose_lhs_hint = false} : vector<1024x128xf32>, vector<128x128xf32>, vector<1024x128xf32> -> vector<1024x128xf32>
    %get3A_15 = arith.constant 0 : index
    %get3A_16 = arith.constant 0 : index
    %get3A_17 = vector.load %arg4[%get3A_15, %get3A_16] : memref<1024x128xf32, #tpu.memory_space<vmem>>, vector<1024x128xf32>
    %get3A_18 = arith.constant 0 : index
    %get3A_19 = arith.constant 0 : index
    %get3A_20 = vector.load %arg6[%get3A_18, %get3A_19] : memref<128x128xf32, #tpu.memory_space<vmem>>, vector<128x128xf32>
    %dot_general3A_21 = arith.constant dense<0.000000e+00> : vector<1024x128xf32>
    %dot_general3A_22 = tpu.matmul %get3A_17, %get3A_20, %dot_general3A_21 {dimension_numbers = #tpu.dot_dimension_numbers<[1], [1], [0], [0], [0, 0, 1, 0], [], []>, precision = #tpu.contract_precision<fp32>, transpose_lhs_hint = false} : vector<1024x128xf32>, vector<128x128xf32>, vector<1024x128xf32> -> vector<1024x128xf32>
    %add3A_23 = arith.addf %dot_general3A_14, %dot_general3A_22 : vector<1024x128xf32>
    %get3A_24 = arith.constant 0 : index
    %get3A_25 = arith.constant 0 : index
    %get3A_26 = vector.load %arg7[%get3A_24, %get3A_25] : memref<1x128xf32, #tpu.memory_space<vmem>>, vector<1x128xf32>
    %add3A_27 = vector.broadcast %get3A_26 : vector<1x128xf32> to vector<1024x128xf32>
    %add3A_28 = arith.addf %add3A_23, %add3A_27 : vector<1024x128xf32>
    %max3A_29 = arith.constant 0.000000e+00 : f32
    %max3A_30 = vector.broadcast %max3A_29 : f32 to vector<1024x128xf32>
    %max3A_31 = arith.maximumf %add3A_28, %max3A_30 : vector<1024x128xf32>
    %get3A_32 = arith.constant 0 : index
    %get3A_33 = arith.constant 0 : index
    %get3A_34 = vector.load %arg8[%get3A_32, %get3A_33] : memref<128x128xf32, #tpu.memory_space<vmem>>, vector<128x128xf32>
    %dot_general3A_35 = arith.constant dense<0.000000e+00> : vector<1024x128xf32>
    %dot_general3A_36 = tpu.matmul %max3A_31, %get3A_34, %dot_general3A_35 {dimension_numbers = #tpu.dot_dimension_numbers<[1], [1], [0], [0], [0, 0, 1, 0], [], []>, precision = #tpu.contract_precision<fp32>, transpose_lhs_hint = false} : vector<1024x128xf32>, vector<128x128xf32>, vector<1024x128xf32> -> vector<1024x128xf32>
    %get3A_37 = arith.constant 0 : index
    %get3A_38 = arith.constant 0 : index
    %get3A_39 = vector.load %arg9[%get3A_37, %get3A_38] : memref<1x128xf32, #tpu.memory_space<vmem>>, vector<1x128xf32>
    %add3A_40 = vector.broadcast %get3A_39 : vector<1x128xf32> to vector<1024x128xf32>
    %add3A_41 = arith.addf %dot_general3A_36, %add3A_40 : vector<1024x128xf32>
    %get3A_42 = arith.constant 0 : index
    %get3A_43 = arith.constant 0 : index
    %get3A_44 = vector.load %arg10[%get3A_42, %get3A_43] : memref<128x128xf32, #tpu.memory_space<vmem>>, vector<128x128xf32>
    %dot_general3A_45 = arith.constant dense<0.000000e+00> : vector<1024x128xf32>
    %dot_general3A_46 = tpu.matmul %add3A_41, %get3A_44, %dot_general3A_45 {dimension_numbers = #tpu.dot_dimension_numbers<[1], [1], [0], [0], [0, 0, 1, 0], [], []>, precision = #tpu.contract_precision<fp32>, transpose_lhs_hint = false} : vector<1024x128xf32>, vector<128x128xf32>, vector<1024x128xf32> -> vector<1024x128xf32>
    %swap3A = arith.constant 0 : index
    %swap3A_47 = arith.constant 0 : index
    %swap3A_48 = vector.load %arg11[%swap3A, %swap3A_47] : memref<1024x128xf32, #tpu.memory_space<vmem>>, vector<1024x128xf32>
    tpu.vector_store %arg11[%swap3A, %swap3A_47], %dot_general3A_46 {strides = array<i32>} : memref<1024x128xf32, #tpu.memory_space<vmem>>, vector<1024x128xf32>,
    return
  }
  func.func @transform_0(%arg0: i32) -> (i32, i32) {
    %c0_i32 = arith.constant 0 : i32
    %c0_i32_0 = arith.constant 0 : i32
    return %arg0, %c0_i32 : i32, i32
  }
  func.func @transform_1(%arg0: i32) -> (i32, i32) {
    %c0_i32 = arith.constant 0 : i32
    %c0_i32_0 = arith.constant 0 : i32
    return %arg0, %c0_i32 : i32, i32
  }
  func.func @transform_2(%arg0: i32) -> (i32, i32) {
    %c0_i32 = arith.constant 0 : i32
    %c0_i32_0 = arith.constant 0 : i32
    return %arg0, %c0_i32 : i32, i32
  }
  func.func @transform_3(%arg0: i32) -> (i32, i32) {
    %c0_i32 = arith.constant 0 : i32
    %c0_i32_0 = arith.constant 0 : i32
    return %arg0, %c0_i32 : i32, i32
  }
  func.func @transform_4(%arg0: i32) -> (i32, i32) {
    %c0_i32 = arith.constant 0 : i32
    %c0_i32_0 = arith.constant 0 : i32
    %c0_i32_1 = arith.constant 0 : i32
    return %c0_i32, %c0_i32_0 : i32, i32
  }
  func.func @transform_5(%arg0: i32) -> (i32, i32) {
    %c0_i32 = arith.constant 0 : i32
    %c0_i32_0 = arith.constant 0 : i32
    %c0_i32_1 = arith.constant 0 : i32
    return %c0_i32, %c0_i32_0 : i32, i32
  }
  func.func @transform_6(%arg0: i32) -> (i32, i32) {
    %c0_i32 = arith.constant 0 : i32
    %c0_i32_0 = arith.constant 0 : i32
    %c0_i32_1 = arith.constant 0 : i32
    return %c0_i32, %c0_i32_0 : i32, i32
  }
  func.func @transform_7(%arg0: i32) -> (i32, i32) {
    %c0_i32 = arith.constant 0 : i32
    %c0_i32_0 = arith.constant 0 : i32
    %c0_i32_1 = arith.constant 0 : i32
    return %c0_i32, %c0_i32_0 : i32, i32
  }
  func.func @transform_8(%arg0: i32) -> (i32, i32) {
    %c0_i32 = arith.constant 0 : i32
    %c0_i32_0 = arith.constant 0 : i32
    %c0_i32_1 = arith.constant 0 : i32
    return %c0_i32, %c0_i32_0 : i32, i32
  }
  func.func @transform_9(%arg0: i32) -> (i32, i32) {
    %c0_i32 = arith.constant 0 : i32
    %c0_i32_0 = arith.constant 0 : i32
    %c0_i32_1 = arith.constant 0 : i32
    return %c0_i32, %c0_i32_0 : i32, i32
  }
  func.func @transform_10(%arg0: i32) -> (i32, i32) {
    %c0_i32 = arith.constant 0 : i32
    %c0_i32_0 = arith.constant 0 : i32
    return %arg0, %c0_i32 : i32, i32
  }
}

module attributes {stable_mosaic.version = 14 : i64} {
  func.func @_user_kernel(%arg0: i32, %arg1: memref<1024x128xf32, #tpu.memory_space<vmem>>, %arg2: memref<1024x128xf32, #tpu.memory_space<vmem>>, %arg3: memref<1024x1xf32, #tpu.memory_space<vmem>>, %arg4: memref<1024x128xf32, #tpu.memory_space<vmem>>, %arg5: memref<128x128xf32, #tpu.memory_space<vmem>>, %arg6: memref<128x128xf32, #tpu.memory_space<vmem>>, %arg7: memref<1x128xf32, #tpu.memory_space<vmem>>, %arg8: memref<128x128xf32, #tpu.memory_space<vmem>>, %arg9: memref<1x128xf32, #tpu.memory_space<vmem>>, %arg10: memref<128x128xf32, #tpu.memory_space<vmem>>, %arg11: memref<128x128xf32, #tpu.memory_space<vmem>>, %arg12: memref<1x128xf32, #tpu.memory_space<vmem>>, %arg13: memref<128x128xf32, #tpu.memory_space<vmem>>, %arg14: memref<1x128xf32, #tpu.memory_space<vmem>>, %arg15: memref<128x128xf32, #tpu.memory_space<vmem>>, %arg16: memref<1024x128xf32, #tpu.memory_space<vmem>>) attributes {dimension_semantics = [#tpu.dimension_semantics<arbitrary>], iteration_bounds = array<i64: 104>, scalar_prefetch = 0 : i64, scratch_operands = 0 : i64, tpu.core_type = #tpu.core_type<tc>, window_params = [{transform_indices = @transform_0, window_bounds = array<i64: 1024, 128>}, {transform_indices = @transform_1, window_bounds = array<i64: 1024, 128>}, {transform_indices = @transform_2, window_bounds = array<i64: 1024, 1>}, {transform_indices = @transform_3, window_bounds = array<i64: 1024, 128>}, {pipeline_mode = #tpu.pipeline_mode<synchronous>, transform_indices = @transform_4, window_bounds = array<i64: 128, 128>}, {pipeline_mode = #tpu.pipeline_mode<synchronous>, transform_indices = @transform_5, window_bounds = array<i64: 128, 128>}, {pipeline_mode = #tpu.pipeline_mode<synchronous>, transform_indices = @transform_6, window_bounds = array<i64: 1, 128>}, {pipeline_mode = #tpu.pipeline_mode<synchronous>, transform_indices = @transform_7, window_bounds = array<i64: 128, 128>}, {pipeline_mode = #tpu.pipeline_mode<synchronous>, transform_indices = @transform_8, window_bounds = array<i64: 1, 128>}, {pipeline_mode = #tpu.pipeline_mode<synchronous>, transform_indices = @transform_9, window_bounds = array<i64: 128, 128>}, {pipeline_mode = #tpu.pipeline_mode<synchronous>, transform_indices = @transform_10, window_bounds = array<i64: 128, 128>}, {pipeline_mode = #tpu.pipeline_mode<synchronous>, transform_indices = @transform_11, window_bounds = array<i64: 1, 128>}, {pipeline_mode = #tpu.pipeline_mode<synchronous>, transform_indices = @transform_12, window_bounds = array<i64: 128, 128>}, {pipeline_mode = #tpu.pipeline_mode<synchronous>, transform_indices = @transform_13, window_bounds = array<i64: 1, 128>}, {pipeline_mode = #tpu.pipeline_mode<synchronous>, transform_indices = @transform_14, window_bounds = array<i64: 128, 128>}, {transform_indices = @transform_15, window_bounds = array<i64: 1024, 128>}]} {
    %get3A = arith.constant 0 : index
    %get3A_0 = arith.constant 0 : index
    %get3A_1 = vector.load %arg3[%get3A, %get3A_0] : memref<1024x1xf32, #tpu.memory_space<vmem>>, vector<1024x1xf32>
    %max3A = arith.constant 1.000000e+00 : f32
    %max3A_2 = vector.broadcast %max3A : f32 to vector<1024x1xf32>
    %max3A_3 = arith.maximumf %get3A_1, %max3A_2 : vector<1024x1xf32>
    %div3A = arith.constant 1.000000e+00 : f32
    %div3A_4 = vector.broadcast %div3A : f32 to vector<1024x1xf32>
    %div3A_5 = arith.divf %div3A_4, %max3A_3 : vector<1024x1xf32>
    %get3A_6 = arith.constant 0 : index
    %get3A_7 = arith.constant 0 : index
    %get3A_8 = vector.load %arg1[%get3A_6, %get3A_7] : memref<1024x128xf32, #tpu.memory_space<vmem>>, vector<1024x128xf32>
    %mul3A = vector.broadcast %div3A_5 : vector<1024x1xf32> to vector<1024x128xf32>
    %mul3A_9 = arith.mulf %get3A_8, %mul3A : vector<1024x128xf32>
    %get3A_10 = arith.constant 0 : index
    %get3A_11 = arith.constant 0 : index
    %get3A_12 = vector.load %arg2[%get3A_10, %get3A_11] : memref<1024x128xf32, #tpu.memory_space<vmem>>, vector<1024x128xf32>
    %mul3A_13 = vector.broadcast %div3A_5 : vector<1024x1xf32> to vector<1024x128xf32>
    %mul3A_14 = arith.mulf %get3A_12, %mul3A_13 : vector<1024x128xf32>
    %get3A_15 = arith.constant 0 : index
    %get3A_16 = arith.constant 0 : index
    %get3A_17 = vector.load %arg5[%get3A_15, %get3A_16] : memref<128x128xf32, #tpu.memory_space<vmem>>, vector<128x128xf32>
    %dot_general3A = arith.constant dense<0.000000e+00> : vector<1024x128xf32>
    %dot_general3A_18 = tpu.matmul %mul3A_9, %get3A_17, %dot_general3A {dimension_numbers = #tpu.dot_dimension_numbers<[1], [1], [0], [0], [0, 0, 1, 0], [], []>, precision = #tpu.contract_precision<fp32>, transpose_lhs_hint = false} : vector<1024x128xf32>, vector<128x128xf32>, vector<1024x128xf32> -> vector<1024x128xf32>
    %get3A_19 = arith.constant 0 : index
    %get3A_20 = arith.constant 0 : index
    %get3A_21 = vector.load %arg4[%get3A_19, %get3A_20] : memref<1024x128xf32, #tpu.memory_space<vmem>>, vector<1024x128xf32>
    %get3A_22 = arith.constant 0 : index
    %get3A_23 = arith.constant 0 : index
    %get3A_24 = vector.load %arg6[%get3A_22, %get3A_23] : memref<128x128xf32, #tpu.memory_space<vmem>>, vector<128x128xf32>
    %dot_general3A_25 = arith.constant dense<0.000000e+00> : vector<1024x128xf32>
    %dot_general3A_26 = tpu.matmul %get3A_21, %get3A_24, %dot_general3A_25 {dimension_numbers = #tpu.dot_dimension_numbers<[1], [1], [0], [0], [0, 0, 1, 0], [], []>, precision = #tpu.contract_precision<fp32>, transpose_lhs_hint = false} : vector<1024x128xf32>, vector<128x128xf32>, vector<1024x128xf32> -> vector<1024x128xf32>
    %add3A = arith.addf %dot_general3A_18, %dot_general3A_26 : vector<1024x128xf32>
    %get3A_27 = arith.constant 0 : index
    %get3A_28 = arith.constant 0 : index
    %get3A_29 = vector.load %arg7[%get3A_27, %get3A_28] : memref<1x128xf32, #tpu.memory_space<vmem>>, vector<1x128xf32>
    %add3A_30 = vector.broadcast %get3A_29 : vector<1x128xf32> to vector<1024x128xf32>
    %add3A_31 = arith.addf %add3A, %add3A_30 : vector<1024x128xf32>
    %max3A_32 = arith.constant 0.000000e+00 : f32
    %max3A_33 = vector.broadcast %max3A_32 : f32 to vector<1024x128xf32>
    %max3A_34 = arith.maximumf %add3A_31, %max3A_33 : vector<1024x128xf32>
    %get3A_35 = arith.constant 0 : index
    %get3A_36 = arith.constant 0 : index
    %get3A_37 = vector.load %arg8[%get3A_35, %get3A_36] : memref<128x128xf32, #tpu.memory_space<vmem>>, vector<128x128xf32>
    %dot_general3A_38 = arith.constant dense<0.000000e+00> : vector<1024x128xf32>
    %dot_general3A_39 = tpu.matmul %max3A_34, %get3A_37, %dot_general3A_38 {dimension_numbers = #tpu.dot_dimension_numbers<[1], [1], [0], [0], [0, 0, 1, 0], [], []>, precision = #tpu.contract_precision<fp32>, transpose_lhs_hint = false} : vector<1024x128xf32>, vector<128x128xf32>, vector<1024x128xf32> -> vector<1024x128xf32>
    %get3A_40 = arith.constant 0 : index
    %get3A_41 = arith.constant 0 : index
    %get3A_42 = vector.load %arg9[%get3A_40, %get3A_41] : memref<1x128xf32, #tpu.memory_space<vmem>>, vector<1x128xf32>
    %add3A_43 = vector.broadcast %get3A_42 : vector<1x128xf32> to vector<1024x128xf32>
    %add3A_44 = arith.addf %dot_general3A_39, %add3A_43 : vector<1024x128xf32>
    %max3A_45 = arith.constant 0.000000e+00 : f32
    %max3A_46 = vector.broadcast %max3A_45 : f32 to vector<1024x128xf32>
    %max3A_47 = arith.maximumf %add3A_44, %max3A_46 : vector<1024x128xf32>
    %get3A_48 = arith.constant 0 : index
    %get3A_49 = arith.constant 0 : index
    %get3A_50 = vector.load %arg10[%get3A_48, %get3A_49] : memref<128x128xf32, #tpu.memory_space<vmem>>, vector<128x128xf32>
    %dot_general3A_51 = arith.constant dense<0.000000e+00> : vector<1024x128xf32>
    %dot_general3A_52 = tpu.matmul %mul3A_14, %get3A_50, %dot_general3A_51 {dimension_numbers = #tpu.dot_dimension_numbers<[1], [1], [0], [0], [0, 0, 1, 0], [], []>, precision = #tpu.contract_precision<fp32>, transpose_lhs_hint = false} : vector<1024x128xf32>, vector<128x128xf32>, vector<1024x128xf32> -> vector<1024x128xf32>
    %get3A_53 = arith.constant 0 : index
    %get3A_54 = arith.constant 0 : index
    %get3A_55 = vector.load %arg11[%get3A_53, %get3A_54] : memref<128x128xf32, #tpu.memory_space<vmem>>, vector<128x128xf32>
    %dot_general3A_56 = arith.constant dense<0.000000e+00> : vector<1024x128xf32>
    %dot_general3A_57 = tpu.matmul %max3A_47, %get3A_55, %dot_general3A_56 {dimension_numbers = #tpu.dot_dimension_numbers<[1], [1], [0], [0], [0, 0, 1, 0], [], []>, precision = #tpu.contract_precision<fp32>, transpose_lhs_hint = false} : vector<1024x128xf32>, vector<128x128xf32>, vector<1024x128xf32> -> vector<1024x128xf32>
    %add3A_58 = arith.addf %dot_general3A_52, %dot_general3A_57 : vector<1024x128xf32>
    %get3A_59 = arith.constant 0 : index
    %get3A_60 = arith.constant 0 : index
    %get3A_61 = vector.load %arg12[%get3A_59, %get3A_60] : memref<1x128xf32, #tpu.memory_space<vmem>>, vector<1x128xf32>
    %add3A_62 = vector.broadcast %get3A_61 : vector<1x128xf32> to vector<1024x128xf32>
    %add3A_63 = arith.addf %add3A_58, %add3A_62 : vector<1024x128xf32>
    %max3A_64 = arith.constant 0.000000e+00 : f32
    %max3A_65 = vector.broadcast %max3A_64 : f32 to vector<1024x128xf32>
    %max3A_66 = arith.maximumf %add3A_63, %max3A_65 : vector<1024x128xf32>
    %get3A_67 = arith.constant 0 : index
    %get3A_68 = arith.constant 0 : index
    %get3A_69 = vector.load %arg13[%get3A_67, %get3A_68] : memref<128x128xf32, #tpu.memory_space<vmem>>, vector<128x128xf32>
    %dot_general3A_70 = arith.constant dense<0.000000e+00> : vector<1024x128xf32>
    %dot_general3A_71 = tpu.matmul %max3A_66, %get3A_69, %dot_general3A_70 {dimension_numbers = #tpu.dot_dimension_numbers<[1], [1], [0], [0], [0, 0, 1, 0], [], []>, precision = #tpu.contract_precision<fp32>, transpose_lhs_hint = false} : vector<1024x128xf32>, vector<128x128xf32>, vector<1024x128xf32> -> vector<1024x128xf32>
    %get3A_72 = arith.constant 0 : index
    %get3A_73 = arith.constant 0 : index
    %get3A_74 = vector.load %arg14[%get3A_72, %get3A_73] : memref<1x128xf32, #tpu.memory_space<vmem>>, vector<1x128xf32>
    %add3A_75 = vector.broadcast %get3A_74 : vector<1x128xf32> to vector<1024x128xf32>
    %add3A_76 = arith.addf %dot_general3A_71, %add3A_75 : vector<1024x128xf32>
    %get3A_77 = arith.constant 0 : index
    %get3A_78 = arith.constant 0 : index
    %get3A_79 = vector.load %arg15[%get3A_77, %get3A_78] : memref<128x128xf32, #tpu.memory_space<vmem>>, vector<128x128xf32>
    %dot_general3A_80 = arith.constant dense<0.000000e+00> : vector<1024x128xf32>
    %dot_general3A_81 = tpu.matmul %add3A_76, %get3A_79, %dot_general3A_80 {dimension_numbers = #tpu.dot_dimension_numbers<[1], [1], [0], [0], [0, 0, 1, 0], [], []>, precision = #tpu.contract_precision<fp32>, transpose_lhs_hint = false} : vector<1024x128xf32>, vector<128x128xf32>, vector<1024x128xf32> -> vector<1024x128xf32>
    %swap3A = arith.constant 0 : index
    %swap3A_82 = arith.constant 0 : index
    %swap3A_83 = vector.load %arg16[%swap3A, %swap3A_82] : memref<1024x128xf32, #tpu.memory_space<vmem>>, vector<1024x128xf32>
    tpu.vector_store %arg16[%swap3A, %swap3A_82], %dot_general3A_81 {strides = array<i32>} : memref<1024x128xf32, #tpu.memory_space<vmem>>, vector<1024x128xf32>,
    return
  }
  func.func @transform_0(%arg0: i32) -> (i32, i32) {
    %c0_i32 = arith.constant 0 : i32
    %c0_i32_0 = arith.constant 0 : i32
    return %arg0, %c0_i32 : i32, i32
  }
  func.func @transform_1(%arg0: i32) -> (i32, i32) {
    %c0_i32 = arith.constant 0 : i32
    %c0_i32_0 = arith.constant 0 : i32
    return %arg0, %c0_i32 : i32, i32
  }
  func.func @transform_2(%arg0: i32) -> (i32, i32) {
    %c0_i32 = arith.constant 0 : i32
    %c0_i32_0 = arith.constant 0 : i32
    return %arg0, %c0_i32 : i32, i32
  }
  func.func @transform_3(%arg0: i32) -> (i32, i32) {
    %c0_i32 = arith.constant 0 : i32
    %c0_i32_0 = arith.constant 0 : i32
    return %arg0, %c0_i32 : i32, i32
  }
  func.func @transform_4(%arg0: i32) -> (i32, i32) {
    %c0_i32 = arith.constant 0 : i32
    %c0_i32_0 = arith.constant 0 : i32
    %c0_i32_1 = arith.constant 0 : i32
    return %c0_i32, %c0_i32_0 : i32, i32
  }
  func.func @transform_5(%arg0: i32) -> (i32, i32) {
    %c0_i32 = arith.constant 0 : i32
    %c0_i32_0 = arith.constant 0 : i32
    %c0_i32_1 = arith.constant 0 : i32
    return %c0_i32, %c0_i32_0 : i32, i32
  }
  func.func @transform_6(%arg0: i32) -> (i32, i32) {
    %c0_i32 = arith.constant 0 : i32
    %c0_i32_0 = arith.constant 0 : i32
    %c0_i32_1 = arith.constant 0 : i32
    return %c0_i32, %c0_i32_0 : i32, i32
  }
  func.func @transform_7(%arg0: i32) -> (i32, i32) {
    %c0_i32 = arith.constant 0 : i32
    %c0_i32_0 = arith.constant 0 : i32
    %c0_i32_1 = arith.constant 0 : i32
    return %c0_i32, %c0_i32_0 : i32, i32
  }
  func.func @transform_8(%arg0: i32) -> (i32, i32) {
    %c0_i32 = arith.constant 0 : i32
    %c0_i32_0 = arith.constant 0 : i32
    %c0_i32_1 = arith.constant 0 : i32
    return %c0_i32, %c0_i32_0 : i32, i32
  }
  func.func @transform_9(%arg0: i32) -> (i32, i32) {
    %c0_i32 = arith.constant 0 : i32
    %c0_i32_0 = arith.constant 0 : i32
    %c0_i32_1 = arith.constant 0 : i32
    return %c0_i32, %c0_i32_0 : i32, i32
  }
  func.func @transform_10(%arg0: i32) -> (i32, i32) {
    %c0_i32 = arith.constant 0 : i32
    %c0_i32_0 = arith.constant 0 : i32
    %c0_i32_1 = arith.constant 0 : i32
    return %c0_i32, %c0_i32_0 : i32, i32
  }
  func.func @transform_11(%arg0: i32) -> (i32, i32) {
    %c0_i32 = arith.constant 0 : i32
    %c0_i32_0 = arith.constant 0 : i32
    %c0_i32_1 = arith.constant 0 : i32
    return %c0_i32, %c0_i32_0 : i32, i32
  }
  func.func @transform_12(%arg0: i32) -> (i32, i32) {
    %c0_i32 = arith.constant 0 : i32
    %c0_i32_0 = arith.constant 0 : i32
    %c0_i32_1 = arith.constant 0 : i32
    return %c0_i32, %c0_i32_0 : i32, i32
  }
  func.func @transform_13(%arg0: i32) -> (i32, i32) {
    %c0_i32 = arith.constant 0 : i32
    %c0_i32_0 = arith.constant 0 : i32
    %c0_i32_1 = arith.constant 0 : i32
    return %c0_i32, %c0_i32_0 : i32, i32
  }
  func.func @transform_14(%arg0: i32) -> (i32, i32) {
    %c0_i32 = arith.constant 0 : i32
    %c0_i32_0 = arith.constant 0 : i32
    %c0_i32_1 = arith.constant 0 : i32
    return %c0_i32, %c0_i32_0 : i32, i32
  }
  func.func @transform_15(%arg0: i32) -> (i32, i32) {
    %c0_i32 = arith.constant 0 : i32
    %c0_i32_0 = arith.constant 0 : i32
    return %arg0, %c0_i32 : i32, i32
  }
}

module attributes {stable_mosaic.version = 14 : i64} {
  func.func @_decoder_tc_kernel(%arg0: i32, %arg1: memref<1024x128xf32, #tpu.memory_space<vmem>>, %arg2: memref<1024x128xf32, #tpu.memory_space<vmem>>, %arg3: memref<1x128xf32, #tpu.memory_space<vmem>>, %arg4: memref<1x128xf32, #tpu.memory_space<vmem>>, %arg5: memref<1024x1xf32, #tpu.memory_space<vmem>>) attributes {dimension_semantics = [#tpu.dimension_semantics<arbitrary>], iteration_bounds = array<i64: 128>, scalar_prefetch = 0 : i64, scratch_operands = 0 : i64, tpu.core_type = #tpu.core_type<tc>, window_params = [{transform_indices = @transform_0, window_bounds = array<i64: 1024, 128>}, {transform_indices = @transform_1, window_bounds = array<i64: 1024, 128>}, {pipeline_mode = #tpu.pipeline_mode<synchronous>, transform_indices = @transform_2, window_bounds = array<i64: 1, 128>}, {pipeline_mode = #tpu.pipeline_mode<synchronous>, transform_indices = @transform_3, window_bounds = array<i64: 1, 128>}, {transform_indices = @transform_4, window_bounds = array<i64: 1024, 1>}]} {
    %get3A = arith.constant 0 : index
    %get3A_0 = arith.constant 0 : index
    %get3A_1 = vector.load %arg1[%get3A, %get3A_0] : memref<1024x128xf32, #tpu.memory_space<vmem>>, vector<1024x128xf32>
    %get3A_2 = arith.constant 0 : index
    %get3A_3 = arith.constant 0 : index
    %get3A_4 = vector.load %arg2[%get3A_2, %get3A_3] : memref<1024x128xf32, #tpu.memory_space<vmem>>, vector<1024x128xf32>
    %add3A = arith.addf %get3A_1, %get3A_4 : vector<1024x128xf32>
    %get3A_5 = arith.constant 0 : index
    %get3A_6 = arith.constant 0 : index
    %get3A_7 = vector.load %arg3[%get3A_5, %get3A_6] : memref<1x128xf32, #tpu.memory_space<vmem>>, vector<1x128xf32>
    %add3A_8 = vector.broadcast %get3A_7 : vector<1x128xf32> to vector<1024x128xf32>
    %add3A_9 = arith.addf %add3A, %add3A_8 : vector<1024x128xf32>
    %max3A = arith.constant 0.000000e+00 : f32
    %max3A_10 = vector.broadcast %max3A : f32 to vector<1024x128xf32>
    %max3A_11 = arith.maximumf %add3A_9, %max3A_10 : vector<1024x128xf32>
    %get3A_12 = arith.constant 0 : index
    %get3A_13 = arith.constant 0 : index
    %get3A_14 = vector.load %arg4[%get3A_12, %get3A_13] : memref<1x128xf32, #tpu.memory_space<vmem>>, vector<1x128xf32>
    %dot_general3A = arith.constant dense<0.000000e+00> : vector<1024x1xf32>
    %dot_general3A_15 = tpu.matmul %max3A_11, %get3A_14, %dot_general3A {dimension_numbers = #tpu.dot_dimension_numbers<[1], [1], [0], [0], [0, 0, 1, 0], [], []>, precision = #tpu.contract_precision<fp32>, transpose_lhs_hint = false} : vector<1024x128xf32>, vector<1x128xf32>, vector<1024x1xf32> -> vector<1024x1xf32>
    %swap3A = arith.constant 0 : index
    %swap3A_16 = arith.constant 0 : index
    %swap3A_17 = vector.load %arg5[%swap3A, %swap3A_16] : memref<1024x1xf32, #tpu.memory_space<vmem>>, vector<1024x1xf32>
    tpu.vector_store %arg5[%swap3A, %swap3A_16], %dot_general3A_15 {strides = array<i32>} : memref<1024x1xf32, #tpu.memory_space<vmem>>, vector<1024x1xf32>,
    return
  }
  func.func @transform_0(%arg0: i32) -> (i32, i32) {
    %c0_i32 = arith.constant 0 : i32
    %c0_i32_0 = arith.constant 0 : i32
    return %arg0, %c0_i32 : i32, i32
  }
  func.func @transform_1(%arg0: i32) -> (i32, i32) {
    %c0_i32 = arith.constant 0 : i32
    %c0_i32_0 = arith.constant 0 : i32
    return %arg0, %c0_i32 : i32, i32
  }
  func.func @transform_2(%arg0: i32) -> (i32, i32) {
    %c0_i32 = arith.constant 0 : i32
    %c0_i32_0 = arith.constant 0 : i32
    %c0_i32_1 = arith.constant 0 : i32
    return %c0_i32, %c0_i32_0 : i32, i32
  }
  func.func @transform_3(%arg0: i32) -> (i32, i32) {
    %c0_i32 = arith.constant 0 : i32
    %c0_i32_0 = arith.constant 0 : i32
    %c0_i32_1 = arith.constant 0 : i32
    return %c0_i32, %c0_i32_0 : i32, i32
  }
  func.func @transform_4(%arg0: i32) -> (i32, i32) {
    %c0_i32 = arith.constant 0 : i32
    %c0_i32_0 = arith.constant 0 : i32
    return %arg0, %c0_i32 : i32, i32
  }
}

</mosaic_0001>

<sc_bundles>
// kernel: kernel.13.cloned.1.call-start
scs
__scs_entry_jumppad:
0x0: {  	(pc) =	sbr.rel $0x88, $3  }
0x1: {  	(tag) =	ssettag $0x0;
	lr =	simm.s32 $0x1  }
0x2: {  	[smem:$0x3F7F] =	sst lr;
	_ =	strace $0xD0000000  }
0x3: {  	_ = 	snop  }
0x4: {  	_ = 	snop  }
0x5: {  	_ = 	snop  }
0x6: {  	_ = 	snop  }
0x7: {  	_ = 	snop  }
__scs_overlays_trampoline_lowered:
0x8: {  	[smem:$0x3F8E] =	sst s0  }
0x9: {  	[smem:$0x3F8F] =	sst s1  }
0xa: {  	[smem:$0x3F90] =	sst s2  }
0xb: {  	[smem:$0x3F91] =	sst s3  }
0xc: {  	[smem:$0x3F92] =	sst s4  }
0xd: {  	[smem:$0x3F93] =	sst s5  }
0xe: {  	[smem:$0x3F94] =	sst s6  }
0xf: {  	[smem:$0x3F95] =	sst s7  }
0x10: {  	[smem:$0x3F96] =	sst s8  }
0x11: {  	[smem:$0x3F97] =	sst s9;
	s0 =	simm.s32 @!p0 $0x0  }
0x12: {  	s1 =	sld [smem:$0x3F7D];
	s0 =	simm.s32 @p0 $0x1  }
0x13: {  	[smem:$0x3F98] =	sst s0;
	s0 =	simm.s32 @!p1 $0x0  }
0x14: {  	s2 =	sld [smem:$0x3F7C];
	s0 =	simm.s32 @p1 $0x1  }
0x15: {  	[smem:$0x3F99] =	sst s0;
	s0 =	simm.s32 @!p2 $0x0  }
0x16: {  	s3 =	sld [smem:$0x3FDB];
	s0 =	simm.s32 @p2 $0x1  }
0x17: {  	s4 =	simm.s32 $0x1BF5;
	[smem:$0x3F9B] =	sst s0  }
0x18: {  	s0 =	sld [smem:$0x3F7E];
	_ =	swait.ge [sflag:s4], $0x0  }
0x19: {  	s7 =	sld [smem:$0x3F7F]  }
0x1a: {  	s8 =	sadd.s32 $0xFFFFE003, lr  }
0x1b: {  	s9 =	sadd.s32 $0xFFFFFEF7, lr;
	s5 =	simm.s32 $0xFFFFFFFF;
	p2 =	slt.u32 s8, $0xFFFFF086  }
0x1c: {  	p1 =	slt.u32 s9, $0xF7A;
	s5 =	simm.s32 @!p2 $0x0  }
0x1d: {  	s5 =	simm.s32 @p1 $0x1;
	p0 =	seq.s32 s7, s2  }
0x1e: {  	s7 =	smul.u32 @!p0 $0xF7A, s2;
	p2 =	seq.s32 @!p0 s5, $0x0  }
0x1f: {  	s9 =	smul.u32 $0xF7A, s1;
	s8 =	simm.s32 @!p0 $0x1BF5;
	p2 =	por !p2, p0  }
0x20: {  	[sflag:s8] =	ssyncset.s32 @!p0 $0xFFFFF086;
	s6 =	sadd.s32 @!p0 s3, s7;
	s7 =	simm.s32 @!p0 $0x108  }
0x21: {  	s3 =	sadd.s32 s3, s9;
	s6 =	sadd.s32 @!p0 $0x88, s6;
	s7 =	simm.s32 @p2 $0x1082  }
0x22: {  	[simem:s7], [sflag:s8] =	dma.local @!p0 [hbm:s6], $0xF7A  }
0x23: {  	s9 =	sor.u32 $0xD0000000, s2;
	s6 =	simm.s32 $0x108;
	_ =	swait.ge @!p0 [sflag:s8], $0x0  }
0x24: {  	s3 =	sadd.s32 $0x88, s3;
	s6 =	simm.s32 @!p1 $0x1082;
	[sflag:s4] =	ssyncset.s32 $0xFFFFF086  }
0x25: {  	[simem:s6], [sflag:s4] =	dma.local [hbm:s3], $0xF7A  }
0x26: {  	[smem:$0x3F7F] =	sst s1;
	(tag) =	ssettag s2;
	_ =	strace s9  }
0x27: {  	s1 =	sld [smem:$0x3F8F]  }
0x28: {  	s2 =	sld [smem:$0x3F90]  }
0x29: {  	s4 =	sld [smem:$0x3F92]  }
0x2a: {  	p0 =	seq.s32 s5, $0x0;
	s5 =	sld [smem:$0x3F93]  }
0x2b: {  	s6 =	sld [smem:$0x3F94]  }
0x2c: {  	s7 =	sld [smem:$0x3F95]  }
0x2d: {  	s3 =	simm.s32 $0x108;
	s8 =	sld [smem:$0x3F96]  }
0x2e: {  	s3 =	simm.s32 @!p0 $0x1082;
	s9 =	sld [smem:$0x3F97]  }
0x2f: {  	lr =	sadd.s32 s0, s3;
	s0 =	sld [smem:$0x3F8E]  }
0x30: {  	s3 =	sld [smem:$0x3F91]  }
0x31: {  	[smem:$0x3F9A] =	sst s10  }
0x32: {  	s10 =	sld [smem:$0x3F98];
	_ =	sdelay $0x3  }
0x33: {  	p0 =	seq.s32 s10, $0x1;
	s10 =	sld [smem:$0x3F9A];
	_ =	sdelay $0x3  }
0x34: {  	[smem:$0x3F9A] =	sst s10  }
0x35: {  	s10 =	sld [smem:$0x3F99];
	_ =	sdelay $0x3  }
0x36: {  	p1 =	seq.s32 s10, $0x1;
	s10 =	sld [smem:$0x3F9A];
	_ =	sdelay $0x3  }
0x37: {  	[smem:$0x3F9A] =	sst s10  }
0x38: {  	s10 =	sld [smem:$0x3F9B]  }
0x39: {  	_ = 	snop;
	(pc) =	sbr.ind lr, $3  }
0x3a: {  	_ = 	snop  }
0x3b: {  	_ = 	snop  }
0x3c: {  	p2 =	seq.s32 s10, $0x1;
	s10 =	sld [smem:$0x3F9A]  }
0x3d: {  	_ =	shalt  }
0x3e: {  	_ =	shalt  }
0x3f: {  	_ =	shalt  }
0x40: {  	_ =	shalt  }
0x41: {  	_ =	shalt  }
0x42: {  	_ =	shalt  }
0x43: {  	_ =	shalt  }
0x44: {  	_ =	shalt  }
0x45: {  	_ =	shalt  }
0x46: {  	_ =	shalt  }
0x47: {  	_ =	shalt  }
0x48: {  	_ =	shalt  }
0x49: {  	_ =	shalt  }
0x4a: {  	_ =	shalt  }
0x4b: {  	_ =	shalt  }
0x4c: {  	_ =	shalt  }
0x4d: {  	_ =	shalt  }
0x4e: {  	_ =	shalt  }
0x4f: {  	_ =	shalt  }
0x50: {  	_ =	shalt  }
0x51: {  	_ =	shalt  }
0x52: {  	_ =	shalt  }
0x53: {  	_ =	shalt  }
0x54: {  	_ =	shalt  }
0x55: {  	_ =	shalt  }
0x56: {  	_ =	shalt  }
0x57: {  	_ =	shalt  }
0x58: {  	_ =	shalt  }
0x59: {  	_ =	shalt  }
0x5a: {  	_ =	shalt  }
0x5b: {  	_ =	shalt  }
0x5c: {  	_ =	shalt  }
0x5d: {  	_ =	shalt  }
0x5e: {  	_ =	shalt  }
0x5f: {  	_ =	shalt  }
0x60: {  	_ =	shalt  }
0x61: {  	_ =	shalt  }
0x62: {  	_ =	shalt  }
0x63: {  	_ =	shalt  }
0x64: {  	_ =	shalt  }
0x65: {  	_ =	shalt  }
0x66: {  	_ =	shalt  }
0x67: {  	_ =	shalt  }
0x68: {  	_ =	shalt  }
0x69: {  	_ =	shalt  }
0x6a: {  	_ =	shalt  }
0x6b: {  	_ =	shalt  }
0x6c: {  	_ =	shalt  }
0x6d: {  	_ =	shalt  }
0x6e: {  	_ =	shalt  }
0x6f: {  	_ =	shalt  }
0x70: {  	_ =	shalt  }
0x71: {  	_ =	shalt  }
0x72: {  	_ =	shalt  }
0x73: {  	_ =	shalt  }
0x74: {  	_ =	shalt  }
0x75: {  	_ =	shalt  }
0x76: {  	_ =	shalt  }
0x77: {  	_ =	shalt  }
0x78: {  	_ =	shalt  }
0x79: {  	_ =	shalt  }
0x7a: {  	_ =	shalt  }
0x7b: {  	_ =	shalt  }
0x7c: {  	_ =	shalt  }
0x7d: {  	_ =	shalt  }
0x7e: {  	_ =	shalt  }
0x7f: {  	_ =	shalt  }
0x80: {  	_ =	shalt  }
0x81: {  	_ =	shalt  }
0x82: {  	_ =	shalt  }
0x83: {  	_ =	shalt  }
0x84: {  	_ =	shalt  }
0x85: {  	_ =	shalt  }
0x86: {  	_ =	shalt  }
0x87: {  	_ =	shalt  }
.Lfunc_end0:
.L_simem_size_0:
called_computation_lowered:
.L_overlay_start_0:
0x88: {  	s2 =	sld [smem:$0x3FD9]  }
0x89: {  	s3 =	sld [smem:$0x3FFE];
	_ =	sdelay $0x1  }
0x8a: {  	s1 =	srdreg.scid  }
0x8b: {  	s0 =	sand.u32 $0x1, s1  }
0x8c: {  	s17 =	sshll.u32 s0, $0xA;
	s2 =	sadd.s32 s3, s2  }
0x8d: {  	s2 =	sadd.s32 s2, s17  }
0x8e: {  	[smem:$0x3FA6] =	sst s2  }
0x8f: {  	_ = 	snop  }
0x90: {  	s18 =	sld [smem:$0x3FC9];
	(tm) =	ssettm $0x1  }
0x91: {  	s19 =	sld [smem:$0x3FFB];
	_ =	sdelay $0x3  }
0x92: {  	_ =	strace s19  }
0x93: {  	s2 =	sld [smem:$0x3FFC];
	_ =	sdelay $0x3  }
0x94: {  	_ =	strace s2  }
0x95: {  	s2 =	sld [smem:$0x3FFD];
	_ =	sdelay $0x3  }
0x96: {  	_ =	strace s2  }
0x97: {  	_ =	strace $0x8FFFFFFF  }
0x98: {  	s20 =	sld [smem:$0x3FDB];
	_ =	sdelay $0x1  }
0x99: {  	s4 =	simm.s32 $_scs_section_size  }
0x9a: {  	s5 =	simm.s32 $_size__tile_overlayer_lowered;
	s6 =	simm.s32 $_tile_overlayer_lowered  }
0x9b: {  	s7 =	simm.s32 $0x1BFF;
	s21 =	sshll.u32 s6, $0x1;
	s4 =	sadd.s32 s4, s20  }
0x9c: {  	s22 =	simm.s32 $0x0;
	s5 =	sshll.u32 s5, $0x1;
	s6 =	sadd.s32 s21, s4  }
0x9d: {  	[timem:s22], [sflag:s7] =	dma.local [hbm:s6], s5  }
0x9e: {  	_ =	swait.ge [sflag:s7], s5  }
0x9f: {  	s5 =	ssub.s32 $0x0, s5;
	[sflag:s7] =	ssyncset.done $0x0  }
0xa0: {  	[sflag:s7] =	ssyncadd.s32 s5;
	_ =	sdelay $0x1  }
0xa1: {  	s23 =	simm.s32 $0x1B8B  }
0xa2: {  	_ =	swait.ge [sflag:s23], $0x1  }
0xa3: {  	[sflag:s23] =	ssyncset.done $0x0  }
0xa4: {  	[sflag:s23] =	ssyncadd.s32 $0xFFFFFFFF  }
0xa5: {  	s5 =	sld [smem:$0x0]  }
0xa6: {  	s6 =	sand.u32 $0xFFFFFFFE, s1  }
0xa7: {  	p0 =	sne.s32 s1, s6  }
0xa8: {  	s6 =	sshll.u32 @p0 s6, $0xE  }
0xa9: {  	s6 =	sadd.s32 @p0 $0x11B8D, s6;
	s7 =	sshll.u32 @p0 s5, $0x11  }
0xaa: {  	s6 =	sor.u32 @p0 s7, s6  }
0xab: {  	[sflag:s6] =	ssyncadd.remote.s32 @p0 $0x1;
	_ =	sdelay $0x1  }
0xac: {  	s6 =	simm.s32 @p0 $0x1B8D  }
0xad: {  	_ =	swait.eq @p0 [sflag:s6], $0x1  }
0xae: {  	[sflag:s6] =	ssyncadd.s32 @p0 $0xFFFFFFFF  }
0xaf: {  	s7 =	sshll.u32 @!p0 s1, $0xE  }
0xb0: {  	s7 =	sor.u32 @!p0 $0x4000, s7;
	s6 =	simm.s32 @!p0 $0x1B8D  }
0xb1: {  	s5 =	sshll.u32 @!p0 s5, $0x11;
	s7 =	sadd.s32 @!p0 $0x11B8D, s7;
	_ =	swait.eq @!p0 [sflag:s6], $0x1  }
0xb2: {  	s5 =	sor.u32 @!p0 s5, s7;
	[sflag:s6] =	ssyncadd.s32 @!p0 $0xFFFFFFFF  }
0xb3: {  	s25 =	simm.s32 $0x1B8E;
	s24 =	sld [smem:$0x3FFE];
	[sflag:s5] =	ssyncadd.remote.s32 @!p0 $0x1  }
0xb4: {  	s26 =	simm.s32 $execute0_lowered;
	[smem:$0x3FD2] =	sst s25  }
0xb5: {  	s6 =	sshll.u32 s26, $0x1;
	_ =	strace $0x80000049;
	[dreg:$0x1] =	wrdreg $0xFFFFFFFF  }
0xb6: {  	s28 =	simm.s32 $_size_execute0_lowered;
	s4 =	sadd.s32 s4, s6;
	[dreg:$0x0] =	wrdreg $0x0  }
0xb7: {  	s6 =	sshll.u32 s28, $0x1;
	[dreg:$0x2] =	wrdreg s4  }
0xb8: {  	[dreg:$0x3] =	wrdreg s6  }
0xb9: {  	[dreg:$0x4] =	wrdreg $0xC0  }
0xba: {  	_ =	task [dreg:s22], $0x5FFFF  }
0xbb: {  	[dreg:$0x1] =	wrdreg $0xFFFFFFFF  }
0xbc: {  	[dreg:$0x0] =	wrdreg $0x60  }
0xbd: {  	[dreg:$0x2] =	wrdreg s18  }
0xbe: {  	[dreg:$0x3] =	wrdreg s24  }
0xbf: {  	[dreg:$0x4] =	wrdreg $0x51000  }
0xc0: {  	[dreg:$0x5] =	wrdreg $0xB  }
0xc1: {  	_ =	task.clear_ibuf [dreg:s22], $0x6FFFF;
	_ =	strace $0x90000049  }
0xc2: {  	s29 =	simm.s32 $0xB;
	_ =	strace $0x8000004B  }
0xc3: {  	_ =	swait.ge [sflag:s29], $0x1  }
0xc4: {  	[sflag:s29] =	ssyncadd.s32 $0xFFFFFFFF  }
0xc5: {  	_ =	strace $0x9000004B  }
0xc6: {  	_ =	sfence  }
0xc7: {  	s30 =	sld [smem:$0x0];
	_ =	sdelay $0x2  }
0xc8: {  	s31 =	sshll.u32 s1, $0xD;
	s1 =	sshrl.u32 s1, $0x2  }
0xc9: {  	s4 =	sand.u32 $0x4000, s31;
	s1 =	sadd.s32 s1, s30  }
0xca: {  	s0 =	sor.u32 s4, s0;
	s1 =	sshll.u32 s1, $0x11  }
0xcb: {  	s0 =	sor.u32 s1, s0  }
0xcc: {  	s0 =	sadd.s32 $0x8F2B, s0  }
0xcd: {  	[sflag:s0] =	ssyncadd.remote.s32 $0x1  }
0xce: {  	_ =	sfence.sel $0xFFFF  }
0xcf: {  	[dreg:$0x0] =	wrdreg $0xFFFFFFFF;
	(pc) =	sbr.abs _section_cstart, $3  }
0xd0: {  	[dreg:$0x1] =	wrdreg $0xFFFFFFFF  }
0xd1: {  	_ =	task.clear_ibuf [dreg:s22], $0x2FFFF;
	_ =	strace $0x9FFFFFFF  }
0xd2: {  	(tm) =	ssettm $0x7FFFFFFF  }
0xd3: {  	_ =	shalt  }
tec
execute0_lowered:
.L_overlay_start_1:
0x0: {  	(tag) =	ssettag $0x1  }
0x1: {  	s1 =	rddreg [dreg:$0x0]  }
0x2: {  	s7 =	rddreg [dreg:$0x1]  }
0x3: {  	s3 =	rddreg [dreg:$0x2]  }
0x4: {  	s0 =	rddreg [dreg:$0x3]  }
0x5: {  	s5 =	srdreg.scid;
	s2 =	stileid.u32;
	s4 =	simm.s32 $0x0  }
0x6: {  	s16 =	simm.s32 $0x2;
	s17 =	simm.s32 $0x800;
	s18 =	simm.s32 $0x80  }
0x7: {  	s19 =	simm.s32 $0x1000;
	s20 =	simm.s32 $0x1;
	s21 =	simm.s32 $0x1080  }
0x8: {  	s12 =	sand.u32 $0x1, s5;
	s8 =	smul.u32 $0x2800, s2;
	[smem:$0x7FF] =	sst s4  }
0x9: {  	s10 =	smul.u32 $0x50000, s2;
	s5 =	sadd.s32 $0x7F400, s7;
	s6 =	sadd.s32 $0x5400, s7  }
0xa: {  	s15 =	sshll.u32 s2, $0x9;
	s22 =	sshll.u32 s2, $0x6;
	s9 =	smul.u32 $0x28000, s12  }
0xb: {  	_ =	strace $0x8000004A;
	s11 =	ssub.s32 $0x2, s12;
	s12 =	sshll.u32 s12, $0x8  }
0xc: {  	s22 =	sor.u32 $0x1C02, s22;
	s31 =	sshrl.u32 s11, $0x1;
	s10 =	sshrl.u32 s10, $0x2  }
0xd: {  	s12 =	sor.u32 s12, s15;
	s15 =	simm.s32 $0x1100;
	s8 =	sadd.s32 s8, s9  }
0xe: {  	s14 =	ssub.s32 s11, s31;
	s13 =	sadd.s32 s8, s7;
	s7 =	sadd.s32 s10, s3  }
0xf: {  	s14 =	smax.u32 s14, $0x1;
	s8 =	sadd.s32 $0x4000, s7;
	s9 =	sadd.s32 $0x8000, s7  }
0x10: {  	v0 =	vimm.f32 $0.0e+00;
	s10 =	sadd.s32 $0xC000, s7;
	s11 =	sadd.s32 $0x10000, s7;
	s13 =	sadd.s32 $0x89400, s13  }
.LBB2_1:
0x11: {  	s23 =	simm.s32 $0x0;
	s24 =	simm.s32 $0x200  }
.LBB2_2:
0x12: {  	p0 =	sne.s32 s24, $0xFE00;
	[tilespmem:s23+$0x1170] =	vst v0  }
0x13: {  	[tilespmem:s23+$0x1100] =	vst v0  }
0x14: {  	[tilespmem:s23+$0x1110] =	vst v0  }
.Ltmp0:
0x15: {  	[tilespmem:s23+$0x1120] =	vst v0;
	(pc) =	sbr.rel @p0 .LBB2_2-.Ltmp0, $4  }
0x16: {  	[tilespmem:s23+$0x1130] =	vst v0  }
0x17: {  	[tilespmem:s23+$0x1140] =	vst v0  }
0x18: {  	[tilespmem:s23+$0x1150] =	vst v0  }
0x19: {  	[tilespmem:s23+$0x1160] =	vst v0;
	s23 =	sshra.s32 s24, $0x2;
	s24 =	sadd.s32 $0x200, s24  }
0x1a: {  	[tilespmem:s23+$0x1170] =	vst v0  }
0x1b: {  	[tilespmem:s23+$0x1100] =	vst v0  }
0x1c: {  	[tilespmem:s23+$0x1110] =	vst v0  }
0x1d: {  	[tilespmem:s23+$0x1120] =	vst v0  }
0x1e: {  	[tilespmem:s23+$0x1130] =	vst v0  }
0x1f: {  	[tilespmem:s23+$0x1140] =	vst v0  }
0x20: {  	[tilespmem:s23+$0x1150] =	vst v0  }
0x21: {  	[tilespmem:s23+$0x1160] =	vst v0  }
0x22: {  	[spmem:s7] =	stream.linear.scatter [tilespmem:s15], [sflag:$0x2], $0x4000, $0x38;
	[tilespmem:$0x19140] =	vst v63  }
0x23: {  	_ =	swait.ge [sflag:s16], $0x4000  }
0x24: {  	[sflag:s16] =	ssyncset.done $0x0  }
0x25: {  	[sflag:s16] =	ssyncadd.s32 $0xFFFFC000  }
0x26: {  	[spmem:s8] =	stream.linear.scatter [tilespmem:s15], [sflag:$0x2], $0x4000, $0x38;
	[tilespmem:$0x19140] =	vst v63  }
0x27: {  	_ =	swait.ge [sflag:s16], $0x4000  }
0x28: {  	[sflag:s16] =	ssyncset.done $0x0  }
0x29: {  	[sflag:s16] =	ssyncadd.s32 $0xFFFFC000  }
0x2a: {  	[spmem:s9] =	stream.linear.scatter [tilespmem:s15], [sflag:$0x2], $0x4000, $0x38;
	[tilespmem:$0x19140] =	vst v63  }
0x2b: {  	_ =	swait.ge [sflag:s16], $0x4000  }
0x2c: {  	[sflag:s16] =	ssyncset.done $0x0  }
0x2d: {  	[sflag:s16] =	ssyncadd.s32 $0xFFFFC000  }
0x2e: {  	[spmem:s10] =	stream.linear.scatter [tilespmem:s15], [sflag:$0x2], $0x4000, $0x38;
	[tilespmem:$0x19140] =	vst v63  }
0x2f: {  	_ =	swait.ge [sflag:s16], $0x4000  }
0x30: {  	[sflag:s16] =	ssyncset.done $0x0  }
0x31: {  	[sflag:s16] =	ssyncadd.s32 $0xFFFFC000  }
0x32: {  	[spmem:s11] =	stream.linear.scatter [tilespmem:s15], [sflag:$0x2], $0x4000, $0x38;
	[tilespmem:$0x19140] =	vst v63  }
0x33: {  	_ =	swait.ge [sflag:s16], $0x4000  }
0x34: {  	[sflag:s16] =	ssyncset.done $0x0  }
0x35: {  	[sflag:s16] =	ssyncadd.s32 $0xFFFFC000  }
0x36: {  	s23 =	simm.s32 $0x0;
	s24 =	simm.s32 $0x0;
	[bflag:$0x0] =	sbarrier.arrive $0xFFFF  }
.LBB2_4:
0x37: {  	s25 =	sshll.u32 s24, $0xD  }
0x38: {  	s25 =	sor.u32 s12, s25  }
0x39: {  	s26 =	sadd.s32 s5, s25  }
0x3a: {  	[tilespmem:s23], [sflag:$0x2] =	stream.linear.gather [hbm4b:s26+s23], $0x800, $0x38;
	[tilespmem:$0x19140] =	vst v63  }
0x3b: {  	_ =	swait.ge [sflag:s16], $0x800  }
0x3c: {  	[sflag:s16] =	ssyncset.done $0x0  }
0x3d: {  	s25 =	sadd.s32 s6, s25;
	[sflag:s16] =	ssyncadd.s32 $0xFFFFF800  }
0x3e: {  	[tilespmem:s17], [sflag:$0x2] =	stream.linear.gather [hbm4b:s25+s23], $0x800, $0x38;
	[tilespmem:$0x19140] =	vst v63  }
0x3f: {  	_ =	swait.ge [sflag:s16], $0x800  }
0x40: {  	[sflag:s16] =	ssyncset.done $0x0  }
0x41: {  	s31 =	simm.s32 $0x0;
	[sflag:s16] =	ssyncadd.s32 $0xFFFFF800  }
0x42: {  	v1 =	vld [tilespmem:s31+$0x0];
	_ =	sdelay $0x4  }
0x43: {  	[tilespmem:$0x1000] =	vst v1  }
0x44: {  	v1 =	vld [tilespmem:s31+$0x10];
	_ =	sdelay $0x4  }
0x45: {  	[tilespmem:$0x1010] =	vst v1  }
0x46: {  	v1 =	vld [tilespmem:s31+$0x20];
	_ =	sdelay $0x4  }
0x47: {  	[tilespmem:$0x1020] =	vst v1  }
0x48: {  	v1 =	vld [tilespmem:s31+$0x30];
	_ =	sdelay $0x4  }
0x49: {  	[tilespmem:$0x1030] =	vst v1  }
0x4a: {  	v1 =	vld [tilespmem:s31+$0x40];
	_ =	sdelay $0x4  }
0x4b: {  	[tilespmem:$0x1040] =	vst v1  }
0x4c: {  	v1 =	vld [tilespmem:s31+$0x50];
	_ =	sdelay $0x4  }
0x4d: {  	[tilespmem:$0x1050] =	vst v1  }
0x4e: {  	v1 =	vld [tilespmem:s31+$0x60];
	_ =	sdelay $0x4  }
0x4f: {  	[tilespmem:$0x1060] =	vst v1  }
0x50: {  	v1 =	vld [tilespmem:s31+$0x70];
	_ =	sdelay $0x4  }
0x51: {  	[tilespmem:$0x1070] =	vst v1  }
0x52: {  	v1 =	vld [tilespmem:s31+$0x800];
	_ =	sdelay $0x4  }
0x53: {  	[tilespmem:$0x1080] =	vst v1  }
0x54: {  	v1 =	vld [tilespmem:s31+$0x810];
	_ =	sdelay $0x4  }
0x55: {  	[tilespmem:$0x1090] =	vst v1  }
0x56: {  	v1 =	vld [tilespmem:s31+$0x820];
	_ =	sdelay $0x4  }
0x57: {  	[tilespmem:$0x10A0] =	vst v1  }
0x58: {  	v1 =	vld [tilespmem:s31+$0x830];
	_ =	sdelay $0x4  }
0x59: {  	[tilespmem:$0x10B0] =	vst v1  }
0x5a: {  	v1 =	vld [tilespmem:s31+$0x840];
	_ =	sdelay $0x4  }
0x5b: {  	[tilespmem:$0x10C0] =	vst v1  }
0x5c: {  	v1 =	vld [tilespmem:s31+$0x850];
	_ =	sdelay $0x4  }
0x5d: {  	[tilespmem:$0x10D0] =	vst v1  }
0x5e: {  	v1 =	vld [tilespmem:s31+$0x860];
	_ =	sdelay $0x4  }
0x5f: {  	[tilespmem:$0x10E0] =	vst v1  }
0x60: {  	v1 =	vld [tilespmem:s31+$0x870];
	_ =	sdelay $0x4  }
0x61: {  	[tilespmem:$0x10F0] =	vst v1  }
0x62: {  	[tilespmem:s15], [sflag:$0x1] =	stream.indirect.gather [hbm4b:s1+s18], $0x80, s19, s18, $0xb8;
	[tilespmem:$0x19140] =	vst v63  }
0x63: {  	_ =	swait.ge [sflag:s20], $0x4000  }
0x64: {  	[sflag:s20] =	ssyncset.done $0x0  }
0x65: {  	[sflag:s20] =	ssyncadd.s32 $0xFFFFC000  }
0x66: {  	[spmem:s3] =	stream.indirect.scatter.add.f32 [tilespmem:s15], [sflag:$0x2], $0x80, s21, s18, $0xb8;
	[tilespmem:$0x19140] =	vst v63  }
0x67: {  	_ =	swait.ge [sflag:s16], $0x4000  }
0x68: {  	s29 =	simm.s32 $0x400;
	s25 =	simm.s32 $0x200;
	[sflag:s16] =	ssyncset.done $0x0  }
.LBB2_5:
0x69: {  	s28 =	sshra.s32 s25, $0x2  }
0x6a: {  	[sflag:s16] =	ssyncadd.s32 $0xFFFFC000;
	s25 =	smov.u32 s29;
	s26 =	sadd.s32 $0x200, s29  }
0x6b: {  	p0 =	sne.s32 s29, $0x1E00;
	v1 =	vld [tilespmem:s28+$0x0];
	_ =	sdelay $0x4  }
0x6c: {  	[tilespmem:$0x1000] =	vst v1  }
0x6d: {  	v1 =	vld [tilespmem:s28+$0x10];
	_ =	sdelay $0x4  }
0x6e: {  	[tilespmem:$0x1010] =	vst v1  }
0x6f: {  	v1 =	vld [tilespmem:s28+$0x20];
	_ =	sdelay $0x4  }
0x70: {  	[tilespmem:$0x1020] =	vst v1  }
0x71: {  	v1 =	vld [tilespmem:s28+$0x30];
	_ =	sdelay $0x4  }
0x72: {  	[tilespmem:$0x1030] =	vst v1  }
0x73: {  	v1 =	vld [tilespmem:s28+$0x40];
	_ =	sdelay $0x4  }
0x74: {  	[tilespmem:$0x1040] =	vst v1  }
0x75: {  	v1 =	vld [tilespmem:s28+$0x50];
	_ =	sdelay $0x4  }
0x76: {  	[tilespmem:$0x1050] =	vst v1  }
0x77: {  	v1 =	vld [tilespmem:s28+$0x60];
	_ =	sdelay $0x4  }
0x78: {  	[tilespmem:$0x1060] =	vst v1  }
0x79: {  	v1 =	vld [tilespmem:s28+$0x70];
	_ =	sdelay $0x4  }
0x7a: {  	[tilespmem:$0x1070] =	vst v1  }
0x7b: {  	v1 =	vld [tilespmem:s28+$0x800];
	_ =	sdelay $0x4  }
0x7c: {  	[tilespmem:$0x1080] =	vst v1  }
0x7d: {  	v1 =	vld [tilespmem:s28+$0x810];
	_ =	sdelay $0x4  }
0x7e: {  	[tilespmem:$0x1090] =	vst v1  }
0x7f: {  	v1 =	vld [tilespmem:s28+$0x820];
	_ =	sdelay $0x4  }
0x80: {  	[tilespmem:$0x10A0] =	vst v1  }
0x81: {  	v1 =	vld [tilespmem:s28+$0x830];
	_ =	sdelay $0x4  }
0x82: {  	[tilespmem:$0x10B0] =	vst v1  }
0x83: {  	v1 =	vld [tilespmem:s28+$0x840];
	_ =	sdelay $0x4  }
0x84: {  	[tilespmem:$0x10C0] =	vst v1  }
0x85: {  	v1 =	vld [tilespmem:s28+$0x850];
	_ =	sdelay $0x4  }
0x86: {  	[tilespmem:$0x10D0] =	vst v1  }
0x87: {  	v1 =	vld [tilespmem:s28+$0x860];
	_ =	sdelay $0x4  }
0x88: {  	[tilespmem:$0x10E0] =	vst v1  }
0x89: {  	v1 =	vld [tilespmem:s28+$0x870];
	_ =	sdelay $0x4  }
0x8a: {  	[tilespmem:$0x10F0] =	vst v1  }
0x8b: {  	[tilespmem:s15], [sflag:$0x1] =	stream.indirect.gather [hbm4b:s1+s18], $0x80, s19, s18, $0xb8;
	[tilespmem:$0x19140] =	vst v63  }
0x8c: {  	_ =	swait.ge [sflag:s20], $0x4000  }
.Ltmp1:
0x8d: {  	[sflag:s20] =	ssyncset.done $0x0;
	(pc) =	sbr.rel @p0 .LBB2_5-.Ltmp1, $4  }
0x8e: {  	[sflag:s20] =	ssyncadd.s32 $0xFFFFC000  }
0x8f: {  	[spmem:s3] =	stream.indirect.scatter.add.f32 [tilespmem:s15], [sflag:$0x2], $0x80, s21, s18, $0xb8;
	[tilespmem:$0x19140] =	vst v63  }
0x90: {  	_ =	swait.ge [sflag:s16], $0x4000  }
0x91: {  	s29 =	smov.u32 s26;
	[sflag:s16] =	ssyncset.done $0x0  }
0x92: {  	s25 =	sshra.s32 s25, $0x2;
	[sflag:s16] =	ssyncadd.s32 $0xFFFFC000  }
0x93: {  	v1 =	vld [tilespmem:s25+$0x0];
	_ =	sdelay $0x4  }
0x94: {  	[tilespmem:$0x1000] =	vst v1  }
0x95: {  	v1 =	vld [tilespmem:s25+$0x10];
	_ =	sdelay $0x4  }
0x96: {  	[tilespmem:$0x1010] =	vst v1  }
0x97: {  	v1 =	vld [tilespmem:s25+$0x20];
	_ =	sdelay $0x4  }
0x98: {  	[tilespmem:$0x1020] =	vst v1  }
0x99: {  	v1 =	vld [tilespmem:s25+$0x30];
	_ =	sdelay $0x4  }
0x9a: {  	[tilespmem:$0x1030] =	vst v1  }
0x9b: {  	v1 =	vld [tilespmem:s25+$0x40];
	_ =	sdelay $0x4  }
0x9c: {  	[tilespmem:$0x1040] =	vst v1  }
0x9d: {  	v1 =	vld [tilespmem:s25+$0x50];
	_ =	sdelay $0x4  }
0x9e: {  	[tilespmem:$0x1050] =	vst v1  }
0x9f: {  	v1 =	vld [tilespmem:s25+$0x60];
	_ =	sdelay $0x4  }
0xa0: {  	[tilespmem:$0x1060] =	vst v1  }
0xa1: {  	v1 =	vld [tilespmem:s25+$0x70];
	_ =	sdelay $0x4  }
0xa2: {  	[tilespmem:$0x1070] =	vst v1  }
0xa3: {  	v1 =	vld [tilespmem:s25+$0x800];
	_ =	sdelay $0x4  }
0xa4: {  	[tilespmem:$0x1080] =	vst v1  }
0xa5: {  	v1 =	vld [tilespmem:s25+$0x810];
	_ =	sdelay $0x4  }
0xa6: {  	[tilespmem:$0x1090] =	vst v1  }
0xa7: {  	v1 =	vld [tilespmem:s25+$0x820];
	_ =	sdelay $0x4  }
0xa8: {  	[tilespmem:$0x10A0] =	vst v1  }
0xa9: {  	v1 =	vld [tilespmem:s25+$0x830];
	_ =	sdelay $0x4  }
0xaa: {  	[tilespmem:$0x10B0] =	vst v1  }
0xab: {  	v1 =	vld [tilespmem:s25+$0x840];
	_ =	sdelay $0x4  }
0xac: {  	[tilespmem:$0x10C0] =	vst v1  }
0xad: {  	v1 =	vld [tilespmem:s25+$0x850];
	_ =	sdelay $0x4  }
0xae: {  	[tilespmem:$0x10D0] =	vst v1  }
0xaf: {  	v1 =	vld [tilespmem:s25+$0x860];
	_ =	sdelay $0x4  }
0xb0: {  	[tilespmem:$0x10E0] =	vst v1  }
0xb1: {  	v1 =	vld [tilespmem:s25+$0x870];
	_ =	sdelay $0x4  }
0xb2: {  	[tilespmem:$0x10F0] =	vst v1  }
0xb3: {  	[tilespmem:s15], [sflag:$0x1] =	stream.indirect.gather [hbm4b:s1+s18], $0x80, s19, s18, $0xb8;
	[tilespmem:$0x19140] =	vst v63  }
0xb4: {  	s24 =	sadd.s32 $0x1, s24;
	_ =	swait.ge [sflag:s20], $0x4000  }
0xb5: {  	p0 =	sne.s32 s24, $0x5;
	[sflag:s20] =	ssyncset.done $0x0  }
.Ltmp2:
0xb6: {  	[sflag:s20] =	ssyncadd.s32 $0xFFFFC000;
	(pc) =	sbr.rel @p0 .LBB2_4-.Ltmp2, $4  }
0xb7: {  	[spmem:s3] =	stream.indirect.scatter.add.f32 [tilespmem:s15], [sflag:$0x2], $0x80, s21, s18, $0xb8;
	[tilespmem:$0x19140] =	vst v63  }
0xb8: {  	_ =	swait.ge [sflag:s16], $0x4000  }
0xb9: {  	[sflag:s16] =	ssyncset.done $0x0  }
0xba: {  	[sflag:s16] =	ssyncadd.s32 $0xFFFFC000  }
0xbb: {  	s4 =	sadd.s32 $0x1, s4  }
0xbc: {  	p0 =	sne.s32 s4, s14  }
.Ltmp3:
0xbd: {  	[bflag:$0x0] =	sbarrier.arrive $0xFFFF;
	s23 =	sshrl.u32 s7, $0x3;
	(pc) =	sbr.rel @p0 .LBB2_1-.Ltmp3, $4  }
0xbe: {  	[hbm:s13], [sflag:s22] =	dma.local [spmem:s23], $0x2800  }
0xbf: {  	_ =	swait.ge [sflag:s16], $0x2800  }
0xc0: {  	[sflag:s16] =	ssyncset.done $0x0  }
0xc1: {  	[sflag:s16] =	ssyncadd.s32 $0xFFFFD800  }
0xc2: {  	_ =	sfence.sel $0x180000  }
0xc3: {  	[bflag:$0x0] =	sbarrier.arrive $0xFFFF  }
0xc4: {  	p0 =	sne.s32 s2, $0x0;
	_ =	strace $0x9000004A  }
0xc5: {  	s0 =	sadd.s32 @!p0 $0x100000, s0;
	[bflag:$0x2] =	sbarrier.arrive $0xFFFF  }
0xc6: {  	[sflag:s0] =	ssyncadd.tile.s32 @!p0 $0x1;
	_ =	shalt  }
.Lfunc_end2:
_tile_overlayer_lowered:
.L_overlay_start_2:
0xc7: {  	(tag) =	ssettag $0x2  }
0xc8: {  	s0 =	rddreg [dreg:$0x0];
	s2 =	stileid.u32  }
0xc9: {  	s1 =	rddreg [dreg:$0x1];
	p0 =	sne.s32 s2, $0x0  }
0xca: {  	s3 =	rddreg [dreg:$0x2];
	[bflag:$0x3] =	sbarrier.arrive $0xFFFF;
	s2 =	simm.s32 @!p0 $0x1C02  }
0xcb: {  	[timem:s3], [sflag:s2] =	dma.local @!p0 [hbm:s0], s1  }
0xcc: {  	s0 =	simm.s32 @!p0 $0x2  }
0xcd: {  	_ =	swait.ge @!p0 [sflag:s0], s1  }
0xce: {  	s1 =	ssub.s32 @!p0 $0x0, s1;
	[sflag:s0] =	ssyncset.done @!p0 $0x0  }
0xcf: {  	[sflag:s0] =	ssyncadd.s32 @!p0 s1  }
0xd0: {  	[bflag:$0x3] =	sbarrier.arrive $0xFFFF  }
0xd1: {  	_ =	shalt  }

// kernel: kernel.16.cloned.1.call-start
scs
__scs_entry_jumppad:
0x0: {  	(pc) =	sbr.rel $0x88, $3  }
0x1: {  	(tag) =	ssettag $0x0;
	lr =	simm.s32 $0x1  }
0x2: {  	[smem:$0x3F7F] =	sst lr;
	_ =	strace $0xD0000000  }
0x3: {  	_ = 	snop  }
0x4: {  	_ = 	snop  }
0x5: {  	_ = 	snop  }
0x6: {  	_ = 	snop  }
0x7: {  	_ = 	snop  }
__scs_overlays_trampoline_lowered:
0x8: {  	[smem:$0x3F8E] =	sst s0  }
0x9: {  	[smem:$0x3F8F] =	sst s1  }
0xa: {  	[smem:$0x3F90] =	sst s2  }
0xb: {  	[smem:$0x3F91] =	sst s3  }
0xc: {  	[smem:$0x3F92] =	sst s4  }
0xd: {  	[smem:$0x3F93] =	sst s5  }
0xe: {  	[smem:$0x3F94] =	sst s6  }
0xf: {  	[smem:$0x3F95] =	sst s7  }
0x10: {  	[smem:$0x3F96] =	sst s8  }
0x11: {  	[smem:$0x3F97] =	sst s9;
	s0 =	simm.s32 @!p0 $0x0  }
0x12: {  	s1 =	sld [smem:$0x3F7D];
	s0 =	simm.s32 @p0 $0x1  }
0x13: {  	[smem:$0x3F98] =	sst s0;
	s0 =	simm.s32 @!p1 $0x0  }
0x14: {  	s2 =	sld [smem:$0x3F7C];
	s0 =	simm.s32 @p1 $0x1  }
0x15: {  	[smem:$0x3F99] =	sst s0;
	s0 =	simm.s32 @!p2 $0x0  }
0x16: {  	s3 =	sld [smem:$0x3FDB];
	s0 =	simm.s32 @p2 $0x1  }
0x17: {  	s4 =	simm.s32 $0x1BF5;
	[smem:$0x3F9B] =	sst s0  }
0x18: {  	s0 =	sld [smem:$0x3F7E];
	_ =	swait.ge [sflag:s4], $0x0  }
0x19: {  	s7 =	sld [smem:$0x3F7F]  }
0x1a: {  	s8 =	sadd.s32 $0xFFFFE003, lr  }
0x1b: {  	s9 =	sadd.s32 $0xFFFFFEF7, lr;
	s5 =	simm.s32 $0xFFFFFFFF;
	p2 =	slt.u32 s8, $0xFFFFF086  }
0x1c: {  	p1 =	slt.u32 s9, $0xF7A;
	s5 =	simm.s32 @!p2 $0x0  }
0x1d: {  	s5 =	simm.s32 @p1 $0x1;
	p0 =	seq.s32 s7, s2  }
0x1e: {  	s7 =	smul.u32 @!p0 $0xF7A, s2;
	p2 =	seq.s32 @!p0 s5, $0x0  }
0x1f: {  	s9 =	smul.u32 $0xF7A, s1;
	s8 =	simm.s32 @!p0 $0x1BF5;
	p2 =	por !p2, p0  }
0x20: {  	[sflag:s8] =	ssyncset.s32 @!p0 $0xFFFFF086;
	s6 =	sadd.s32 @!p0 s3, s7;
	s7 =	simm.s32 @!p0 $0x108  }
0x21: {  	s3 =	sadd.s32 s3, s9;
	s6 =	sadd.s32 @!p0 $0x88, s6;
	s7 =	simm.s32 @p2 $0x1082  }
0x22: {  	[simem:s7], [sflag:s8] =	dma.local @!p0 [hbm:s6], $0xF7A  }
0x23: {  	s9 =	sor.u32 $0xD0000000, s2;
	s6 =	simm.s32 $0x108;
	_ =	swait.ge @!p0 [sflag:s8], $0x0  }
0x24: {  	s3 =	sadd.s32 $0x88, s3;
	s6 =	simm.s32 @!p1 $0x1082;
	[sflag:s4] =	ssyncset.s32 $0xFFFFF086  }
0x25: {  	[simem:s6], [sflag:s4] =	dma.local [hbm:s3], $0xF7A  }
0x26: {  	[smem:$0x3F7F] =	sst s1;
	(tag) =	ssettag s2;
	_ =	strace s9  }
0x27: {  	s1 =	sld [smem:$0x3F8F]  }
0x28: {  	s2 =	sld [smem:$0x3F90]  }
0x29: {  	s4 =	sld [smem:$0x3F92]  }
0x2a: {  	p0 =	seq.s32 s5, $0x0;
	s5 =	sld [smem:$0x3F93]  }
0x2b: {  	s6 =	sld [smem:$0x3F94]  }
0x2c: {  	s7 =	sld [smem:$0x3F95]  }
0x2d: {  	s3 =	simm.s32 $0x108;
	s8 =	sld [smem:$0x3F96]  }
0x2e: {  	s3 =	simm.s32 @!p0 $0x1082;
	s9 =	sld [smem:$0x3F97]  }
0x2f: {  	lr =	sadd.s32 s0, s3;
	s0 =	sld [smem:$0x3F8E]  }
0x30: {  	s3 =	sld [smem:$0x3F91]  }
0x31: {  	[smem:$0x3F9A] =	sst s10  }
0x32: {  	s10 =	sld [smem:$0x3F98];
	_ =	sdelay $0x3  }
0x33: {  	p0 =	seq.s32 s10, $0x1;
	s10 =	sld [smem:$0x3F9A];
	_ =	sdelay $0x3  }
0x34: {  	[smem:$0x3F9A] =	sst s10  }
0x35: {  	s10 =	sld [smem:$0x3F99];
	_ =	sdelay $0x3  }
0x36: {  	p1 =	seq.s32 s10, $0x1;
	s10 =	sld [smem:$0x3F9A];
	_ =	sdelay $0x3  }
0x37: {  	[smem:$0x3F9A] =	sst s10  }
0x38: {  	s10 =	sld [smem:$0x3F9B]  }
0x39: {  	_ = 	snop;
	(pc) =	sbr.ind lr, $3  }
0x3a: {  	_ = 	snop  }
0x3b: {  	_ = 	snop  }
0x3c: {  	p2 =	seq.s32 s10, $0x1;
	s10 =	sld [smem:$0x3F9A]  }
0x3d: {  	_ =	shalt  }
0x3e: {  	_ =	shalt  }
0x3f: {  	_ =	shalt  }
0x40: {  	_ =	shalt  }
0x41: {  	_ =	shalt  }
0x42: {  	_ =	shalt  }
0x43: {  	_ =	shalt  }
0x44: {  	_ =	shalt  }
0x45: {  	_ =	shalt  }
0x46: {  	_ =	shalt  }
0x47: {  	_ =	shalt  }
0x48: {  	_ =	shalt  }
0x49: {  	_ =	shalt  }
0x4a: {  	_ =	shalt  }
0x4b: {  	_ =	shalt  }
0x4c: {  	_ =	shalt  }
0x4d: {  	_ =	shalt  }
0x4e: {  	_ =	shalt  }
0x4f: {  	_ =	shalt  }
0x50: {  	_ =	shalt  }
0x51: {  	_ =	shalt  }
0x52: {  	_ =	shalt  }
0x53: {  	_ =	shalt  }
0x54: {  	_ =	shalt  }
0x55: {  	_ =	shalt  }
0x56: {  	_ =	shalt  }
0x57: {  	_ =	shalt  }
0x58: {  	_ =	shalt  }
0x59: {  	_ =	shalt  }
0x5a: {  	_ =	shalt  }
0x5b: {  	_ =	shalt  }
0x5c: {  	_ =	shalt  }
0x5d: {  	_ =	shalt  }
0x5e: {  	_ =	shalt  }
0x5f: {  	_ =	shalt  }
0x60: {  	_ =	shalt  }
0x61: {  	_ =	shalt  }
0x62: {  	_ =	shalt  }
0x63: {  	_ =	shalt  }
0x64: {  	_ =	shalt  }
0x65: {  	_ =	shalt  }
0x66: {  	_ =	shalt  }
0x67: {  	_ =	shalt  }
0x68: {  	_ =	shalt  }
0x69: {  	_ =	shalt  }
0x6a: {  	_ =	shalt  }
0x6b: {  	_ =	shalt  }
0x6c: {  	_ =	shalt  }
0x6d: {  	_ =	shalt  }
0x6e: {  	_ =	shalt  }
0x6f: {  	_ =	shalt  }
0x70: {  	_ =	shalt  }
0x71: {  	_ =	shalt  }
0x72: {  	_ =	shalt  }
0x73: {  	_ =	shalt  }
0x74: {  	_ =	shalt  }
0x75: {  	_ =	shalt  }
0x76: {  	_ =	shalt  }
0x77: {  	_ =	shalt  }
0x78: {  	_ =	shalt  }
0x79: {  	_ =	shalt  }
0x7a: {  	_ =	shalt  }
0x7b: {  	_ =	shalt  }
0x7c: {  	_ =	shalt  }
0x7d: {  	_ =	shalt  }
0x7e: {  	_ =	shalt  }
0x7f: {  	_ =	shalt  }
0x80: {  	_ =	shalt  }
0x81: {  	_ =	shalt  }
0x82: {  	_ =	shalt  }
0x83: {  	_ =	shalt  }
0x84: {  	_ =	shalt  }
0x85: {  	_ =	shalt  }
0x86: {  	_ =	shalt  }
0x87: {  	_ =	shalt  }
.Lfunc_end0:
.L_simem_size_0:
called_computation.1_lowered:
.L_overlay_start_0:
0x88: {  	s2 =	sld [smem:$0x3FD9]  }
0x89: {  	s3 =	sld [smem:$0x3FFE];
	_ =	sdelay $0x1  }
0x8a: {  	s1 =	srdreg.scid  }
0x8b: {  	s0 =	sand.u32 $0x1, s1  }
0x8c: {  	s16 =	sshll.u32 s0, $0xA;
	s2 =	sadd.s32 s3, s2  }
0x8d: {  	s2 =	sadd.s32 s2, s16  }
0x8e: {  	[smem:$0x3FA6] =	sst s2  }
0x8f: {  	_ = 	snop  }
0x90: {  	(tm) =	ssettm $0x1  }
0x91: {  	s17 =	sld [smem:$0x3FFB];
	_ =	sdelay $0x3  }
0x92: {  	_ =	strace s17  }
0x93: {  	s2 =	sld [smem:$0x3FFC];
	_ =	sdelay $0x3  }
0x94: {  	_ =	strace s2  }
0x95: {  	s2 =	sld [smem:$0x3FFD];
	_ =	sdelay $0x3  }
0x96: {  	_ =	strace s2  }
0x97: {  	_ =	strace $0x8FFFFFFF  }
0x98: {  	s18 =	sld [smem:$0x3FDB];
	_ =	sdelay $0x1  }
0x99: {  	s19 =	simm.s32 $_scs_section_size  }
0x9a: {  	s4 =	simm.s32 $_size__tile_overlayer_lowered;
	s5 =	simm.s32 $_tile_overlayer_lowered  }
0x9b: {  	s22 =	simm.s32 $0x1BFF;
	s21 =	sshll.u32 s5, $0x1;
	s2 =	sadd.s32 s19, s18  }
0x9c: {  	s6 =	simm.s32 $0x0;
	s20 =	sshll.u32 s4, $0x1;
	s4 =	sadd.s32 s21, s2  }
0x9d: {  	[timem:s6], [sflag:s22] =	dma.local [hbm:s4], s20  }
0x9e: {  	_ =	swait.ge [sflag:s22], s20  }
0x9f: {  	s3 =	ssub.s32 $0x0, s20;
	[sflag:s22] =	ssyncset.done $0x0  }
0xa0: {  	[sflag:s22] =	ssyncadd.s32 s3;
	_ =	sdelay $0x1  }
0xa1: {  	s23 =	simm.s32 $0x1B8B  }
0xa2: {  	_ =	swait.ge [sflag:s23], $0x1  }
0xa3: {  	[sflag:s23] =	ssyncset.done $0x0  }
0xa4: {  	s25 =	simm.s32 $0x1B8E;
	s24 =	sld [smem:$0x3FFE];
	[sflag:s23] =	ssyncadd.s32 $0xFFFFFFFF  }
0xa5: {  	s26 =	simm.s32 $execute0_lowered;
	[smem:$0x3FD2] =	sst s25  }
0xa6: {  	s4 =	sshll.u32 s26, $0x1;
	_ =	strace $0x80000046;
	[dreg:$0x1] =	wrdreg $0xFFFFFFFF  }
0xa7: {  	s28 =	simm.s32 $_size_execute0_lowered;
	s2 =	sadd.s32 s2, s4;
	[dreg:$0x0] =	wrdreg $0x0  }
0xa8: {  	s4 =	sshll.u32 s28, $0x1;
	[dreg:$0x2] =	wrdreg s2  }
0xa9: {  	[dreg:$0x3] =	wrdreg s4  }
0xaa: {  	[dreg:$0x4] =	wrdreg $0xC0  }
0xab: {  	_ =	task [dreg:s6], $0x5FFFF  }
0xac: {  	[dreg:$0x1] =	wrdreg $0xFFFFFFFF  }
0xad: {  	[dreg:$0x0] =	wrdreg $0x60  }
0xae: {  	[dreg:$0x2] =	wrdreg s24  }
0xaf: {  	[dreg:$0x3] =	wrdreg $0xC  }
0xb0: {  	_ =	task.clear_ibuf [dreg:s6], $0x4FFFF;
	_ =	strace $0x90000046  }
0xb1: {  	s29 =	simm.s32 $0xC;
	_ =	strace $0x80000048  }
0xb2: {  	_ =	swait.ge [sflag:s29], $0x1  }
0xb3: {  	[sflag:s29] =	ssyncadd.s32 $0xFFFFFFFF  }
0xb4: {  	_ =	strace $0x90000048  }
0xb5: {  	_ =	sfence  }
0xb6: {  	s30 =	sld [smem:$0x0];
	_ =	sdelay $0x2  }
0xb7: {  	s31 =	sshll.u32 s1, $0xD;
	s1 =	sshrl.u32 s1, $0x2  }
0xb8: {  	s3 =	sand.u32 $0x4000, s31;
	s1 =	sadd.s32 s1, s30  }
0xb9: {  	s0 =	sor.u32 s3, s0;
	s1 =	sshll.u32 s1, $0x11  }
0xba: {  	s0 =	sor.u32 s1, s0  }
0xbb: {  	s0 =	sadd.s32 $0x8F2B, s0  }
0xbc: {  	[sflag:s0] =	ssyncadd.remote.s32 $0x1  }
0xbd: {  	_ =	sfence.sel $0xFFFF  }
0xbe: {  	[dreg:$0x0] =	wrdreg $0xFFFFFFFF;
	(pc) =	sbr.abs _section_cstart, $3  }
0xbf: {  	[dreg:$0x1] =	wrdreg $0xFFFFFFFF  }
0xc0: {  	_ =	task.clear_ibuf [dreg:s6], $0x2FFFF;
	_ =	strace $0x9FFFFFFF  }
0xc1: {  	(tm) =	ssettm $0x7FFFFFFF  }
tec
execute0_lowered:
.L_overlay_start_1:
0x0: {  	(tag) =	ssettag $0x1  }
0x1: {  	s3 =	rddreg [dreg:$0x0]  }
0x2: {  	s0 =	rddreg [dreg:$0x1];
	s4 =	srdreg.scid  }
0x3: {  	s1 =	stileid.u32;
	s2 =	simm.s32 $0x0;
	s10 =	simm.s32 $0x1  }
0x4: {  	s11 =	simm.s32 $0x800;
	s4 =	sand.u32 $0x1, s4;
	s5 =	sshll.u32 s1, $0x1  }
0x5: {  	s12 =	simm.s32 $0x0;
	[smem:$0x7FF] =	sst s2;
	s5 =	sor.u32 s4, s5  }
0x6: {  	s4 =	ssub.s32 $0x2, s4;
	s6 =	sshll.u32 s5, $0x8;
	s5 =	smul.u32 $0x3800, s5  }
0x7: {  	_ =	strace $0x80000047;
	s31 =	sshrl.u32 s4, $0x1;
	s9 =	sadd.s32 s6, s3  }
0x8: {  	s6 =	ssub.s32 s4, s31;
	s5 =	sadd.s32 s5, s3;
	s3 =	sadd.s32 $0x5400, s9  }
0x9: {  	s7 =	sadd.s32 $0x9400, s9;
	s8 =	sadd.s32 $0xB400, s9;
	s4 =	sadd.s32 $0xF400, s5  }
0xa: {  	v0 =	vimm.f32 $0.0e+00;
	v1 =	vimm.f32 $1.000000000e+00;
	s5 =	smax.u32 s6, $0x1;
	s6 =	sadd.s32 $0x7400, s9;
	s9 =	sadd.s32 $0xD400, s9  }
.LBB2_1:
0xb: {  	s13 =	simm.s32 $0x0;
	s14 =	simm.s32 $0x200  }
.LBB2_2:
0xc: {  	p0 =	sne.s32 s14, $0x6FE00;
	[tilespmem:s13+$0x870] =	vst v0  }
0xd: {  	[tilespmem:s13+$0x800] =	vst v0  }
0xe: {  	[tilespmem:s13+$0x810] =	vst v0  }
.Ltmp0:
0xf: {  	[tilespmem:s13+$0x820] =	vst v0;
	(pc) =	sbr.rel @p0 .LBB2_2-.Ltmp0, $4  }
0x10: {  	[tilespmem:s13+$0x830] =	vst v0  }
0x11: {  	[tilespmem:s13+$0x840] =	vst v0  }
0x12: {  	[tilespmem:s13+$0x850] =	vst v0  }
0x13: {  	[tilespmem:s13+$0x860] =	vst v0;
	s13 =	sshra.s32 s14, $0x2;
	s14 =	sadd.s32 $0x200, s14  }
0x14: {  	[tilespmem:s13+$0x870] =	vst v0  }
0x15: {  	[tilespmem:s13+$0x800] =	vst v0  }
0x16: {  	[tilespmem:s13+$0x810] =	vst v0  }
0x17: {  	[tilespmem:s13+$0x820] =	vst v0  }
0x18: {  	[tilespmem:s13+$0x830] =	vst v0  }
0x19: {  	[tilespmem:s13+$0x840] =	vst v0  }
0x1a: {  	[tilespmem:s13+$0x850] =	vst v0  }
0x1b: {  	[tilespmem:s13+$0x860] =	vst v0;
	s31 =	simm.s32 $0x0  }
0x1c: {  	[tilespmem:s31], [sflag:$0x1] =	stream.linear.gather [hbm4b:s3+s31], $0x800, $0x38;
	[tilespmem:$0x1C800] =	vst v63  }
0x1d: {  	_ =	swait.ge [sflag:s10], $0x800  }
0x1e: {  	[sflag:s10] =	ssyncset.done $0x0  }
0x1f: {  	s14 =	simm.s32 $0x0;
	s13 =	simm.s32 $0x40;
	[sflag:s10] =	ssyncadd.s32 $0xFFFFF800  }
.LBB2_4:
0x20: {  	p0 =	sne.s32 s13, $0x1FC0;
	v2 =	vld [tilespmem:s14+$0x0];
	_ =	sdelay $0x3  }
.Ltmp1:
0x21: {  	(pc) =	sbr.rel @p0 .LBB2_4-.Ltmp1, $2  }
0x22: {  	_ =	sdelay $0x2  }
0x23: {  	s14 =	sshra.s32 s13, $0x2;
	s13 =	sadd.s32 $0x40, s13;
	[tilespmem:v2+s11+$0x0] =	vst.idx.add.f32.msk $0xffff, v1  }
0x24: {  	v2 =	vld [tilespmem:s14+$0x0];
	_ =	sdelay $0x7  }
0x25: {  	s13 =	simm.s32 $0x0;
	[tilespmem:v2+s11+$0x0] =	vst.idx.add.f32.msk $0xffff, v1  }
0x26: {  	[tilespmem:s13], [sflag:$0x1] =	stream.linear.gather [hbm4b:s6+s13], $0x800, $0x38;
	[tilespmem:$0x1C800] =	vst v63  }
0x27: {  	_ =	swait.ge [sflag:s10], $0x800  }
0x28: {  	[sflag:s10] =	ssyncset.done $0x0  }
0x29: {  	s14 =	simm.s32 $0x0;
	s13 =	simm.s32 $0x40;
	[sflag:s10] =	ssyncadd.s32 $0xFFFFF800  }
.LBB2_6:
0x2a: {  	p0 =	sne.s32 s13, $0x1FC0;
	v2 =	vld [tilespmem:s14+$0x0];
	_ =	sdelay $0x3  }
.Ltmp2:
0x2b: {  	(pc) =	sbr.rel @p0 .LBB2_6-.Ltmp2, $2  }
0x2c: {  	_ =	sdelay $0x2  }
0x2d: {  	s14 =	sshra.s32 s13, $0x2;
	s13 =	sadd.s32 $0x40, s13;
	[tilespmem:v2+s11+$0x0] =	vst.idx.add.f32.msk $0xffff, v1  }
0x2e: {  	v2 =	vld [tilespmem:s14+$0x0];
	_ =	sdelay $0x7  }
0x2f: {  	s13 =	simm.s32 $0x0;
	[tilespmem:v2+s11+$0x0] =	vst.idx.add.f32.msk $0xffff, v1  }
0x30: {  	[tilespmem:s13], [sflag:$0x1] =	stream.linear.gather [hbm4b:s7+s13], $0x800, $0x38;
	[tilespmem:$0x1C800] =	vst v63  }
0x31: {  	_ =	swait.ge [sflag:s10], $0x800  }
0x32: {  	[sflag:s10] =	ssyncset.done $0x0  }
0x33: {  	s14 =	simm.s32 $0x0;
	s13 =	simm.s32 $0x40;
	[sflag:s10] =	ssyncadd.s32 $0xFFFFF800  }
.LBB2_8:
0x34: {  	p0 =	sne.s32 s13, $0x1FC0;
	v2 =	vld [tilespmem:s14+$0x0];
	_ =	sdelay $0x3  }
.Ltmp3:
0x35: {  	(pc) =	sbr.rel @p0 .LBB2_8-.Ltmp3, $2  }
0x36: {  	_ =	sdelay $0x2  }
0x37: {  	s14 =	sshra.s32 s13, $0x2;
	s13 =	sadd.s32 $0x40, s13;
	[tilespmem:v2+s11+$0x0] =	vst.idx.add.f32.msk $0xffff, v1  }
0x38: {  	v2 =	vld [tilespmem:s14+$0x0];
	_ =	sdelay $0x7  }
0x39: {  	s13 =	simm.s32 $0x0;
	[tilespmem:v2+s11+$0x0] =	vst.idx.add.f32.msk $0xffff, v1  }
0x3a: {  	[tilespmem:s13], [sflag:$0x1] =	stream.linear.gather [hbm4b:s8+s13], $0x800, $0x38;
	[tilespmem:$0x1C800] =	vst v63  }
0x3b: {  	_ =	swait.ge [sflag:s10], $0x800  }
0x3c: {  	[sflag:s10] =	ssyncset.done $0x0  }
0x3d: {  	s14 =	simm.s32 $0x0;
	s13 =	simm.s32 $0x40;
	[sflag:s10] =	ssyncadd.s32 $0xFFFFF800  }
.LBB2_10:
0x3e: {  	p0 =	sne.s32 s13, $0x1FC0;
	v2 =	vld [tilespmem:s14+$0x0];
	_ =	sdelay $0x3  }
.Ltmp4:
0x3f: {  	(pc) =	sbr.rel @p0 .LBB2_10-.Ltmp4, $2  }
0x40: {  	_ =	sdelay $0x2  }
0x41: {  	s14 =	sshra.s32 s13, $0x2;
	s13 =	sadd.s32 $0x40, s13;
	[tilespmem:v2+s11+$0x0] =	vst.idx.add.f32.msk $0xffff, v1  }
0x42: {  	v2 =	vld [tilespmem:s14+$0x0];
	_ =	sdelay $0x7  }
0x43: {  	s13 =	simm.s32 $0x0;
	[tilespmem:v2+s11+$0x0] =	vst.idx.add.f32.msk $0xffff, v1  }
0x44: {  	[tilespmem:s13], [sflag:$0x1] =	stream.linear.gather [hbm4b:s9+s13], $0x800, $0x38;
	[tilespmem:$0x1C800] =	vst v63  }
0x45: {  	_ =	swait.ge [sflag:s10], $0x800  }
0x46: {  	[sflag:s10] =	ssyncset.done $0x0  }
0x47: {  	s14 =	simm.s32 $0x0;
	s13 =	simm.s32 $0x40;
	[sflag:s10] =	ssyncadd.s32 $0xFFFFF800  }
.LBB2_12:
0x48: {  	p0 =	sne.s32 s13, $0x1FC0;
	v2 =	vld [tilespmem:s14+$0x0];
	_ =	sdelay $0x3  }
.Ltmp5:
0x49: {  	(pc) =	sbr.rel @p0 .LBB2_12-.Ltmp5, $2  }
0x4a: {  	_ =	sdelay $0x2  }
0x4b: {  	s14 =	sshra.s32 s13, $0x2;
	s13 =	sadd.s32 $0x40, s13;
	[tilespmem:v2+s11+$0x0] =	vst.idx.add.f32.msk $0xffff, v1  }
0x4c: {  	v2 =	vld [tilespmem:s14+$0x0];
	_ =	sdelay $0x5  }
0x4d: {  	s12 =	sadd.s32 $0x1, s12  }
0x4e: {  	p0 =	sne.s32 s12, s5  }
.Ltmp6:
0x4f: {  	[tilespmem:v2+s11+$0x0] =	vst.idx.add.f32.msk $0xffff, v1;
	(pc) =	sbr.rel @p0 .LBB2_1-.Ltmp6, $4  }
0x50: {  	[hbm4b:s4+s2] =	stream.linear.scatter [tilespmem:s11], [sflag:$0x1], $0x1C000, $0x38;
	[tilespmem:$0x1C800] =	vst v63  }
0x51: {  	_ =	swait.ge [sflag:s10], $0x1C000  }
0x52: {  	[sflag:s10] =	ssyncset.done $0x0  }
0x53: {  	[sflag:s10] =	ssyncadd.s32 $0xFFFE4000  }
0x54: {  	_ =	sfence.sel $0x180000  }
0x55: {  	[bflag:$0x0] =	sbarrier.arrive $0xFFFF  }
0x56: {  	p0 =	sne.s32 s1, $0x0;
	_ =	strace $0x90000047  }
0x57: {  	s0 =	sadd.s32 @!p0 $0x100000, s0;
	[bflag:$0x2] =	sbarrier.arrive $0xFFFF  }
0x58: {  	[sflag:s0] =	ssyncadd.tile.s32 @!p0 $0x1;
	_ =	shalt  }
.Lfunc_end2:
_tile_overlayer_lowered:
.L_overlay_start_2:
0x59: {  	(tag) =	ssettag $0x2  }
0x5a: {  	s0 =	rddreg [dreg:$0x0];
	s2 =	stileid.u32  }
0x5b: {  	s1 =	rddreg [dreg:$0x1];
	p0 =	sne.s32 s2, $0x0  }
0x5c: {  	s3 =	rddreg [dreg:$0x2];
	[bflag:$0x3] =	sbarrier.arrive $0xFFFF;
	s2 =	simm.s32 @!p0 $0x1C01  }
0x5d: {  	[timem:s3], [sflag:s2] =	dma.local @!p0 [hbm:s0], s1  }
0x5e: {  	s0 =	simm.s32 @!p0 $0x1  }
0x5f: {  	_ =	swait.ge @!p0 [sflag:s0], s1  }
0x60: {  	s1 =	ssub.s32 @!p0 $0x0, s1;
	[sflag:s0] =	ssyncset.done @!p0 $0x0  }
0x61: {  	[sflag:s0] =	ssyncadd.s32 @!p0 s1  }
0x62: {  	[bflag:$0x3] =	sbarrier.arrive $0xFFFF  }
0x63: {  	_ =	shalt  }

// kernel: kernel.19.cloned.1.call-start
scs
__scs_entry_jumppad:
0x0: {  	(pc) =	sbr.rel $0x88, $3  }
0x1: {  	(tag) =	ssettag $0x0;
	lr =	simm.s32 $0x1  }
0x2: {  	[smem:$0x3F7F] =	sst lr;
	_ =	strace $0xD0000000  }
0x3: {  	_ = 	snop  }
0x4: {  	_ = 	snop  }
0x5: {  	_ = 	snop  }
0x6: {  	_ = 	snop  }
0x7: {  	_ = 	snop  }
__scs_overlays_trampoline_lowered:
0x8: {  	[smem:$0x3F8E] =	sst s0  }
0x9: {  	[smem:$0x3F8F] =	sst s1  }
0xa: {  	[smem:$0x3F90] =	sst s2  }
0xb: {  	[smem:$0x3F91] =	sst s3  }
0xc: {  	[smem:$0x3F92] =	sst s4  }
0xd: {  	[smem:$0x3F93] =	sst s5  }
0xe: {  	[smem:$0x3F94] =	sst s6  }
0xf: {  	[smem:$0x3F95] =	sst s7  }
0x10: {  	[smem:$0x3F96] =	sst s8  }
0x11: {  	[smem:$0x3F97] =	sst s9;
	s0 =	simm.s32 @!p0 $0x0  }
0x12: {  	s1 =	sld [smem:$0x3F7D];
	s0 =	simm.s32 @p0 $0x1  }
0x13: {  	[smem:$0x3F98] =	sst s0;
	s0 =	simm.s32 @!p1 $0x0  }
0x14: {  	s2 =	sld [smem:$0x3F7C];
	s0 =	simm.s32 @p1 $0x1  }
0x15: {  	[smem:$0x3F99] =	sst s0;
	s0 =	simm.s32 @!p2 $0x0  }
0x16: {  	s3 =	sld [smem:$0x3FDB];
	s0 =	simm.s32 @p2 $0x1  }
0x17: {  	s4 =	simm.s32 $0x1BF5;
	[smem:$0x3F9B] =	sst s0  }
0x18: {  	s0 =	sld [smem:$0x3F7E];
	_ =	swait.ge [sflag:s4], $0x0  }
0x19: {  	s7 =	sld [smem:$0x3F7F]  }
0x1a: {  	s8 =	sadd.s32 $0xFFFFE003, lr  }
0x1b: {  	s9 =	sadd.s32 $0xFFFFFEF7, lr;
	s5 =	simm.s32 $0xFFFFFFFF;
	p2 =	slt.u32 s8, $0xFFFFF086  }
0x1c: {  	p1 =	slt.u32 s9, $0xF7A;
	s5 =	simm.s32 @!p2 $0x0  }
0x1d: {  	s5 =	simm.s32 @p1 $0x1;
	p0 =	seq.s32 s7, s2  }
0x1e: {  	s7 =	smul.u32 @!p0 $0xF7A, s2;
	p2 =	seq.s32 @!p0 s5, $0x0  }
0x1f: {  	s9 =	smul.u32 $0xF7A, s1;
	s8 =	simm.s32 @!p0 $0x1BF5;
	p2 =	por !p2, p0  }
0x20: {  	[sflag:s8] =	ssyncset.s32 @!p0 $0xFFFFF086;
	s6 =	sadd.s32 @!p0 s3, s7;
	s7 =	simm.s32 @!p0 $0x108  }
0x21: {  	s3 =	sadd.s32 s3, s9;
	s6 =	sadd.s32 @!p0 $0x88, s6;
	s7 =	simm.s32 @p2 $0x1082  }
0x22: {  	[simem:s7], [sflag:s8] =	dma.local @!p0 [hbm:s6], $0xF7A  }
0x23: {  	s9 =	sor.u32 $0xD0000000, s2;
	s6 =	simm.s32 $0x108;
	_ =	swait.ge @!p0 [sflag:s8], $0x0  }
0x24: {  	s3 =	sadd.s32 $0x88, s3;
	s6 =	simm.s32 @!p1 $0x1082;
	[sflag:s4] =	ssyncset.s32 $0xFFFFF086  }
0x25: {  	[simem:s6], [sflag:s4] =	dma.local [hbm:s3], $0xF7A  }
0x26: {  	[smem:$0x3F7F] =	sst s1;
	(tag) =	ssettag s2;
	_ =	strace s9  }
0x27: {  	s1 =	sld [smem:$0x3F8F]  }
0x28: {  	s2 =	sld [smem:$0x3F90]  }
0x29: {  	s4 =	sld [smem:$0x3F92]  }
0x2a: {  	p0 =	seq.s32 s5, $0x0;
	s5 =	sld [smem:$0x3F93]  }
0x2b: {  	s6 =	sld [smem:$0x3F94]  }
0x2c: {  	s7 =	sld [smem:$0x3F95]  }
0x2d: {  	s3 =	simm.s32 $0x108;
	s8 =	sld [smem:$0x3F96]  }
0x2e: {  	s3 =	simm.s32 @!p0 $0x1082;
	s9 =	sld [smem:$0x3F97]  }
0x2f: {  	lr =	sadd.s32 s0, s3;
	s0 =	sld [smem:$0x3F8E]  }
0x30: {  	s3 =	sld [smem:$0x3F91]  }
0x31: {  	[smem:$0x3F9A] =	sst s10  }
0x32: {  	s10 =	sld [smem:$0x3F98];
	_ =	sdelay $0x3  }
0x33: {  	p0 =	seq.s32 s10, $0x1;
	s10 =	sld [smem:$0x3F9A];
	_ =	sdelay $0x3  }
0x34: {  	[smem:$0x3F9A] =	sst s10  }
0x35: {  	s10 =	sld [smem:$0x3F99];
	_ =	sdelay $0x3  }
0x36: {  	p1 =	seq.s32 s10, $0x1;
	s10 =	sld [smem:$0x3F9A];
	_ =	sdelay $0x3  }
0x37: {  	[smem:$0x3F9A] =	sst s10  }
0x38: {  	s10 =	sld [smem:$0x3F9B]  }
0x39: {  	_ = 	snop;
	(pc) =	sbr.ind lr, $3  }
0x3a: {  	_ = 	snop  }
0x3b: {  	_ = 	snop  }
0x3c: {  	p2 =	seq.s32 s10, $0x1;
	s10 =	sld [smem:$0x3F9A]  }
0x3d: {  	_ =	shalt  }
0x3e: {  	_ =	shalt  }
0x3f: {  	_ =	shalt  }
0x40: {  	_ =	shalt  }
0x41: {  	_ =	shalt  }
0x42: {  	_ =	shalt  }
0x43: {  	_ =	shalt  }
0x44: {  	_ =	shalt  }
0x45: {  	_ =	shalt  }
0x46: {  	_ =	shalt  }
0x47: {  	_ =	shalt  }
0x48: {  	_ =	shalt  }
0x49: {  	_ =	shalt  }
0x4a: {  	_ =	shalt  }
0x4b: {  	_ =	shalt  }
0x4c: {  	_ =	shalt  }
0x4d: {  	_ =	shalt  }
0x4e: {  	_ =	shalt  }
0x4f: {  	_ =	shalt  }
0x50: {  	_ =	shalt  }
0x51: {  	_ =	shalt  }
0x52: {  	_ =	shalt  }
0x53: {  	_ =	shalt  }
0x54: {  	_ =	shalt  }
0x55: {  	_ =	shalt  }
0x56: {  	_ =	shalt  }
0x57: {  	_ =	shalt  }
0x58: {  	_ =	shalt  }
0x59: {  	_ =	shalt  }
0x5a: {  	_ =	shalt  }
0x5b: {  	_ =	shalt  }
0x5c: {  	_ =	shalt  }
0x5d: {  	_ =	shalt  }
0x5e: {  	_ =	shalt  }
0x5f: {  	_ =	shalt  }
0x60: {  	_ =	shalt  }
0x61: {  	_ =	shalt  }
0x62: {  	_ =	shalt  }
0x63: {  	_ =	shalt  }
0x64: {  	_ =	shalt  }
0x65: {  	_ =	shalt  }
0x66: {  	_ =	shalt  }
0x67: {  	_ =	shalt  }
0x68: {  	_ =	shalt  }
0x69: {  	_ =	shalt  }
0x6a: {  	_ =	shalt  }
0x6b: {  	_ =	shalt  }
0x6c: {  	_ =	shalt  }
0x6d: {  	_ =	shalt  }
0x6e: {  	_ =	shalt  }
0x6f: {  	_ =	shalt  }
0x70: {  	_ =	shalt  }
0x71: {  	_ =	shalt  }
0x72: {  	_ =	shalt  }
0x73: {  	_ =	shalt  }
0x74: {  	_ =	shalt  }
0x75: {  	_ =	shalt  }
0x76: {  	_ =	shalt  }
0x77: {  	_ =	shalt  }
0x78: {  	_ =	shalt  }
0x79: {  	_ =	shalt  }
0x7a: {  	_ =	shalt  }
0x7b: {  	_ =	shalt  }
0x7c: {  	_ =	shalt  }
0x7d: {  	_ =	shalt  }
0x7e: {  	_ =	shalt  }
0x7f: {  	_ =	shalt  }
0x80: {  	_ =	shalt  }
0x81: {  	_ =	shalt  }
0x82: {  	_ =	shalt  }
0x83: {  	_ =	shalt  }
0x84: {  	_ =	shalt  }
0x85: {  	_ =	shalt  }
0x86: {  	_ =	shalt  }
0x87: {  	_ =	shalt  }
.Lfunc_end0:
.L_simem_size_0:
called_computation.2_lowered:
.L_overlay_start_0:
0x88: {  	s2 =	sld [smem:$0x3FD9]  }
0x89: {  	s3 =	sld [smem:$0x3FFE];
	_ =	sdelay $0x1  }
0x8a: {  	s1 =	srdreg.scid  }
0x8b: {  	s0 =	sand.u32 $0x1, s1  }
0x8c: {  	s17 =	sshll.u32 s0, $0xA;
	s2 =	sadd.s32 s3, s2  }
0x8d: {  	s2 =	sadd.s32 s2, s17  }
0x8e: {  	[smem:$0x3FA6] =	sst s2  }
0x8f: {  	_ = 	snop  }
0x90: {  	(tm) =	ssettm $0x1  }
0x91: {  	s18 =	sld [smem:$0x3FFB];
	_ =	sdelay $0x3  }
0x92: {  	_ =	strace s18  }
0x93: {  	s2 =	sld [smem:$0x3FFC];
	_ =	sdelay $0x3  }
0x94: {  	_ =	strace s2  }
0x95: {  	s2 =	sld [smem:$0x3FFD];
	_ =	sdelay $0x3  }
0x96: {  	_ =	strace s2  }
0x97: {  	_ =	strace $0x8FFFFFFF  }
0x98: {  	s19 =	sld [smem:$0x3FDB];
	_ =	sdelay $0x1  }
0x99: {  	s20 =	simm.s32 $_scs_section_size  }
0x9a: {  	s4 =	simm.s32 $_size__tile_overlayer_lowered;
	s5 =	simm.s32 $_tile_overlayer_lowered  }
0x9b: {  	s6 =	simm.s32 $0x1BFF;
	s21 =	sshll.u32 s5, $0x1;
	s3 =	sadd.s32 s20, s19  }
0x9c: {  	s22 =	simm.s32 $0x0;
	s4 =	sshll.u32 s4, $0x1;
	s5 =	sadd.s32 s21, s3  }
0x9d: {  	[timem:s22], [sflag:s6] =	dma.local [hbm:s5], s4  }
0x9e: {  	_ =	swait.ge [sflag:s6], s4  }
0x9f: {  	s4 =	ssub.s32 $0x0, s4;
	[sflag:s6] =	ssyncset.done $0x0  }
0xa0: {  	[sflag:s6] =	ssyncadd.s32 s4;
	_ =	sdelay $0x1  }
0xa1: {  	s23 =	simm.s32 $0x1B8B  }
0xa2: {  	_ =	swait.ge [sflag:s23], $0x1  }
0xa3: {  	[sflag:s23] =	ssyncset.done $0x0  }
0xa4: {  	[sflag:s23] =	ssyncadd.s32 $0xFFFFFFFF  }
0xa5: {  	s4 =	sld [smem:$0x0]  }
0xa6: {  	s5 =	sand.u32 $0xFFFFFFFE, s1  }
0xa7: {  	p0 =	sne.s32 s1, s5  }
0xa8: {  	s5 =	sshll.u32 @p0 s5, $0xE  }
0xa9: {  	s5 =	sadd.s32 @p0 $0x11B8D, s5;
	s6 =	sshll.u32 @p0 s4, $0x11  }
0xaa: {  	s5 =	sor.u32 @p0 s6, s5  }
0xab: {  	[sflag:s5] =	ssyncadd.remote.s32 @p0 $0x1;
	_ =	sdelay $0x1  }
0xac: {  	s5 =	simm.s32 @p0 $0x1B8D  }
0xad: {  	_ =	swait.eq @p0 [sflag:s5], $0x1  }
0xae: {  	[sflag:s5] =	ssyncadd.s32 @p0 $0xFFFFFFFF  }
0xaf: {  	s6 =	sshll.u32 @!p0 s1, $0xE  }
0xb0: {  	s6 =	sor.u32 @!p0 $0x4000, s6;
	s5 =	simm.s32 @!p0 $0x1B8D  }
0xb1: {  	s4 =	sshll.u32 @!p0 s4, $0x11;
	s6 =	sadd.s32 @!p0 $0x11B8D, s6;
	_ =	swait.eq @!p0 [sflag:s5], $0x1  }
0xb2: {  	s4 =	sor.u32 @!p0 s4, s6;
	[sflag:s5] =	ssyncadd.s32 @!p0 $0xFFFFFFFF  }
0xb3: {  	s25 =	simm.s32 $0x1B8E;
	s24 =	sld [smem:$0x3FFE];
	[sflag:s4] =	ssyncadd.remote.s32 @!p0 $0x1  }
0xb4: {  	s26 =	simm.s32 $execute0_lowered;
	[smem:$0x3FD2] =	sst s25  }
0xb5: {  	s5 =	sshll.u32 s26, $0x1;
	_ =	strace $0x80000052;
	[dreg:$0x1] =	wrdreg $0xFFFFFFFF  }
0xb6: {  	s28 =	simm.s32 $_size_execute0_lowered;
	s3 =	sadd.s32 s3, s5;
	[dreg:$0x0] =	wrdreg $0x0  }
0xb7: {  	s5 =	sshll.u32 s28, $0x1;
	[dreg:$0x2] =	wrdreg s3  }
0xb8: {  	[dreg:$0x3] =	wrdreg s5  }
0xb9: {  	[dreg:$0x4] =	wrdreg $0xC0  }
0xba: {  	_ =	task [dreg:s22], $0x5FFFF  }
0xbb: {  	[dreg:$0x1] =	wrdreg $0xFFFFFFFF  }
0xbc: {  	[dreg:$0x0] =	wrdreg $0x60  }
0xbd: {  	[dreg:$0x2] =	wrdreg s24  }
0xbe: {  	[dreg:$0x3] =	wrdreg $0x51000  }
0xbf: {  	[dreg:$0x4] =	wrdreg $0xB  }
0xc0: {  	_ =	task.clear_ibuf [dreg:s22], $0x5FFFF;
	_ =	strace $0x90000052  }
0xc1: {  	s29 =	simm.s32 $0xB;
	_ =	strace $0x80000054  }
0xc2: {  	_ =	swait.ge [sflag:s29], $0x1  }
0xc3: {  	[sflag:s29] =	ssyncadd.s32 $0xFFFFFFFF  }
0xc4: {  	_ =	strace $0x90000054  }
0xc5: {  	_ =	sfence  }
0xc6: {  	s30 =	sld [smem:$0x0];
	_ =	sdelay $0x2  }
0xc7: {  	s31 =	sshll.u32 s1, $0xD;
	s1 =	sshrl.u32 s1, $0x2  }
0xc8: {  	s4 =	sand.u32 $0x4000, s31;
	s1 =	sadd.s32 s1, s30  }
0xc9: {  	s0 =	sor.u32 s4, s0;
	s1 =	sshll.u32 s1, $0x11  }
0xca: {  	s0 =	sor.u32 s1, s0  }
0xcb: {  	s0 =	sadd.s32 $0x8F2B, s0  }
0xcc: {  	[sflag:s0] =	ssyncadd.remote.s32 $0x1  }
0xcd: {  	_ =	sfence.sel $0xFFFF  }
0xce: {  	[dreg:$0x0] =	wrdreg $0xFFFFFFFF;
	(pc) =	sbr.abs _section_cstart, $3  }
0xcf: {  	[dreg:$0x1] =	wrdreg $0xFFFFFFFF  }
0xd0: {  	_ =	task.clear_ibuf [dreg:s22], $0x2FFFF;
	_ =	strace $0x9FFFFFFF  }
0xd1: {  	(tm) =	ssettm $0x7FFFFFFF  }
tec
execute0_lowered:
.L_overlay_start_1:
0x0: {  	(tag) =	ssettag $0x1  }
0x1: {  	s7 =	rddreg [dreg:$0x0]  }
0x2: {  	s2 =	rddreg [dreg:$0x1]  }
0x3: {  	s0 =	rddreg [dreg:$0x2];
	s3 =	simm.s32 $0x0  }
0x4: {  	s4 =	srdreg.scid;
	s1 =	stileid.u32;
	s16 =	simm.s32 $0x2  }
0x5: {  	s17 =	simm.s32 $0x800;
	s18 =	simm.s32 $0x80;
	s19 =	simm.s32 $0x1000  }
0x6: {  	s20 =	simm.s32 $0x1;
	s21 =	simm.s32 $0x1080;
	[smem:$0x7FF] =	sst s3  }
0x7: {  	s12 =	sand.u32 $0x1, s4;
	s8 =	smul.u32 $0x2800, s1;
	s4 =	sadd.s32 $0x326800, s7  }
0x8: {  	s10 =	smul.u32 $0x50000, s1;
	s5 =	sadd.s32 $0x7F400, s7;
	s6 =	sadd.s32 $0x5400, s7  }
0x9: {  	s15 =	sshll.u32 s1, $0x9;
	s22 =	sshll.u32 s1, $0x6;
	_ =	strace $0x80000053  }
0xa: {  	s9 =	smul.u32 $0x28000, s12;
	s11 =	ssub.s32 $0x2, s12;
	s12 =	sshll.u32 s12, $0x8  }
0xb: {  	s22 =	sor.u32 $0x1C02, s22;
	s31 =	sshrl.u32 s11, $0x1;
	s10 =	sshrl.u32 s10, $0x2  }
0xc: {  	s12 =	sor.u32 s12, s15;
	s15 =	simm.s32 $0x1100;
	s8 =	sadd.s32 s8, s9  }
0xd: {  	s14 =	ssub.s32 s11, s31;
	s13 =	sadd.s32 s8, s7;
	s7 =	sadd.s32 s10, s2  }
0xe: {  	s14 =	smax.u32 s14, $0x1;
	s8 =	sadd.s32 $0x4000, s7;
	s9 =	sadd.s32 $0x8000, s7  }
0xf: {  	v0 =	vimm.f32 $0.0e+00;
	s10 =	sadd.s32 $0xC000, s7;
	s11 =	sadd.s32 $0x10000, s7;
	s13 =	sadd.s32 $0xF400, s13  }
.LBB2_1:
0x10: {  	s23 =	simm.s32 $0x0;
	s24 =	simm.s32 $0x200  }
.LBB2_2:
0x11: {  	p0 =	sne.s32 s24, $0xFE00;
	[tilespmem:s23+$0x1170] =	vst v0  }
0x12: {  	[tilespmem:s23+$0x1100] =	vst v0  }
0x13: {  	[tilespmem:s23+$0x1110] =	vst v0  }
.Ltmp0:
0x14: {  	[tilespmem:s23+$0x1120] =	vst v0;
	(pc) =	sbr.rel @p0 .LBB2_2-.Ltmp0, $4  }
0x15: {  	[tilespmem:s23+$0x1130] =	vst v0  }
0x16: {  	[tilespmem:s23+$0x1140] =	vst v0  }
0x17: {  	[tilespmem:s23+$0x1150] =	vst v0  }
0x18: {  	[tilespmem:s23+$0x1160] =	vst v0;
	s23 =	sshra.s32 s24, $0x2;
	s24 =	sadd.s32 $0x200, s24  }
0x19: {  	[tilespmem:s23+$0x1170] =	vst v0  }
0x1a: {  	[tilespmem:s23+$0x1100] =	vst v0  }
0x1b: {  	[tilespmem:s23+$0x1110] =	vst v0  }
0x1c: {  	[tilespmem:s23+$0x1120] =	vst v0  }
0x1d: {  	[tilespmem:s23+$0x1130] =	vst v0  }
0x1e: {  	[tilespmem:s23+$0x1140] =	vst v0  }
0x1f: {  	[tilespmem:s23+$0x1150] =	vst v0  }
0x20: {  	[tilespmem:s23+$0x1160] =	vst v0  }
0x21: {  	[spmem:s7] =	stream.linear.scatter [tilespmem:s15], [sflag:$0x2], $0x4000, $0x38;
	[tilespmem:$0x19140] =	vst v63  }
0x22: {  	_ =	swait.ge [sflag:s16], $0x4000  }
0x23: {  	[sflag:s16] =	ssyncset.done $0x0  }
0x24: {  	[sflag:s16] =	ssyncadd.s32 $0xFFFFC000  }
0x25: {  	[spmem:s8] =	stream.linear.scatter [tilespmem:s15], [sflag:$0x2], $0x4000, $0x38;
	[tilespmem:$0x19140] =	vst v63  }
0x26: {  	_ =	swait.ge [sflag:s16], $0x4000  }
0x27: {  	[sflag:s16] =	ssyncset.done $0x0  }
0x28: {  	[sflag:s16] =	ssyncadd.s32 $0xFFFFC000  }
0x29: {  	[spmem:s9] =	stream.linear.scatter [tilespmem:s15], [sflag:$0x2], $0x4000, $0x38;
	[tilespmem:$0x19140] =	vst v63  }
0x2a: {  	_ =	swait.ge [sflag:s16], $0x4000  }
0x2b: {  	[sflag:s16] =	ssyncset.done $0x0  }
0x2c: {  	[sflag:s16] =	ssyncadd.s32 $0xFFFFC000  }
0x2d: {  	[spmem:s10] =	stream.linear.scatter [tilespmem:s15], [sflag:$0x2], $0x4000, $0x38;
	[tilespmem:$0x19140] =	vst v63  }
0x2e: {  	_ =	swait.ge [sflag:s16], $0x4000  }
0x2f: {  	[sflag:s16] =	ssyncset.done $0x0  }
0x30: {  	[sflag:s16] =	ssyncadd.s32 $0xFFFFC000  }
0x31: {  	[spmem:s11] =	stream.linear.scatter [tilespmem:s15], [sflag:$0x2], $0x4000, $0x38;
	[tilespmem:$0x19140] =	vst v63  }
0x32: {  	_ =	swait.ge [sflag:s16], $0x4000  }
0x33: {  	[sflag:s16] =	ssyncset.done $0x0  }
0x34: {  	[sflag:s16] =	ssyncadd.s32 $0xFFFFC000  }
0x35: {  	s23 =	simm.s32 $0x0;
	s24 =	simm.s32 $0x0;
	[bflag:$0x0] =	sbarrier.arrive $0xFFFF  }
.LBB2_4:
0x36: {  	s25 =	sshll.u32 s24, $0xD  }
0x37: {  	s25 =	sor.u32 s12, s25  }
0x38: {  	s26 =	sadd.s32 s5, s25  }
0x39: {  	[tilespmem:s23], [sflag:$0x2] =	stream.linear.gather [hbm4b:s26+s23], $0x800, $0x38;
	[tilespmem:$0x19140] =	vst v63  }
0x3a: {  	_ =	swait.ge [sflag:s16], $0x800  }
0x3b: {  	[sflag:s16] =	ssyncset.done $0x0  }
0x3c: {  	s25 =	sadd.s32 s6, s25;
	[sflag:s16] =	ssyncadd.s32 $0xFFFFF800  }
0x3d: {  	[tilespmem:s17], [sflag:$0x2] =	stream.linear.gather [hbm4b:s25+s23], $0x800, $0x38;
	[tilespmem:$0x19140] =	vst v63  }
0x3e: {  	_ =	swait.ge [sflag:s16], $0x800  }
0x3f: {  	[sflag:s16] =	ssyncset.done $0x0  }
0x40: {  	s31 =	simm.s32 $0x0;
	[sflag:s16] =	ssyncadd.s32 $0xFFFFF800  }
0x41: {  	v1 =	vld [tilespmem:s31+$0x0];
	_ =	sdelay $0x4  }
0x42: {  	[tilespmem:$0x1000] =	vst v1  }
0x43: {  	v1 =	vld [tilespmem:s31+$0x10];
	_ =	sdelay $0x4  }
0x44: {  	[tilespmem:$0x1010] =	vst v1  }
0x45: {  	v1 =	vld [tilespmem:s31+$0x20];
	_ =	sdelay $0x4  }
0x46: {  	[tilespmem:$0x1020] =	vst v1  }
0x47: {  	v1 =	vld [tilespmem:s31+$0x30];
	_ =	sdelay $0x4  }
0x48: {  	[tilespmem:$0x1030] =	vst v1  }
0x49: {  	v1 =	vld [tilespmem:s31+$0x40];
	_ =	sdelay $0x4  }
0x4a: {  	[tilespmem:$0x1040] =	vst v1  }
0x4b: {  	v1 =	vld [tilespmem:s31+$0x50];
	_ =	sdelay $0x4  }
0x4c: {  	[tilespmem:$0x1050] =	vst v1  }
0x4d: {  	v1 =	vld [tilespmem:s31+$0x60];
	_ =	sdelay $0x4  }
0x4e: {  	[tilespmem:$0x1060] =	vst v1  }
0x4f: {  	v1 =	vld [tilespmem:s31+$0x70];
	_ =	sdelay $0x4  }
0x50: {  	[tilespmem:$0x1070] =	vst v1  }
0x51: {  	v1 =	vld [tilespmem:s31+$0x800];
	_ =	sdelay $0x4  }
0x52: {  	[tilespmem:$0x1080] =	vst v1  }
0x53: {  	v1 =	vld [tilespmem:s31+$0x810];
	_ =	sdelay $0x4  }
0x54: {  	[tilespmem:$0x1090] =	vst v1  }
0x55: {  	v1 =	vld [tilespmem:s31+$0x820];
	_ =	sdelay $0x4  }
0x56: {  	[tilespmem:$0x10A0] =	vst v1  }
0x57: {  	v1 =	vld [tilespmem:s31+$0x830];
	_ =	sdelay $0x4  }
0x58: {  	[tilespmem:$0x10B0] =	vst v1  }
0x59: {  	v1 =	vld [tilespmem:s31+$0x840];
	_ =	sdelay $0x4  }
0x5a: {  	[tilespmem:$0x10C0] =	vst v1  }
0x5b: {  	v1 =	vld [tilespmem:s31+$0x850];
	_ =	sdelay $0x4  }
0x5c: {  	[tilespmem:$0x10D0] =	vst v1  }
0x5d: {  	v1 =	vld [tilespmem:s31+$0x860];
	_ =	sdelay $0x4  }
0x5e: {  	[tilespmem:$0x10E0] =	vst v1  }
0x5f: {  	v1 =	vld [tilespmem:s31+$0x870];
	_ =	sdelay $0x4  }
0x60: {  	[tilespmem:$0x10F0] =	vst v1  }
0x61: {  	[tilespmem:s15], [sflag:$0x1] =	stream.indirect.gather [hbm4b:s4+s18], $0x80, s19, s18, $0xb8;
	[tilespmem:$0x19140] =	vst v63  }
0x62: {  	_ =	swait.ge [sflag:s20], $0x4000  }
0x63: {  	[sflag:s20] =	ssyncset.done $0x0  }
0x64: {  	[sflag:s20] =	ssyncadd.s32 $0xFFFFC000  }
0x65: {  	[spmem:s2] =	stream.indirect.scatter.add.f32 [tilespmem:s15], [sflag:$0x2], $0x80, s21, s18, $0xb8;
	[tilespmem:$0x19140] =	vst v63  }
0x66: {  	_ =	swait.ge [sflag:s16], $0x4000  }
0x67: {  	s29 =	simm.s32 $0x400;
	s25 =	simm.s32 $0x200;
	[sflag:s16] =	ssyncset.done $0x0  }
.LBB2_5:
0x68: {  	s28 =	sshra.s32 s25, $0x2  }
0x69: {  	[sflag:s16] =	ssyncadd.s32 $0xFFFFC000;
	s25 =	smov.u32 s29;
	s26 =	sadd.s32 $0x200, s29  }
0x6a: {  	p0 =	sne.s32 s29, $0x1E00;
	v1 =	vld [tilespmem:s28+$0x0];
	_ =	sdelay $0x4  }
0x6b: {  	[tilespmem:$0x1000] =	vst v1  }
0x6c: {  	v1 =	vld [tilespmem:s28+$0x10];
	_ =	sdelay $0x4  }
0x6d: {  	[tilespmem:$0x1010] =	vst v1  }
0x6e: {  	v1 =	vld [tilespmem:s28+$0x20];
	_ =	sdelay $0x4  }
0x6f: {  	[tilespmem:$0x1020] =	vst v1  }
0x70: {  	v1 =	vld [tilespmem:s28+$0x30];
	_ =	sdelay $0x4  }
0x71: {  	[tilespmem:$0x1030] =	vst v1  }
0x72: {  	v1 =	vld [tilespmem:s28+$0x40];
	_ =	sdelay $0x4  }
0x73: {  	[tilespmem:$0x1040] =	vst v1  }
0x74: {  	v1 =	vld [tilespmem:s28+$0x50];
	_ =	sdelay $0x4  }
0x75: {  	[tilespmem:$0x1050] =	vst v1  }
0x76: {  	v1 =	vld [tilespmem:s28+$0x60];
	_ =	sdelay $0x4  }
0x77: {  	[tilespmem:$0x1060] =	vst v1  }
0x78: {  	v1 =	vld [tilespmem:s28+$0x70];
	_ =	sdelay $0x4  }
0x79: {  	[tilespmem:$0x1070] =	vst v1  }
0x7a: {  	v1 =	vld [tilespmem:s28+$0x800];
	_ =	sdelay $0x4  }
0x7b: {  	[tilespmem:$0x1080] =	vst v1  }
0x7c: {  	v1 =	vld [tilespmem:s28+$0x810];
	_ =	sdelay $0x4  }
0x7d: {  	[tilespmem:$0x1090] =	vst v1  }
0x7e: {  	v1 =	vld [tilespmem:s28+$0x820];
	_ =	sdelay $0x4  }
0x7f: {  	[tilespmem:$0x10A0] =	vst v1  }
0x80: {  	v1 =	vld [tilespmem:s28+$0x830];
	_ =	sdelay $0x4  }
0x81: {  	[tilespmem:$0x10B0] =	vst v1  }
0x82: {  	v1 =	vld [tilespmem:s28+$0x840];
	_ =	sdelay $0x4  }
0x83: {  	[tilespmem:$0x10C0] =	vst v1  }
0x84: {  	v1 =	vld [tilespmem:s28+$0x850];
	_ =	sdelay $0x4  }
0x85: {  	[tilespmem:$0x10D0] =	vst v1  }
0x86: {  	v1 =	vld [tilespmem:s28+$0x860];
	_ =	sdelay $0x4  }
0x87: {  	[tilespmem:$0x10E0] =	vst v1  }
0x88: {  	v1 =	vld [tilespmem:s28+$0x870];
	_ =	sdelay $0x4  }
0x89: {  	[tilespmem:$0x10F0] =	vst v1  }
0x8a: {  	[tilespmem:s15], [sflag:$0x1] =	stream.indirect.gather [hbm4b:s4+s18], $0x80, s19, s18, $0xb8;
	[tilespmem:$0x19140] =	vst v63  }
0x8b: {  	_ =	swait.ge [sflag:s20], $0x4000  }
.Ltmp1:
0x8c: {  	[sflag:s20] =	ssyncset.done $0x0;
	(pc) =	sbr.rel @p0 .LBB2_5-.Ltmp1, $4  }
0x8d: {  	[sflag:s20] =	ssyncadd.s32 $0xFFFFC000  }
0x8e: {  	[spmem:s2] =	stream.indirect.scatter.add.f32 [tilespmem:s15], [sflag:$0x2], $0x80, s21, s18, $0xb8;
	[tilespmem:$0x19140] =	vst v63  }
0x8f: {  	_ =	swait.ge [sflag:s16], $0x4000  }
0x90: {  	s29 =	smov.u32 s26;
	[sflag:s16] =	ssyncset.done $0x0  }
0x91: {  	s25 =	sshra.s32 s25, $0x2;
	[sflag:s16] =	ssyncadd.s32 $0xFFFFC000  }
0x92: {  	v1 =	vld [tilespmem:s25+$0x0];
	_ =	sdelay $0x4  }
0x93: {  	[tilespmem:$0x1000] =	vst v1  }
0x94: {  	v1 =	vld [tilespmem:s25+$0x10];
	_ =	sdelay $0x4  }
0x95: {  	[tilespmem:$0x1010] =	vst v1  }
0x96: {  	v1 =	vld [tilespmem:s25+$0x20];
	_ =	sdelay $0x4  }
0x97: {  	[tilespmem:$0x1020] =	vst v1  }
0x98: {  	v1 =	vld [tilespmem:s25+$0x30];
	_ =	sdelay $0x4  }
0x99: {  	[tilespmem:$0x1030] =	vst v1  }
0x9a: {  	v1 =	vld [tilespmem:s25+$0x40];
	_ =	sdelay $0x4  }
0x9b: {  	[tilespmem:$0x1040] =	vst v1  }
0x9c: {  	v1 =	vld [tilespmem:s25+$0x50];
	_ =	sdelay $0x4  }
0x9d: {  	[tilespmem:$0x1050] =	vst v1  }
0x9e: {  	v1 =	vld [tilespmem:s25+$0x60];
	_ =	sdelay $0x4  }
0x9f: {  	[tilespmem:$0x1060] =	vst v1  }
0xa0: {  	v1 =	vld [tilespmem:s25+$0x70];
	_ =	sdelay $0x4  }
0xa1: {  	[tilespmem:$0x1070] =	vst v1  }
0xa2: {  	v1 =	vld [tilespmem:s25+$0x800];
	_ =	sdelay $0x4  }
0xa3: {  	[tilespmem:$0x1080] =	vst v1  }
0xa4: {  	v1 =	vld [tilespmem:s25+$0x810];
	_ =	sdelay $0x4  }
0xa5: {  	[tilespmem:$0x1090] =	vst v1  }
0xa6: {  	v1 =	vld [tilespmem:s25+$0x820];
	_ =	sdelay $0x4  }
0xa7: {  	[tilespmem:$0x10A0] =	vst v1  }
0xa8: {  	v1 =	vld [tilespmem:s25+$0x830];
	_ =	sdelay $0x4  }
0xa9: {  	[tilespmem:$0x10B0] =	vst v1  }
0xaa: {  	v1 =	vld [tilespmem:s25+$0x840];
	_ =	sdelay $0x4  }
0xab: {  	[tilespmem:$0x10C0] =	vst v1  }
0xac: {  	v1 =	vld [tilespmem:s25+$0x850];
	_ =	sdelay $0x4  }
0xad: {  	[tilespmem:$0x10D0] =	vst v1  }
0xae: {  	v1 =	vld [tilespmem:s25+$0x860];
	_ =	sdelay $0x4  }
0xaf: {  	[tilespmem:$0x10E0] =	vst v1  }
0xb0: {  	v1 =	vld [tilespmem:s25+$0x870];
	_ =	sdelay $0x4  }
0xb1: {  	[tilespmem:$0x10F0] =	vst v1  }
0xb2: {  	[tilespmem:s15], [sflag:$0x1] =	stream.indirect.gather [hbm4b:s4+s18], $0x80, s19, s18, $0xb8;
	[tilespmem:$0x19140] =	vst v63  }
0xb3: {  	s24 =	sadd.s32 $0x1, s24;
	_ =	swait.ge [sflag:s20], $0x4000  }
0xb4: {  	p0 =	sne.s32 s24, $0x5;
	[sflag:s20] =	ssyncset.done $0x0  }
.Ltmp2:
0xb5: {  	[sflag:s20] =	ssyncadd.s32 $0xFFFFC000;
	(pc) =	sbr.rel @p0 .LBB2_4-.Ltmp2, $4  }
0xb6: {  	[spmem:s2] =	stream.indirect.scatter.add.f32 [tilespmem:s15], [sflag:$0x2], $0x80, s21, s18, $0xb8;
	[tilespmem:$0x19140] =	vst v63  }
0xb7: {  	_ =	swait.ge [sflag:s16], $0x4000  }
0xb8: {  	[sflag:s16] =	ssyncset.done $0x0  }
0xb9: {  	[sflag:s16] =	ssyncadd.s32 $0xFFFFC000  }
0xba: {  	s3 =	sadd.s32 $0x1, s3  }
0xbb: {  	p0 =	sne.s32 s3, s14  }
.Ltmp3:
0xbc: {  	[bflag:$0x0] =	sbarrier.arrive $0xFFFF;
	s23 =	sshrl.u32 s7, $0x3;
	(pc) =	sbr.rel @p0 .LBB2_1-.Ltmp3, $4  }
0xbd: {  	[hbm:s13], [sflag:s22] =	dma.local [spmem:s23], $0x2800  }
0xbe: {  	_ =	swait.ge [sflag:s16], $0x2800  }
0xbf: {  	[sflag:s16] =	ssyncset.done $0x0  }
0xc0: {  	[sflag:s16] =	ssyncadd.s32 $0xFFFFD800  }
0xc1: {  	_ =	sfence.sel $0x180000  }
0xc2: {  	[bflag:$0x0] =	sbarrier.arrive $0xFFFF  }
0xc3: {  	p0 =	sne.s32 s1, $0x0;
	_ =	strace $0x90000053  }
0xc4: {  	s0 =	sadd.s32 @!p0 $0x100000, s0;
	[bflag:$0x2] =	sbarrier.arrive $0xFFFF  }
0xc5: {  	[sflag:s0] =	ssyncadd.tile.s32 @!p0 $0x1;
	_ =	shalt  }
.Lfunc_end2:
_tile_overlayer_lowered:
.L_overlay_start_2:
0xc6: {  	(tag) =	ssettag $0x2  }
0xc7: {  	s0 =	rddreg [dreg:$0x0];
	s2 =	stileid.u32  }
0xc8: {  	s1 =	rddreg [dreg:$0x1];
	p0 =	sne.s32 s2, $0x0  }
0xc9: {  	s3 =	rddreg [dreg:$0x2];
	[bflag:$0x3] =	sbarrier.arrive $0xFFFF;
	s2 =	simm.s32 @!p0 $0x1C02  }
0xca: {  	[timem:s3], [sflag:s2] =	dma.local @!p0 [hbm:s0], s1  }
0xcb: {  	s0 =	simm.s32 @!p0 $0x2  }
0xcc: {  	_ =	swait.ge @!p0 [sflag:s0], s1  }
0xcd: {  	s1 =	ssub.s32 @!p0 $0x0, s1;
	[sflag:s0] =	ssyncset.done @!p0 $0x0  }
0xce: {  	[sflag:s0] =	ssyncadd.s32 @!p0 s1  }
0xcf: {  	[bflag:$0x3] =	sbarrier.arrive $0xFFFF  }
0xd0: {  	_ =	shalt  }

// kernel: kernel.22.cloned.1.call-start
scs
__scs_entry_jumppad:
0x0: {  	(pc) =	sbr.rel $0x88, $3  }
0x1: {  	(tag) =	ssettag $0x0;
	lr =	simm.s32 $0x1  }
0x2: {  	[smem:$0x3F7F] =	sst lr;
	_ =	strace $0xD0000000  }
0x3: {  	_ = 	snop  }
0x4: {  	_ = 	snop  }
0x5: {  	_ = 	snop  }
0x6: {  	_ = 	snop  }
0x7: {  	_ = 	snop  }
__scs_overlays_trampoline_lowered:
0x8: {  	[smem:$0x3F8E] =	sst s0  }
0x9: {  	[smem:$0x3F8F] =	sst s1  }
0xa: {  	[smem:$0x3F90] =	sst s2  }
0xb: {  	[smem:$0x3F91] =	sst s3  }
0xc: {  	[smem:$0x3F92] =	sst s4  }
0xd: {  	[smem:$0x3F93] =	sst s5  }
0xe: {  	[smem:$0x3F94] =	sst s6  }
0xf: {  	[smem:$0x3F95] =	sst s7  }
0x10: {  	[smem:$0x3F96] =	sst s8  }
0x11: {  	[smem:$0x3F97] =	sst s9;
	s0 =	simm.s32 @!p0 $0x0  }
0x12: {  	s1 =	sld [smem:$0x3F7D];
	s0 =	simm.s32 @p0 $0x1  }
0x13: {  	[smem:$0x3F98] =	sst s0;
	s0 =	simm.s32 @!p1 $0x0  }
0x14: {  	s2 =	sld [smem:$0x3F7C];
	s0 =	simm.s32 @p1 $0x1  }
0x15: {  	[smem:$0x3F99] =	sst s0;
	s0 =	simm.s32 @!p2 $0x0  }
0x16: {  	s3 =	sld [smem:$0x3FDB];
	s0 =	simm.s32 @p2 $0x1  }
0x17: {  	s4 =	simm.s32 $0x1BF5;
	[smem:$0x3F9B] =	sst s0  }
0x18: {  	s0 =	sld [smem:$0x3F7E];
	_ =	swait.ge [sflag:s4], $0x0  }
0x19: {  	s7 =	sld [smem:$0x3F7F]  }
0x1a: {  	s8 =	sadd.s32 $0xFFFFE003, lr  }
0x1b: {  	s9 =	sadd.s32 $0xFFFFFEF7, lr;
	s5 =	simm.s32 $0xFFFFFFFF;
	p2 =	slt.u32 s8, $0xFFFFF086  }
0x1c: {  	p1 =	slt.u32 s9, $0xF7A;
	s5 =	simm.s32 @!p2 $0x0  }
0x1d: {  	s5 =	simm.s32 @p1 $0x1;
	p0 =	seq.s32 s7, s2  }
0x1e: {  	s7 =	smul.u32 @!p0 $0xF7A, s2;
	p2 =	seq.s32 @!p0 s5, $0x0  }
0x1f: {  	s9 =	smul.u32 $0xF7A, s1;
	s8 =	simm.s32 @!p0 $0x1BF5;
	p2 =	por !p2, p0  }
0x20: {  	[sflag:s8] =	ssyncset.s32 @!p0 $0xFFFFF086;
	s6 =	sadd.s32 @!p0 s3, s7;
	s7 =	simm.s32 @!p0 $0x108  }
0x21: {  	s3 =	sadd.s32 s3, s9;
	s6 =	sadd.s32 @!p0 $0x88, s6;
	s7 =	simm.s32 @p2 $0x1082  }
0x22: {  	[simem:s7], [sflag:s8] =	dma.local @!p0 [hbm:s6], $0xF7A  }
0x23: {  	s9 =	sor.u32 $0xD0000000, s2;
	s6 =	simm.s32 $0x108;
	_ =	swait.ge @!p0 [sflag:s8], $0x0  }
0x24: {  	s3 =	sadd.s32 $0x88, s3;
	s6 =	simm.s32 @!p1 $0x1082;
	[sflag:s4] =	ssyncset.s32 $0xFFFFF086  }
0x25: {  	[simem:s6], [sflag:s4] =	dma.local [hbm:s3], $0xF7A  }
0x26: {  	[smem:$0x3F7F] =	sst s1;
	(tag) =	ssettag s2;
	_ =	strace s9  }
0x27: {  	s1 =	sld [smem:$0x3F8F]  }
0x28: {  	s2 =	sld [smem:$0x3F90]  }
0x29: {  	s4 =	sld [smem:$0x3F92]  }
0x2a: {  	p0 =	seq.s32 s5, $0x0;
	s5 =	sld [smem:$0x3F93]  }
0x2b: {  	s6 =	sld [smem:$0x3F94]  }
0x2c: {  	s7 =	sld [smem:$0x3F95]  }
0x2d: {  	s3 =	simm.s32 $0x108;
	s8 =	sld [smem:$0x3F96]  }
0x2e: {  	s3 =	simm.s32 @!p0 $0x1082;
	s9 =	sld [smem:$0x3F97]  }
0x2f: {  	lr =	sadd.s32 s0, s3;
	s0 =	sld [smem:$0x3F8E]  }
0x30: {  	s3 =	sld [smem:$0x3F91]  }
0x31: {  	[smem:$0x3F9A] =	sst s10  }
0x32: {  	s10 =	sld [smem:$0x3F98];
	_ =	sdelay $0x3  }
0x33: {  	p0 =	seq.s32 s10, $0x1;
	s10 =	sld [smem:$0x3F9A];
	_ =	sdelay $0x3  }
0x34: {  	[smem:$0x3F9A] =	sst s10  }
0x35: {  	s10 =	sld [smem:$0x3F99];
	_ =	sdelay $0x3  }
0x36: {  	p1 =	seq.s32 s10, $0x1;
	s10 =	sld [smem:$0x3F9A];
	_ =	sdelay $0x3  }
0x37: {  	[smem:$0x3F9A] =	sst s10  }
0x38: {  	s10 =	sld [smem:$0x3F9B]  }
0x39: {  	_ = 	snop;
	(pc) =	sbr.ind lr, $3  }
0x3a: {  	_ = 	snop  }
0x3b: {  	_ = 	snop  }
0x3c: {  	p2 =	seq.s32 s10, $0x1;
	s10 =	sld [smem:$0x3F9A]  }
0x3d: {  	_ =	shalt  }
0x3e: {  	_ =	shalt  }
0x3f: {  	_ =	shalt  }
0x40: {  	_ =	shalt  }
0x41: {  	_ =	shalt  }
0x42: {  	_ =	shalt  }
0x43: {  	_ =	shalt  }
0x44: {  	_ =	shalt  }
0x45: {  	_ =	shalt  }
0x46: {  	_ =	shalt  }
0x47: {  	_ =	shalt  }
0x48: {  	_ =	shalt  }
0x49: {  	_ =	shalt  }
0x4a: {  	_ =	shalt  }
0x4b: {  	_ =	shalt  }
0x4c: {  	_ =	shalt  }
0x4d: {  	_ =	shalt  }
0x4e: {  	_ =	shalt  }
0x4f: {  	_ =	shalt  }
0x50: {  	_ =	shalt  }
0x51: {  	_ =	shalt  }
0x52: {  	_ =	shalt  }
0x53: {  	_ =	shalt  }
0x54: {  	_ =	shalt  }
0x55: {  	_ =	shalt  }
0x56: {  	_ =	shalt  }
0x57: {  	_ =	shalt  }
0x58: {  	_ =	shalt  }
0x59: {  	_ =	shalt  }
0x5a: {  	_ =	shalt  }
0x5b: {  	_ =	shalt  }
0x5c: {  	_ =	shalt  }
0x5d: {  	_ =	shalt  }
0x5e: {  	_ =	shalt  }
0x5f: {  	_ =	shalt  }
0x60: {  	_ =	shalt  }
0x61: {  	_ =	shalt  }
0x62: {  	_ =	shalt  }
0x63: {  	_ =	shalt  }
0x64: {  	_ =	shalt  }
0x65: {  	_ =	shalt  }
0x66: {  	_ =	shalt  }
0x67: {  	_ =	shalt  }
0x68: {  	_ =	shalt  }
0x69: {  	_ =	shalt  }
0x6a: {  	_ =	shalt  }
0x6b: {  	_ =	shalt  }
0x6c: {  	_ =	shalt  }
0x6d: {  	_ =	shalt  }
0x6e: {  	_ =	shalt  }
0x6f: {  	_ =	shalt  }
0x70: {  	_ =	shalt  }
0x71: {  	_ =	shalt  }
0x72: {  	_ =	shalt  }
0x73: {  	_ =	shalt  }
0x74: {  	_ =	shalt  }
0x75: {  	_ =	shalt  }
0x76: {  	_ =	shalt  }
0x77: {  	_ =	shalt  }
0x78: {  	_ =	shalt  }
0x79: {  	_ =	shalt  }
0x7a: {  	_ =	shalt  }
0x7b: {  	_ =	shalt  }
0x7c: {  	_ =	shalt  }
0x7d: {  	_ =	shalt  }
0x7e: {  	_ =	shalt  }
0x7f: {  	_ =	shalt  }
0x80: {  	_ =	shalt  }
0x81: {  	_ =	shalt  }
0x82: {  	_ =	shalt  }
0x83: {  	_ =	shalt  }
0x84: {  	_ =	shalt  }
0x85: {  	_ =	shalt  }
0x86: {  	_ =	shalt  }
0x87: {  	_ =	shalt  }
.Lfunc_end0:
.L_simem_size_0:
called_computation.3_lowered:
.L_overlay_start_0:
0x88: {  	s2 =	sld [smem:$0x3FD9]  }
0x89: {  	s3 =	sld [smem:$0x3FFE];
	_ =	sdelay $0x1  }
0x8a: {  	s1 =	srdreg.scid  }
0x8b: {  	s0 =	sand.u32 $0x1, s1  }
0x8c: {  	s17 =	sshll.u32 s0, $0xA;
	s2 =	sadd.s32 s3, s2  }
0x8d: {  	s2 =	sadd.s32 s2, s17  }
0x8e: {  	[smem:$0x3FA6] =	sst s2  }
0x8f: {  	_ = 	snop  }
0x90: {  	s18 =	sld [smem:$0x3FD0];
	(tm) =	ssettm $0x1  }
0x91: {  	s19 =	sld [smem:$0x3FFB];
	_ =	sdelay $0x3  }
0x92: {  	_ =	strace s19  }
0x93: {  	s2 =	sld [smem:$0x3FFC];
	_ =	sdelay $0x3  }
0x94: {  	_ =	strace s2  }
0x95: {  	s2 =	sld [smem:$0x3FFD];
	_ =	sdelay $0x3  }
0x96: {  	_ =	strace s2  }
0x97: {  	_ =	strace $0x8FFFFFFF  }
0x98: {  	s20 =	sld [smem:$0x3FDB];
	_ =	sdelay $0x1  }
0x99: {  	s4 =	simm.s32 $_scs_section_size  }
0x9a: {  	s5 =	simm.s32 $_size__tile_overlayer_lowered;
	s6 =	simm.s32 $_tile_overlayer_lowered  }
0x9b: {  	s7 =	simm.s32 $0x1BFF;
	s21 =	sshll.u32 s6, $0x1;
	s4 =	sadd.s32 s4, s20  }
0x9c: {  	s22 =	simm.s32 $0x0;
	s5 =	sshll.u32 s5, $0x1;
	s6 =	sadd.s32 s21, s4  }
0x9d: {  	[timem:s22], [sflag:s7] =	dma.local [hbm:s6], s5  }
0x9e: {  	_ =	swait.ge [sflag:s7], s5  }
0x9f: {  	s5 =	ssub.s32 $0x0, s5;
	[sflag:s7] =	ssyncset.done $0x0  }
0xa0: {  	[sflag:s7] =	ssyncadd.s32 s5;
	_ =	sdelay $0x1  }
0xa1: {  	s23 =	simm.s32 $0x1B8B  }
0xa2: {  	_ =	swait.ge [sflag:s23], $0x1  }
0xa3: {  	[sflag:s23] =	ssyncset.done $0x0  }
0xa4: {  	[sflag:s23] =	ssyncadd.s32 $0xFFFFFFFF  }
0xa5: {  	s5 =	sld [smem:$0x0]  }
0xa6: {  	s6 =	sand.u32 $0xFFFFFFFE, s1  }
0xa7: {  	p0 =	sne.s32 s1, s6  }
0xa8: {  	s6 =	sshll.u32 @p0 s6, $0xE  }
0xa9: {  	s6 =	sadd.s32 @p0 $0x11B8D, s6;
	s7 =	sshll.u32 @p0 s5, $0x11  }
0xaa: {  	s6 =	sor.u32 @p0 s7, s6  }
0xab: {  	[sflag:s6] =	ssyncadd.remote.s32 @p0 $0x1;
	_ =	sdelay $0x1  }
0xac: {  	s6 =	simm.s32 @p0 $0x1B8D  }
0xad: {  	_ =	swait.eq @p0 [sflag:s6], $0x1  }
0xae: {  	[sflag:s6] =	ssyncadd.s32 @p0 $0xFFFFFFFF  }
0xaf: {  	s7 =	sshll.u32 @!p0 s1, $0xE  }
0xb0: {  	s7 =	sor.u32 @!p0 $0x4000, s7;
	s6 =	simm.s32 @!p0 $0x1B8D  }
0xb1: {  	s5 =	sshll.u32 @!p0 s5, $0x11;
	s7 =	sadd.s32 @!p0 $0x11B8D, s7;
	_ =	swait.eq @!p0 [sflag:s6], $0x1  }
0xb2: {  	s5 =	sor.u32 @!p0 s5, s7;
	[sflag:s6] =	ssyncadd.s32 @!p0 $0xFFFFFFFF  }
0xb3: {  	s25 =	simm.s32 $0x1B8E;
	s24 =	sld [smem:$0x3FFE];
	[sflag:s5] =	ssyncadd.remote.s32 @!p0 $0x1  }
0xb4: {  	s26 =	simm.s32 $execute0_lowered;
	[smem:$0x3FD2] =	sst s25  }
0xb5: {  	s6 =	sshll.u32 s26, $0x1;
	_ =	strace $0x8000004C;
	[dreg:$0x1] =	wrdreg $0xFFFFFFFF  }
0xb6: {  	s28 =	simm.s32 $_size_execute0_lowered;
	s4 =	sadd.s32 s4, s6;
	[dreg:$0x0] =	wrdreg $0x0  }
0xb7: {  	s6 =	sshll.u32 s28, $0x1;
	[dreg:$0x2] =	wrdreg s4  }
0xb8: {  	[dreg:$0x3] =	wrdreg s6  }
0xb9: {  	[dreg:$0x4] =	wrdreg $0xC0  }
0xba: {  	_ =	task [dreg:s22], $0x5FFFF  }
0xbb: {  	[dreg:$0x1] =	wrdreg $0xFFFFFFFF  }
0xbc: {  	[dreg:$0x0] =	wrdreg $0x60  }
0xbd: {  	[dreg:$0x2] =	wrdreg s24  }
0xbe: {  	[dreg:$0x3] =	wrdreg s18  }
0xbf: {  	[dreg:$0x4] =	wrdreg $0xA  }
0xc0: {  	_ =	task.clear_ibuf [dreg:s22], $0x5FFFF;
	_ =	strace $0x9000004C  }
0xc1: {  	s29 =	simm.s32 $0xA;
	_ =	strace $0x8000004E  }
0xc2: {  	_ =	swait.ge [sflag:s29], $0x1  }
0xc3: {  	[sflag:s29] =	ssyncadd.s32 $0xFFFFFFFF  }
0xc4: {  	_ =	strace $0x9000004E  }
0xc5: {  	_ =	sfence  }
0xc6: {  	s30 =	sld [smem:$0x0];
	_ =	sdelay $0x2  }
0xc7: {  	s31 =	sshll.u32 s1, $0xD;
	s1 =	sshrl.u32 s1, $0x2  }
0xc8: {  	s4 =	sand.u32 $0x4000, s31;
	s1 =	sadd.s32 s1, s30  }
0xc9: {  	s0 =	sor.u32 s4, s0;
	s1 =	sshll.u32 s1, $0x11  }
0xca: {  	s0 =	sor.u32 s1, s0  }
0xcb: {  	s0 =	sadd.s32 $0x8F2B, s0  }
0xcc: {  	[sflag:s0] =	ssyncadd.remote.s32 $0x1  }
0xcd: {  	_ =	sfence.sel $0xFFFF  }
0xce: {  	[dreg:$0x0] =	wrdreg $0xFFFFFFFF;
	(pc) =	sbr.abs _section_cstart, $3  }
0xcf: {  	[dreg:$0x1] =	wrdreg $0xFFFFFFFF  }
0xd0: {  	_ =	task.clear_ibuf [dreg:s22], $0x2FFFF;
	_ =	strace $0x9FFFFFFF  }
0xd1: {  	(tm) =	ssettm $0x7FFFFFFF  }
tec
execute0_lowered:
.L_overlay_start_1:
0x0: {  	(tag) =	ssettag $0x1  }
0x1: {  	s6 =	rddreg [dreg:$0x0]  }
0x2: {  	s1 =	rddreg [dreg:$0x1]  }
0x3: {  	s0 =	rddreg [dreg:$0x2]  }
0x4: {  	s2 =	simm.s32 $0x0;
	s3 =	srdreg.scid;
	s12 =	simm.s32 $0x800  }
0x5: {  	s13 =	simm.s32 $0x1000;
	s14 =	simm.s32 $0x2100;
	s15 =	simm.s32 $0x0  }
0x6: {  	[smem:$0x7FF] =	sst s2;
	s7 =	sand.u32 $0x1, s3;
	s4 =	sadd.s32 $0xD9400, s6  }
.Ltmp0:
0x7: {  	s5 =	sadd.s32 $0xE9400, s6;
	s3 =	stileid.u32;
	(pc) =	sbr.rel .LBB2_1-.Ltmp0, $4  }
0x8: {  	s6 =	sadd.s32 $0xF9400, s6;
	s8 =	ssub.s32 $0x2, s7;
	s10 =	smul.u32 $0x6F5000, s7  }
0x9: {  	_ =	strace $0x8000004D;
	s11 =	smul.u32 $0x8900, s3;
	s9 =	sshrl.u32 s8, $0x1  }
0xa: {  	v0 =	vimm.s32 $0x0;
	v1 =	vlaneseq.u32;
	s7 =	smul.u32 $0xD, s7;
	s9 =	ssub.s32 s8, s9;
	s8 =	sshll.u32 s3, $0x8  }
0xb: {  	v2 =	vimm.s32 $0xF;
	v3 =	vimm.s32 $0x1000;
	v1 =	vor.u32 $0x1090, v1;
	s10 =	sadd.s32 s11, s10;
	s11 =	simm.s32 $0x1;
	s9 =	smax.u32 s9, $0x1  }
.LBB2_17:
0xc: {  	s15 =	sadd.s32 $0x1, s15  }
0xd: {  	p0 =	sne.s32 s15, s9  }
.Ltmp1:
0xe: {  	_ = 	snop;
	(pc) =	sbr.rel @!p0 .LBB2_18-.Ltmp1, $1  }
0xf: {  	_ =	sdelay $0x3  }
.LBB2_1:
.Ltmp2:
0x10: {  	(pc) =	sbr.rel .LBB2_2-.Ltmp2, $2  }
0x11: {  	_ =	sdelay $0x2  }
0x12: {  	s16 =	smov.u32 s10;
	s17 =	simm.s32 $0x0  }
.LBB2_15:
0x13: {  	[sflag:s11] =	ssyncset.done $0x0  }
0x14: {  	[sflag:s11] =	ssyncadd.s32 $0xFFFFFF80  }
.LBB2_16:
0x15: {  	s20 =	sshll.u32 s20, $0x7  }
0x16: {  	s17 =	sadd.s32 $0x1, s17;
	s19 =	sadd.s32 s19, s20  }
0x17: {  	s18 =	sshll.u32 s18, $0x1;
	p0 =	sne.s32 s17, $0xD;
	v4 =	vmov s19  }
.Ltmp3:
0x18: {  	s18 =	sadd.s32 s1, s18;
	[tilespmem:$0x2100] =	vst v4;
	(pc) =	sbr.rel @!p0 .LBB2_17-.Ltmp3, $4  }
0x19: {  	[hbm4b:s18+s2] =	stream.linear.scatter [tilespmem:s14], [sflag:$0x1], $0x10, $0x38;
	[tilespmem:$0x2180] =	vst v63  }
0x1a: {  	_ =	swait.ge [sflag:s11], $0x10  }
0x1b: {  	[sflag:s11] =	ssyncset.done $0x0  }
0x1c: {  	s16 =	sadd.s32 $0x89000, s16;
	[sflag:s11] =	ssyncadd.s32 $0xFFFFFFF0  }
.LBB2_2:
.Ltmp4:
0x1d: {  	(pc) =	sbr.rel .LBB2_3-.Ltmp4, $4  }
0x1e: {  	s18 =	sadd.s32 s7, s17  }
0x1f: {  	s19 =	sshll.u32 s18, $0xC  }
0x20: {  	s21 =	simm.s32 $0x0;
	s18 =	sshll.u32 s18, $0x4;
	s20 =	sadd.s32 $0x1000, s19  }
0x21: {  	v7 =	vimm.s32 $0x0;
	s18 =	sor.u32 s3, s18;
	v4 =	vmov s19;
	s19 =	simm.s32 $0x0;
	v5 =	vmov s20;
	s20 =	simm.s32 $0x0  }
.LBB2_9:
0x22: {  	[sflag:s11] =	ssyncset.done $0x0  }
0x23: {  	[sflag:s11] =	ssyncadd.s32 $0xFFFFFF80  }
.LBB2_10:
0x24: {  	s23 =	sshll.u32 s23, $0x7  }
0x25: {  	s19 =	sadd.s32 s19, s23  }
.LBB2_11:
0x26: {  	s21 =	sadd.s32 $0x1, s21  }
0x27: {  	p1 =	sne.s32 s21, $0x10  }
.Ltmp5:
0x28: {  	_ = 	snop;
	(pc) =	sbr.rel @!p1 .LBB2_12-.Ltmp5, $3  }
0x29: {  	_ =	sdelay $0x1  }
0x2a: {  	p0 =	sgt.s32 s22, $0x7FF  }
0x2b: {  	v7 =	vpsel p0, $0x0, v6  }
.LBB2_3:
0x2c: {  	s22 =	sshll.u32 s21, $0xC  }
0x2d: {  	s22 =	sor.u32 s8, s22  }
0x2e: {  	s23 =	sadd.s32 s4, s22  }
0x2f: {  	[tilespmem:s20], [sflag:$0x1] =	stream.linear.gather [hbm4b:s23+s20], $0x800, $0x38;
	[tilespmem:$0x2180] =	vst v63  }
0x30: {  	_ =	swait.ge [sflag:s11], $0x800  }
0x31: {  	[sflag:s11] =	ssyncset.done $0x0  }
0x32: {  	s22 =	sadd.s32 s5, s22;
	[sflag:s11] =	ssyncadd.s32 $0xFFFFF800  }
0x33: {  	[tilespmem:s12], [sflag:$0x1] =	stream.linear.gather [hbm4b:s22+s20], $0x800, $0x38;
	[tilespmem:$0x2180] =	vst v63  }
0x34: {  	_ =	swait.ge [sflag:s11], $0x800  }
0x35: {  	[sflag:s11] =	ssyncset.done $0x0  }
0x36: {  	s23 =	simm.s32 $0x0;
	s22 =	simm.s32 $0x40;
	[sflag:s11] =	ssyncadd.s32 $0xFFFFF800  }
.LBB2_4:
0x37: {  	p0 =	sne.s32 s22, $0x1FC0;
	v6 =	vld [tilespmem:s23+$0x800];
	_ =	sdelay $0x4  }
0x38: {  	vm0 =	vge.s32 v6, v4;
	vm1 =	vlt.s32 v6, v5;
	v6 =	vsub.s32 v6, v4  }
0x39: {  	vm0 =	vmand vm0, vm1  }
0x3a: {  	v8 =	vsel vm0, $0x1, v0  }
0x3b: {  	(xrf0) =	vadd.scan.msk.s32 $0xffff, v8;
	_ =	sdelay $0x5  }
0x3c: {  	v8, _, _ =	vpop (xrf0)  }
0x3d: {  	v9 =	vld [tilespmem:s23+$0x0];
	v10 =	vadd.s32 v8, v7;
	v8 =	vperm.xlane v8, v2  }
0x3e: {  	v10 =	vadd.s32 $0xFFFFFFFF, v10  }
0x3f: {  	v10 =	vsel vm0, v10, v1;
	v7 =	vadd.s32 v7, v8  }
.Ltmp6:
0x40: {  	(pc) =	sbr.rel @p0 .LBB2_4-.Ltmp6, $4  }
0x41: {  	_ = 	snop  }
0x42: {  	v8 =	vshll.u32 v9, $0xE  }
0x43: {  	v6 =	vor.u32 v6, v8  }
0x44: {  	s23 =	sshra.s32 s22, $0x2;
	s22 =	sadd.s32 $0x40, s22;
	[tilespmem:v10+s13+$0x0] =	vst.idx.msk $0xffff, v6  }
0x45: {  	v8 =	vld [tilespmem:s23+$0x800];
	_ =	sdelay $0x4  }
0x46: {  	vm0 =	vge.s32 v8, v4;
	vm1 =	vlt.s32 v8, v5  }
0x47: {  	vm0 =	vmand vm0, vm1  }
0x48: {  	v6 =	vsel vm0, $0x1, v0  }
0x49: {  	(xrf0) =	vadd.scan.msk.s32 $0xffff, v6;
	_ =	sdelay $0x5  }
0x4a: {  	v9, _, _ =	vpop (xrf0)  }
0x4b: {  	v6 =	vperm.xlane v9, v2;
	_ =	sdelay $0x1  }
0x4c: {  	v6 =	vadd.s32 v7, v6  }
0x4d: {  	(v2sf) =	vpush v6, $0xF;
	_ =	sdelay $0xd  }
0x4e: {  	v10 =	vld [tilespmem:s23+$0x0];
	v7 =	vadd.s32 v9, v7  }
0x4f: {  	v7 =	vadd.s32 $0xFFFFFFFF, v7;
	s22 =	spop (v2sf)  }
0x50: {  	v7 =	vsel vm0, v7, v1;
	p0 =	slt.s32 s22, $0x800  }
.Ltmp7:
0x51: {  	_ = 	snop;
	(pc) =	sbr.rel @p0 .LBB2_11-.Ltmp7, $4  }
0x52: {  	_ = 	snop  }
0x53: {  	v8 =	vsub.s32 v8, v4;
	v63 =	vshll.u32 v10, $0xE  }
0x54: {  	v8 =	vor.u32 v8, v63  }
0x55: {  	[tilespmem:v7+s13+$0x0] =	vst.idx.msk $0xffff, v8  }
0x56: {  	s23 =	sadd.s32 $0x7F, s22  }
0x57: {  	s24 =	sand.u32 $0x7F, s23  }
0x58: {  	s31 =	sshra.s32 s23, $0x1F;
	p1 =	slt.s32 s23, $0x0;
	p0 =	sne.s32 s24, $0x0  }
0x59: {  	s24 =	sshrl.u32 s31, $0x19;
	p0 =	por !p1, !p0  }
0x5a: {  	s23 =	sadd.s32 s24, s23;
	s24 =	simm.s32 $0x1;
	p0 =	por !p0, !p0  }
0x5b: {  	[tilespmem:s22+$0x1000] =	vst v3;
	s23 =	sshra.s32 s23, $0x7;
	s24 =	simm.s32 @!p0 $0x0  }
0x5c: {  	[tilespmem:s22+$0x1010] =	vst v3;
	s23 =	ssub.s32 s23, s24  }
0x5d: {  	[tilespmem:s22+$0x1020] =	vst v3;
	p0 =	slt.s32 s23, $0x1  }
.Ltmp8:
0x5e: {  	[tilespmem:s22+$0x1030] =	vst v3;
	(pc) =	sbr.rel @p0 .LBB2_10-.Ltmp8, $4  }
0x5f: {  	[tilespmem:s22+$0x1040] =	vst v3  }
0x60: {  	[tilespmem:s22+$0x1050] =	vst v3  }
0x61: {  	[tilespmem:s22+$0x1060] =	vst v3  }
0x62: {  	[tilespmem:s22+$0x1070] =	vst v3  }
0x63: {  	s26 =	sadd.s32 s19, s16;
	p0 =	sne.s32 s23, $0x1  }
.Ltmp9:
0x64: {  	s24 =	sshrl.u32 s26, $0x3;
	(pc) =	sbr.rel @!p0 .LBB2_9-.Ltmp9, $4  }
0x65: {  	s25 =	sand.u32 $0x1FFFFFF0, s24  }
0x66: {  	s24 =	simm.s32 $0x1000;
	s25 =	sadd.s32 s6, s25  }
0x67: {  	[hbm4b:s25+s2] =	stream.linear.scatter [tilespmem:s24], [sflag:$0x1], $0x80, $0x38;
	[tilespmem:$0x2180] =	vst v63  }
0x68: {  	s26 =	sadd.s32 $0x80, s26;
	s25 =	sadd.s32 $0xFFFFFFFF, s23;
	_ =	swait.ge [sflag:s11], $0x80  }
.LBB2_8:
0x69: {  	s28 =	sshrl.u32 s26, $0x3  }
0x6a: {  	[sflag:s11] =	ssyncset.done $0x0;
	s24 =	sadd.s32 $0x80, s24;
	p0 =	sne.s32 s25, $0x1  }
.Ltmp10:
0x6b: {  	s28 =	sand.u32 $0x1FFFFFF0, s28;
	[sflag:s11] =	ssyncadd.s32 $0xFFFFFF80;
	(pc) =	sbr.rel @p0 .LBB2_8-.Ltmp10, $4  }
0x6c: {  	s25 =	sadd.s32 $0xFFFFFFFF, s25;
	s28 =	sadd.s32 s6, s28  }
0x6d: {  	[hbm4b:s28+s2] =	stream.linear.scatter [tilespmem:s24], [sflag:$0x1], $0x80, $0x38;
	[tilespmem:$0x2180] =	vst v63  }
0x6e: {  	_ = 	snop  }
0x6f: {  	s26 =	sadd.s32 $0x80, s26;
	_ =	swait.ge [sflag:s11], $0x80  }
.Ltmp11:
0x70: {  	_ = 	snop;
	(pc) =	sbr.rel .LBB2_9-.Ltmp11, $1  }
0x71: {  	_ =	sdelay $0x3  }
.LBB2_12:
0x72: {  	(v2sf) =	vpush v7, $0xF;
	_ =	sdelay $0xe  }
0x73: {  	s21 =	spop (v2sf)  }
0x74: {  	s20 =	sadd.s32 $0x7F, s21  }
0x75: {  	s22 =	sand.u32 $0x7F, s20  }
0x76: {  	s31 =	sshra.s32 s20, $0x1F;
	p1 =	slt.s32 s20, $0x1;
	p0 =	sne.s32 s22, $0x0  }
0x77: {  	s22 =	sshrl.u32 s31, $0x19;
	p0 =	por !p1, !p0  }
0x78: {  	s20 =	sadd.s32 s22, s20;
	s22 =	simm.s32 $0x1;
	p0 =	por !p0, !p0  }
0x79: {  	[tilespmem:s21+$0x1000] =	vst v3;
	s20 =	sshra.s32 s20, $0x7;
	s22 =	simm.s32 @!p0 $0x0  }
0x7a: {  	[tilespmem:s21+$0x1010] =	vst v3;
	s20 =	ssub.s32 s20, s22  }
0x7b: {  	[tilespmem:s21+$0x1020] =	vst v3;
	p0 =	slt.s32 s20, $0x1  }
.Ltmp12:
0x7c: {  	[tilespmem:s21+$0x1030] =	vst v3;
	(pc) =	sbr.rel @p0 .LBB2_16-.Ltmp12, $4  }
0x7d: {  	[tilespmem:s21+$0x1040] =	vst v3  }
0x7e: {  	[tilespmem:s21+$0x1050] =	vst v3  }
0x7f: {  	[tilespmem:s21+$0x1060] =	vst v3  }
0x80: {  	[tilespmem:s21+$0x1070] =	vst v3  }
0x81: {  	s23 =	sadd.s32 s19, s16;
	p0 =	sne.s32 s20, $0x1  }
.Ltmp13:
0x82: {  	s21 =	sshrl.u32 s23, $0x3;
	(pc) =	sbr.rel @!p0 .LBB2_15-.Ltmp13, $4  }
0x83: {  	s22 =	sand.u32 $0x1FFFFFF0, s21  }
0x84: {  	s21 =	simm.s32 $0x1000;
	s22 =	sadd.s32 s6, s22  }
0x85: {  	[hbm4b:s22+s2] =	stream.linear.scatter [tilespmem:s21], [sflag:$0x1], $0x80, $0x38;
	[tilespmem:$0x2180] =	vst v63  }
0x86: {  	s23 =	sadd.s32 $0x80, s23;
	s22 =	sadd.s32 $0xFFFFFFFF, s20;
	_ =	swait.ge [sflag:s11], $0x80  }
.LBB2_14:
0x87: {  	s24 =	sshrl.u32 s23, $0x3  }
0x88: {  	[sflag:s11] =	ssyncset.done $0x0;
	s21 =	sadd.s32 $0x80, s21;
	p0 =	sne.s32 s22, $0x1  }
.Ltmp14:
0x89: {  	s24 =	sand.u32 $0x1FFFFFF0, s24;
	[sflag:s11] =	ssyncadd.s32 $0xFFFFFF80;
	(pc) =	sbr.rel @p0 .LBB2_14-.Ltmp14, $4  }
0x8a: {  	s22 =	sadd.s32 $0xFFFFFFFF, s22;
	s24 =	sadd.s32 s6, s24  }
0x8b: {  	[hbm4b:s24+s2] =	stream.linear.scatter [tilespmem:s21], [sflag:$0x1], $0x80, $0x38;
	[tilespmem:$0x2180] =	vst v63  }
0x8c: {  	_ = 	snop  }
0x8d: {  	s23 =	sadd.s32 $0x80, s23;
	_ =	swait.ge [sflag:s11], $0x80  }
.Ltmp15:
0x8e: {  	_ = 	snop;
	(pc) =	sbr.rel .LBB2_15-.Ltmp15, $1  }
0x8f: {  	_ =	sdelay $0x3  }
.LBB2_18:
0x90: {  	_ =	sfence.sel $0x180000  }
0x91: {  	[bflag:$0x0] =	sbarrier.arrive $0xFFFF  }
0x92: {  	p0 =	sne.s32 s3, $0x0;
	_ =	strace $0x9000004D  }
0x93: {  	s0 =	sadd.s32 @!p0 $0x100000, s0;
	[bflag:$0x2] =	sbarrier.arrive $0xFFFF  }
0x94: {  	[sflag:s0] =	ssyncadd.tile.s32 @!p0 $0x1;
	_ =	shalt  }
.Lfunc_end2:
_tile_overlayer_lowered:
.L_overlay_start_2:
0x95: {  	(tag) =	ssettag $0x2  }
0x96: {  	s0 =	rddreg [dreg:$0x0];
	s2 =	stileid.u32  }
0x97: {  	s1 =	rddreg [dreg:$0x1];
	p0 =	sne.s32 s2, $0x0  }
0x98: {  	s3 =	rddreg [dreg:$0x2];
	[bflag:$0x3] =	sbarrier.arrive $0xFFFF;
	s2 =	simm.s32 @!p0 $0x1C01  }
0x99: {  	[timem:s3], [sflag:s2] =	dma.local @!p0 [hbm:s0], s1  }
0x9a: {  	s0 =	simm.s32 @!p0 $0x1  }
0x9b: {  	_ =	swait.ge @!p0 [sflag:s0], s1  }
0x9c: {  	s1 =	ssub.s32 @!p0 $0x0, s1;
	[sflag:s0] =	ssyncset.done @!p0 $0x0  }
0x9d: {  	[sflag:s0] =	ssyncadd.s32 @!p0 s1  }
0x9e: {  	[bflag:$0x3] =	sbarrier.arrive $0xFFFF  }
0x9f: {  	_ =	shalt  }

// kernel: kernel.25.cloned.1.call-start
scs
__scs_entry_jumppad:
0x0: {  	(pc) =	sbr.rel $0x88, $3  }
0x1: {  	(tag) =	ssettag $0x0;
	lr =	simm.s32 $0x1  }
0x2: {  	[smem:$0x3F7F] =	sst lr;
	_ =	strace $0xD0000000  }
0x3: {  	_ = 	snop  }
0x4: {  	_ = 	snop  }
0x5: {  	_ = 	snop  }
0x6: {  	_ = 	snop  }
0x7: {  	_ = 	snop  }
__scs_overlays_trampoline_lowered:
0x8: {  	[smem:$0x3F8E] =	sst s0  }
0x9: {  	[smem:$0x3F8F] =	sst s1  }
0xa: {  	[smem:$0x3F90] =	sst s2  }
0xb: {  	[smem:$0x3F91] =	sst s3  }
0xc: {  	[smem:$0x3F92] =	sst s4  }
0xd: {  	[smem:$0x3F93] =	sst s5  }
0xe: {  	[smem:$0x3F94] =	sst s6  }
0xf: {  	[smem:$0x3F95] =	sst s7  }
0x10: {  	[smem:$0x3F96] =	sst s8  }
0x11: {  	[smem:$0x3F97] =	sst s9;
	s0 =	simm.s32 @!p0 $0x0  }
0x12: {  	s1 =	sld [smem:$0x3F7D];
	s0 =	simm.s32 @p0 $0x1  }
0x13: {  	[smem:$0x3F98] =	sst s0;
	s0 =	simm.s32 @!p1 $0x0  }
0x14: {  	s2 =	sld [smem:$0x3F7C];
	s0 =	simm.s32 @p1 $0x1  }
0x15: {  	[smem:$0x3F99] =	sst s0;
	s0 =	simm.s32 @!p2 $0x0  }
0x16: {  	s3 =	sld [smem:$0x3FDB];
	s0 =	simm.s32 @p2 $0x1  }
0x17: {  	s4 =	simm.s32 $0x1BF5;
	[smem:$0x3F9B] =	sst s0  }
0x18: {  	s0 =	sld [smem:$0x3F7E];
	_ =	swait.ge [sflag:s4], $0x0  }
0x19: {  	s7 =	sld [smem:$0x3F7F]  }
0x1a: {  	s8 =	sadd.s32 $0xFFFFE003, lr  }
0x1b: {  	s9 =	sadd.s32 $0xFFFFFEF7, lr;
	s5 =	simm.s32 $0xFFFFFFFF;
	p2 =	slt.u32 s8, $0xFFFFF086  }
0x1c: {  	p1 =	slt.u32 s9, $0xF7A;
	s5 =	simm.s32 @!p2 $0x0  }
0x1d: {  	s5 =	simm.s32 @p1 $0x1;
	p0 =	seq.s32 s7, s2  }
0x1e: {  	s7 =	smul.u32 @!p0 $0xF7A, s2;
	p2 =	seq.s32 @!p0 s5, $0x0  }
0x1f: {  	s9 =	smul.u32 $0xF7A, s1;
	s8 =	simm.s32 @!p0 $0x1BF5;
	p2 =	por !p2, p0  }
0x20: {  	[sflag:s8] =	ssyncset.s32 @!p0 $0xFFFFF086;
	s6 =	sadd.s32 @!p0 s3, s7;
	s7 =	simm.s32 @!p0 $0x108  }
0x21: {  	s3 =	sadd.s32 s3, s9;
	s6 =	sadd.s32 @!p0 $0x88, s6;
	s7 =	simm.s32 @p2 $0x1082  }
0x22: {  	[simem:s7], [sflag:s8] =	dma.local @!p0 [hbm:s6], $0xF7A  }
0x23: {  	s9 =	sor.u32 $0xD0000000, s2;
	s6 =	simm.s32 $0x108;
	_ =	swait.ge @!p0 [sflag:s8], $0x0  }
0x24: {  	s3 =	sadd.s32 $0x88, s3;
	s6 =	simm.s32 @!p1 $0x1082;
	[sflag:s4] =	ssyncset.s32 $0xFFFFF086  }
0x25: {  	[simem:s6], [sflag:s4] =	dma.local [hbm:s3], $0xF7A  }
0x26: {  	[smem:$0x3F7F] =	sst s1;
	(tag) =	ssettag s2;
	_ =	strace s9  }
0x27: {  	s1 =	sld [smem:$0x3F8F]  }
0x28: {  	s2 =	sld [smem:$0x3F90]  }
0x29: {  	s4 =	sld [smem:$0x3F92]  }
0x2a: {  	p0 =	seq.s32 s5, $0x0;
	s5 =	sld [smem:$0x3F93]  }
0x2b: {  	s6 =	sld [smem:$0x3F94]  }
0x2c: {  	s7 =	sld [smem:$0x3F95]  }
0x2d: {  	s3 =	simm.s32 $0x108;
	s8 =	sld [smem:$0x3F96]  }
0x2e: {  	s3 =	simm.s32 @!p0 $0x1082;
	s9 =	sld [smem:$0x3F97]  }
0x2f: {  	lr =	sadd.s32 s0, s3;
	s0 =	sld [smem:$0x3F8E]  }
0x30: {  	s3 =	sld [smem:$0x3F91]  }
0x31: {  	[smem:$0x3F9A] =	sst s10  }
0x32: {  	s10 =	sld [smem:$0x3F98];
	_ =	sdelay $0x3  }
0x33: {  	p0 =	seq.s32 s10, $0x1;
	s10 =	sld [smem:$0x3F9A];
	_ =	sdelay $0x3  }
0x34: {  	[smem:$0x3F9A] =	sst s10  }
0x35: {  	s10 =	sld [smem:$0x3F99];
	_ =	sdelay $0x3  }
0x36: {  	p1 =	seq.s32 s10, $0x1;
	s10 =	sld [smem:$0x3F9A];
	_ =	sdelay $0x3  }
0x37: {  	[smem:$0x3F9A] =	sst s10  }
0x38: {  	s10 =	sld [smem:$0x3F9B]  }
0x39: {  	_ = 	snop;
	(pc) =	sbr.ind lr, $3  }
0x3a: {  	_ = 	snop  }
0x3b: {  	_ = 	snop  }
0x3c: {  	p2 =	seq.s32 s10, $0x1;
	s10 =	sld [smem:$0x3F9A]  }
0x3d: {  	_ =	shalt  }
0x3e: {  	_ =	shalt  }
0x3f: {  	_ =	shalt  }
0x40: {  	_ =	shalt  }
0x41: {  	_ =	shalt  }
0x42: {  	_ =	shalt  }
0x43: {  	_ =	shalt  }
0x44: {  	_ =	shalt  }
0x45: {  	_ =	shalt  }
0x46: {  	_ =	shalt  }
0x47: {  	_ =	shalt  }
0x48: {  	_ =	shalt  }
0x49: {  	_ =	shalt  }
0x4a: {  	_ =	shalt  }
0x4b: {  	_ =	shalt  }
0x4c: {  	_ =	shalt  }
0x4d: {  	_ =	shalt  }
0x4e: {  	_ =	shalt  }
0x4f: {  	_ =	shalt  }
0x50: {  	_ =	shalt  }
0x51: {  	_ =	shalt  }
0x52: {  	_ =	shalt  }
0x53: {  	_ =	shalt  }
0x54: {  	_ =	shalt  }
0x55: {  	_ =	shalt  }
0x56: {  	_ =	shalt  }
0x57: {  	_ =	shalt  }
0x58: {  	_ =	shalt  }
0x59: {  	_ =	shalt  }
0x5a: {  	_ =	shalt  }
0x5b: {  	_ =	shalt  }
0x5c: {  	_ =	shalt  }
0x5d: {  	_ =	shalt  }
0x5e: {  	_ =	shalt  }
0x5f: {  	_ =	shalt  }
0x60: {  	_ =	shalt  }
0x61: {  	_ =	shalt  }
0x62: {  	_ =	shalt  }
0x63: {  	_ =	shalt  }
0x64: {  	_ =	shalt  }
0x65: {  	_ =	shalt  }
0x66: {  	_ =	shalt  }
0x67: {  	_ =	shalt  }
0x68: {  	_ =	shalt  }
0x69: {  	_ =	shalt  }
0x6a: {  	_ =	shalt  }
0x6b: {  	_ =	shalt  }
0x6c: {  	_ =	shalt  }
0x6d: {  	_ =	shalt  }
0x6e: {  	_ =	shalt  }
0x6f: {  	_ =	shalt  }
0x70: {  	_ =	shalt  }
0x71: {  	_ =	shalt  }
0x72: {  	_ =	shalt  }
0x73: {  	_ =	shalt  }
0x74: {  	_ =	shalt  }
0x75: {  	_ =	shalt  }
0x76: {  	_ =	shalt  }
0x77: {  	_ =	shalt  }
0x78: {  	_ =	shalt  }
0x79: {  	_ =	shalt  }
0x7a: {  	_ =	shalt  }
0x7b: {  	_ =	shalt  }
0x7c: {  	_ =	shalt  }
0x7d: {  	_ =	shalt  }
0x7e: {  	_ =	shalt  }
0x7f: {  	_ =	shalt  }
0x80: {  	_ =	shalt  }
0x81: {  	_ =	shalt  }
0x82: {  	_ =	shalt  }
0x83: {  	_ =	shalt  }
0x84: {  	_ =	shalt  }
0x85: {  	_ =	shalt  }
0x86: {  	_ =	shalt  }
0x87: {  	_ =	shalt  }
.Lfunc_end0:
.L_simem_size_0:
called_computation.4_lowered:
.L_overlay_start_0:
0x88: {  	s2 =	sld [smem:$0x3FD9]  }
0x89: {  	s3 =	sld [smem:$0x3FFE];
	_ =	sdelay $0x1  }
0x8a: {  	s1 =	srdreg.scid  }
0x8b: {  	s0 =	sand.u32 $0x1, s1  }
0x8c: {  	s17 =	sshll.u32 s0, $0xA;
	s2 =	sadd.s32 s3, s2  }
0x8d: {  	s2 =	sadd.s32 s2, s17  }
0x8e: {  	[smem:$0x3FA6] =	sst s2  }
0x8f: {  	_ = 	snop  }
0x90: {  	s4 =	sld [smem:$0x3FC9]  }
0x91: {  	s18 =	sld [smem:$0x3FD0];
	(tm) =	ssettm $0x1  }
0x92: {  	s19 =	sld [smem:$0x3FFB];
	_ =	sdelay $0x3  }
0x93: {  	_ =	strace s19  }
0x94: {  	s2 =	sld [smem:$0x3FFC];
	_ =	sdelay $0x3  }
0x95: {  	_ =	strace s2  }
0x96: {  	s2 =	sld [smem:$0x3FFD];
	_ =	sdelay $0x3  }
0x97: {  	_ =	strace s2  }
0x98: {  	_ =	strace $0x8FFFFFFF  }
0x99: {  	s20 =	sld [smem:$0x3FDB];
	_ =	sdelay $0x1  }
0x9a: {  	s5 =	simm.s32 $_scs_section_size  }
0x9b: {  	s6 =	simm.s32 $_size__tile_overlayer_lowered;
	s7 =	simm.s32 $_tile_overlayer_lowered  }
0x9c: {  	s8 =	simm.s32 $0x1BFF;
	s21 =	sshll.u32 s7, $0x1;
	s5 =	sadd.s32 s5, s20  }
0x9d: {  	s22 =	simm.s32 $0x0;
	s6 =	sshll.u32 s6, $0x1;
	s7 =	sadd.s32 s21, s5  }
0x9e: {  	[timem:s22], [sflag:s8] =	dma.local [hbm:s7], s6  }
0x9f: {  	_ =	swait.ge [sflag:s8], s6  }
0xa0: {  	s6 =	ssub.s32 $0x0, s6;
	[sflag:s8] =	ssyncset.done $0x0  }
0xa1: {  	[sflag:s8] =	ssyncadd.s32 s6;
	_ =	sdelay $0x1  }
0xa2: {  	s23 =	simm.s32 $0x1B8B  }
0xa3: {  	_ =	swait.ge [sflag:s23], $0x1  }
0xa4: {  	[sflag:s23] =	ssyncset.done $0x0  }
0xa5: {  	[sflag:s23] =	ssyncadd.s32 $0xFFFFFFFF  }
0xa6: {  	s6 =	sld [smem:$0x0]  }
0xa7: {  	s7 =	sand.u32 $0xFFFFFFFE, s1  }
0xa8: {  	p0 =	sne.s32 s1, s7  }
0xa9: {  	s7 =	sshll.u32 @p0 s7, $0xE  }
0xaa: {  	s7 =	sadd.s32 @p0 $0x11B8D, s7;
	s8 =	sshll.u32 @p0 s6, $0x11  }
0xab: {  	s7 =	sor.u32 @p0 s8, s7  }
0xac: {  	[sflag:s7] =	ssyncadd.remote.s32 @p0 $0x1;
	_ =	sdelay $0x1  }
0xad: {  	s7 =	simm.s32 @p0 $0x1B8D  }
0xae: {  	_ =	swait.eq @p0 [sflag:s7], $0x1  }
0xaf: {  	[sflag:s7] =	ssyncadd.s32 @p0 $0xFFFFFFFF  }
0xb0: {  	s8 =	sshll.u32 @!p0 s1, $0xE  }
0xb1: {  	s8 =	sor.u32 @!p0 $0x4000, s8;
	s7 =	simm.s32 @!p0 $0x1B8D  }
0xb2: {  	s6 =	sshll.u32 @!p0 s6, $0x11;
	s8 =	sadd.s32 @!p0 $0x11B8D, s8;
	_ =	swait.eq @!p0 [sflag:s7], $0x1  }
0xb3: {  	s6 =	sor.u32 @!p0 s6, s8;
	[sflag:s7] =	ssyncadd.s32 @!p0 $0xFFFFFFFF  }
0xb4: {  	s25 =	simm.s32 $0x1B8E;
	s24 =	sld [smem:$0x3FFE];
	[sflag:s6] =	ssyncadd.remote.s32 @!p0 $0x1  }
0xb5: {  	s26 =	simm.s32 $execute0_lowered;
	[smem:$0x3FD2] =	sst s25  }
0xb6: {  	s7 =	sshll.u32 s26, $0x1;
	_ =	strace $0x80000055;
	[dreg:$0x1] =	wrdreg $0xFFFFFFFF  }
0xb7: {  	s28 =	simm.s32 $_size_execute0_lowered;
	s5 =	sadd.s32 s5, s7;
	[dreg:$0x0] =	wrdreg $0x0  }
0xb8: {  	s7 =	sshll.u32 s28, $0x1;
	[dreg:$0x2] =	wrdreg s5  }
0xb9: {  	[dreg:$0x3] =	wrdreg s7  }
0xba: {  	[dreg:$0x4] =	wrdreg $0xC0  }
0xbb: {  	_ =	task [dreg:s22], $0x5FFFF  }
0xbc: {  	[dreg:$0x1] =	wrdreg $0xFFFFFFFF  }
0xbd: {  	[dreg:$0x0] =	wrdreg $0x60  }
0xbe: {  	[dreg:$0x2] =	wrdreg s4  }
0xbf: {  	[dreg:$0x3] =	wrdreg s24  }
0xc0: {  	[dreg:$0x4] =	wrdreg s18  }
0xc1: {  	[dreg:$0x5] =	wrdreg $0x82000  }
0xc2: {  	[dreg:$0x6] =	wrdreg $0x102400  }
0xc3: {  	[dreg:$0x7] =	wrdreg $0xA  }
0xc4: {  	_ =	task.clear_ibuf [dreg:s22], $0x8FFFF;
	_ =	strace $0x90000055  }
0xc5: {  	s29 =	simm.s32 $0xA;
	_ =	strace $0x80000057  }
0xc6: {  	_ =	swait.ge [sflag:s29], $0x1  }
0xc7: {  	[sflag:s29] =	ssyncadd.s32 $0xFFFFFFFF  }
0xc8: {  	_ =	strace $0x90000057  }
0xc9: {  	_ =	sfence  }
0xca: {  	s30 =	sld [smem:$0x0];
	_ =	sdelay $0x2  }
0xcb: {  	s31 =	sshll.u32 s1, $0xD;
	s1 =	sshrl.u32 s1, $0x2  }
0xcc: {  	s4 =	sand.u32 $0x4000, s31;
	s1 =	sadd.s32 s1, s30  }
0xcd: {  	s0 =	sor.u32 s4, s0;
	s1 =	sshll.u32 s1, $0x11  }
0xce: {  	s0 =	sor.u32 s1, s0  }
0xcf: {  	s0 =	sadd.s32 $0x8F2B, s0  }
0xd0: {  	[sflag:s0] =	ssyncadd.remote.s32 $0x1  }
0xd1: {  	_ =	sfence.sel $0xFFFF  }
0xd2: {  	[dreg:$0x0] =	wrdreg $0xFFFFFFFF;
	(pc) =	sbr.abs _section_cstart, $3  }
0xd3: {  	[dreg:$0x1] =	wrdreg $0xFFFFFFFF  }
0xd4: {  	_ =	task.clear_ibuf [dreg:s22], $0x2FFFF;
	_ =	strace $0x9FFFFFFF  }
0xd5: {  	(tm) =	ssettm $0x7FFFFFFF  }
tec
execute0_lowered:
.L_overlay_start_1:
0x0: {  	(tag) =	ssettag $0x1  }
0x1: {  	s0 =	rddreg [dreg:$0x0]  }
0x2: {  	s1 =	rddreg [dreg:$0x1]  }
0x3: {  	s2 =	rddreg [dreg:$0x2]  }
0x4: {  	s3 =	rddreg [dreg:$0x3];
	s5 =	srdreg.scid  }
0x5: {  	s4 =	rddreg [dreg:$0x4];
	s19 =	simm.s32 $0x3;
	s20 =	simm.s32 $0x8180  }
0x6: {  	s21 =	simm.s32 $0x1;
	s22 =	simm.s32 $0x80;
	s23 =	simm.s32 $0x4180  }
0x7: {  	s24 =	simm.s32 $0x100;
	s25 =	simm.s32 $0x2;
	s26 =	simm.s32 $0x0  }
0x8: {  	s10 =	sand.u32 $0x1, s5;
	s5 =	simm.s32 $0x0;
	s8 =	sadd.s32 $0x50E800, s1  }
0x9: {  	s6 =	sadd.s32 $0x89400, s1;
	s9 =	sadd.s32 $0x6AE800, s1;
	s7 =	smul.u32 $0xDEA00, s10  }
0xa: {  	[smem:$0x7FF] =	sst s5;
	s31 =	ssub.s32 $0x2, s10;
	s10 =	smul.u32 $0xD, s10  }
0xb: {  	s11 =	sshrl.u32 s31, $0x1;
	s15 =	sadd.s32 s7, s1;
	s7 =	stileid.u32  }
0xc: {  	_ =	strace $0x80000056;
	s1 =	ssub.s32 s31, s11;
	s13 =	sshll.u32 s7, $0xF  }
0xd: {  	s16 =	smul.u32 $0x1120, s7;
	s11 =	sshll.u32 s7, $0xC;
	s1 =	smax.u32 s1, $0x1  }
0xe: {  	s12 =	sadd.s32 s13, s3;
	s17 =	sor.u32 $0x4000, s13;
	s13 =	sadd.s32 s13, s4  }
0xf: {  	[dreg:$0x6] =	wrdreg s1;
	s14 =	sadd.s32 s17, s3;
	s18 =	sadd.s32 s16, s15  }
0x10: {  	v0 =	vimm.f32 $0.0e+00;
	s15 =	sadd.s32 s17, s4;
	s1 =	sadd.s32 $0xF9400, s18;
	s18 =	simm.s32 $0x180  }
.LBB2_1:
0x11: {  	s17 =	simm.s32 $0x0;
	s28 =	simm.s32 $0x200  }
.LBB2_2:
0x12: {  	p0 =	sne.s32 s28, $0xFE00;
	[tilespmem:s17+$0x1F0] =	vst v0  }
0x13: {  	[tilespmem:s17+$0x180] =	vst v0  }
0x14: {  	[tilespmem:s17+$0x190] =	vst v0  }
.Ltmp0:
0x15: {  	[tilespmem:s17+$0x1A0] =	vst v0;
	(pc) =	sbr.rel @p0 .LBB2_2-.Ltmp0, $4  }
0x16: {  	[tilespmem:s17+$0x1B0] =	vst v0  }
0x17: {  	[tilespmem:s17+$0x1C0] =	vst v0  }
0x18: {  	[tilespmem:s17+$0x1D0] =	vst v0  }
0x19: {  	[tilespmem:s17+$0x1E0] =	vst v0;
	s17 =	sshra.s32 s28, $0x2;
	s28 =	sadd.s32 $0x200, s28  }
0x1a: {  	[tilespmem:s17+$0x1F0] =	vst v0  }
0x1b: {  	[tilespmem:s17+$0x180] =	vst v0  }
0x1c: {  	[tilespmem:s17+$0x190] =	vst v0  }
0x1d: {  	[tilespmem:s17+$0x1A0] =	vst v0  }
0x1e: {  	[tilespmem:s17+$0x1B0] =	vst v0  }
0x1f: {  	[tilespmem:s17+$0x1C0] =	vst v0  }
0x20: {  	[tilespmem:s17+$0x1D0] =	vst v0  }
0x21: {  	[tilespmem:s17+$0x1E0] =	vst v0  }
0x22: {  	[spmem:s12] =	stream.linear.scatter [tilespmem:s18], [sflag:$0x3], $0x4000, $0x38;
	[tilespmem:$0x18280] =	vst v63  }
0x23: {  	_ =	swait.ge [sflag:s19], $0x4000  }
0x24: {  	[sflag:s19] =	ssyncset.done $0x0  }
0x25: {  	[sflag:s19] =	ssyncadd.s32 $0xFFFFC000  }
0x26: {  	[spmem:s13] =	stream.linear.scatter [tilespmem:s18], [sflag:$0x3], $0x4000, $0x38;
	[tilespmem:$0x18280] =	vst v63  }
0x27: {  	_ =	swait.ge [sflag:s19], $0x4000  }
0x28: {  	[sflag:s19] =	ssyncset.done $0x0  }
0x29: {  	[sflag:s19] =	ssyncadd.s32 $0xFFFFC000  }
0x2a: {  	[spmem:s14] =	stream.linear.scatter [tilespmem:s18], [sflag:$0x3], $0x4000, $0x38;
	[tilespmem:$0x18280] =	vst v63  }
0x2b: {  	_ =	swait.ge [sflag:s19], $0x4000  }
0x2c: {  	[sflag:s19] =	ssyncset.done $0x0  }
0x2d: {  	[sflag:s19] =	ssyncadd.s32 $0xFFFFC000  }
0x2e: {  	[spmem:s15] =	stream.linear.scatter [tilespmem:s18], [sflag:$0x3], $0x4000, $0x38;
	[tilespmem:$0x18280] =	vst v63  }
0x2f: {  	_ =	swait.ge [sflag:s19], $0x4000  }
0x30: {  	[sflag:s19] =	ssyncset.done $0x0  }
0x31: {  	[sflag:s19] =	ssyncadd.s32 $0xFFFFC000  }
0x32: {  	s28 =	simm.s32 $0x0;
	s17 =	smov.u32 s1;
	[bflag:$0x0] =	sbarrier.arrive $0xFFFF  }
.LBB2_4:
0x33: {  	s30 =	sadd.s32 s10, s28  }
0x34: {  	s31 =	sshll.u32 s7, $0x1;
	s29 =	sshll.u32 s30, $0x5  }
0x35: {  	s29 =	sor.u32 s31, s29  }
0x36: {  	s29 =	sadd.s32 s2, s29  }
0x37: {  	[tilespmem:s20], [sflag:$0x3] =	stream.linear.gather [hbm4b:s29+s5], $0x10, $0x38;
	[tilespmem:$0x18280] =	vst v63  }
0x38: {  	_ =	swait.ge [sflag:s19], $0x10  }
0x39: {  	[sflag:s19] =	ssyncset.done $0x0  }
0x3a: {  	[sflag:s19] =	ssyncadd.s32 $0xFFFFFFF0  }
0x3b: {  	v1 =	vld [tilespmem:$0x8180];
	_ =	sdelay $0x4  }
0x3c: {  	(v2sf) =	vpush v1, $0x0;
	_ =	sdelay $0xe  }
0x3d: {  	s29 =	spop (v2sf)  }
0x3e: {  	s16 =	sand.u32 $0x7F, s29  }
0x3f: {  	p1 =	slt.s32 s29, $0x1;
	p0 =	sne.s32 s16, $0x0;
	s16 =	sshra.s32 s29, $0x1F  }
0x40: {  	s31 =	sshrl.u32 s16, $0x19;
	p0 =	por !p1, !p0  }
0x41: {  	s29 =	sadd.s32 s31, s29;
	p0 =	por !p0, !p0;
	s31 =	simm.s32 $0x1  }
0x42: {  	s29 =	sshra.s32 s29, $0x7;
	s31 =	simm.s32 @!p0 $0x0  }
0x43: {  	s29 =	ssub.s32 s29, s31  }
0x44: {  	p0 =	slt.s32 s29, $0x1  }
.Ltmp1:
0x45: {  	_ = 	snop;
	(pc) =	sbr.rel @p0 .LBB2_8-.Ltmp1, $1  }
0x46: {  	_ =	sdelay $0x3  }
0x47: {  	[tilespmem:s5], [sflag:$0x3] =	stream.linear.gather [hbm4b:s17+s5], $0x80, $0x38;
	[tilespmem:$0x18280] =	vst v63  }
0x48: {  	_ =	swait.ge [sflag:s19], $0x80  }
0x49: {  	[sflag:s19] =	ssyncset.done $0x0  }
0x4a: {  	[sflag:s19] =	ssyncadd.s32 $0xFFFFFF80  }
0x4b: {  	v1 =	vld [tilespmem:$0x70];
	_ =	sdelay $0x1  }
0x4c: {  	v2 =	vld [tilespmem:$0x60]  }
0x4d: {  	v3 =	vld [tilespmem:$0x20];
	_ =	sdelay $0x1  }
0x4e: {  	v4 =	vshrl.u32 v1, $0xE  }
0x4f: {  	v5 =	vld [tilespmem:$0x0];
	v1 =	vand.u32 $0x3FFF, v1;
	[tilespmem:$0xF0] =	vst v4  }
0x50: {  	v60 =	vld [tilespmem:$0x40];
	v6 =	vshrl.u32 v2, $0xE;
	[tilespmem:$0x170] =	vst v1  }
0x51: {  	v7 =	vshrl.u32 v3, $0xE;
	[tilespmem:$0xE0] =	vst v6  }
0x52: {  	v2 =	vand.u32 $0x3FFF, v2;
	v1 =	vld [tilespmem:$0x10];
	[tilespmem:$0xA0] =	vst v7  }
0x53: {  	v3 =	vand.u32 $0x3FFF, v3;
	[tilespmem:$0x160] =	vst v2  }
0x54: {  	v61 =	vand.u32 $0x3FFF, v5;
	v2 =	vld [tilespmem:$0x30];
	[tilespmem:$0x120] =	vst v3  }
0x55: {  	v3 =	vand.u32 $0x3FFF, v60;
	[tilespmem:$0x100] =	vst v61  }
0x56: {  	v62 =	vld [tilespmem:$0x50];
	[tilespmem:$0x140] =	vst v3;
	v3 =	vshrl.u32 v60, $0xE  }
0x57: {  	[tilespmem:$0xC0] =	vst v3;
	v63 =	vand.u32 $0x3FFF, v1  }
0x58: {  	v1 =	vshrl.u32 v1, $0xE;
	[tilespmem:$0x110] =	vst v63  }
0x59: {  	v3 =	vand.u32 $0x3FFF, v2;
	[tilespmem:$0x90] =	vst v1  }
0x5a: {  	p0 =	sne.s32 s29, $0x1;
	v2 =	vshrl.u32 v2, $0xE;
	[tilespmem:$0x130] =	vst v3  }
.Ltmp2:
0x5b: {  	v1 =	vand.u32 $0x3FFF, v62;
	[tilespmem:$0xB0] =	vst v2;
	(pc) =	sbr.rel @!p0 .LBB2_7-.Ltmp2, $4  }
0x5c: {  	v3 =	vshrl.u32 v5, $0xE;
	[tilespmem:$0x150] =	vst v1  }
0x5d: {  	v1 =	vshrl.u32 v62, $0xE;
	[tilespmem:$0x80] =	vst v3  }
0x5e: {  	s31 =	sadd.s32 $0xFFFFFFFF, s29;
	s29 =	smov.u32 s17;
	[tilespmem:$0xD0] =	vst v1  }
0x5f: {  	[tilespmem:s18], [sflag:$0x1] =	stream.indirect.gather [hbm4b:s0+s22], $0x80, s22, s22, $0xb8;
	[tilespmem:$0x18280] =	vst v63  }
.LBB2_6:
0x60: {  	p0 =	sne.s32 s31, $0x1;
	s31 =	sadd.s32 $0xFFFFFFFF, s31;
	s29 =	sadd.s32 $0x10, s29  }
0x61: {  	[tilespmem:s23], [sflag:$0x2] =	stream.indirect.gather [hbm4b:s6+s22], $0x80, s22, s22, $0xb8;
	[tilespmem:$0x18280] =	vst v63  }
0x62: {  	_ =	swait.ge [sflag:s21], $0x4000  }
0x63: {  	[sflag:s21] =	ssyncset.done $0x0  }
0x64: {  	[sflag:s21] =	ssyncadd.s32 $0xFFFFC000  }
0x65: {  	[spmem:s3] =	stream.indirect.scatter.add.f32 [tilespmem:s18], [sflag:$0x3], $0x80, s24, s22, $0xb8;
	[tilespmem:$0x18280] =	vst v63  }
0x66: {  	_ =	swait.ge [sflag:s19], $0x4000  }
0x67: {  	[sflag:s19] =	ssyncset.done $0x0  }
0x68: {  	[sflag:s19] =	ssyncadd.s32 $0xFFFFC000  }
0x69: {  	_ =	swait.ge [sflag:s25], $0x4000  }
0x6a: {  	[sflag:s25] =	ssyncset.done $0x0  }
0x6b: {  	[sflag:s25] =	ssyncadd.s32 $0xFFFFC000  }
0x6c: {  	[spmem:s4] =	stream.indirect.scatter.add.f32 [tilespmem:s23], [sflag:$0x3], $0x80, s24, s22, $0xb8;
	[tilespmem:$0x18280] =	vst v63  }
0x6d: {  	_ =	swait.ge [sflag:s19], $0x4000  }
0x6e: {  	[sflag:s19] =	ssyncset.done $0x0  }
0x6f: {  	[sflag:s19] =	ssyncadd.s32 $0xFFFFC000  }
0x70: {  	[tilespmem:s5], [sflag:$0x3] =	stream.linear.gather [hbm4b:s29+s5], $0x80, $0x38;
	[tilespmem:$0x18280] =	vst v63  }
0x71: {  	_ =	swait.ge [sflag:s19], $0x80  }
0x72: {  	[sflag:s19] =	ssyncset.done $0x0  }
0x73: {  	[sflag:s19] =	ssyncadd.s32 $0xFFFFFF80  }
0x74: {  	v1 =	vld [tilespmem:$0x70]  }
0x75: {  	v2 =	vld [tilespmem:$0x60]  }
0x76: {  	v3 =	vld [tilespmem:$0x10]  }
0x77: {  	v4 =	vld [tilespmem:$0x20]  }
0x78: {  	v5 =	vld [tilespmem:$0x0]  }
0x79: {  	v6 =	vshrl.u32 v1, $0xE;
	v1 =	vand.u32 $0x3FFF, v1  }
0x7a: {  	v7 =	vld [tilespmem:$0x40];
	v8 =	vshrl.u32 v2, $0xE;
	v2 =	vand.u32 $0x3FFF, v2;
	[tilespmem:$0xF0] =	vst v6  }
0x7b: {  	v6 =	vld [tilespmem:$0x30];
	[tilespmem:$0x170] =	vst v1  }
0x7c: {  	v1 =	vshrl.u32 v3, $0xE;
	v3 =	vand.u32 $0x3FFF, v3;
	v9 =	vshrl.u32 v4, $0xE;
	[tilespmem:$0xE0] =	vst v8  }
0x7d: {  	v4 =	vand.u32 $0x3FFF, v4;
	v8 =	vshrl.u32 v5, $0xE;
	v5 =	vand.u32 $0x3FFF, v5;
	[tilespmem:$0xA0] =	vst v9  }
0x7e: {  	[tilespmem:$0x160] =	vst v2  }
0x7f: {  	[tilespmem:$0x120] =	vst v4;
	v2 =	vshrl.u32 v7, $0xE;
	v4 =	vand.u32 $0x3FFF, v7;
	v7 =	vld [tilespmem:$0x50]  }
0x80: {  	[tilespmem:$0x100] =	vst v5;
	v5 =	vshrl.u32 v6, $0xE;
	v6 =	vand.u32 $0x3FFF, v6  }
0x81: {  	[tilespmem:$0x140] =	vst v4  }
0x82: {  	[tilespmem:$0x110] =	vst v3  }
0x83: {  	[tilespmem:$0xC0] =	vst v2  }
0x84: {  	[tilespmem:$0x90] =	vst v1;
	v1 =	vshrl.u32 v7, $0xE;
	v2 =	vand.u32 $0x3FFF, v7  }
0x85: {  	[tilespmem:$0x130] =	vst v6  }
.Ltmp3:
0x86: {  	[tilespmem:$0x150] =	vst v2;
	(pc) =	sbr.rel @p0 .LBB2_6-.Ltmp3, $4  }
0x87: {  	[tilespmem:$0x80] =	vst v8  }
0x88: {  	[tilespmem:$0xD0] =	vst v1  }
0x89: {  	[tilespmem:$0xB0] =	vst v5  }
0x8a: {  	[tilespmem:s18], [sflag:$0x1] =	stream.indirect.gather [hbm4b:s0+s22], $0x80, s22, s22, $0xb8;
	[tilespmem:$0x18280] =	vst v63  }
.LBB2_7:
0x8b: {  	[tilespmem:s23], [sflag:$0x2] =	stream.indirect.gather [hbm4b:s6+s22], $0x80, s22, s22, $0xb8;
	[tilespmem:$0x18280] =	vst v63  }
0x8c: {  	_ =	swait.ge [sflag:s21], $0x4000  }
0x8d: {  	[sflag:s21] =	ssyncset.done $0x0  }
0x8e: {  	[sflag:s21] =	ssyncadd.s32 $0xFFFFC000  }
0x8f: {  	[spmem:s3] =	stream.indirect.scatter.add.f32 [tilespmem:s18], [sflag:$0x3], $0x80, s24, s22, $0xb8;
	[tilespmem:$0x18280] =	vst v63  }
0x90: {  	_ =	swait.ge [sflag:s19], $0x4000  }
0x91: {  	[sflag:s19] =	ssyncset.done $0x0  }
0x92: {  	[sflag:s19] =	ssyncadd.s32 $0xFFFFC000  }
0x93: {  	_ =	swait.ge [sflag:s25], $0x4000  }
0x94: {  	[sflag:s25] =	ssyncset.done $0x0  }
0x95: {  	[sflag:s25] =	ssyncadd.s32 $0xFFFFC000  }
0x96: {  	[spmem:s4] =	stream.indirect.scatter.add.f32 [tilespmem:s23], [sflag:$0x3], $0x80, s24, s22, $0xb8;
	[tilespmem:$0x18280] =	vst v63  }
0x97: {  	_ =	swait.ge [sflag:s19], $0x4000  }
0x98: {  	[sflag:s19] =	ssyncset.done $0x0  }
0x99: {  	[sflag:s19] =	ssyncadd.s32 $0xFFFFC000  }
.LBB2_8:
0x9a: {  	s29 =	sshll.u32 s30, $0x10  }
0x9b: {  	[bflag:$0x0] =	sbarrier.arrive $0xFFFF;
	s30 =	sshll.u32 s7, $0x6;
	s29 =	sor.u32 s11, s29  }
0x9c: {  	s16 =	sshrl.u32 s12, $0x3;
	s30 =	sor.u32 $0x1C03, s30;
	s31 =	sadd.s32 s8, s29  }
0x9d: {  	[hbm:s31], [sflag:s30] =	dma.local [spmem:s16], $0x1000  }
0x9e: {  	_ =	swait.ge [sflag:s19], $0x1000  }
0x9f: {  	[sflag:s19] =	ssyncset.done $0x0  }
0xa0: {  	s31 =	sadd.s32 s9, s29;
	s29 =	sshrl.u32 s13, $0x3;
	[sflag:s19] =	ssyncadd.s32 $0xFFFFF000  }
0xa1: {  	[hbm:s31], [sflag:s30] =	dma.local [spmem:s29], $0x1000  }
0xa2: {  	_ =	swait.ge [sflag:s19], $0x1000  }
0xa3: {  	[sflag:s19] =	ssyncset.done $0x0  }
0xa4: {  	s29 =	simm.s32 $0x0;
	s30 =	simm.s32 $0x200;
	[sflag:s19] =	ssyncadd.s32 $0xFFFFF000  }
.LBB2_9:
0xa5: {  	p0 =	sne.s32 s30, $0xFE00;
	[tilespmem:s29+$0x1F0] =	vst v0  }
0xa6: {  	[tilespmem:s29+$0x180] =	vst v0  }
0xa7: {  	[tilespmem:s29+$0x190] =	vst v0  }
.Ltmp4:
0xa8: {  	[tilespmem:s29+$0x1A0] =	vst v0;
	(pc) =	sbr.rel @p0 .LBB2_9-.Ltmp4, $4  }
0xa9: {  	[tilespmem:s29+$0x1B0] =	vst v0  }
0xaa: {  	[tilespmem:s29+$0x1C0] =	vst v0  }
0xab: {  	[tilespmem:s29+$0x1D0] =	vst v0  }
0xac: {  	[tilespmem:s29+$0x1E0] =	vst v0;
	s29 =	sshra.s32 s30, $0x2;
	s30 =	sadd.s32 $0x200, s30  }
0xad: {  	[tilespmem:s29+$0x1F0] =	vst v0  }
0xae: {  	[tilespmem:s29+$0x180] =	vst v0  }
0xaf: {  	[tilespmem:s29+$0x190] =	vst v0  }
0xb0: {  	[tilespmem:s29+$0x1A0] =	vst v0  }
0xb1: {  	[tilespmem:s29+$0x1B0] =	vst v0  }
0xb2: {  	[tilespmem:s29+$0x1C0] =	vst v0  }
0xb3: {  	[tilespmem:s29+$0x1D0] =	vst v0  }
0xb4: {  	[tilespmem:s29+$0x1E0] =	vst v0  }
0xb5: {  	[spmem:s12] =	stream.linear.scatter [tilespmem:s18], [sflag:$0x3], $0x4000, $0x38;
	[tilespmem:$0x18280] =	vst v63  }
0xb6: {  	_ =	swait.ge [sflag:s19], $0x4000  }
0xb7: {  	[sflag:s19] =	ssyncset.done $0x0  }
0xb8: {  	[sflag:s19] =	ssyncadd.s32 $0xFFFFC000  }
0xb9: {  	[spmem:s13] =	stream.linear.scatter [tilespmem:s18], [sflag:$0x3], $0x4000, $0x38;
	[tilespmem:$0x18280] =	vst v63  }
0xba: {  	_ =	swait.ge [sflag:s19], $0x4000  }
0xbb: {  	[sflag:s19] =	ssyncset.done $0x0  }
0xbc: {  	[sflag:s19] =	ssyncadd.s32 $0xFFFFC000  }
0xbd: {  	[spmem:s14] =	stream.linear.scatter [tilespmem:s18], [sflag:$0x3], $0x4000, $0x38;
	[tilespmem:$0x18280] =	vst v63  }
0xbe: {  	_ =	swait.ge [sflag:s19], $0x4000  }
0xbf: {  	s28 =	sadd.s32 $0x1, s28;
	[sflag:s19] =	ssyncset.done $0x0  }
0xc0: {  	p0 =	sne.s32 s28, $0xD;
	[sflag:s19] =	ssyncadd.s32 $0xFFFFC000  }
0xc1: {  	[spmem:s15] =	stream.linear.scatter [tilespmem:s18], [sflag:$0x3], $0x4000, $0x38;
	[tilespmem:$0x18280] =	vst v63  }
.Ltmp5:
0xc2: {  	_ =	swait.ge [sflag:s19], $0x4000;
	(pc) =	sbr.rel @p0 .LBB2_4-.Ltmp5, $4  }
0xc3: {  	[sflag:s19] =	ssyncset.done $0x0  }
0xc4: {  	[sflag:s19] =	ssyncadd.s32 $0xFFFFC000  }
0xc5: {  	[bflag:$0x0] =	sbarrier.arrive $0xFFFF  }
0xc6: {  	s17 =	sadd.s32 $0x11200, s17  }
0xc7: {  	s26 =	sadd.s32 $0x1, s26;
	s16 =	rddreg [dreg:$0x6]  }
0xc8: {  	p0 =	sne.s32 s26, s16  }
.Ltmp6:
0xc9: {  	_ = 	snop;
	(pc) =	sbr.rel @p0 .LBB2_1-.Ltmp6, $1  }
0xca: {  	_ =	sdelay $0x3  }
0xcb: {  	_ =	sfence.sel $0x180000  }
0xcc: {  	[bflag:$0x0] =	sbarrier.arrive $0xFFFF  }
0xcd: {  	_ =	strace $0x90000056  }
0xce: {  	[bflag:$0x2] =	sbarrier.arrive $0xFFFF  }
0xcf: {  	p0 =	sne.s32 s7, $0x0;
	s0 =	rddreg [dreg:$0x5]  }
0xd0: {  	s0 =	sadd.s32 @!p0 $0x100000, s0  }
0xd1: {  	[sflag:s0] =	ssyncadd.tile.s32 @!p0 $0x1;
	_ =	shalt  }
.Lfunc_end2:
_tile_overlayer_lowered:
.L_overlay_start_2:
0xd2: {  	(tag) =	ssettag $0x2  }
0xd3: {  	s0 =	rddreg [dreg:$0x0];
	s2 =	stileid.u32  }
0xd4: {  	s1 =	rddreg [dreg:$0x1];
	p0 =	sne.s32 s2, $0x0  }
0xd5: {  	s3 =	rddreg [dreg:$0x2];
	[bflag:$0x3] =	sbarrier.arrive $0xFFFF;
	s2 =	simm.s32 @!p0 $0x1C03  }
0xd6: {  	[timem:s3], [sflag:s2] =	dma.local @!p0 [hbm:s0], s1  }
0xd7: {  	s0 =	simm.s32 @!p0 $0x3  }
0xd8: {  	_ =	swait.ge @!p0 [sflag:s0], s1  }
0xd9: {  	s1 =	ssub.s32 @!p0 $0x0, s1;
	[sflag:s0] =	ssyncset.done @!p0 $0x0  }
0xda: {  	[sflag:s0] =	ssyncadd.s32 @!p0 s1  }
0xdb: {  	[bflag:$0x3] =	sbarrier.arrive $0xFFFF  }
0xdc: {  	_ =	shalt  }

// kernel: kernel.28.cloned.1.call-start
scs
__scs_entry_jumppad:
0x0: {  	(pc) =	sbr.rel $0x88, $3  }
0x1: {  	(tag) =	ssettag $0x0;
	lr =	simm.s32 $0x1  }
0x2: {  	[smem:$0x3F7F] =	sst lr;
	_ =	strace $0xD0000000  }
0x3: {  	_ = 	snop  }
0x4: {  	_ = 	snop  }
0x5: {  	_ = 	snop  }
0x6: {  	_ = 	snop  }
0x7: {  	_ = 	snop  }
__scs_overlays_trampoline_lowered:
0x8: {  	[smem:$0x3F8E] =	sst s0  }
0x9: {  	[smem:$0x3F8F] =	sst s1  }
0xa: {  	[smem:$0x3F90] =	sst s2  }
0xb: {  	[smem:$0x3F91] =	sst s3  }
0xc: {  	[smem:$0x3F92] =	sst s4  }
0xd: {  	[smem:$0x3F93] =	sst s5  }
0xe: {  	[smem:$0x3F94] =	sst s6  }
0xf: {  	[smem:$0x3F95] =	sst s7  }
0x10: {  	[smem:$0x3F96] =	sst s8  }
0x11: {  	[smem:$0x3F97] =	sst s9;
	s0 =	simm.s32 @!p0 $0x0  }
0x12: {  	s1 =	sld [smem:$0x3F7D];
	s0 =	simm.s32 @p0 $0x1  }
0x13: {  	[smem:$0x3F98] =	sst s0;
	s0 =	simm.s32 @!p1 $0x0  }
0x14: {  	s2 =	sld [smem:$0x3F7C];
	s0 =	simm.s32 @p1 $0x1  }
0x15: {  	[smem:$0x3F99] =	sst s0;
	s0 =	simm.s32 @!p2 $0x0  }
0x16: {  	s3 =	sld [smem:$0x3FDB];
	s0 =	simm.s32 @p2 $0x1  }
0x17: {  	s4 =	simm.s32 $0x1BF5;
	[smem:$0x3F9B] =	sst s0  }
0x18: {  	s0 =	sld [smem:$0x3F7E];
	_ =	swait.ge [sflag:s4], $0x0  }
0x19: {  	s7 =	sld [smem:$0x3F7F]  }
0x1a: {  	s8 =	sadd.s32 $0xFFFFE003, lr  }
0x1b: {  	s9 =	sadd.s32 $0xFFFFFEF7, lr;
	s5 =	simm.s32 $0xFFFFFFFF;
	p2 =	slt.u32 s8, $0xFFFFF086  }
0x1c: {  	p1 =	slt.u32 s9, $0xF7A;
	s5 =	simm.s32 @!p2 $0x0  }
0x1d: {  	s5 =	simm.s32 @p1 $0x1;
	p0 =	seq.s32 s7, s2  }
0x1e: {  	s7 =	smul.u32 @!p0 $0xF7A, s2;
	p2 =	seq.s32 @!p0 s5, $0x0  }
0x1f: {  	s9 =	smul.u32 $0xF7A, s1;
	s8 =	simm.s32 @!p0 $0x1BF5;
	p2 =	por !p2, p0  }
0x20: {  	[sflag:s8] =	ssyncset.s32 @!p0 $0xFFFFF086;
	s6 =	sadd.s32 @!p0 s3, s7;
	s7 =	simm.s32 @!p0 $0x108  }
0x21: {  	s3 =	sadd.s32 s3, s9;
	s6 =	sadd.s32 @!p0 $0x88, s6;
	s7 =	simm.s32 @p2 $0x1082  }
0x22: {  	[simem:s7], [sflag:s8] =	dma.local @!p0 [hbm:s6], $0xF7A  }
0x23: {  	s9 =	sor.u32 $0xD0000000, s2;
	s6 =	simm.s32 $0x108;
	_ =	swait.ge @!p0 [sflag:s8], $0x0  }
0x24: {  	s3 =	sadd.s32 $0x88, s3;
	s6 =	simm.s32 @!p1 $0x1082;
	[sflag:s4] =	ssyncset.s32 $0xFFFFF086  }
0x25: {  	[simem:s6], [sflag:s4] =	dma.local [hbm:s3], $0xF7A  }
0x26: {  	[smem:$0x3F7F] =	sst s1;
	(tag) =	ssettag s2;
	_ =	strace s9  }
0x27: {  	s1 =	sld [smem:$0x3F8F]  }
0x28: {  	s2 =	sld [smem:$0x3F90]  }
0x29: {  	s4 =	sld [smem:$0x3F92]  }
0x2a: {  	p0 =	seq.s32 s5, $0x0;
	s5 =	sld [smem:$0x3F93]  }
0x2b: {  	s6 =	sld [smem:$0x3F94]  }
0x2c: {  	s7 =	sld [smem:$0x3F95]  }
0x2d: {  	s3 =	simm.s32 $0x108;
	s8 =	sld [smem:$0x3F96]  }
0x2e: {  	s3 =	simm.s32 @!p0 $0x1082;
	s9 =	sld [smem:$0x3F97]  }
0x2f: {  	lr =	sadd.s32 s0, s3;
	s0 =	sld [smem:$0x3F8E]  }
0x30: {  	s3 =	sld [smem:$0x3F91]  }
0x31: {  	[smem:$0x3F9A] =	sst s10  }
0x32: {  	s10 =	sld [smem:$0x3F98];
	_ =	sdelay $0x3  }
0x33: {  	p0 =	seq.s32 s10, $0x1;
	s10 =	sld [smem:$0x3F9A];
	_ =	sdelay $0x3  }
0x34: {  	[smem:$0x3F9A] =	sst s10  }
0x35: {  	s10 =	sld [smem:$0x3F99];
	_ =	sdelay $0x3  }
0x36: {  	p1 =	seq.s32 s10, $0x1;
	s10 =	sld [smem:$0x3F9A];
	_ =	sdelay $0x3  }
0x37: {  	[smem:$0x3F9A] =	sst s10  }
0x38: {  	s10 =	sld [smem:$0x3F9B]  }
0x39: {  	_ = 	snop;
	(pc) =	sbr.ind lr, $3  }
0x3a: {  	_ = 	snop  }
0x3b: {  	_ = 	snop  }
0x3c: {  	p2 =	seq.s32 s10, $0x1;
	s10 =	sld [smem:$0x3F9A]  }
0x3d: {  	_ =	shalt  }
0x3e: {  	_ =	shalt  }
0x3f: {  	_ =	shalt  }
0x40: {  	_ =	shalt  }
0x41: {  	_ =	shalt  }
0x42: {  	_ =	shalt  }
0x43: {  	_ =	shalt  }
0x44: {  	_ =	shalt  }
0x45: {  	_ =	shalt  }
0x46: {  	_ =	shalt  }
0x47: {  	_ =	shalt  }
0x48: {  	_ =	shalt  }
0x49: {  	_ =	shalt  }
0x4a: {  	_ =	shalt  }
0x4b: {  	_ =	shalt  }
0x4c: {  	_ =	shalt  }
0x4d: {  	_ =	shalt  }
0x4e: {  	_ =	shalt  }
0x4f: {  	_ =	shalt  }
0x50: {  	_ =	shalt  }
0x51: {  	_ =	shalt  }
0x52: {  	_ =	shalt  }
0x53: {  	_ =	shalt  }
0x54: {  	_ =	shalt  }
0x55: {  	_ =	shalt  }
0x56: {  	_ =	shalt  }
0x57: {  	_ =	shalt  }
0x58: {  	_ =	shalt  }
0x59: {  	_ =	shalt  }
0x5a: {  	_ =	shalt  }
0x5b: {  	_ =	shalt  }
0x5c: {  	_ =	shalt  }
0x5d: {  	_ =	shalt  }
0x5e: {  	_ =	shalt  }
0x5f: {  	_ =	shalt  }
0x60: {  	_ =	shalt  }
0x61: {  	_ =	shalt  }
0x62: {  	_ =	shalt  }
0x63: {  	_ =	shalt  }
0x64: {  	_ =	shalt  }
0x65: {  	_ =	shalt  }
0x66: {  	_ =	shalt  }
0x67: {  	_ =	shalt  }
0x68: {  	_ =	shalt  }
0x69: {  	_ =	shalt  }
0x6a: {  	_ =	shalt  }
0x6b: {  	_ =	shalt  }
0x6c: {  	_ =	shalt  }
0x6d: {  	_ =	shalt  }
0x6e: {  	_ =	shalt  }
0x6f: {  	_ =	shalt  }
0x70: {  	_ =	shalt  }
0x71: {  	_ =	shalt  }
0x72: {  	_ =	shalt  }
0x73: {  	_ =	shalt  }
0x74: {  	_ =	shalt  }
0x75: {  	_ =	shalt  }
0x76: {  	_ =	shalt  }
0x77: {  	_ =	shalt  }
0x78: {  	_ =	shalt  }
0x79: {  	_ =	shalt  }
0x7a: {  	_ =	shalt  }
0x7b: {  	_ =	shalt  }
0x7c: {  	_ =	shalt  }
0x7d: {  	_ =	shalt  }
0x7e: {  	_ =	shalt  }
0x7f: {  	_ =	shalt  }
0x80: {  	_ =	shalt  }
0x81: {  	_ =	shalt  }
0x82: {  	_ =	shalt  }
0x83: {  	_ =	shalt  }
0x84: {  	_ =	shalt  }
0x85: {  	_ =	shalt  }
0x86: {  	_ =	shalt  }
0x87: {  	_ =	shalt  }
.Lfunc_end0:
.L_simem_size_0:
called_computation.5_lowered:
.L_overlay_start_0:
0x88: {  	s2 =	sld [smem:$0x3FD9]  }
0x89: {  	s3 =	sld [smem:$0x3FFE];
	_ =	sdelay $0x1  }
0x8a: {  	s1 =	srdreg.scid  }
0x8b: {  	s0 =	sand.u32 $0x1, s1  }
0x8c: {  	s17 =	sshll.u32 s0, $0xA;
	s2 =	sadd.s32 s3, s2  }
0x8d: {  	s2 =	sadd.s32 s2, s17  }
0x8e: {  	[smem:$0x3FA6] =	sst s2  }
0x8f: {  	_ = 	snop  }
0x90: {  	(tm) =	ssettm $0x1  }
0x91: {  	s18 =	sld [smem:$0x3FFB];
	_ =	sdelay $0x3  }
0x92: {  	_ =	strace s18  }
0x93: {  	s2 =	sld [smem:$0x3FFC];
	_ =	sdelay $0x3  }
0x94: {  	_ =	strace s2  }
0x95: {  	s2 =	sld [smem:$0x3FFD];
	_ =	sdelay $0x3  }
0x96: {  	_ =	strace s2  }
0x97: {  	_ =	strace $0x8FFFFFFF  }
0x98: {  	s19 =	sld [smem:$0x3FDB];
	_ =	sdelay $0x1  }
0x99: {  	s20 =	simm.s32 $_scs_section_size  }
0x9a: {  	s4 =	simm.s32 $_size__tile_overlayer_lowered;
	s5 =	simm.s32 $_tile_overlayer_lowered  }
0x9b: {  	s6 =	simm.s32 $0x1BFF;
	s21 =	sshll.u32 s5, $0x1;
	s3 =	sadd.s32 s20, s19  }
0x9c: {  	s22 =	simm.s32 $0x0;
	s4 =	sshll.u32 s4, $0x1;
	s5 =	sadd.s32 s21, s3  }
0x9d: {  	[timem:s22], [sflag:s6] =	dma.local [hbm:s5], s4  }
0x9e: {  	_ =	swait.ge [sflag:s6], s4  }
0x9f: {  	s4 =	ssub.s32 $0x0, s4;
	[sflag:s6] =	ssyncset.done $0x0  }
0xa0: {  	[sflag:s6] =	ssyncadd.s32 s4;
	_ =	sdelay $0x1  }
0xa1: {  	s23 =	simm.s32 $0x1B8B  }
0xa2: {  	_ =	swait.ge [sflag:s23], $0x1  }
0xa3: {  	[sflag:s23] =	ssyncset.done $0x0  }
0xa4: {  	[sflag:s23] =	ssyncadd.s32 $0xFFFFFFFF  }
0xa5: {  	s4 =	sld [smem:$0x0]  }
0xa6: {  	s5 =	sand.u32 $0xFFFFFFFE, s1  }
0xa7: {  	p0 =	sne.s32 s1, s5  }
0xa8: {  	s5 =	sshll.u32 @p0 s5, $0xE  }
0xa9: {  	s5 =	sadd.s32 @p0 $0x11B8D, s5;
	s6 =	sshll.u32 @p0 s4, $0x11  }
0xaa: {  	s5 =	sor.u32 @p0 s6, s5  }
0xab: {  	[sflag:s5] =	ssyncadd.remote.s32 @p0 $0x1;
	_ =	sdelay $0x1  }
0xac: {  	s5 =	simm.s32 @p0 $0x1B8D  }
0xad: {  	_ =	swait.eq @p0 [sflag:s5], $0x1  }
0xae: {  	[sflag:s5] =	ssyncadd.s32 @p0 $0xFFFFFFFF  }
0xaf: {  	s6 =	sshll.u32 @!p0 s1, $0xE  }
0xb0: {  	s6 =	sor.u32 @!p0 $0x4000, s6;
	s5 =	simm.s32 @!p0 $0x1B8D  }
0xb1: {  	s4 =	sshll.u32 @!p0 s4, $0x11;
	s6 =	sadd.s32 @!p0 $0x11B8D, s6;
	_ =	swait.eq @!p0 [sflag:s5], $0x1  }
0xb2: {  	s4 =	sor.u32 @!p0 s4, s6;
	[sflag:s5] =	ssyncadd.s32 @!p0 $0xFFFFFFFF  }
0xb3: {  	s25 =	simm.s32 $0x1B8E;
	s24 =	sld [smem:$0x3FFE];
	[sflag:s4] =	ssyncadd.remote.s32 @!p0 $0x1  }
0xb4: {  	s26 =	simm.s32 $execute0_lowered;
	[smem:$0x3FD2] =	sst s25  }
0xb5: {  	s5 =	sshll.u32 s26, $0x1;
	_ =	strace $0x8000004F;
	[dreg:$0x1] =	wrdreg $0xFFFFFFFF  }
0xb6: {  	s28 =	simm.s32 $_size_execute0_lowered;
	s3 =	sadd.s32 s3, s5;
	[dreg:$0x0] =	wrdreg $0x0  }
0xb7: {  	s5 =	sshll.u32 s28, $0x1;
	[dreg:$0x2] =	wrdreg s3  }
0xb8: {  	[dreg:$0x3] =	wrdreg s5  }
0xb9: {  	[dreg:$0x4] =	wrdreg $0xC0  }
0xba: {  	_ =	task [dreg:s22], $0x5FFFF  }
0xbb: {  	[dreg:$0x1] =	wrdreg $0xFFFFFFFF  }
0xbc: {  	[dreg:$0x0] =	wrdreg $0x60  }
0xbd: {  	[dreg:$0x2] =	wrdreg s24  }
0xbe: {  	[dreg:$0x3] =	wrdreg $0x9  }
0xbf: {  	_ =	task.clear_ibuf [dreg:s22], $0x4FFFF;
	_ =	strace $0x9000004F  }
0xc0: {  	s29 =	simm.s32 $0x9;
	_ =	strace $0x80000051  }
0xc1: {  	_ =	swait.ge [sflag:s29], $0x1  }
0xc2: {  	[sflag:s29] =	ssyncadd.s32 $0xFFFFFFFF  }
0xc3: {  	_ =	strace $0x90000051  }
0xc4: {  	_ =	sfence  }
0xc5: {  	s30 =	sld [smem:$0x0];
	_ =	sdelay $0x2  }
0xc6: {  	s31 =	sshll.u32 s1, $0xD;
	s1 =	sshrl.u32 s1, $0x2  }
0xc7: {  	s4 =	sand.u32 $0x4000, s31;
	s1 =	sadd.s32 s1, s30  }
0xc8: {  	s0 =	sor.u32 s4, s0;
	s1 =	sshll.u32 s1, $0x11  }
0xc9: {  	s0 =	sor.u32 s1, s0  }
0xca: {  	s0 =	sadd.s32 $0x8F2B, s0  }
0xcb: {  	[sflag:s0] =	ssyncadd.remote.s32 $0x1  }
0xcc: {  	_ =	sfence.sel $0xFFFF  }
0xcd: {  	[dreg:$0x0] =	wrdreg $0xFFFFFFFF;
	(pc) =	sbr.abs _section_cstart, $3  }
0xce: {  	[dreg:$0x1] =	wrdreg $0xFFFFFFFF  }
0xcf: {  	_ =	task.clear_ibuf [dreg:s22], $0x2FFFF;
	_ =	strace $0x9FFFFFFF  }
0xd0: {  	(tm) =	ssettm $0x7FFFFFFF  }
0xd1: {  	_ =	shalt  }
tec
execute0_lowered:
.L_overlay_start_1:
0x0: {  	(tag) =	ssettag $0x1  }
0x1: {  	s3 =	rddreg [dreg:$0x0]  }
0x2: {  	s0 =	rddreg [dreg:$0x1];
	s4 =	srdreg.scid  }
0x3: {  	s1 =	stileid.u32;
	s2 =	simm.s32 $0x0;
	s13 =	simm.s32 $0x1  }
0x4: {  	s14 =	simm.s32 $0x800;
	s4 =	sand.u32 $0x1, s4;
	s5 =	sshll.u32 s1, $0x1  }
0x5: {  	s15 =	simm.s32 $0x0;
	[smem:$0x7FF] =	sst s2;
	s5 =	sor.u32 s4, s5  }
0x6: {  	s4 =	ssub.s32 $0x2, s4;
	s6 =	sshll.u32 s5, $0x8;
	s5 =	smul.u32 $0x3800, s5  }
0x7: {  	_ =	strace $0x80000050;
	s31 =	sshrl.u32 s4, $0x1;
	s12 =	sadd.s32 s6, s3  }
0x8: {  	s6 =	ssub.s32 s4, s31;
	s5 =	sadd.s32 s5, s3;
	s3 =	sadd.s32 $0xE9400, s12  }
0x9: {  	s7 =	sadd.s32 $0xED400, s12;
	s8 =	sadd.s32 $0xEF400, s12;
	s9 =	sadd.s32 $0xF1400, s12  }
0xa: {  	s10 =	sadd.s32 $0xF3400, s12;
	s11 =	sadd.s32 $0xF5400, s12;
	s4 =	sadd.s32 $0x2B6800, s5  }
0xb: {  	v0 =	vimm.f32 $0.0e+00;
	v1 =	vimm.f32 $1.000000000e+00;
	s5 =	smax.u32 s6, $0x1;
	s6 =	sadd.s32 $0xEB400, s12;
	s12 =	sadd.s32 $0xF7400, s12  }
.LBB2_1:
0xc: {  	s16 =	simm.s32 $0x0;
	s17 =	simm.s32 $0x200  }
.LBB2_2:
0xd: {  	p0 =	sne.s32 s17, $0x6FE00;
	[tilespmem:s16+$0x870] =	vst v0  }
0xe: {  	[tilespmem:s16+$0x800] =	vst v0  }
0xf: {  	[tilespmem:s16+$0x810] =	vst v0  }
.Ltmp0:
0x10: {  	[tilespmem:s16+$0x820] =	vst v0;
	(pc) =	sbr.rel @p0 .LBB2_2-.Ltmp0, $4  }
0x11: {  	[tilespmem:s16+$0x830] =	vst v0  }
0x12: {  	[tilespmem:s16+$0x840] =	vst v0  }
0x13: {  	[tilespmem:s16+$0x850] =	vst v0  }
0x14: {  	[tilespmem:s16+$0x860] =	vst v0;
	s16 =	sshra.s32 s17, $0x2;
	s17 =	sadd.s32 $0x200, s17  }
0x15: {  	[tilespmem:s16+$0x870] =	vst v0  }
0x16: {  	[tilespmem:s16+$0x800] =	vst v0  }
0x17: {  	[tilespmem:s16+$0x810] =	vst v0  }
0x18: {  	[tilespmem:s16+$0x820] =	vst v0  }
0x19: {  	[tilespmem:s16+$0x830] =	vst v0  }
0x1a: {  	[tilespmem:s16+$0x840] =	vst v0  }
0x1b: {  	[tilespmem:s16+$0x850] =	vst v0  }
0x1c: {  	[tilespmem:s16+$0x860] =	vst v0;
	s31 =	simm.s32 $0x0  }
0x1d: {  	[tilespmem:s31], [sflag:$0x1] =	stream.linear.gather [hbm4b:s3+s31], $0x800, $0x38;
	[tilespmem:$0x1C800] =	vst v63  }
0x1e: {  	_ =	swait.ge [sflag:s13], $0x800  }
0x1f: {  	[sflag:s13] =	ssyncset.done $0x0  }
0x20: {  	s17 =	simm.s32 $0x0;
	s16 =	simm.s32 $0x40;
	[sflag:s13] =	ssyncadd.s32 $0xFFFFF800  }
.LBB2_4:
0x21: {  	p0 =	sne.s32 s16, $0x1FC0;
	v2 =	vld [tilespmem:s17+$0x0];
	_ =	sdelay $0x3  }
.Ltmp1:
0x22: {  	(pc) =	sbr.rel @p0 .LBB2_4-.Ltmp1, $2  }
0x23: {  	_ =	sdelay $0x2  }
0x24: {  	s17 =	sshra.s32 s16, $0x2;
	s16 =	sadd.s32 $0x40, s16;
	[tilespmem:v2+s14+$0x0] =	vst.idx.add.f32.msk $0xffff, v1  }
0x25: {  	v2 =	vld [tilespmem:s17+$0x0];
	_ =	sdelay $0x7  }
0x26: {  	s16 =	simm.s32 $0x0;
	[tilespmem:v2+s14+$0x0] =	vst.idx.add.f32.msk $0xffff, v1  }
0x27: {  	[tilespmem:s16], [sflag:$0x1] =	stream.linear.gather [hbm4b:s6+s16], $0x800, $0x38;
	[tilespmem:$0x1C800] =	vst v63  }
0x28: {  	_ =	swait.ge [sflag:s13], $0x800  }
0x29: {  	[sflag:s13] =	ssyncset.done $0x0  }
0x2a: {  	s17 =	simm.s32 $0x0;
	s16 =	simm.s32 $0x40;
	[sflag:s13] =	ssyncadd.s32 $0xFFFFF800  }
.LBB2_6:
0x2b: {  	p0 =	sne.s32 s16, $0x1FC0;
	v2 =	vld [tilespmem:s17+$0x0];
	_ =	sdelay $0x3  }
.Ltmp2:
0x2c: {  	(pc) =	sbr.rel @p0 .LBB2_6-.Ltmp2, $2  }
0x2d: {  	_ =	sdelay $0x2  }
0x2e: {  	s17 =	sshra.s32 s16, $0x2;
	s16 =	sadd.s32 $0x40, s16;
	[tilespmem:v2+s14+$0x0] =	vst.idx.add.f32.msk $0xffff, v1  }
0x2f: {  	v2 =	vld [tilespmem:s17+$0x0];
	_ =	sdelay $0x7  }
0x30: {  	s16 =	simm.s32 $0x0;
	[tilespmem:v2+s14+$0x0] =	vst.idx.add.f32.msk $0xffff, v1  }
0x31: {  	[tilespmem:s16], [sflag:$0x1] =	stream.linear.gather [hbm4b:s7+s16], $0x800, $0x38;
	[tilespmem:$0x1C800] =	vst v63  }
0x32: {  	_ =	swait.ge [sflag:s13], $0x800  }
0x33: {  	[sflag:s13] =	ssyncset.done $0x0  }
0x34: {  	s17 =	simm.s32 $0x0;
	s16 =	simm.s32 $0x40;
	[sflag:s13] =	ssyncadd.s32 $0xFFFFF800  }
.LBB2_8:
0x35: {  	p0 =	sne.s32 s16, $0x1FC0;
	v2 =	vld [tilespmem:s17+$0x0];
	_ =	sdelay $0x3  }
.Ltmp3:
0x36: {  	(pc) =	sbr.rel @p0 .LBB2_8-.Ltmp3, $2  }
0x37: {  	_ =	sdelay $0x2  }
0x38: {  	s17 =	sshra.s32 s16, $0x2;
	s16 =	sadd.s32 $0x40, s16;
	[tilespmem:v2+s14+$0x0] =	vst.idx.add.f32.msk $0xffff, v1  }
0x39: {  	v2 =	vld [tilespmem:s17+$0x0];
	_ =	sdelay $0x7  }
0x3a: {  	s16 =	simm.s32 $0x0;
	[tilespmem:v2+s14+$0x0] =	vst.idx.add.f32.msk $0xffff, v1  }
0x3b: {  	[tilespmem:s16], [sflag:$0x1] =	stream.linear.gather [hbm4b:s8+s16], $0x800, $0x38;
	[tilespmem:$0x1C800] =	vst v63  }
0x3c: {  	_ =	swait.ge [sflag:s13], $0x800  }
0x3d: {  	[sflag:s13] =	ssyncset.done $0x0  }
0x3e: {  	s17 =	simm.s32 $0x0;
	s16 =	simm.s32 $0x40;
	[sflag:s13] =	ssyncadd.s32 $0xFFFFF800  }
.LBB2_10:
0x3f: {  	p0 =	sne.s32 s16, $0x1FC0;
	v2 =	vld [tilespmem:s17+$0x0];
	_ =	sdelay $0x3  }
.Ltmp4:
0x40: {  	(pc) =	sbr.rel @p0 .LBB2_10-.Ltmp4, $2  }
0x41: {  	_ =	sdelay $0x2  }
0x42: {  	s17 =	sshra.s32 s16, $0x2;
	s16 =	sadd.s32 $0x40, s16;
	[tilespmem:v2+s14+$0x0] =	vst.idx.add.f32.msk $0xffff, v1  }
0x43: {  	v2 =	vld [tilespmem:s17+$0x0];
	_ =	sdelay $0x7  }
0x44: {  	s16 =	simm.s32 $0x0;
	[tilespmem:v2+s14+$0x0] =	vst.idx.add.f32.msk $0xffff, v1  }
0x45: {  	[tilespmem:s16], [sflag:$0x1] =	stream.linear.gather [hbm4b:s9+s16], $0x800, $0x38;
	[tilespmem:$0x1C800] =	vst v63  }
0x46: {  	_ =	swait.ge [sflag:s13], $0x800  }
0x47: {  	[sflag:s13] =	ssyncset.done $0x0  }
0x48: {  	s17 =	simm.s32 $0x0;
	s16 =	simm.s32 $0x40;
	[sflag:s13] =	ssyncadd.s32 $0xFFFFF800  }
.LBB2_12:
0x49: {  	p0 =	sne.s32 s16, $0x1FC0;
	v2 =	vld [tilespmem:s17+$0x0];
	_ =	sdelay $0x3  }
.Ltmp5:
0x4a: {  	(pc) =	sbr.rel @p0 .LBB2_12-.Ltmp5, $2  }
0x4b: {  	_ =	sdelay $0x2  }
0x4c: {  	s17 =	sshra.s32 s16, $0x2;
	s16 =	sadd.s32 $0x40, s16;
	[tilespmem:v2+s14+$0x0] =	vst.idx.add.f32.msk $0xffff, v1  }
0x4d: {  	v2 =	vld [tilespmem:s17+$0x0];
	_ =	sdelay $0x7  }
0x4e: {  	s16 =	simm.s32 $0x0;
	[tilespmem:v2+s14+$0x0] =	vst.idx.add.f32.msk $0xffff, v1  }
0x4f: {  	[tilespmem:s16], [sflag:$0x1] =	stream.linear.gather [hbm4b:s10+s16], $0x800, $0x38;
	[tilespmem:$0x1C800] =	vst v63  }
0x50: {  	_ =	swait.ge [sflag:s13], $0x800  }
0x51: {  	[sflag:s13] =	ssyncset.done $0x0  }
0x52: {  	s17 =	simm.s32 $0x0;
	s16 =	simm.s32 $0x40;
	[sflag:s13] =	ssyncadd.s32 $0xFFFFF800  }
.LBB2_14:
0x53: {  	p0 =	sne.s32 s16, $0x1FC0;
	v2 =	vld [tilespmem:s17+$0x0];
	_ =	sdelay $0x3  }
.Ltmp6:
0x54: {  	(pc) =	sbr.rel @p0 .LBB2_14-.Ltmp6, $2  }
0x55: {  	_ =	sdelay $0x2  }
0x56: {  	s17 =	sshra.s32 s16, $0x2;
	s16 =	sadd.s32 $0x40, s16;
	[tilespmem:v2+s14+$0x0] =	vst.idx.add.f32.msk $0xffff, v1  }
0x57: {  	v2 =	vld [tilespmem:s17+$0x0];
	_ =	sdelay $0x7  }
0x58: {  	s16 =	simm.s32 $0x0;
	[tilespmem:v2+s14+$0x0] =	vst.idx.add.f32.msk $0xffff, v1  }
0x59: {  	[tilespmem:s16], [sflag:$0x1] =	stream.linear.gather [hbm4b:s11+s16], $0x800, $0x38;
	[tilespmem:$0x1C800] =	vst v63  }
0x5a: {  	_ =	swait.ge [sflag:s13], $0x800  }
0x5b: {  	[sflag:s13] =	ssyncset.done $0x0  }
0x5c: {  	s17 =	simm.s32 $0x0;
	s16 =	simm.s32 $0x40;
	[sflag:s13] =	ssyncadd.s32 $0xFFFFF800  }
.LBB2_16:
0x5d: {  	p0 =	sne.s32 s16, $0x1FC0;
	v2 =	vld [tilespmem:s17+$0x0];
	_ =	sdelay $0x3  }
.Ltmp7:
0x5e: {  	(pc) =	sbr.rel @p0 .LBB2_16-.Ltmp7, $2  }
0x5f: {  	_ =	sdelay $0x2  }
0x60: {  	s17 =	sshra.s32 s16, $0x2;
	s16 =	sadd.s32 $0x40, s16;
	[tilespmem:v2+s14+$0x0] =	vst.idx.add.f32.msk $0xffff, v1  }
0x61: {  	v2 =	vld [tilespmem:s17+$0x0];
	_ =	sdelay $0x7  }
0x62: {  	s16 =	simm.s32 $0x0;
	[tilespmem:v2+s14+$0x0] =	vst.idx.add.f32.msk $0xffff, v1  }
0x63: {  	[tilespmem:s16], [sflag:$0x1] =	stream.linear.gather [hbm4b:s12+s16], $0x800, $0x38;
	[tilespmem:$0x1C800] =	vst v63  }
0x64: {  	_ =	swait.ge [sflag:s13], $0x800  }
0x65: {  	[sflag:s13] =	ssyncset.done $0x0  }
0x66: {  	s17 =	simm.s32 $0x0;
	s16 =	simm.s32 $0x40;
	[sflag:s13] =	ssyncadd.s32 $0xFFFFF800  }
.LBB2_18:
0x67: {  	p0 =	sne.s32 s16, $0x1FC0;
	v2 =	vld [tilespmem:s17+$0x0];
	_ =	sdelay $0x3  }
.Ltmp8:
0x68: {  	(pc) =	sbr.rel @p0 .LBB2_18-.Ltmp8, $2  }
0x69: {  	_ =	sdelay $0x2  }
0x6a: {  	s17 =	sshra.s32 s16, $0x2;
	s16 =	sadd.s32 $0x40, s16;
	[tilespmem:v2+s14+$0x0] =	vst.idx.add.f32.msk $0xffff, v1  }
0x6b: {  	v2 =	vld [tilespmem:s17+$0x0];
	_ =	sdelay $0x5  }
0x6c: {  	s15 =	sadd.s32 $0x1, s15  }
0x6d: {  	p0 =	sne.s32 s15, s5  }
.Ltmp9:
0x6e: {  	[tilespmem:v2+s14+$0x0] =	vst.idx.add.f32.msk $0xffff, v1;
	(pc) =	sbr.rel @p0 .LBB2_1-.Ltmp9, $4  }
0x6f: {  	[hbm4b:s4+s2] =	stream.linear.scatter [tilespmem:s14], [sflag:$0x1], $0x1C000, $0x38;
	[tilespmem:$0x1C800] =	vst v63  }
0x70: {  	_ =	swait.ge [sflag:s13], $0x1C000  }
0x71: {  	[sflag:s13] =	ssyncset.done $0x0  }
0x72: {  	[sflag:s13] =	ssyncadd.s32 $0xFFFE4000  }
0x73: {  	_ =	sfence.sel $0x180000  }
0x74: {  	[bflag:$0x0] =	sbarrier.arrive $0xFFFF  }
0x75: {  	p0 =	sne.s32 s1, $0x0;
	_ =	strace $0x90000050  }
0x76: {  	s0 =	sadd.s32 @!p0 $0x100000, s0;
	[bflag:$0x2] =	sbarrier.arrive $0xFFFF  }
0x77: {  	[sflag:s0] =	ssyncadd.tile.s32 @!p0 $0x1;
	_ =	shalt  }
.Lfunc_end2:
_tile_overlayer_lowered:
.L_overlay_start_2:
0x78: {  	(tag) =	ssettag $0x2  }
0x79: {  	s0 =	rddreg [dreg:$0x0];
	s2 =	stileid.u32  }
0x7a: {  	s1 =	rddreg [dreg:$0x1];
	p0 =	sne.s32 s2, $0x0  }
0x7b: {  	s3 =	rddreg [dreg:$0x2];
	[bflag:$0x3] =	sbarrier.arrive $0xFFFF;
	s2 =	simm.s32 @!p0 $0x1C01  }
0x7c: {  	[timem:s3], [sflag:s2] =	dma.local @!p0 [hbm:s0], s1  }
0x7d: {  	s0 =	simm.s32 @!p0 $0x1  }
0x7e: {  	_ =	swait.ge @!p0 [sflag:s0], s1  }
0x7f: {  	s1 =	ssub.s32 @!p0 $0x0, s1;
	[sflag:s0] =	ssyncset.done @!p0 $0x0  }
0x80: {  	[sflag:s0] =	ssyncadd.s32 @!p0 s1  }
0x81: {  	[bflag:$0x3] =	sbarrier.arrive $0xFFFF  }
0x82: {  	_ =	shalt  }

// kernel: kernel.31.cloned.1.call-start
scs
__scs_entry_jumppad:
0x0: {  	(pc) =	sbr.rel $0x88, $3  }
0x1: {  	(tag) =	ssettag $0x0;
	lr =	simm.s32 $0x1  }
0x2: {  	[smem:$0x3F7F] =	sst lr;
	_ =	strace $0xD0000000  }
0x3: {  	_ = 	snop  }
0x4: {  	_ = 	snop  }
0x5: {  	_ = 	snop  }
0x6: {  	_ = 	snop  }
0x7: {  	_ = 	snop  }
__scs_overlays_trampoline_lowered:
0x8: {  	[smem:$0x3F8E] =	sst s0  }
0x9: {  	[smem:$0x3F8F] =	sst s1  }
0xa: {  	[smem:$0x3F90] =	sst s2  }
0xb: {  	[smem:$0x3F91] =	sst s3  }
0xc: {  	[smem:$0x3F92] =	sst s4  }
0xd: {  	[smem:$0x3F93] =	sst s5  }
0xe: {  	[smem:$0x3F94] =	sst s6  }
0xf: {  	[smem:$0x3F95] =	sst s7  }
0x10: {  	[smem:$0x3F96] =	sst s8  }
0x11: {  	[smem:$0x3F97] =	sst s9;
	s0 =	simm.s32 @!p0 $0x0  }
0x12: {  	s1 =	sld [smem:$0x3F7D];
	s0 =	simm.s32 @p0 $0x1  }
0x13: {  	[smem:$0x3F98] =	sst s0;
	s0 =	simm.s32 @!p1 $0x0  }
0x14: {  	s2 =	sld [smem:$0x3F7C];
	s0 =	simm.s32 @p1 $0x1  }
0x15: {  	[smem:$0x3F99] =	sst s0;
	s0 =	simm.s32 @!p2 $0x0  }
0x16: {  	s3 =	sld [smem:$0x3FDB];
	s0 =	simm.s32 @p2 $0x1  }
0x17: {  	s4 =	simm.s32 $0x1BF5;
	[smem:$0x3F9B] =	sst s0  }
0x18: {  	s0 =	sld [smem:$0x3F7E];
	_ =	swait.ge [sflag:s4], $0x0  }
0x19: {  	s7 =	sld [smem:$0x3F7F]  }
0x1a: {  	s8 =	sadd.s32 $0xFFFFE003, lr  }
0x1b: {  	s9 =	sadd.s32 $0xFFFFFEF7, lr;
	s5 =	simm.s32 $0xFFFFFFFF;
	p2 =	slt.u32 s8, $0xFFFFF086  }
0x1c: {  	p1 =	slt.u32 s9, $0xF7A;
	s5 =	simm.s32 @!p2 $0x0  }
0x1d: {  	s5 =	simm.s32 @p1 $0x1;
	p0 =	seq.s32 s7, s2  }
0x1e: {  	s7 =	smul.u32 @!p0 $0xF7A, s2;
	p2 =	seq.s32 @!p0 s5, $0x0  }
0x1f: {  	s9 =	smul.u32 $0xF7A, s1;
	s8 =	simm.s32 @!p0 $0x1BF5;
	p2 =	por !p2, p0  }
0x20: {  	[sflag:s8] =	ssyncset.s32 @!p0 $0xFFFFF086;
	s6 =	sadd.s32 @!p0 s3, s7;
	s7 =	simm.s32 @!p0 $0x108  }
0x21: {  	s3 =	sadd.s32 s3, s9;
	s6 =	sadd.s32 @!p0 $0x88, s6;
	s7 =	simm.s32 @p2 $0x1082  }
0x22: {  	[simem:s7], [sflag:s8] =	dma.local @!p0 [hbm:s6], $0xF7A  }
0x23: {  	s9 =	sor.u32 $0xD0000000, s2;
	s6 =	simm.s32 $0x108;
	_ =	swait.ge @!p0 [sflag:s8], $0x0  }
0x24: {  	s3 =	sadd.s32 $0x88, s3;
	s6 =	simm.s32 @!p1 $0x1082;
	[sflag:s4] =	ssyncset.s32 $0xFFFFF086  }
0x25: {  	[simem:s6], [sflag:s4] =	dma.local [hbm:s3], $0xF7A  }
0x26: {  	[smem:$0x3F7F] =	sst s1;
	(tag) =	ssettag s2;
	_ =	strace s9  }
0x27: {  	s1 =	sld [smem:$0x3F8F]  }
0x28: {  	s2 =	sld [smem:$0x3F90]  }
0x29: {  	s4 =	sld [smem:$0x3F92]  }
0x2a: {  	p0 =	seq.s32 s5, $0x0;
	s5 =	sld [smem:$0x3F93]  }
0x2b: {  	s6 =	sld [smem:$0x3F94]  }
0x2c: {  	s7 =	sld [smem:$0x3F95]  }
0x2d: {  	s3 =	simm.s32 $0x108;
	s8 =	sld [smem:$0x3F96]  }
0x2e: {  	s3 =	simm.s32 @!p0 $0x1082;
	s9 =	sld [smem:$0x3F97]  }
0x2f: {  	lr =	sadd.s32 s0, s3;
	s0 =	sld [smem:$0x3F8E]  }
0x30: {  	s3 =	sld [smem:$0x3F91]  }
0x31: {  	[smem:$0x3F9A] =	sst s10  }
0x32: {  	s10 =	sld [smem:$0x3F98];
	_ =	sdelay $0x3  }
0x33: {  	p0 =	seq.s32 s10, $0x1;
	s10 =	sld [smem:$0x3F9A];
	_ =	sdelay $0x3  }
0x34: {  	[smem:$0x3F9A] =	sst s10  }
0x35: {  	s10 =	sld [smem:$0x3F99];
	_ =	sdelay $0x3  }
0x36: {  	p1 =	seq.s32 s10, $0x1;
	s10 =	sld [smem:$0x3F9A];
	_ =	sdelay $0x3  }
0x37: {  	[smem:$0x3F9A] =	sst s10  }
0x38: {  	s10 =	sld [smem:$0x3F9B]  }
0x39: {  	_ = 	snop;
	(pc) =	sbr.ind lr, $3  }
0x3a: {  	_ = 	snop  }
0x3b: {  	_ = 	snop  }
0x3c: {  	p2 =	seq.s32 s10, $0x1;
	s10 =	sld [smem:$0x3F9A]  }
0x3d: {  	_ =	shalt  }
0x3e: {  	_ =	shalt  }
0x3f: {  	_ =	shalt  }
0x40: {  	_ =	shalt  }
0x41: {  	_ =	shalt  }
0x42: {  	_ =	shalt  }
0x43: {  	_ =	shalt  }
0x44: {  	_ =	shalt  }
0x45: {  	_ =	shalt  }
0x46: {  	_ =	shalt  }
0x47: {  	_ =	shalt  }
0x48: {  	_ =	shalt  }
0x49: {  	_ =	shalt  }
0x4a: {  	_ =	shalt  }
0x4b: {  	_ =	shalt  }
0x4c: {  	_ =	shalt  }
0x4d: {  	_ =	shalt  }
0x4e: {  	_ =	shalt  }
0x4f: {  	_ =	shalt  }
0x50: {  	_ =	shalt  }
0x51: {  	_ =	shalt  }
0x52: {  	_ =	shalt  }
0x53: {  	_ =	shalt  }
0x54: {  	_ =	shalt  }
0x55: {  	_ =	shalt  }
0x56: {  	_ =	shalt  }
0x57: {  	_ =	shalt  }
0x58: {  	_ =	shalt  }
0x59: {  	_ =	shalt  }
0x5a: {  	_ =	shalt  }
0x5b: {  	_ =	shalt  }
0x5c: {  	_ =	shalt  }
0x5d: {  	_ =	shalt  }
0x5e: {  	_ =	shalt  }
0x5f: {  	_ =	shalt  }
0x60: {  	_ =	shalt  }
0x61: {  	_ =	shalt  }
0x62: {  	_ =	shalt  }
0x63: {  	_ =	shalt  }
0x64: {  	_ =	shalt  }
0x65: {  	_ =	shalt  }
0x66: {  	_ =	shalt  }
0x67: {  	_ =	shalt  }
0x68: {  	_ =	shalt  }
0x69: {  	_ =	shalt  }
0x6a: {  	_ =	shalt  }
0x6b: {  	_ =	shalt  }
0x6c: {  	_ =	shalt  }
0x6d: {  	_ =	shalt  }
0x6e: {  	_ =	shalt  }
0x6f: {  	_ =	shalt  }
0x70: {  	_ =	shalt  }
0x71: {  	_ =	shalt  }
0x72: {  	_ =	shalt  }
0x73: {  	_ =	shalt  }
0x74: {  	_ =	shalt  }
0x75: {  	_ =	shalt  }
0x76: {  	_ =	shalt  }
0x77: {  	_ =	shalt  }
0x78: {  	_ =	shalt  }
0x79: {  	_ =	shalt  }
0x7a: {  	_ =	shalt  }
0x7b: {  	_ =	shalt  }
0x7c: {  	_ =	shalt  }
0x7d: {  	_ =	shalt  }
0x7e: {  	_ =	shalt  }
0x7f: {  	_ =	shalt  }
0x80: {  	_ =	shalt  }
0x81: {  	_ =	shalt  }
0x82: {  	_ =	shalt  }
0x83: {  	_ =	shalt  }
0x84: {  	_ =	shalt  }
0x85: {  	_ =	shalt  }
0x86: {  	_ =	shalt  }
0x87: {  	_ =	shalt  }
.Lfunc_end0:
.L_simem_size_0:
called_computation.6_lowered:
.L_overlay_start_0:
0x88: {  	s2 =	sld [smem:$0x3FD9]  }
0x89: {  	s3 =	sld [smem:$0x3FFE];
	_ =	sdelay $0x1  }
0x8a: {  	s1 =	srdreg.scid  }
0x8b: {  	s0 =	sand.u32 $0x1, s1  }
0x8c: {  	s16 =	sshll.u32 s0, $0xA;
	s2 =	sadd.s32 s3, s2  }
0x8d: {  	s2 =	sadd.s32 s2, s16  }
0x8e: {  	[smem:$0x3FA6] =	sst s2  }
0x8f: {  	_ = 	snop  }
0x90: {  	(tm) =	ssettm $0x1  }
0x91: {  	s17 =	sld [smem:$0x3FFB];
	_ =	sdelay $0x3  }
0x92: {  	_ =	strace s17  }
0x93: {  	s2 =	sld [smem:$0x3FFC];
	_ =	sdelay $0x3  }
0x94: {  	_ =	strace s2  }
0x95: {  	s2 =	sld [smem:$0x3FFD];
	_ =	sdelay $0x3  }
0x96: {  	_ =	strace s2  }
0x97: {  	_ =	strace $0x8FFFFFFF  }
0x98: {  	s18 =	sld [smem:$0x3FDB];
	_ =	sdelay $0x1  }
0x99: {  	s19 =	simm.s32 $_scs_section_size  }
0x9a: {  	s4 =	simm.s32 $_size__tile_overlayer_lowered;
	s5 =	simm.s32 $_tile_overlayer_lowered  }
0x9b: {  	s22 =	simm.s32 $0x1BFF;
	s21 =	sshll.u32 s5, $0x1;
	s2 =	sadd.s32 s19, s18  }
0x9c: {  	s6 =	simm.s32 $0x0;
	s20 =	sshll.u32 s4, $0x1;
	s4 =	sadd.s32 s21, s2  }
0x9d: {  	[timem:s6], [sflag:s22] =	dma.local [hbm:s4], s20  }
0x9e: {  	_ =	swait.ge [sflag:s22], s20  }
0x9f: {  	s3 =	ssub.s32 $0x0, s20;
	[sflag:s22] =	ssyncset.done $0x0  }
0xa0: {  	[sflag:s22] =	ssyncadd.s32 s3;
	_ =	sdelay $0x1  }
0xa1: {  	s23 =	simm.s32 $0x1B8B  }
0xa2: {  	_ =	swait.ge [sflag:s23], $0x1  }
0xa3: {  	[sflag:s23] =	ssyncset.done $0x0  }
0xa4: {  	s25 =	simm.s32 $0x1B8E;
	s24 =	sld [smem:$0x3FFE];
	[sflag:s23] =	ssyncadd.s32 $0xFFFFFFFF  }
0xa5: {  	s26 =	simm.s32 $execute0_lowered;
	[smem:$0x3FD2] =	sst s25  }
0xa6: {  	s4 =	sshll.u32 s26, $0x1;
	_ =	strace $0x80000058;
	[dreg:$0x1] =	wrdreg $0xFFFFFFFF  }
0xa7: {  	s28 =	simm.s32 $_size_execute0_lowered;
	s2 =	sadd.s32 s2, s4;
	[dreg:$0x0] =	wrdreg $0x0  }
0xa8: {  	s4 =	sshll.u32 s28, $0x1;
	[dreg:$0x2] =	wrdreg s2  }
0xa9: {  	[dreg:$0x3] =	wrdreg s4  }
0xaa: {  	[dreg:$0x4] =	wrdreg $0xC0  }
0xab: {  	_ =	task [dreg:s6], $0x5FFFF  }
0xac: {  	[dreg:$0x1] =	wrdreg $0xFFFFFFFF  }
0xad: {  	[dreg:$0x0] =	wrdreg $0x60  }
0xae: {  	[dreg:$0x2] =	wrdreg s24  }
0xaf: {  	[dreg:$0x3] =	wrdreg $0x9  }
0xb0: {  	_ =	task.clear_ibuf [dreg:s6], $0x4FFFF;
	_ =	strace $0x90000058  }
0xb1: {  	s29 =	simm.s32 $0x9;
	_ =	strace $0x8000005A  }
0xb2: {  	_ =	swait.ge [sflag:s29], $0x1  }
0xb3: {  	[sflag:s29] =	ssyncadd.s32 $0xFFFFFFFF  }
0xb4: {  	_ =	strace $0x9000005A  }
0xb5: {  	_ =	sfence  }
0xb6: {  	s30 =	sld [smem:$0x0];
	_ =	sdelay $0x2  }
0xb7: {  	s31 =	sshll.u32 s1, $0xD;
	s1 =	sshrl.u32 s1, $0x2  }
0xb8: {  	s3 =	sand.u32 $0x4000, s31;
	s1 =	sadd.s32 s1, s30  }
0xb9: {  	s0 =	sor.u32 s3, s0;
	s1 =	sshll.u32 s1, $0x11  }
0xba: {  	s0 =	sor.u32 s1, s0  }
0xbb: {  	s0 =	sadd.s32 $0x8F2B, s0  }
0xbc: {  	[sflag:s0] =	ssyncadd.remote.s32 $0x1  }
0xbd: {  	_ =	sfence.sel $0xFFFF  }
0xbe: {  	[dreg:$0x0] =	wrdreg $0xFFFFFFFF;
	(pc) =	sbr.abs _section_cstart, $3  }
0xbf: {  	[dreg:$0x1] =	wrdreg $0xFFFFFFFF  }
0xc0: {  	_ =	task.clear_ibuf [dreg:s6], $0x2FFFF;
	_ =	strace $0x9FFFFFFF  }
0xc1: {  	(tm) =	ssettm $0x7FFFFFFF  }
tec
execute0_lowered:
.L_overlay_start_1:
0x0: {  	(tag) =	ssettag $0x1  }
0x1: {  	s5 =	rddreg [dreg:$0x0]  }
0x2: {  	s0 =	rddreg [dreg:$0x1];
	s1 =	simm.s32 $0x0;
	s6 =	srdreg.scid  }
0x3: {  	s12 =	simm.s32 $0x800;
	s13 =	simm.s32 $0x80;
	s14 =	simm.s32 $0x1000  }
0x4: {  	s15 =	simm.s32 $0x1100;
	s16 =	simm.s32 $0x1080;
	s17 =	simm.s32 $0x5100  }
0x5: {  	s18 =	simm.s32 $0x1;
	s19 =	simm.s32 $0x2;
	s20 =	simm.s32 $0x0  }
0x6: {  	[smem:$0x7FF] =	sst s1;
	s2 =	sadd.s32 $0xD9400, s5;
	s3 =	sadd.s32 $0xB1400, s5  }
0x7: {  	s4 =	sadd.s32 $0x5F400, s5;
	s9 =	sand.u32 $0x1, s6;
	s6 =	sadd.s32 $0x63400, s5  }
0x8: {  	s7 =	sadd.s32 $0x279400, s5;
	s8 =	sadd.s32 $0x479400, s5;
	s10 =	ssub.s32 $0x2, s9  }
0x9: {  	s5 =	stileid.u32;
	_ =	strace $0x80000059;
	s11 =	sshrl.u32 s10, $0x1  }
0xa: {  	s31 =	sshll.u32 s5, $0xC;
	s9 =	sshll.u32 s9, $0xB;
	s10 =	ssub.s32 s10, s11  }
0xb: {  	s9 =	sor.u32 s9, s31;
	s11 =	simm.s32 $0x3;
	s10 =	smax.u32 s10, $0x1  }
.LBB2_1:
0xc: {  	p1 =	por $0x1, $0x1;
	s23 =	simm.s32 $0x0  }
.LBB2_2:
0xd: {  	s21 =	sor.u32 s9, s23  }
0xe: {  	s21 =	sshrl.u32 s21, $0x3  }
0xf: {  	s24 =	simm.s32 $0x0;
	s22 =	sadd.s32 s4, s21  }
0x10: {  	[tilespmem:s24], [sflag:$0x3] =	stream.linear.gather [hbm4b:s22+s24], $0x800, $0x38;
	[tilespmem:$0x9100] =	vst v63  }
0x11: {  	_ =	swait.ge [sflag:s11], $0x800  }
0x12: {  	[sflag:s11] =	ssyncset.done $0x0  }
0x13: {  	s21 =	sadd.s32 s6, s21;
	[sflag:s11] =	ssyncadd.s32 $0xFFFFF800  }
0x14: {  	[tilespmem:s12], [sflag:$0x3] =	stream.linear.gather [hbm4b:s21+s24], $0x800, $0x38;
	[tilespmem:$0x9100] =	vst v63  }
0x15: {  	_ =	swait.ge [sflag:s11], $0x800  }
0x16: {  	[sflag:s11] =	ssyncset.done $0x0  }
0x17: {  	s21 =	simm.s32 $0x40;
	[sflag:s11] =	ssyncadd.s32 $0xFFFFF800  }
0x18: {  	v0 =	vld [tilespmem:s21+$0xFFFFFFC0];
	_ =	sdelay $0x4  }
0x19: {  	[tilespmem:$0x1000] =	vst v0  }
0x1a: {  	v0 =	vld [tilespmem:s21+$0xFFFFFFD0];
	_ =	sdelay $0x4  }
0x1b: {  	[tilespmem:$0x1010] =	vst v0  }
0x1c: {  	v0 =	vld [tilespmem:s21+$0xFFFFFFE0];
	_ =	sdelay $0x4  }
0x1d: {  	[tilespmem:$0x1020] =	vst v0  }
0x1e: {  	v0 =	vld [tilespmem:s21+$0xFFFFFFF0];
	_ =	sdelay $0x4  }
0x1f: {  	[tilespmem:$0x1030] =	vst v0  }
0x20: {  	v0 =	vld [tilespmem:s21+$0x0];
	_ =	sdelay $0x4  }
0x21: {  	[tilespmem:$0x1040] =	vst v0  }
0x22: {  	v0 =	vld [tilespmem:s21+$0x10];
	_ =	sdelay $0x4  }
0x23: {  	[tilespmem:$0x1050] =	vst v0  }
0x24: {  	v0 =	vld [tilespmem:s21+$0x20];
	_ =	sdelay $0x4  }
0x25: {  	[tilespmem:$0x1060] =	vst v0  }
0x26: {  	v0 =	vld [tilespmem:s21+$0x30];
	_ =	sdelay $0x4  }
0x27: {  	s22 =	simm.s32 $0x840;
	[tilespmem:$0x1070] =	vst v0  }
0x28: {  	v0 =	vld [tilespmem:s22+$0xFFFFFFC0];
	_ =	sdelay $0x4  }
0x29: {  	[tilespmem:$0x1080] =	vst v0  }
0x2a: {  	v0 =	vld [tilespmem:s22+$0xFFFFFFD0];
	_ =	sdelay $0x4  }
0x2b: {  	[tilespmem:$0x1090] =	vst v0  }
0x2c: {  	v0 =	vld [tilespmem:s22+$0xFFFFFFE0];
	_ =	sdelay $0x4  }
0x2d: {  	[tilespmem:$0x10A0] =	vst v0  }
0x2e: {  	v0 =	vld [tilespmem:s22+$0xFFFFFFF0];
	_ =	sdelay $0x4  }
0x2f: {  	[tilespmem:$0x10B0] =	vst v0  }
0x30: {  	v0 =	vld [tilespmem:s22+$0x0];
	_ =	sdelay $0x4  }
0x31: {  	[tilespmem:$0x10C0] =	vst v0  }
0x32: {  	v0 =	vld [tilespmem:s22+$0x10];
	_ =	sdelay $0x4  }
0x33: {  	[tilespmem:$0x10D0] =	vst v0  }
0x34: {  	v0 =	vld [tilespmem:s22+$0x20];
	_ =	sdelay $0x4  }
0x35: {  	[tilespmem:$0x10E0] =	vst v0  }
0x36: {  	v0 =	vld [tilespmem:s22+$0x30];
	_ =	sdelay $0x4  }
0x37: {  	[tilespmem:$0x10F0] =	vst v0  }
0x38: {  	[tilespmem:s15], [sflag:$0x1] =	stream.indirect.gather [hbm4b:s2+s13], $0x80, s14, s13, $0xb8;
	[tilespmem:$0x9100] =	vst v63  }
0x39: {  	s29 =	sadd.s32 s23, s9  }
0x3a: {  	[tilespmem:s17], [sflag:$0x2] =	stream.indirect.gather [hbm4b:s3+s13], $0x80, s16, s13, $0xb8;
	[tilespmem:$0x9100] =	vst v63  }
0x3b: {  	s30 =	sshll.u32 s29, $0x4;
	_ =	swait.ge [sflag:s18], $0x4000  }
0x3c: {  	s23 =	sadd.s32 s30, s7;
	[sflag:s18] =	ssyncset.done $0x0  }
0x3d: {  	s25 =	sadd.s32 $0x0, s23;
	[sflag:s18] =	ssyncadd.s32 $0xFFFFC000  }
0x3e: {  	[hbm4b:s25+s1] =	stream.linear.scatter [tilespmem:s15], [sflag:$0x3], $0x4000, $0x38;
	[tilespmem:$0x9100] =	vst v63  }
0x3f: {  	_ =	swait.ge [sflag:s11], $0x4000  }
0x40: {  	[sflag:s11] =	ssyncset.done $0x0  }
0x41: {  	[sflag:s11] =	ssyncadd.s32 $0xFFFFC000  }
0x42: {  	_ =	swait.ge [sflag:s19], $0x4000  }
0x43: {  	s24 =	sadd.s32 s30, s8;
	[sflag:s19] =	ssyncset.done $0x0  }
0x44: {  	s31 =	sadd.s32 $0x0, s24;
	[sflag:s19] =	ssyncadd.s32 $0xFFFFC000  }
0x45: {  	[hbm4b:s31+s1] =	stream.linear.scatter [tilespmem:s17], [sflag:$0x3], $0x4000, $0x38;
	[tilespmem:$0x9100] =	vst v63  }
0x46: {  	_ =	swait.ge [sflag:s11], $0x4000  }
0x47: {  	p0 =	por p1, p1;
	s25 =	simm.s32 $0x800;
	[sflag:s11] =	ssyncset.done $0x0  }
.LBB2_3:
0x48: {  	[sflag:s11] =	ssyncadd.s32 $0xFFFFC000;
	s21 =	sadd.s32 $0x80, s21;
	s22 =	sadd.s32 $0x80, s22  }
0x49: {  	p1 =	sne.s32 s25, $0x7800;
	s26 =	smov.u32 s25;
	s25 =	sadd.s32 $0x800, s25;
	v0 =	vld [tilespmem:s21+$0xFFFFFFC0]  }
0x4a: {  	_ =	sdelay $0x3  }
0x4b: {  	[tilespmem:$0x1000] =	vst v0  }
0x4c: {  	v0 =	vld [tilespmem:s21+$0xFFFFFFD0];
	_ =	sdelay $0x4  }
0x4d: {  	[tilespmem:$0x1010] =	vst v0  }
0x4e: {  	v0 =	vld [tilespmem:s21+$0xFFFFFFE0];
	_ =	sdelay $0x4  }
0x4f: {  	[tilespmem:$0x1020] =	vst v0  }
0x50: {  	v0 =	vld [tilespmem:s21+$0xFFFFFFF0];
	_ =	sdelay $0x4  }
0x51: {  	[tilespmem:$0x1030] =	vst v0  }
0x52: {  	v0 =	vld [tilespmem:s21+$0x0];
	_ =	sdelay $0x4  }
0x53: {  	[tilespmem:$0x1040] =	vst v0  }
0x54: {  	v0 =	vld [tilespmem:s21+$0x10];
	_ =	sdelay $0x4  }
0x55: {  	[tilespmem:$0x1050] =	vst v0  }
0x56: {  	v0 =	vld [tilespmem:s21+$0x20];
	_ =	sdelay $0x4  }
0x57: {  	[tilespmem:$0x1060] =	vst v0  }
0x58: {  	v0 =	vld [tilespmem:s21+$0x30];
	_ =	sdelay $0x4  }
0x59: {  	[tilespmem:$0x1070] =	vst v0  }
0x5a: {  	v0 =	vld [tilespmem:s22+$0xFFFFFFC0];
	_ =	sdelay $0x4  }
0x5b: {  	[tilespmem:$0x1080] =	vst v0  }
0x5c: {  	v0 =	vld [tilespmem:s22+$0xFFFFFFD0];
	_ =	sdelay $0x4  }
0x5d: {  	[tilespmem:$0x1090] =	vst v0  }
0x5e: {  	v0 =	vld [tilespmem:s22+$0xFFFFFFE0];
	_ =	sdelay $0x4  }
0x5f: {  	[tilespmem:$0x10A0] =	vst v0  }
0x60: {  	v0 =	vld [tilespmem:s22+$0xFFFFFFF0];
	_ =	sdelay $0x4  }
0x61: {  	[tilespmem:$0x10B0] =	vst v0  }
0x62: {  	v0 =	vld [tilespmem:s22+$0x0];
	_ =	sdelay $0x4  }
0x63: {  	[tilespmem:$0x10C0] =	vst v0  }
0x64: {  	v0 =	vld [tilespmem:s22+$0x10];
	_ =	sdelay $0x4  }
0x65: {  	[tilespmem:$0x10D0] =	vst v0  }
0x66: {  	v0 =	vld [tilespmem:s22+$0x20];
	_ =	sdelay $0x4  }
0x67: {  	[tilespmem:$0x10E0] =	vst v0  }
0x68: {  	v0 =	vld [tilespmem:s22+$0x30];
	_ =	sdelay $0x4  }
0x69: {  	[tilespmem:$0x10F0] =	vst v0  }
0x6a: {  	[tilespmem:s15], [sflag:$0x1] =	stream.indirect.gather [hbm4b:s2+s13], $0x80, s14, s13, $0xb8;
	[tilespmem:$0x9100] =	vst v63  }
0x6b: {  	_ = 	snop  }
0x6c: {  	[tilespmem:s17], [sflag:$0x2] =	stream.indirect.gather [hbm4b:s3+s13], $0x80, s16, s13, $0xb8;
	[tilespmem:$0x9100] =	vst v63  }
0x6d: {  	_ =	swait.ge [sflag:s18], $0x4000  }
0x6e: {  	[sflag:s18] =	ssyncset.done $0x0  }
0x6f: {  	s28 =	sadd.s32 s26, s23;
	[sflag:s18] =	ssyncadd.s32 $0xFFFFC000  }
0x70: {  	[hbm4b:s28+s1] =	stream.linear.scatter [tilespmem:s15], [sflag:$0x3], $0x4000, $0x38;
	[tilespmem:$0x9100] =	vst v63  }
0x71: {  	_ =	swait.ge [sflag:s11], $0x4000  }
0x72: {  	[sflag:s11] =	ssyncset.done $0x0  }
0x73: {  	[sflag:s11] =	ssyncadd.s32 $0xFFFFC000  }
0x74: {  	_ =	swait.ge [sflag:s19], $0x4000  }
.Ltmp0:
0x75: {  	[sflag:s19] =	ssyncset.done $0x0;
	(pc) =	sbr.rel @p1 .LBB2_3-.Ltmp0, $4  }
0x76: {  	s26 =	sadd.s32 s26, s24;
	[sflag:s19] =	ssyncadd.s32 $0xFFFFC000  }
0x77: {  	[hbm4b:s26+s1] =	stream.linear.scatter [tilespmem:s17], [sflag:$0x3], $0x4000, $0x38;
	[tilespmem:$0x9100] =	vst v63  }
0x78: {  	_ =	swait.ge [sflag:s11], $0x4000  }
0x79: {  	[sflag:s11] =	ssyncset.done $0x0  }
.Ltmp1:
0x7a: {  	(pc) =	sbr.rel @p0 .LBB2_2-.Ltmp1, $2  }
0x7b: {  	_ =	sdelay $0x2  }
0x7c: {  	[sflag:s11] =	ssyncadd.s32 $0xFFFFC000;
	s23 =	simm.s32 $0x10000;
	p1 =	por $0x0, $0x0  }
0x7d: {  	s20 =	sadd.s32 $0x1, s20  }
0x7e: {  	p0 =	sne.s32 s20, s10  }
.Ltmp2:
0x7f: {  	_ = 	snop;
	(pc) =	sbr.rel @p0 .LBB2_1-.Ltmp2, $1  }
0x80: {  	_ =	sdelay $0x3  }
0x81: {  	_ =	sfence.sel $0x180000  }
0x82: {  	[bflag:$0x0] =	sbarrier.arrive $0xFFFF  }
0x83: {  	p0 =	sne.s32 s5, $0x0;
	_ =	strace $0x90000059  }
0x84: {  	s0 =	sadd.s32 @!p0 $0x100000, s0;
	[bflag:$0x2] =	sbarrier.arrive $0xFFFF  }
0x85: {  	[sflag:s0] =	ssyncadd.tile.s32 @!p0 $0x1;
	_ =	shalt  }
.Lfunc_end2:
_tile_overlayer_lowered:
.L_overlay_start_2:
0x86: {  	(tag) =	ssettag $0x2  }
0x87: {  	s0 =	rddreg [dreg:$0x0];
	s2 =	stileid.u32  }
0x88: {  	s1 =	rddreg [dreg:$0x1];
	p0 =	sne.s32 s2, $0x0  }
0x89: {  	s3 =	rddreg [dreg:$0x2];
	[bflag:$0x3] =	sbarrier.arrive $0xFFFF;
	s2 =	simm.s32 @!p0 $0x1C03  }
0x8a: {  	[timem:s3], [sflag:s2] =	dma.local @!p0 [hbm:s0], s1  }
0x8b: {  	s0 =	simm.s32 @!p0 $0x3  }
0x8c: {  	_ =	swait.ge @!p0 [sflag:s0], s1  }
0x8d: {  	s1 =	ssub.s32 @!p0 $0x0, s1;
	[sflag:s0] =	ssyncset.done @!p0 $0x0  }
0x8e: {  	[sflag:s0] =	ssyncadd.s32 @!p0 s1  }
0x8f: {  	[bflag:$0x3] =	sbarrier.arrive $0xFFFF  }
0x90: {  	_ =	shalt  }

</sc_bundles>
